<compile_context>
chip_gen: v7x
topology: tpu7x:2x2x1
jax: 0.10.2.dev20260603
libtpu: 0.0.44.dev20260713+nightly
codegen_flags: <defaults>
</compile_context>

<pallas_src>
import functools
import math

import jax
import jax.numpy as jnp
from jax import lax
from jax.experimental import pallas as pl
from jax.experimental.pallas import tpu as pltpu
from jax.experimental.pallas import tpu_sc as plsc

NC = 2
NS = 16
NW = NC * NS

D_PAD = 16
DF = 32
KB = 5


def _sc_mesh():
    return plsc.VectorSubcoreMesh(
        core_axis_name="c", subcore_axis_name="s", num_cores=NC, num_subcores=NS
    )


_SC_PARAMS = pltpu.CompilerParams(use_tc_tiling_on_sc=False)


def _make_gather(n_chunk, ch):

    @functools.partial(
        pl.kernel,
        out_type=[
            jax.ShapeDtypeStruct((NW, n_chunk, ch, D_PAD), jnp.float32),
            jax.ShapeDtypeStruct((NW, n_chunk, ch, D_PAD), jnp.float32),
        ],
        mesh=_sc_mesh(),
        scratch_types=[
            pltpu.VMEM((KB, ch), jnp.int32),
            pltpu.VMEM((KB, ch), jnp.int32),
            pltpu.VMEM((KB, ch, D_PAD), jnp.float32),
            pltpu.VMEM((KB, ch, D_PAD), jnp.float32),
            pltpu.SemaphoreType.DMA,
            pltpu.SemaphoreType.DMA,
            pltpu.SemaphoreType.DMA,
        ],
        compiler_params=_SC_PARAMS,
    )
    def gather_k(y16, idx3, seg3, rep_out, self_out,
                 idx_v, seg_v, rep_v, self_v, sem_i, sem_g, sem_w):
        wid = lax.axis_index("s") * NC + lax.axis_index("c")

        @pl.loop(0, n_chunk, step=KB)
        def _body(j0):
            cps = []
            for b in range(KB):
                cps.append(pltpu.async_copy(idx3.at[wid, j0 + b],
                                            idx_v.at[b], sem_i))
                cps.append(pltpu.async_copy(seg3.at[wid, j0 + b],
                                            seg_v.at[b], sem_i))
            for cp in cps:
                cp.wait()
            gps = []
            for b in range(KB):
                gps.append(pltpu.async_copy(y16.at[idx_v.at[b]],
                                            rep_v.at[b], sem_g))
                gps.append(pltpu.async_copy(y16.at[seg_v.at[b]],
                                            self_v.at[b], sem_g))
            for cp in gps:
                cp.wait()
            wps = []
            for b in range(KB):
                wps.append(pltpu.async_copy(rep_v.at[b],
                                            rep_out.at[wid, j0 + b], sem_w))
                wps.append(pltpu.async_copy(self_v.at[b],
                                            self_out.at[wid, j0 + b], sem_w))
            for cp in wps:
                cp.wait()

    return gather_k


def _erf(x):
    a1, a2, a3, a4, a5 = (
        0.254829592, -0.284496736, 1.421413741, -1.453152027, 1.061405429
    )
    p = 0.3275911
    ax = jnp.abs(x)
    t = 1.0 / (1.0 + p * ax)
    poly = ((((a5 * t + a4) * t + a3) * t + a2) * t + a1) * t
    y = 1.0 - poly * jnp.exp(-ax * ax)
    return jnp.sign(x) * y


def _make_mlp(e, bt):
    grid = e // bt

    def mlp_body(rep_ref, self_ref, w1a_ref, w1b_ref, b1_ref, w2_ref, b2_ref,
                 out_ref):
        h = jnp.dot(rep_ref[...], w1a_ref[...],
                    preferred_element_type=jnp.float32)
        h = h + jnp.dot(self_ref[...], w1b_ref[...],
                        preferred_element_type=jnp.float32)
        h = h + b1_ref[...]
        inv_sqrt2 = 0.7071067811865476
        h = 0.5 * h * (1.0 + _erf(h * inv_sqrt2))
        out_ref[...] = (
            jnp.dot(h, w2_ref[...], preferred_element_type=jnp.float32)
            + b2_ref[...]
        )

    return pl.pallas_call(
        mlp_body,
        grid=(grid,),
        in_specs=[
            pl.BlockSpec((bt, D_PAD), lambda i: (i, 0)),
            pl.BlockSpec((bt, D_PAD), lambda i: (i, 0)),
            pl.BlockSpec((D_PAD, 64), lambda i: (0, 0)),
            pl.BlockSpec((D_PAD, 64), lambda i: (0, 0)),
            pl.BlockSpec((1, 64), lambda i: (0, 0)),
            pl.BlockSpec((64, DF), lambda i: (0, 0)),
            pl.BlockSpec((1, DF), lambda i: (0, 0)),
        ],
        out_specs=pl.BlockSpec((bt, DF), lambda i: (i, 0)),
        out_shape=jax.ShapeDtypeStruct((e, DF), jnp.float32),
    )


def _make_scatter(n, n_chunk, ch):
    rows_per_tile = n // NS

    @functools.partial(
        pl.kernel,
        out_type=jax.ShapeDtypeStruct((NC, n, DF), jnp.float32),
        mesh=_sc_mesh(),
        scratch_types=[
            pltpu.VMEM((KB, ch), jnp.int32),
            pltpu.VMEM((KB, ch), jnp.int32),
            pltpu.VMEM((KB, ch, DF), jnp.float32),
            pltpu.VMEM((KB, ch, DF), jnp.float32),
            pltpu.VMEM_SHARED((n, DF), jnp.float32),
            pltpu.SemaphoreType.DMA,
            pltpu.SemaphoreType.DMA,
        ],
        compiler_params=_SC_PARAMS,
    )
    def scatter_k(kout3, fy, idx3, seg3, zeros_hbm, out_hbm,
                  idx_v, seg_v, k_v, f_v, acc, sem_i, sem_g):
        cid = lax.axis_index("c")
        sid = lax.axis_index("s")
        wid = sid * NC + cid

        pltpu.sync_copy(
            zeros_hbm.at[pl.ds(sid * rows_per_tile, rows_per_tile)],
            acc.at[pl.ds(sid * rows_per_tile, rows_per_tile)],
        )
        plsc.subcore_barrier()

        @pl.loop(0, n_chunk, step=KB)
        def _body(j0):
            cps = []
            for b in range(KB):
                cps.append(pltpu.async_copy(idx3.at[wid, j0 + b],
                                            idx_v.at[b], sem_i))
                cps.append(pltpu.async_copy(seg3.at[wid, j0 + b],
                                            seg_v.at[b], sem_i))
                cps.append(pltpu.async_copy(kout3.at[wid, j0 + b],
                                            k_v.at[b], sem_i))
            for cp in cps:
                cp.wait()
            gps = []
            for b in range(KB):
                gps.append(pltpu.async_copy(fy.at[idx_v.at[b]],
                                            f_v.at[b], sem_g))
            for cp in gps:
                cp.wait()
            for b in range(KB):
                @pl.loop(0, ch)
                def _mul(r, _b=b):
                    for hh in range(DF // 16):
                        s = pl.ds(hh * 16, 16)
                        k_v[_b, r, s] = k_v[_b, r, s] * f_v[_b, r, s]
            for b in range(KB):
                pltpu.sync_copy(k_v.at[b], acc.at[seg_v.at[b]], add=True)

        plsc.subcore_barrier()
        pltpu.sync_copy(
            acc.at[pl.ds(sid * rows_per_tile, rows_per_tile)],
            out_hbm.at[cid, pl.ds(sid * rows_per_tile, rows_per_tile)],
        )

    return scatter_k


def _make_combine(n, bn):
    grid = n // bn

    def comb_body(p_ref, inv_ref, out_ref):
        out_ref[...] = (p_ref[0] + p_ref[1]) * inv_ref[...]

    return pl.pallas_call(
        comb_body,
        grid=(grid,),
        in_specs=[
            pl.BlockSpec((NC, bn, DF), lambda i: (0, i, 0)),
            pl.BlockSpec((bn, 1), lambda i: (i, 0)),
        ],
        out_specs=pl.BlockSpec((bn, DF), lambda i: (i, 0)),
        out_shape=jax.ShapeDtypeStruct((n, DF), jnp.float32),
    )


def kernel(y, f_y, neighbors_index, neighbors_row_splits, W1, b1, W2, b2):
    n, d_coord = y.shape
    e = neighbors_index.shape[0]
    assert e % NW == 0
    epw = e // NW
    ch = 128
    while epw % ch != 0 or ch % 8 != 0 or (epw // ch) % KB != 0:
        ch -= 8
    n_chunk = epw // ch

    idx = neighbors_index.astype(jnp.int32)
    rs = neighbors_row_splits.astype(jnp.int32)
    hist = jnp.zeros((e,), jnp.int32).at[rs[1:n]].add(1, mode="drop")
    seg = jnp.clip(jnp.cumsum(hist), 0, n - 1)

    idx3 = idx.reshape(NW, n_chunk, ch)
    seg3 = seg.reshape(NW, n_chunk, ch)

    y16 = jnp.zeros((n, D_PAD), jnp.float32).at[:, :d_coord].set(y)

    rep16, self16 = _make_gather(n_chunk, ch)(y16, idx3, seg3)
    rep2 = rep16.reshape(e, D_PAD)
    self2 = self16.reshape(e, D_PAD)

    w1a = jnp.zeros((D_PAD, 64), jnp.float32).at[:d_coord].set(W1[:d_coord])
    w1b = jnp.zeros((D_PAD, 64), jnp.float32).at[:d_coord].set(W1[d_coord:])

    kout = _make_mlp(e, 4000)(rep2, self2, w1a, w1b,
                              b1.reshape(1, 64), W2, b2.reshape(1, DF))
    kout3 = kout.reshape(NW, n_chunk, ch, DF)

    zeros_hbm = jnp.zeros((n, DF), jnp.float32)
    partials = _make_scatter(n, n_chunk, ch)(kout3, f_y, idx3, seg3, zeros_hbm)

    counts = (rs[1:] - rs[:-1]).astype(jnp.float32)
    inv = (1.0 / jnp.maximum(counts, 1.0)).reshape(n, 1)

    bn = 2000
    while n % bn != 0:
        bn -= 8
    out = _make_combine(n, bn)(partials, inv)
    return out

# --- scband reference (transcript-rebuilt; emitter-appended) ---
"""Pipeline reference for scband-integral-transform-33071248179437 (READ-ONLY COPY).

The authoritative reference and input builder live on the scoring server;
editing this copy changes nothing except your own understanding.
"""

import jax, jax.numpy as jnp
import numpy as np

N = 50000
E = 1600000
D_COORD = 3
D_F = 32
H = 64


def setup_inputs(seed: int = 0) -> dict:
    key = jax.random.key(seed)
    k1, k2, k3, k4, k5, k6, k7, k8 = jax.random.split(key, 8)
    y = jax.random.normal(k1, (N, D_COORD), dtype=jnp.float32)
    f_y = jax.random.normal(k2, (N, D_F), dtype=jnp.float32)
    neighbors_index = jax.random.randint(k3, (E,), 0, N, dtype=jnp.int64) if jax.config.jax_enable_x64 else jax.random.randint(k3, (E,), 0, N, dtype=jnp.int32)
    inner = jnp.sort(jax.random.randint(k4, (N - 1,), 0, E, dtype=neighbors_index.dtype))
    neighbors_row_splits = jnp.concatenate([jnp.zeros((1,), dtype=inner.dtype), inner, jnp.full((1,), E, dtype=inner.dtype)])
    fan1 = 2 * D_COORD
    W1 = jax.random.normal(k5, (fan1, H), dtype=jnp.float32) / jnp.sqrt(fan1)
    b1 = jnp.zeros((H,), dtype=jnp.float32)
    W2 = jax.random.normal(k6, (H, D_F), dtype=jnp.float32) / jnp.sqrt(H)
    b2 = jnp.zeros((D_F,), dtype=jnp.float32)
    return {"y": y, "f_y": f_y, "neighbors_index": neighbors_index, "neighbors_row_splits": neighbors_row_splits, "W1": W1, "b1": b1, "W2": W2, "b2": b2}


def reference(y, f_y, neighbors_index, neighbors_row_splits, W1, b1, W2, b2):
    # IntegralTransform forward, transform_type='linear', x=None (x=y), weights=None (-> mean reduce)
    num_edges = neighbors_index.shape[0]
    n_out = neighbors_row_splits.shape[0] - 1
    # segment id of each edge from CSR row splits
    seg = jnp.searchsorted(neighbors_row_splits, jnp.arange(num_edges), side="right") - 1
    seg = jnp.clip(seg, 0, n_out - 1)
    rep_features = jnp.take(y, neighbors_index, axis=0)          # y[A(x)] gather, [E, d1]
    self_features = jnp.take(y, seg, axis=0)                      # x repeated per neighborhood, [E, d2]
    agg_features = jnp.concatenate([rep_features, self_features], axis=-1)  # [E, d1+d2]
    # kernel MLP (MLPLinear with gelu between layers; torch F.gelu is exact erf)
    h = jax.nn.gelu(agg_features @ W1 + b1, approximate=False)
    k_out = h @ W2 + b2                                           # [E, D_F]
    # 'linear' transform: k(x,y) * f(y)
    f_gather = jnp.take(f_y, neighbors_index, axis=0)             # [E, D_F]
    vals = k_out * f_gather
    # segment_csr with reduce='mean' (no weights -> Monte-Carlo mean)
    summed = jax.ops.segment_sum(vals, seg, num_segments=n_out)
    counts = (neighbors_row_splits[1:] - neighbors_row_splits[:-1]).astype(vals.dtype)
    out = summed / jnp.clip(counts, 1.0)[:, None]
    return out

if __name__ == "__main__":
    import jax
    _d = setup_inputs()
    print(jax.jit(kernel)(*tuple(_d.values())))

</pallas_src>

<mosaic_0001>
#map = affine_map<(d0, d1) -> (0, 0)>
#map1 = affine_map<(d0, d1) -> (0, 0, 0)>
#map2 = affine_map<(d0, d1) -> (0, 0, 0, 0)>
module attributes {stable_mosaic.version = 14 : i64} {
  func.func @gather_k(%arg0: i32, %arg1: i32, %arg2: memref<50000x16xf32, #tpu.memory_space<hbm>>, %arg3: memref<32x625x80xi32, #tpu.memory_space<hbm>>, %arg4: memref<32x625x80xi32, #tpu.memory_space<hbm>>, %arg5: memref<32x625x80x16xf32, #tpu.memory_space<hbm>>, %arg6: memref<32x625x80x16xf32, #tpu.memory_space<hbm>>, %arg7: memref<5x80xi32, #tpu.memory_space<vmem>>, %arg8: memref<5x80xi32, #tpu.memory_space<vmem>>, %arg9: memref<5x80x16xf32, #tpu.memory_space<vmem>>, %arg10: memref<5x80x16xf32, #tpu.memory_space<vmem>>, %arg11: memref<!tpu.dma_semaphore, #tpu.memory_space<semaphore_mem>>, %arg12: memref<!tpu.dma_semaphore, #tpu.memory_space<semaphore_mem>>, %arg13: memref<!tpu.dma_semaphore, #tpu.memory_space<semaphore_mem>>) attributes {dimension_semantics = [#tpu.dimension_semantics<core_parallel>, #tpu.dimension_semantics<subcore_parallel>], iteration_bounds = array<i64: 2, 16>, scalar_prefetch = 0 : i64, scratch_operands = 7 : i64, tpu.core_type = #tpu.core_type<sc_vector_subcore>, window_params = [{transform_indices = #map}, {transform_indices = #map1}, {transform_indices = #map1}, {transform_indices = #map2}, {transform_indices = #map2}]} {
    %mul3A = arith.constant 2 : i32
    %mul3A_0 = arith.muli %arg1, %mul3A : i32
    %add3A = arith.addi %mul3A_0, %arg0 : i32
    %scan3A = arith.constant 0 : i32
    %scan3A_1 = arith.constant 125 : i32
    %scan3A_2 = arith.addi %scan3A, %scan3A_1 : i32
    %scan3A_3 = arith.constant 1 : i32
    scf.for %scan3A_5 = %scan3A to %scan3A_2 step %scan3A_3  : i32 {
      %mul3A_6 = arith.constant 5 : i32
      %mul3A_7 = arith.muli %scan3A_5, %mul3A_6 : i32
      %add3A_8 = arith.constant 0 : i32
      %add3A_9 = arith.addi %add3A_8, %mul3A_7 : i32
      %add3A_10 = arith.constant 0 : i32
      %add3A_11 = arith.addi %add3A_9, %add3A_10 : i32
      %dma_start3A = arith.constant 0 : i32
      %dma_start3A_12 = arith.constant 0 : i32
      %dma_start3A_13 = tpu.memref_slice %arg7[%dma_start3A, %dma_start3A_12] : memref<5x80xi32, #tpu.memory_space<vmem>> -> memref<1x80xi32, #tpu.memory_space<vmem>>
      %dma_start3A_14 = tpu.memref_squeeze %dma_start3A_13 : memref<1x80xi32, #tpu.memory_space<vmem>> -> memref<80xi32, #tpu.memory_space<vmem>>
      %dma_start3A_15 = arith.constant 0 : i32
      %dma_start3A_16 = tpu.memref_slice %arg3[%add3A, %add3A_11, %dma_start3A_15] : memref<32x625x80xi32, #tpu.memory_space<hbm>> -> memref<1x1x80xi32, #tpu.memory_space<hbm>>
      %dma_start3A_17 = tpu.memref_squeeze %dma_start3A_16 : memref<1x1x80xi32, #tpu.memory_space<hbm>> -> memref<80xi32, #tpu.memory_space<hbm>>
      %dma_start3A_18 = arith.constant 0 : i32
      %dma_start3A_19 = tpu.memref_slice %arg7[%dma_start3A, %dma_start3A_18] : memref<5x80xi32, #tpu.memory_space<vmem>> -> memref<1x80xi32, #tpu.memory_space<vmem>>
      %dma_start3A_20 = tpu.memref_squeeze %dma_start3A_19 : memref<1x80xi32, #tpu.memory_space<vmem>> -> memref<80xi32, #tpu.memory_space<vmem>>
      %dma_start3A_21 = arith.constant 0 : i32
      %dma_start3A_22 = tpu.memref_slice %arg3[%add3A, %add3A_11, %dma_start3A_21] : memref<32x625x80xi32, #tpu.memory_space<hbm>> -> memref<1x1x80xi32, #tpu.memory_space<hbm>>
      %dma_start3A_23 = tpu.memref_squeeze %dma_start3A_22 : memref<1x1x80xi32, #tpu.memory_space<hbm>> -> memref<80xi32, #tpu.memory_space<hbm>>
      tpu.enqueue_dma source(%dma_start3A_23 : memref<80xi32, #tpu.memory_space<hbm>>) target(%dma_start3A_20 : memref<80xi32, #tpu.memory_space<vmem>>) target_semaphore(%arg11 : memref<!tpu.dma_semaphore, #tpu.memory_space<semaphore_mem>>)
      %add3A_24 = arith.constant 0 : i32
      %add3A_25 = arith.addi %add3A_9, %add3A_24 : i32
      %dma_start3A_26 = arith.constant 0 : i32
      %dma_start3A_27 = arith.constant 0 : i32
      %dma_start3A_28 = tpu.memref_slice %arg8[%dma_start3A_26, %dma_start3A_27] : memref<5x80xi32, #tpu.memory_space<vmem>> -> memref<1x80xi32, #tpu.memory_space<vmem>>
      %dma_start3A_29 = tpu.memref_squeeze %dma_start3A_28 : memref<1x80xi32, #tpu.memory_space<vmem>> -> memref<80xi32, #tpu.memory_space<vmem>>
      %dma_start3A_30 = arith.constant 0 : i32
      %dma_start3A_31 = tpu.memref_slice %arg4[%add3A, %add3A_25, %dma_start3A_30] : memref<32x625x80xi32, #tpu.memory_space<hbm>> -> memref<1x1x80xi32, #tpu.memory_space<hbm>>
      %dma_start3A_32 = tpu.memref_squeeze %dma_start3A_31 : memref<1x1x80xi32, #tpu.memory_space<hbm>> -> memref<80xi32, #tpu.memory_space<hbm>>
      %dma_start3A_33 = arith.constant 0 : i32
      %dma_start3A_34 = tpu.memref_slice %arg8[%dma_start3A_26, %dma_start3A_33] : memref<5x80xi32, #tpu.memory_space<vmem>> -> memref<1x80xi32, #tpu.memory_space<vmem>>
      %dma_start3A_35 = tpu.memref_squeeze %dma_start3A_34 : memref<1x80xi32, #tpu.memory_space<vmem>> -> memref<80xi32, #tpu.memory_space<vmem>>
      %dma_start3A_36 = arith.constant 0 : i32
      %dma_start3A_37 = tpu.memref_slice %arg4[%add3A, %add3A_25, %dma_start3A_36] : memref<32x625x80xi32, #tpu.memory_space<hbm>> -> memref<1x1x80xi32, #tpu.memory_space<hbm>>
      %dma_start3A_38 = tpu.memref_squeeze %dma_start3A_37 : memref<1x1x80xi32, #tpu.memory_space<hbm>> -> memref<80xi32, #tpu.memory_space<hbm>>
      tpu.enqueue_dma source(%dma_start3A_38 : memref<80xi32, #tpu.memory_space<hbm>>) target(%dma_start3A_35 : memref<80xi32, #tpu.memory_space<vmem>>) target_semaphore(%arg11 : memref<!tpu.dma_semaphore, #tpu.memory_space<semaphore_mem>>)
      %add3A_39 = arith.constant 1 : i32
      %add3A_40 = arith.addi %add3A_9, %add3A_39 : i32
      %dma_start3A_41 = arith.constant 1 : i32
      %dma_start3A_42 = arith.constant 0 : i32
      %dma_start3A_43 = tpu.memref_slice %arg7[%dma_start3A_41, %dma_start3A_42] : memref<5x80xi32, #tpu.memory_space<vmem>> -> memref<1x80xi32, #tpu.memory_space<vmem>>
      %dma_start3A_44 = tpu.memref_squeeze %dma_start3A_43 : memref<1x80xi32, #tpu.memory_space<vmem>> -> memref<80xi32, #tpu.memory_space<vmem>>
      %dma_start3A_45 = arith.constant 0 : i32
      %dma_start3A_46 = tpu.memref_slice %arg3[%add3A, %add3A_40, %dma_start3A_45] : memref<32x625x80xi32, #tpu.memory_space<hbm>> -> memref<1x1x80xi32, #tpu.memory_space<hbm>>
      %dma_start3A_47 = tpu.memref_squeeze %dma_start3A_46 : memref<1x1x80xi32, #tpu.memory_space<hbm>> -> memref<80xi32, #tpu.memory_space<hbm>>
      %dma_start3A_48 = arith.constant 0 : i32
      %dma_start3A_49 = tpu.memref_slice %arg7[%dma_start3A_41, %dma_start3A_48] : memref<5x80xi32, #tpu.memory_space<vmem>> -> memref<1x80xi32, #tpu.memory_space<vmem>>
      %dma_start3A_50 = tpu.memref_squeeze %dma_start3A_49 : memref<1x80xi32, #tpu.memory_space<vmem>> -> memref<80xi32, #tpu.memory_space<vmem>>
      %dma_start3A_51 = arith.constant 0 : i32
      %dma_start3A_52 = tpu.memref_slice %arg3[%add3A, %add3A_40, %dma_start3A_51] : memref<32x625x80xi32, #tpu.memory_space<hbm>> -> memref<1x1x80xi32, #tpu.memory_space<hbm>>
      %dma_start3A_53 = tpu.memref_squeeze %dma_start3A_52 : memref<1x1x80xi32, #tpu.memory_space<hbm>> -> memref<80xi32, #tpu.memory_space<hbm>>
      tpu.enqueue_dma source(%dma_start3A_53 : memref<80xi32, #tpu.memory_space<hbm>>) target(%dma_start3A_50 : memref<80xi32, #tpu.memory_space<vmem>>) target_semaphore(%arg11 : memref<!tpu.dma_semaphore, #tpu.memory_space<semaphore_mem>>)
      %add3A_54 = arith.constant 1 : i32
      %add3A_55 = arith.addi %add3A_9, %add3A_54 : i32
      %dma_start3A_56 = arith.constant 1 : i32
      %dma_start3A_57 = arith.constant 0 : i32
      %dma_start3A_58 = tpu.memref_slice %arg8[%dma_start3A_56, %dma_start3A_57] : memref<5x80xi32, #tpu.memory_space<vmem>> -> memref<1x80xi32, #tpu.memory_space<vmem>>
      %dma_start3A_59 = tpu.memref_squeeze %dma_start3A_58 : memref<1x80xi32, #tpu.memory_space<vmem>> -> memref<80xi32, #tpu.memory_space<vmem>>
      %dma_start3A_60 = arith.constant 0 : i32
      %dma_start3A_61 = tpu.memref_slice %arg4[%add3A, %add3A_55, %dma_start3A_60] : memref<32x625x80xi32, #tpu.memory_space<hbm>> -> memref<1x1x80xi32, #tpu.memory_space<hbm>>
      %dma_start3A_62 = tpu.memref_squeeze %dma_start3A_61 : memref<1x1x80xi32, #tpu.memory_space<hbm>> -> memref<80xi32, #tpu.memory_space<hbm>>
      %dma_start3A_63 = arith.constant 0 : i32
      %dma_start3A_64 = tpu.memref_slice %arg8[%dma_start3A_56, %dma_start3A_63] : memref<5x80xi32, #tpu.memory_space<vmem>> -> memref<1x80xi32, #tpu.memory_space<vmem>>
      %dma_start3A_65 = tpu.memref_squeeze %dma_start3A_64 : memref<1x80xi32, #tpu.memory_space<vmem>> -> memref<80xi32, #tpu.memory_space<vmem>>
      %dma_start3A_66 = arith.constant 0 : i32
      %dma_start3A_67 = tpu.memref_slice %arg4[%add3A, %add3A_55, %dma_start3A_66] : memref<32x625x80xi32, #tpu.memory_space<hbm>> -> memref<1x1x80xi32, #tpu.memory_space<hbm>>
      %dma_start3A_68 = tpu.memref_squeeze %dma_start3A_67 : memref<1x1x80xi32, #tpu.memory_space<hbm>> -> memref<80xi32, #tpu.memory_space<hbm>>
      tpu.enqueue_dma source(%dma_start3A_68 : memref<80xi32, #tpu.memory_space<hbm>>) target(%dma_start3A_65 : memref<80xi32, #tpu.memory_space<vmem>>) target_semaphore(%arg11 : memref<!tpu.dma_semaphore, #tpu.memory_space<semaphore_mem>>)
      %add3A_69 = arith.constant 2 : i32
      %add3A_70 = arith.addi %add3A_9, %add3A_69 : i32
      %dma_start3A_71 = arith.constant 2 : i32
      %dma_start3A_72 = arith.constant 0 : i32
      %dma_start3A_73 = tpu.memref_slice %arg7[%dma_start3A_71, %dma_start3A_72] : memref<5x80xi32, #tpu.memory_space<vmem>> -> memref<1x80xi32, #tpu.memory_space<vmem>>
      %dma_start3A_74 = tpu.memref_squeeze %dma_start3A_73 : memref<1x80xi32, #tpu.memory_space<vmem>> -> memref<80xi32, #tpu.memory_space<vmem>>
      %dma_start3A_75 = arith.constant 0 : i32
      %dma_start3A_76 = tpu.memref_slice %arg3[%add3A, %add3A_70, %dma_start3A_75] : memref<32x625x80xi32, #tpu.memory_space<hbm>> -> memref<1x1x80xi32, #tpu.memory_space<hbm>>
      %dma_start3A_77 = tpu.memref_squeeze %dma_start3A_76 : memref<1x1x80xi32, #tpu.memory_space<hbm>> -> memref<80xi32, #tpu.memory_space<hbm>>
      %dma_start3A_78 = arith.constant 0 : i32
      %dma_start3A_79 = tpu.memref_slice %arg7[%dma_start3A_71, %dma_start3A_78] : memref<5x80xi32, #tpu.memory_space<vmem>> -> memref<1x80xi32, #tpu.memory_space<vmem>>
      %dma_start3A_80 = tpu.memref_squeeze %dma_start3A_79 : memref<1x80xi32, #tpu.memory_space<vmem>> -> memref<80xi32, #tpu.memory_space<vmem>>
      %dma_start3A_81 = arith.constant 0 : i32
      %dma_start3A_82 = tpu.memref_slice %arg3[%add3A, %add3A_70, %dma_start3A_81] : memref<32x625x80xi32, #tpu.memory_space<hbm>> -> memref<1x1x80xi32, #tpu.memory_space<hbm>>
      %dma_start3A_83 = tpu.memref_squeeze %dma_start3A_82 : memref<1x1x80xi32, #tpu.memory_space<hbm>> -> memref<80xi32, #tpu.memory_space<hbm>>
      tpu.enqueue_dma source(%dma_start3A_83 : memref<80xi32, #tpu.memory_space<hbm>>) target(%dma_start3A_80 : memref<80xi32, #tpu.memory_space<vmem>>) target_semaphore(%arg11 : memref<!tpu.dma_semaphore, #tpu.memory_space<semaphore_mem>>)
      %add3A_84 = arith.constant 2 : i32
      %add3A_85 = arith.addi %add3A_9, %add3A_84 : i32
      %dma_start3A_86 = arith.constant 2 : i32
      %dma_start3A_87 = arith.constant 0 : i32
      %dma_start3A_88 = tpu.memref_slice %arg8[%dma_start3A_86, %dma_start3A_87] : memref<5x80xi32, #tpu.memory_space<vmem>> -> memref<1x80xi32, #tpu.memory_space<vmem>>
      %dma_start3A_89 = tpu.memref_squeeze %dma_start3A_88 : memref<1x80xi32, #tpu.memory_space<vmem>> -> memref<80xi32, #tpu.memory_space<vmem>>
      %dma_start3A_90 = arith.constant 0 : i32
      %dma_start3A_91 = tpu.memref_slice %arg4[%add3A, %add3A_85, %dma_start3A_90] : memref<32x625x80xi32, #tpu.memory_space<hbm>> -> memref<1x1x80xi32, #tpu.memory_space<hbm>>
      %dma_start3A_92 = tpu.memref_squeeze %dma_start3A_91 : memref<1x1x80xi32, #tpu.memory_space<hbm>> -> memref<80xi32, #tpu.memory_space<hbm>>
      %dma_start3A_93 = arith.constant 0 : i32
      %dma_start3A_94 = tpu.memref_slice %arg8[%dma_start3A_86, %dma_start3A_93] : memref<5x80xi32, #tpu.memory_space<vmem>> -> memref<1x80xi32, #tpu.memory_space<vmem>>
      %dma_start3A_95 = tpu.memref_squeeze %dma_start3A_94 : memref<1x80xi32, #tpu.memory_space<vmem>> -> memref<80xi32, #tpu.memory_space<vmem>>
      %dma_start3A_96 = arith.constant 0 : i32
      %dma_start3A_97 = tpu.memref_slice %arg4[%add3A, %add3A_85, %dma_start3A_96] : memref<32x625x80xi32, #tpu.memory_space<hbm>> -> memref<1x1x80xi32, #tpu.memory_space<hbm>>
      %dma_start3A_98 = tpu.memref_squeeze %dma_start3A_97 : memref<1x1x80xi32, #tpu.memory_space<hbm>> -> memref<80xi32, #tpu.memory_space<hbm>>
      tpu.enqueue_dma source(%dma_start3A_98 : memref<80xi32, #tpu.memory_space<hbm>>) target(%dma_start3A_95 : memref<80xi32, #tpu.memory_space<vmem>>) target_semaphore(%arg11 : memref<!tpu.dma_semaphore, #tpu.memory_space<semaphore_mem>>)
      %add3A_99 = arith.constant 3 : i32
      %add3A_100 = arith.addi %add3A_9, %add3A_99 : i32
      %dma_start3A_101 = arith.constant 3 : i32
      %dma_start3A_102 = arith.constant 0 : i32
      %dma_start3A_103 = tpu.memref_slice %arg7[%dma_start3A_101, %dma_start3A_102] : memref<5x80xi32, #tpu.memory_space<vmem>> -> memref<1x80xi32, #tpu.memory_space<vmem>>
      %dma_start3A_104 = tpu.memref_squeeze %dma_start3A_103 : memref<1x80xi32, #tpu.memory_space<vmem>> -> memref<80xi32, #tpu.memory_space<vmem>>
      %dma_start3A_105 = arith.constant 0 : i32
      %dma_start3A_106 = tpu.memref_slice %arg3[%add3A, %add3A_100, %dma_start3A_105] : memref<32x625x80xi32, #tpu.memory_space<hbm>> -> memref<1x1x80xi32, #tpu.memory_space<hbm>>
      %dma_start3A_107 = tpu.memref_squeeze %dma_start3A_106 : memref<1x1x80xi32, #tpu.memory_space<hbm>> -> memref<80xi32, #tpu.memory_space<hbm>>
      %dma_start3A_108 = arith.constant 0 : i32
      %dma_start3A_109 = tpu.memref_slice %arg7[%dma_start3A_101, %dma_start3A_108] : memref<5x80xi32, #tpu.memory_space<vmem>> -> memref<1x80xi32, #tpu.memory_space<vmem>>
      %dma_start3A_110 = tpu.memref_squeeze %dma_start3A_109 : memref<1x80xi32, #tpu.memory_space<vmem>> -> memref<80xi32, #tpu.memory_space<vmem>>
      %dma_start3A_111 = arith.constant 0 : i32
      %dma_start3A_112 = tpu.memref_slice %arg3[%add3A, %add3A_100, %dma_start3A_111] : memref<32x625x80xi32, #tpu.memory_space<hbm>> -> memref<1x1x80xi32, #tpu.memory_space<hbm>>
      %dma_start3A_113 = tpu.memref_squeeze %dma_start3A_112 : memref<1x1x80xi32, #tpu.memory_space<hbm>> -> memref<80xi32, #tpu.memory_space<hbm>>
      tpu.enqueue_dma source(%dma_start3A_113 : memref<80xi32, #tpu.memory_space<hbm>>) target(%dma_start3A_110 : memref<80xi32, #tpu.memory_space<vmem>>) target_semaphore(%arg11 : memref<!tpu.dma_semaphore, #tpu.memory_space<semaphore_mem>>)
      %add3A_114 = arith.constant 3 : i32
      %add3A_115 = arith.addi %add3A_9, %add3A_114 : i32
      %dma_start3A_116 = arith.constant 3 : i32
      %dma_start3A_117 = arith.constant 0 : i32
      %dma_start3A_118 = tpu.memref_slice %arg8[%dma_start3A_116, %dma_start3A_117] : memref<5x80xi32, #tpu.memory_space<vmem>> -> memref<1x80xi32, #tpu.memory_space<vmem>>
      %dma_start3A_119 = tpu.memref_squeeze %dma_start3A_118 : memref<1x80xi32, #tpu.memory_space<vmem>> -> memref<80xi32, #tpu.memory_space<vmem>>
      %dma_start3A_120 = arith.constant 0 : i32
      %dma_start3A_121 = tpu.memref_slice %arg4[%add3A, %add3A_115, %dma_start3A_120] : memref<32x625x80xi32, #tpu.memory_space<hbm>> -> memref<1x1x80xi32, #tpu.memory_space<hbm>>
      %dma_start3A_122 = tpu.memref_squeeze %dma_start3A_121 : memref<1x1x80xi32, #tpu.memory_space<hbm>> -> memref<80xi32, #tpu.memory_space<hbm>>
      %dma_start3A_123 = arith.constant 0 : i32
      %dma_start3A_124 = tpu.memref_slice %arg8[%dma_start3A_116, %dma_start3A_123] : memref<5x80xi32, #tpu.memory_space<vmem>> -> memref<1x80xi32, #tpu.memory_space<vmem>>
      %dma_start3A_125 = tpu.memref_squeeze %dma_start3A_124 : memref<1x80xi32, #tpu.memory_space<vmem>> -> memref<80xi32, #tpu.memory_space<vmem>>
      %dma_start3A_126 = arith.constant 0 : i32
      %dma_start3A_127 = tpu.memref_slice %arg4[%add3A, %add3A_115, %dma_start3A_126] : memref<32x625x80xi32, #tpu.memory_space<hbm>> -> memref<1x1x80xi32, #tpu.memory_space<hbm>>
      %dma_start3A_128 = tpu.memref_squeeze %dma_start3A_127 : memref<1x1x80xi32, #tpu.memory_space<hbm>> -> memref<80xi32, #tpu.memory_space<hbm>>
      tpu.enqueue_dma source(%dma_start3A_128 : memref<80xi32, #tpu.memory_space<hbm>>) target(%dma_start3A_125 : memref<80xi32, #tpu.memory_space<vmem>>) target_semaphore(%arg11 : memref<!tpu.dma_semaphore, #tpu.memory_space<semaphore_mem>>)
      %add3A_129 = arith.constant 4 : i32
      %add3A_130 = arith.addi %add3A_9, %add3A_129 : i32
      %dma_start3A_131 = arith.constant 4 : i32
      %dma_start3A_132 = arith.constant 0 : i32
      %dma_start3A_133 = tpu.memref_slice %arg7[%dma_start3A_131, %dma_start3A_132] : memref<5x80xi32, #tpu.memory_space<vmem>> -> memref<1x80xi32, #tpu.memory_space<vmem>>
      %dma_start3A_134 = tpu.memref_squeeze %dma_start3A_133 : memref<1x80xi32, #tpu.memory_space<vmem>> -> memref<80xi32, #tpu.memory_space<vmem>>
      %dma_start3A_135 = arith.constant 0 : i32
      %dma_start3A_136 = tpu.memref_slice %arg3[%add3A, %add3A_130, %dma_start3A_135] : memref<32x625x80xi32, #tpu.memory_space<hbm>> -> memref<1x1x80xi32, #tpu.memory_space<hbm>>
      %dma_start3A_137 = tpu.memref_squeeze %dma_start3A_136 : memref<1x1x80xi32, #tpu.memory_space<hbm>> -> memref<80xi32, #tpu.memory_space<hbm>>
      %dma_start3A_138 = arith.constant 0 : i32
      %dma_start3A_139 = tpu.memref_slice %arg7[%dma_start3A_131, %dma_start3A_138] : memref<5x80xi32, #tpu.memory_space<vmem>> -> memref<1x80xi32, #tpu.memory_space<vmem>>
      %dma_start3A_140 = tpu.memref_squeeze %dma_start3A_139 : memref<1x80xi32, #tpu.memory_space<vmem>> -> memref<80xi32, #tpu.memory_space<vmem>>
      %dma_start3A_141 = arith.constant 0 : i32
      %dma_start3A_142 = tpu.memref_slice %arg3[%add3A, %add3A_130, %dma_start3A_141] : memref<32x625x80xi32, #tpu.memory_space<hbm>> -> memref<1x1x80xi32, #tpu.memory_space<hbm>>
      %dma_start3A_143 = tpu.memref_squeeze %dma_start3A_142 : memref<1x1x80xi32, #tpu.memory_space<hbm>> -> memref<80xi32, #tpu.memory_space<hbm>>
      tpu.enqueue_dma source(%dma_start3A_143 : memref<80xi32, #tpu.memory_space<hbm>>) target(%dma_start3A_140 : memref<80xi32, #tpu.memory_space<vmem>>) target_semaphore(%arg11 : memref<!tpu.dma_semaphore, #tpu.memory_space<semaphore_mem>>)
      %add3A_144 = arith.constant 4 : i32
      %add3A_145 = arith.addi %add3A_9, %add3A_144 : i32
      %dma_start3A_146 = arith.constant 4 : i32
      %dma_start3A_147 = arith.constant 0 : i32
      %dma_start3A_148 = tpu.memref_slice %arg8[%dma_start3A_146, %dma_start3A_147] : memref<5x80xi32, #tpu.memory_space<vmem>> -> memref<1x80xi32, #tpu.memory_space<vmem>>
      %dma_start3A_149 = tpu.memref_squeeze %dma_start3A_148 : memref<1x80xi32, #tpu.memory_space<vmem>> -> memref<80xi32, #tpu.memory_space<vmem>>
      %dma_start3A_150 = arith.constant 0 : i32
      %dma_start3A_151 = tpu.memref_slice %arg4[%add3A, %add3A_145, %dma_start3A_150] : memref<32x625x80xi32, #tpu.memory_space<hbm>> -> memref<1x1x80xi32, #tpu.memory_space<hbm>>
      %dma_start3A_152 = tpu.memref_squeeze %dma_start3A_151 : memref<1x1x80xi32, #tpu.memory_space<hbm>> -> memref<80xi32, #tpu.memory_space<hbm>>
      %dma_start3A_153 = arith.constant 0 : i32
      %dma_start3A_154 = tpu.memref_slice %arg8[%dma_start3A_146, %dma_start3A_153] : memref<5x80xi32, #tpu.memory_space<vmem>> -> memref<1x80xi32, #tpu.memory_space<vmem>>
      %dma_start3A_155 = tpu.memref_squeeze %dma_start3A_154 : memref<1x80xi32, #tpu.memory_space<vmem>> -> memref<80xi32, #tpu.memory_space<vmem>>
      %dma_start3A_156 = arith.constant 0 : i32
      %dma_start3A_157 = tpu.memref_slice %arg4[%add3A, %add3A_145, %dma_start3A_156] : memref<32x625x80xi32, #tpu.memory_space<hbm>> -> memref<1x1x80xi32, #tpu.memory_space<hbm>>
      %dma_start3A_158 = tpu.memref_squeeze %dma_start3A_157 : memref<1x1x80xi32, #tpu.memory_space<hbm>> -> memref<80xi32, #tpu.memory_space<hbm>>
      tpu.enqueue_dma source(%dma_start3A_158 : memref<80xi32, #tpu.memory_space<hbm>>) target(%dma_start3A_155 : memref<80xi32, #tpu.memory_space<vmem>>) target_semaphore(%arg11 : memref<!tpu.dma_semaphore, #tpu.memory_space<semaphore_mem>>)
      %dma_wait3A = arith.constant 0 : i32
      %dma_wait3A_159 = arith.constant 0 : i32
      %dma_wait3A_160 = tpu.memref_slice %arg7[%dma_wait3A, %dma_wait3A_159] : memref<5x80xi32, #tpu.memory_space<vmem>> -> memref<1x80xi32, #tpu.memory_space<vmem>>
      %dma_wait3A_161 = tpu.memref_squeeze %dma_wait3A_160 : memref<1x80xi32, #tpu.memory_space<vmem>> -> memref<80xi32, #tpu.memory_space<vmem>>
      %dma_wait3A_162 = arith.constant 0 : i32
      %dma_wait3A_163 = tpu.memref_slice %arg3[%add3A, %add3A_11, %dma_wait3A_162] : memref<32x625x80xi32, #tpu.memory_space<hbm>> -> memref<1x1x80xi32, #tpu.memory_space<hbm>>
      %dma_wait3A_164 = tpu.memref_squeeze %dma_wait3A_163 : memref<1x1x80xi32, #tpu.memory_space<hbm>> -> memref<80xi32, #tpu.memory_space<hbm>>
      %dma_wait3A_165 = arith.constant 0 : i32
      %dma_wait3A_166 = tpu.memref_slice %arg7[%dma_wait3A, %dma_wait3A_165] : memref<5x80xi32, #tpu.memory_space<vmem>> -> memref<1x80xi32, #tpu.memory_space<vmem>>
      %dma_wait3A_167 = tpu.memref_squeeze %dma_wait3A_166 : memref<1x80xi32, #tpu.memory_space<vmem>> -> memref<80xi32, #tpu.memory_space<vmem>>
      %dma_wait3A_168 = arith.constant 0 : i32
      %dma_wait3A_169 = tpu.memref_slice %arg3[%add3A, %add3A_11, %dma_wait3A_168] : memref<32x625x80xi32, #tpu.memory_space<hbm>> -> memref<1x1x80xi32, #tpu.memory_space<hbm>>
      %dma_wait3A_170 = tpu.memref_squeeze %dma_wait3A_169 : memref<1x1x80xi32, #tpu.memory_space<hbm>> -> memref<80xi32, #tpu.memory_space<hbm>>
      tpu.wait_dma2 semaphore(%arg11 : memref<!tpu.dma_semaphore, #tpu.memory_space<semaphore_mem>>) src(%dma_wait3A_170 : memref<80xi32, #tpu.memory_space<hbm>>) dst(%dma_wait3A_167 : memref<80xi32, #tpu.memory_space<vmem>>)
      %dma_wait3A_171 = arith.constant 0 : i32
      %dma_wait3A_172 = arith.constant 0 : i32
      %dma_wait3A_173 = tpu.memref_slice %arg8[%dma_wait3A_171, %dma_wait3A_172] : memref<5x80xi32, #tpu.memory_space<vmem>> -> memref<1x80xi32, #tpu.memory_space<vmem>>
      %dma_wait3A_174 = tpu.memref_squeeze %dma_wait3A_173 : memref<1x80xi32, #tpu.memory_space<vmem>> -> memref<80xi32, #tpu.memory_space<vmem>>
      %dma_wait3A_175 = arith.constant 0 : i32
      %dma_wait3A_176 = tpu.memref_slice %arg4[%add3A, %add3A_25, %dma_wait3A_175] : memref<32x625x80xi32, #tpu.memory_space<hbm>> -> memref<1x1x80xi32, #tpu.memory_space<hbm>>
      %dma_wait3A_177 = tpu.memref_squeeze %dma_wait3A_176 : memref<1x1x80xi32, #tpu.memory_space<hbm>> -> memref<80xi32, #tpu.memory_space<hbm>>
      %dma_wait3A_178 = arith.constant 0 : i32
      %dma_wait3A_179 = tpu.memref_slice %arg8[%dma_wait3A_171, %dma_wait3A_178] : memref<5x80xi32, #tpu.memory_space<vmem>> -> memref<1x80xi32, #tpu.memory_space<vmem>>
      %dma_wait3A_180 = tpu.memref_squeeze %dma_wait3A_179 : memref<1x80xi32, #tpu.memory_space<vmem>> -> memref<80xi32, #tpu.memory_space<vmem>>
      %dma_wait3A_181 = arith.constant 0 : i32
      %dma_wait3A_182 = tpu.memref_slice %arg4[%add3A, %add3A_25, %dma_wait3A_181] : memref<32x625x80xi32, #tpu.memory_space<hbm>> -> memref<1x1x80xi32, #tpu.memory_space<hbm>>
      %dma_wait3A_183 = tpu.memref_squeeze %dma_wait3A_182 : memref<1x1x80xi32, #tpu.memory_space<hbm>> -> memref<80xi32, #tpu.memory_space<hbm>>
      tpu.wait_dma2 semaphore(%arg11 : memref<!tpu.dma_semaphore, #tpu.memory_space<semaphore_mem>>) src(%dma_wait3A_183 : memref<80xi32, #tpu.memory_space<hbm>>) dst(%dma_wait3A_180 : memref<80xi32, #tpu.memory_space<vmem>>)
      %dma_wait3A_184 = arith.constant 1 : i32
      %dma_wait3A_185 = arith.constant 0 : i32
      %dma_wait3A_186 = tpu.memref_slice %arg7[%dma_wait3A_184, %dma_wait3A_185] : memref<5x80xi32, #tpu.memory_space<vmem>> -> memref<1x80xi32, #tpu.memory_space<vmem>>
      %dma_wait3A_187 = tpu.memref_squeeze %dma_wait3A_186 : memref<1x80xi32, #tpu.memory_space<vmem>> -> memref<80xi32, #tpu.memory_space<vmem>>
      %dma_wait3A_188 = arith.constant 0 : i32
      %dma_wait3A_189 = tpu.memref_slice %arg3[%add3A, %add3A_40, %dma_wait3A_188] : memref<32x625x80xi32, #tpu.memory_space<hbm>> -> memref<1x1x80xi32, #tpu.memory_space<hbm>>
      %dma_wait3A_190 = tpu.memref_squeeze %dma_wait3A_189 : memref<1x1x80xi32, #tpu.memory_space<hbm>> -> memref<80xi32, #tpu.memory_space<hbm>>
      %dma_wait3A_191 = arith.constant 0 : i32
      %dma_wait3A_192 = tpu.memref_slice %arg7[%dma_wait3A_184, %dma_wait3A_191] : memref<5x80xi32, #tpu.memory_space<vmem>> -> memref<1x80xi32, #tpu.memory_space<vmem>>
      %dma_wait3A_193 = tpu.memref_squeeze %dma_wait3A_192 : memref<1x80xi32, #tpu.memory_space<vmem>> -> memref<80xi32, #tpu.memory_space<vmem>>
      %dma_wait3A_194 = arith.constant 0 : i32
      %dma_wait3A_195 = tpu.memref_slice %arg3[%add3A, %add3A_40, %dma_wait3A_194] : memref<32x625x80xi32, #tpu.memory_space<hbm>> -> memref<1x1x80xi32, #tpu.memory_space<hbm>>
      %dma_wait3A_196 = tpu.memref_squeeze %dma_wait3A_195 : memref<1x1x80xi32, #tpu.memory_space<hbm>> -> memref<80xi32, #tpu.memory_space<hbm>>
      tpu.wait_dma2 semaphore(%arg11 : memref<!tpu.dma_semaphore, #tpu.memory_space<semaphore_mem>>) src(%dma_wait3A_196 : memref<80xi32, #tpu.memory_space<hbm>>) dst(%dma_wait3A_193 : memref<80xi32, #tpu.memory_space<vmem>>)
      %dma_wait3A_197 = arith.constant 1 : i32
      %dma_wait3A_198 = arith.constant 0 : i32
      %dma_wait3A_199 = tpu.memref_slice %arg8[%dma_wait3A_197, %dma_wait3A_198] : memref<5x80xi32, #tpu.memory_space<vmem>> -> memref<1x80xi32, #tpu.memory_space<vmem>>
      %dma_wait3A_200 = tpu.memref_squeeze %dma_wait3A_199 : memref<1x80xi32, #tpu.memory_space<vmem>> -> memref<80xi32, #tpu.memory_space<vmem>>
      %dma_wait3A_201 = arith.constant 0 : i32
      %dma_wait3A_202 = tpu.memref_slice %arg4[%add3A, %add3A_55, %dma_wait3A_201] : memref<32x625x80xi32, #tpu.memory_space<hbm>> -> memref<1x1x80xi32, #tpu.memory_space<hbm>>
      %dma_wait3A_203 = tpu.memref_squeeze %dma_wait3A_202 : memref<1x1x80xi32, #tpu.memory_space<hbm>> -> memref<80xi32, #tpu.memory_space<hbm>>
      %dma_wait3A_204 = arith.constant 0 : i32
      %dma_wait3A_205 = tpu.memref_slice %arg8[%dma_wait3A_197, %dma_wait3A_204] : memref<5x80xi32, #tpu.memory_space<vmem>> -> memref<1x80xi32, #tpu.memory_space<vmem>>
      %dma_wait3A_206 = tpu.memref_squeeze %dma_wait3A_205 : memref<1x80xi32, #tpu.memory_space<vmem>> -> memref<80xi32, #tpu.memory_space<vmem>>
      %dma_wait3A_207 = arith.constant 0 : i32
      %dma_wait3A_208 = tpu.memref_slice %arg4[%add3A, %add3A_55, %dma_wait3A_207] : memref<32x625x80xi32, #tpu.memory_space<hbm>> -> memref<1x1x80xi32, #tpu.memory_space<hbm>>
      %dma_wait3A_209 = tpu.memref_squeeze %dma_wait3A_208 : memref<1x1x80xi32, #tpu.memory_space<hbm>> -> memref<80xi32, #tpu.memory_space<hbm>>
      tpu.wait_dma2 semaphore(%arg11 : memref<!tpu.dma_semaphore, #tpu.memory_space<semaphore_mem>>) src(%dma_wait3A_209 : memref<80xi32, #tpu.memory_space<hbm>>) dst(%dma_wait3A_206 : memref<80xi32, #tpu.memory_space<vmem>>)
      %dma_wait3A_210 = arith.constant 2 : i32
      %dma_wait3A_211 = arith.constant 0 : i32
      %dma_wait3A_212 = tpu.memref_slice %arg7[%dma_wait3A_210, %dma_wait3A_211] : memref<5x80xi32, #tpu.memory_space<vmem>> -> memref<1x80xi32, #tpu.memory_space<vmem>>
      %dma_wait3A_213 = tpu.memref_squeeze %dma_wait3A_212 : memref<1x80xi32, #tpu.memory_space<vmem>> -> memref<80xi32, #tpu.memory_space<vmem>>
      %dma_wait3A_214 = arith.constant 0 : i32
      %dma_wait3A_215 = tpu.memref_slice %arg3[%add3A, %add3A_70, %dma_wait3A_214] : memref<32x625x80xi32, #tpu.memory_space<hbm>> -> memref<1x1x80xi32, #tpu.memory_space<hbm>>
      %dma_wait3A_216 = tpu.memref_squeeze %dma_wait3A_215 : memref<1x1x80xi32, #tpu.memory_space<hbm>> -> memref<80xi32, #tpu.memory_space<hbm>>
      %dma_wait3A_217 = arith.constant 0 : i32
      %dma_wait3A_218 = tpu.memref_slice %arg7[%dma_wait3A_210, %dma_wait3A_217] : memref<5x80xi32, #tpu.memory_space<vmem>> -> memref<1x80xi32, #tpu.memory_space<vmem>>
      %dma_wait3A_219 = tpu.memref_squeeze %dma_wait3A_218 : memref<1x80xi32, #tpu.memory_space<vmem>> -> memref<80xi32, #tpu.memory_space<vmem>>
      %dma_wait3A_220 = arith.constant 0 : i32
      %dma_wait3A_221 = tpu.memref_slice %arg3[%add3A, %add3A_70, %dma_wait3A_220] : memref<32x625x80xi32, #tpu.memory_space<hbm>> -> memref<1x1x80xi32, #tpu.memory_space<hbm>>
      %dma_wait3A_222 = tpu.memref_squeeze %dma_wait3A_221 : memref<1x1x80xi32, #tpu.memory_space<hbm>> -> memref<80xi32, #tpu.memory_space<hbm>>
      tpu.wait_dma2 semaphore(%arg11 : memref<!tpu.dma_semaphore, #tpu.memory_space<semaphore_mem>>) src(%dma_wait3A_222 : memref<80xi32, #tpu.memory_space<hbm>>) dst(%dma_wait3A_219 : memref<80xi32, #tpu.memory_space<vmem>>)
      %dma_wait3A_223 = arith.constant 2 : i32
      %dma_wait3A_224 = arith.constant 0 : i32
      %dma_wait3A_225 = tpu.memref_slice %arg8[%dma_wait3A_223, %dma_wait3A_224] : memref<5x80xi32, #tpu.memory_space<vmem>> -> memref<1x80xi32, #tpu.memory_space<vmem>>
      %dma_wait3A_226 = tpu.memref_squeeze %dma_wait3A_225 : memref<1x80xi32, #tpu.memory_space<vmem>> -> memref<80xi32, #tpu.memory_space<vmem>>
      %dma_wait3A_227 = arith.constant 0 : i32
      %dma_wait3A_228 = tpu.memref_slice %arg4[%add3A, %add3A_85, %dma_wait3A_227] : memref<32x625x80xi32, #tpu.memory_space<hbm>> -> memref<1x1x80xi32, #tpu.memory_space<hbm>>
      %dma_wait3A_229 = tpu.memref_squeeze %dma_wait3A_228 : memref<1x1x80xi32, #tpu.memory_space<hbm>> -> memref<80xi32, #tpu.memory_space<hbm>>
      %dma_wait3A_230 = arith.constant 0 : i32
      %dma_wait3A_231 = tpu.memref_slice %arg8[%dma_wait3A_223, %dma_wait3A_230] : memref<5x80xi32, #tpu.memory_space<vmem>> -> memref<1x80xi32, #tpu.memory_space<vmem>>
      %dma_wait3A_232 = tpu.memref_squeeze %dma_wait3A_231 : memref<1x80xi32, #tpu.memory_space<vmem>> -> memref<80xi32, #tpu.memory_space<vmem>>
      %dma_wait3A_233 = arith.constant 0 : i32
      %dma_wait3A_234 = tpu.memref_slice %arg4[%add3A, %add3A_85, %dma_wait3A_233] : memref<32x625x80xi32, #tpu.memory_space<hbm>> -> memref<1x1x80xi32, #tpu.memory_space<hbm>>
      %dma_wait3A_235 = tpu.memref_squeeze %dma_wait3A_234 : memref<1x1x80xi32, #tpu.memory_space<hbm>> -> memref<80xi32, #tpu.memory_space<hbm>>
      tpu.wait_dma2 semaphore(%arg11 : memref<!tpu.dma_semaphore, #tpu.memory_space<semaphore_mem>>) src(%dma_wait3A_235 : memref<80xi32, #tpu.memory_space<hbm>>) dst(%dma_wait3A_232 : memref<80xi32, #tpu.memory_space<vmem>>)
      %dma_wait3A_236 = arith.constant 3 : i32
      %dma_wait3A_237 = arith.constant 0 : i32
      %dma_wait3A_238 = tpu.memref_slice %arg7[%dma_wait3A_236, %dma_wait3A_237] : memref<5x80xi32, #tpu.memory_space<vmem>> -> memref<1x80xi32, #tpu.memory_space<vmem>>
      %dma_wait3A_239 = tpu.memref_squeeze %dma_wait3A_238 : memref<1x80xi32, #tpu.memory_space<vmem>> -> memref<80xi32, #tpu.memory_space<vmem>>
      %dma_wait3A_240 = arith.constant 0 : i32
      %dma_wait3A_241 = tpu.memref_slice %arg3[%add3A, %add3A_100, %dma_wait3A_240] : memref<32x625x80xi32, #tpu.memory_space<hbm>> -> memref<1x1x80xi32, #tpu.memory_space<hbm>>
      %dma_wait3A_242 = tpu.memref_squeeze %dma_wait3A_241 : memref<1x1x80xi32, #tpu.memory_space<hbm>> -> memref<80xi32, #tpu.memory_space<hbm>>
      %dma_wait3A_243 = arith.constant 0 : i32
      %dma_wait3A_244 = tpu.memref_slice %arg7[%dma_wait3A_236, %dma_wait3A_243] : memref<5x80xi32, #tpu.memory_space<vmem>> -> memref<1x80xi32, #tpu.memory_space<vmem>>
      %dma_wait3A_245 = tpu.memref_squeeze %dma_wait3A_244 : memref<1x80xi32, #tpu.memory_space<vmem>> -> memref<80xi32, #tpu.memory_space<vmem>>
      %dma_wait3A_246 = arith.constant 0 : i32
      %dma_wait3A_247 = tpu.memref_slice %arg3[%add3A, %add3A_100, %dma_wait3A_246] : memref<32x625x80xi32, #tpu.memory_space<hbm>> -> memref<1x1x80xi32, #tpu.memory_space<hbm>>
      %dma_wait3A_248 = tpu.memref_squeeze %dma_wait3A_247 : memref<1x1x80xi32, #tpu.memory_space<hbm>> -> memref<80xi32, #tpu.memory_space<hbm>>
      tpu.wait_dma2 semaphore(%arg11 : memref<!tpu.dma_semaphore, #tpu.memory_space<semaphore_mem>>) src(%dma_wait3A_248 : memref<80xi32, #tpu.memory_space<hbm>>) dst(%dma_wait3A_245 : memref<80xi32, #tpu.memory_space<vmem>>)
      %dma_wait3A_249 = arith.constant 3 : i32
      %dma_wait3A_250 = arith.constant 0 : i32
      %dma_wait3A_251 = tpu.memref_slice %arg8[%dma_wait3A_249, %dma_wait3A_250] : memref<5x80xi32, #tpu.memory_space<vmem>> -> memref<1x80xi32, #tpu.memory_space<vmem>>
      %dma_wait3A_252 = tpu.memref_squeeze %dma_wait3A_251 : memref<1x80xi32, #tpu.memory_space<vmem>> -> memref<80xi32, #tpu.memory_space<vmem>>
      %dma_wait3A_253 = arith.constant 0 : i32
      %dma_wait3A_254 = tpu.memref_slice %arg4[%add3A, %add3A_115, %dma_wait3A_253] : memref<32x625x80xi32, #tpu.memory_space<hbm>> -> memref<1x1x80xi32, #tpu.memory_space<hbm>>
      %dma_wait3A_255 = tpu.memref_squeeze %dma_wait3A_254 : memref<1x1x80xi32, #tpu.memory_space<hbm>> -> memref<80xi32, #tpu.memory_space<hbm>>
      %dma_wait3A_256 = arith.constant 0 : i32
      %dma_wait3A_257 = tpu.memref_slice %arg8[%dma_wait3A_249, %dma_wait3A_256] : memref<5x80xi32, #tpu.memory_space<vmem>> -> memref<1x80xi32, #tpu.memory_space<vmem>>
      %dma_wait3A_258 = tpu.memref_squeeze %dma_wait3A_257 : memref<1x80xi32, #tpu.memory_space<vmem>> -> memref<80xi32, #tpu.memory_space<vmem>>
      %dma_wait3A_259 = arith.constant 0 : i32
      %dma_wait3A_260 = tpu.memref_slice %arg4[%add3A, %add3A_115, %dma_wait3A_259] : memref<32x625x80xi32, #tpu.memory_space<hbm>> -> memref<1x1x80xi32, #tpu.memory_space<hbm>>
      %dma_wait3A_261 = tpu.memref_squeeze %dma_wait3A_260 : memref<1x1x80xi32, #tpu.memory_space<hbm>> -> memref<80xi32, #tpu.memory_space<hbm>>
      tpu.wait_dma2 semaphore(%arg11 : memref<!tpu.dma_semaphore, #tpu.memory_space<semaphore_mem>>) src(%dma_wait3A_261 : memref<80xi32, #tpu.memory_space<hbm>>) dst(%dma_wait3A_258 : memref<80xi32, #tpu.memory_space<vmem>>)
      %dma_wait3A_262 = arith.constant 4 : i32
      %dma_wait3A_263 = arith.constant 0 : i32
      %dma_wait3A_264 = tpu.memref_slice %arg7[%dma_wait3A_262, %dma_wait3A_263] : memref<5x80xi32, #tpu.memory_space<vmem>> -> memref<1x80xi32, #tpu.memory_space<vmem>>
      %dma_wait3A_265 = tpu.memref_squeeze %dma_wait3A_264 : memref<1x80xi32, #tpu.memory_space<vmem>> -> memref<80xi32, #tpu.memory_space<vmem>>
      %dma_wait3A_266 = arith.constant 0 : i32
      %dma_wait3A_267 = tpu.memref_slice %arg3[%add3A, %add3A_130, %dma_wait3A_266] : memref<32x625x80xi32, #tpu.memory_space<hbm>> -> memref<1x1x80xi32, #tpu.memory_space<hbm>>
      %dma_wait3A_268 = tpu.memref_squeeze %dma_wait3A_267 : memref<1x1x80xi32, #tpu.memory_space<hbm>> -> memref<80xi32, #tpu.memory_space<hbm>>
      %dma_wait3A_269 = arith.constant 0 : i32
      %dma_wait3A_270 = tpu.memref_slice %arg7[%dma_wait3A_262, %dma_wait3A_269] : memref<5x80xi32, #tpu.memory_space<vmem>> -> memref<1x80xi32, #tpu.memory_space<vmem>>
      %dma_wait3A_271 = tpu.memref_squeeze %dma_wait3A_270 : memref<1x80xi32, #tpu.memory_space<vmem>> -> memref<80xi32, #tpu.memory_space<vmem>>
      %dma_wait3A_272 = arith.constant 0 : i32
      %dma_wait3A_273 = tpu.memref_slice %arg3[%add3A, %add3A_130, %dma_wait3A_272] : memref<32x625x80xi32, #tpu.memory_space<hbm>> -> memref<1x1x80xi32, #tpu.memory_space<hbm>>
      %dma_wait3A_274 = tpu.memref_squeeze %dma_wait3A_273 : memref<1x1x80xi32, #tpu.memory_space<hbm>> -> memref<80xi32, #tpu.memory_space<hbm>>
      tpu.wait_dma2 semaphore(%arg11 : memref<!tpu.dma_semaphore, #tpu.memory_space<semaphore_mem>>) src(%dma_wait3A_274 : memref<80xi32, #tpu.memory_space<hbm>>) dst(%dma_wait3A_271 : memref<80xi32, #tpu.memory_space<vmem>>)
      %dma_wait3A_275 = arith.constant 4 : i32
      %dma_wait3A_276 = arith.constant 0 : i32
      %dma_wait3A_277 = tpu.memref_slice %arg8[%dma_wait3A_275, %dma_wait3A_276] : memref<5x80xi32, #tpu.memory_space<vmem>> -> memref<1x80xi32, #tpu.memory_space<vmem>>
      %dma_wait3A_278 = tpu.memref_squeeze %dma_wait3A_277 : memref<1x80xi32, #tpu.memory_space<vmem>> -> memref<80xi32, #tpu.memory_space<vmem>>
      %dma_wait3A_279 = arith.constant 0 : i32
      %dma_wait3A_280 = tpu.memref_slice %arg4[%add3A, %add3A_145, %dma_wait3A_279] : memref<32x625x80xi32, #tpu.memory_space<hbm>> -> memref<1x1x80xi32, #tpu.memory_space<hbm>>
      %dma_wait3A_281 = tpu.memref_squeeze %dma_wait3A_280 : memref<1x1x80xi32, #tpu.memory_space<hbm>> -> memref<80xi32, #tpu.memory_space<hbm>>
      %dma_wait3A_282 = arith.constant 0 : i32
      %dma_wait3A_283 = tpu.memref_slice %arg8[%dma_wait3A_275, %dma_wait3A_282] : memref<5x80xi32, #tpu.memory_space<vmem>> -> memref<1x80xi32, #tpu.memory_space<vmem>>
      %dma_wait3A_284 = tpu.memref_squeeze %dma_wait3A_283 : memref<1x80xi32, #tpu.memory_space<vmem>> -> memref<80xi32, #tpu.memory_space<vmem>>
      %dma_wait3A_285 = arith.constant 0 : i32
      %dma_wait3A_286 = tpu.memref_slice %arg4[%add3A, %add3A_145, %dma_wait3A_285] : memref<32x625x80xi32, #tpu.memory_space<hbm>> -> memref<1x1x80xi32, #tpu.memory_space<hbm>>
      %dma_wait3A_287 = tpu.memref_squeeze %dma_wait3A_286 : memref<1x1x80xi32, #tpu.memory_space<hbm>> -> memref<80xi32, #tpu.memory_space<hbm>>
      tpu.wait_dma2 semaphore(%arg11 : memref<!tpu.dma_semaphore, #tpu.memory_space<semaphore_mem>>) src(%dma_wait3A_287 : memref<80xi32, #tpu.memory_space<hbm>>) dst(%dma_wait3A_284 : memref<80xi32, #tpu.memory_space<vmem>>)
      %dma_start3A_288 = arith.constant 0 : i32
      %dma_start3A_289 = arith.constant 0 : i32
      %dma_start3A_290 = arith.constant 0 : i32
      %dma_start3A_291 = arith.constant 0 : i32
      %dma_start3A_292 = tpu.memref_slice %arg9[%dma_start3A_289, %dma_start3A_290, %dma_start3A_291] : memref<5x80x16xf32, #tpu.memory_space<vmem>> -> memref<1x80x16xf32, #tpu.memory_space<vmem>>
      %dma_start3A_293 = tpu.memref_squeeze %dma_start3A_292 : memref<1x80x16xf32, #tpu.memory_space<vmem>> -> memref<80x16xf32, #tpu.memory_space<vmem>>
      %dma_start3A_294 = arith.constant 0 : i32
      %dma_start3A_295 = tpu.memref_slice %arg7[%dma_start3A_288, %dma_start3A_294] : memref<5x80xi32, #tpu.memory_space<vmem>> -> memref<1x80xi32, #tpu.memory_space<vmem>>
      %dma_start3A_296 = tpu.memref_squeeze %dma_start3A_295 : memref<1x80xi32, #tpu.memory_space<vmem>> -> memref<80xi32, #tpu.memory_space<vmem>>
      %dma_start3A_297 = arith.constant 0 : i32
      %dma_start3A_298 = arith.constant 0 : i32
      %dma_start3A_299 = tpu.memref_slice %arg2[%dma_start3A_297, %dma_start3A_298] : memref<50000x16xf32, #tpu.memory_space<hbm>> -> memref<50000x16xf32, #tpu.memory_space<hbm>>
      tpu.enqueue_indirect_dma source(%dma_start3A_299 : memref<50000x16xf32, #tpu.memory_space<hbm>>) target(%dma_start3A_293 : memref<80x16xf32, #tpu.memory_space<vmem>>) offsets(%dma_start3A_296 : memref<80xi32, #tpu.memory_space<vmem>>) semaphore(%arg12 : memref<!tpu.dma_semaphore, #tpu.memory_space<semaphore_mem>>)
      %dma_start3A_300 = arith.constant 0 : i32
      %dma_start3A_301 = arith.constant 0 : i32
      %dma_start3A_302 = arith.constant 0 : i32
      %dma_start3A_303 = arith.constant 0 : i32
      %dma_start3A_304 = tpu.memref_slice %arg10[%dma_start3A_301, %dma_start3A_302, %dma_start3A_303] : memref<5x80x16xf32, #tpu.memory_space<vmem>> -> memref<1x80x16xf32, #tpu.memory_space<vmem>>
      %dma_start3A_305 = tpu.memref_squeeze %dma_start3A_304 : memref<1x80x16xf32, #tpu.memory_space<vmem>> -> memref<80x16xf32, #tpu.memory_space<vmem>>
      %dma_start3A_306 = arith.constant 0 : i32
      %dma_start3A_307 = tpu.memref_slice %arg8[%dma_start3A_300, %dma_start3A_306] : memref<5x80xi32, #tpu.memory_space<vmem>> -> memref<1x80xi32, #tpu.memory_space<vmem>>
      %dma_start3A_308 = tpu.memref_squeeze %dma_start3A_307 : memref<1x80xi32, #tpu.memory_space<vmem>> -> memref<80xi32, #tpu.memory_space<vmem>>
      %dma_start3A_309 = arith.constant 0 : i32
      %dma_start3A_310 = arith.constant 0 : i32
      %dma_start3A_311 = tpu.memref_slice %arg2[%dma_start3A_309, %dma_start3A_310] : memref<50000x16xf32, #tpu.memory_space<hbm>> -> memref<50000x16xf32, #tpu.memory_space<hbm>>
      tpu.enqueue_indirect_dma source(%dma_start3A_311 : memref<50000x16xf32, #tpu.memory_space<hbm>>) target(%dma_start3A_305 : memref<80x16xf32, #tpu.memory_space<vmem>>) offsets(%dma_start3A_308 : memref<80xi32, #tpu.memory_space<vmem>>) semaphore(%arg12 : memref<!tpu.dma_semaphore, #tpu.memory_space<semaphore_mem>>)
      %dma_start3A_312 = arith.constant 1 : i32
      %dma_start3A_313 = arith.constant 1 : i32
      %dma_start3A_314 = arith.constant 0 : i32
      %dma_start3A_315 = arith.constant 0 : i32
      %dma_start3A_316 = tpu.memref_slice %arg9[%dma_start3A_313, %dma_start3A_314, %dma_start3A_315] : memref<5x80x16xf32, #tpu.memory_space<vmem>> -> memref<1x80x16xf32, #tpu.memory_space<vmem>>
      %dma_start3A_317 = tpu.memref_squeeze %dma_start3A_316 : memref<1x80x16xf32, #tpu.memory_space<vmem>> -> memref<80x16xf32, #tpu.memory_space<vmem>>
      %dma_start3A_318 = arith.constant 0 : i32
      %dma_start3A_319 = tpu.memref_slice %arg7[%dma_start3A_312, %dma_start3A_318] : memref<5x80xi32, #tpu.memory_space<vmem>> -> memref<1x80xi32, #tpu.memory_space<vmem>>
      %dma_start3A_320 = tpu.memref_squeeze %dma_start3A_319 : memref<1x80xi32, #tpu.memory_space<vmem>> -> memref<80xi32, #tpu.memory_space<vmem>>
      %dma_start3A_321 = arith.constant 0 : i32
      %dma_start3A_322 = arith.constant 0 : i32
      %dma_start3A_323 = tpu.memref_slice %arg2[%dma_start3A_321, %dma_start3A_322] : memref<50000x16xf32, #tpu.memory_space<hbm>> -> memref<50000x16xf32, #tpu.memory_space<hbm>>
      tpu.enqueue_indirect_dma source(%dma_start3A_323 : memref<50000x16xf32, #tpu.memory_space<hbm>>) target(%dma_start3A_317 : memref<80x16xf32, #tpu.memory_space<vmem>>) offsets(%dma_start3A_320 : memref<80xi32, #tpu.memory_space<vmem>>) semaphore(%arg12 : memref<!tpu.dma_semaphore, #tpu.memory_space<semaphore_mem>>)
      %dma_start3A_324 = arith.constant 1 : i32
      %dma_start3A_325 = arith.constant 1 : i32
      %dma_start3A_326 = arith.constant 0 : i32
      %dma_start3A_327 = arith.constant 0 : i32
      %dma_start3A_328 = tpu.memref_slice %arg10[%dma_start3A_325, %dma_start3A_326, %dma_start3A_327] : memref<5x80x16xf32, #tpu.memory_space<vmem>> -> memref<1x80x16xf32, #tpu.memory_space<vmem>>
      %dma_start3A_329 = tpu.memref_squeeze %dma_start3A_328 : memref<1x80x16xf32, #tpu.memory_space<vmem>> -> memref<80x16xf32, #tpu.memory_space<vmem>>
      %dma_start3A_330 = arith.constant 0 : i32
      %dma_start3A_331 = tpu.memref_slice %arg8[%dma_start3A_324, %dma_start3A_330] : memref<5x80xi32, #tpu.memory_space<vmem>> -> memref<1x80xi32, #tpu.memory_space<vmem>>
      %dma_start3A_332 = tpu.memref_squeeze %dma_start3A_331 : memref<1x80xi32, #tpu.memory_space<vmem>> -> memref<80xi32, #tpu.memory_space<vmem>>
      %dma_start3A_333 = arith.constant 0 : i32
      %dma_start3A_334 = arith.constant 0 : i32
      %dma_start3A_335 = tpu.memref_slice %arg2[%dma_start3A_333, %dma_start3A_334] : memref<50000x16xf32, #tpu.memory_space<hbm>> -> memref<50000x16xf32, #tpu.memory_space<hbm>>
      tpu.enqueue_indirect_dma source(%dma_start3A_335 : memref<50000x16xf32, #tpu.memory_space<hbm>>) target(%dma_start3A_329 : memref<80x16xf32, #tpu.memory_space<vmem>>) offsets(%dma_start3A_332 : memref<80xi32, #tpu.memory_space<vmem>>) semaphore(%arg12 : memref<!tpu.dma_semaphore, #tpu.memory_space<semaphore_mem>>)
      %dma_start3A_336 = arith.constant 2 : i32
      %dma_start3A_337 = arith.constant 2 : i32
      %dma_start3A_338 = arith.constant 0 : i32
      %dma_start3A_339 = arith.constant 0 : i32
      %dma_start3A_340 = tpu.memref_slice %arg9[%dma_start3A_337, %dma_start3A_338, %dma_start3A_339] : memref<5x80x16xf32, #tpu.memory_space<vmem>> -> memref<1x80x16xf32, #tpu.memory_space<vmem>>
      %dma_start3A_341 = tpu.memref_squeeze %dma_start3A_340 : memref<1x80x16xf32, #tpu.memory_space<vmem>> -> memref<80x16xf32, #tpu.memory_space<vmem>>
      %dma_start3A_342 = arith.constant 0 : i32
      %dma_start3A_343 = tpu.memref_slice %arg7[%dma_start3A_336, %dma_start3A_342] : memref<5x80xi32, #tpu.memory_space<vmem>> -> memref<1x80xi32, #tpu.memory_space<vmem>>
      %dma_start3A_344 = tpu.memref_squeeze %dma_start3A_343 : memref<1x80xi32, #tpu.memory_space<vmem>> -> memref<80xi32, #tpu.memory_space<vmem>>
      %dma_start3A_345 = arith.constant 0 : i32
      %dma_start3A_346 = arith.constant 0 : i32
      %dma_start3A_347 = tpu.memref_slice %arg2[%dma_start3A_345, %dma_start3A_346] : memref<50000x16xf32, #tpu.memory_space<hbm>> -> memref<50000x16xf32, #tpu.memory_space<hbm>>
      tpu.enqueue_indirect_dma source(%dma_start3A_347 : memref<50000x16xf32, #tpu.memory_space<hbm>>) target(%dma_start3A_341 : memref<80x16xf32, #tpu.memory_space<vmem>>) offsets(%dma_start3A_344 : memref<80xi32, #tpu.memory_space<vmem>>) semaphore(%arg12 : memref<!tpu.dma_semaphore, #tpu.memory_space<semaphore_mem>>)
      %dma_start3A_348 = arith.constant 2 : i32
      %dma_start3A_349 = arith.constant 2 : i32
      %dma_start3A_350 = arith.constant 0 : i32
      %dma_start3A_351 = arith.constant 0 : i32
      %dma_start3A_352 = tpu.memref_slice %arg10[%dma_start3A_349, %dma_start3A_350, %dma_start3A_351] : memref<5x80x16xf32, #tpu.memory_space<vmem>> -> memref<1x80x16xf32, #tpu.memory_space<vmem>>
      %dma_start3A_353 = tpu.memref_squeeze %dma_start3A_352 : memref<1x80x16xf32, #tpu.memory_space<vmem>> -> memref<80x16xf32, #tpu.memory_space<vmem>>
      %dma_start3A_354 = arith.constant 0 : i32
      %dma_start3A_355 = tpu.memref_slice %arg8[%dma_start3A_348, %dma_start3A_354] : memref<5x80xi32, #tpu.memory_space<vmem>> -> memref<1x80xi32, #tpu.memory_space<vmem>>
      %dma_start3A_356 = tpu.memref_squeeze %dma_start3A_355 : memref<1x80xi32, #tpu.memory_space<vmem>> -> memref<80xi32, #tpu.memory_space<vmem>>
      %dma_start3A_357 = arith.constant 0 : i32
      %dma_start3A_358 = arith.constant 0 : i32
      %dma_start3A_359 = tpu.memref_slice %arg2[%dma_start3A_357, %dma_start3A_358] : memref<50000x16xf32, #tpu.memory_space<hbm>> -> memref<50000x16xf32, #tpu.memory_space<hbm>>
      tpu.enqueue_indirect_dma source(%dma_start3A_359 : memref<50000x16xf32, #tpu.memory_space<hbm>>) target(%dma_start3A_353 : memref<80x16xf32, #tpu.memory_space<vmem>>) offsets(%dma_start3A_356 : memref<80xi32, #tpu.memory_space<vmem>>) semaphore(%arg12 : memref<!tpu.dma_semaphore, #tpu.memory_space<semaphore_mem>>)
      %dma_start3A_360 = arith.constant 3 : i32
      %dma_start3A_361 = arith.constant 3 : i32
      %dma_start3A_362 = arith.constant 0 : i32
      %dma_start3A_363 = arith.constant 0 : i32
      %dma_start3A_364 = tpu.memref_slice %arg9[%dma_start3A_361, %dma_start3A_362, %dma_start3A_363] : memref<5x80x16xf32, #tpu.memory_space<vmem>> -> memref<1x80x16xf32, #tpu.memory_space<vmem>>
      %dma_start3A_365 = tpu.memref_squeeze %dma_start3A_364 : memref<1x80x16xf32, #tpu.memory_space<vmem>> -> memref<80x16xf32, #tpu.memory_space<vmem>>
      %dma_start3A_366 = arith.constant 0 : i32
      %dma_start3A_367 = tpu.memref_slice %arg7[%dma_start3A_360, %dma_start3A_366] : memref<5x80xi32, #tpu.memory_space<vmem>> -> memref<1x80xi32, #tpu.memory_space<vmem>>
      %dma_start3A_368 = tpu.memref_squeeze %dma_start3A_367 : memref<1x80xi32, #tpu.memory_space<vmem>> -> memref<80xi32, #tpu.memory_space<vmem>>
      %dma_start3A_369 = arith.constant 0 : i32
      %dma_start3A_370 = arith.constant 0 : i32
      %dma_start3A_371 = tpu.memref_slice %arg2[%dma_start3A_369, %dma_start3A_370] : memref<50000x16xf32, #tpu.memory_space<hbm>> -> memref<50000x16xf32, #tpu.memory_space<hbm>>
      tpu.enqueue_indirect_dma source(%dma_start3A_371 : memref<50000x16xf32, #tpu.memory_space<hbm>>) target(%dma_start3A_365 : memref<80x16xf32, #tpu.memory_space<vmem>>) offsets(%dma_start3A_368 : memref<80xi32, #tpu.memory_space<vmem>>) semaphore(%arg12 : memref<!tpu.dma_semaphore, #tpu.memory_space<semaphore_mem>>)
      %dma_start3A_372 = arith.constant 3 : i32
      %dma_start3A_373 = arith.constant 3 : i32
      %dma_start3A_374 = arith.constant 0 : i32
      %dma_start3A_375 = arith.constant 0 : i32
      %dma_start3A_376 = tpu.memref_slice %arg10[%dma_start3A_373, %dma_start3A_374, %dma_start3A_375] : memref<5x80x16xf32, #tpu.memory_space<vmem>> -> memref<1x80x16xf32, #tpu.memory_space<vmem>>
      %dma_start3A_377 = tpu.memref_squeeze %dma_start3A_376 : memref<1x80x16xf32, #tpu.memory_space<vmem>> -> memref<80x16xf32, #tpu.memory_space<vmem>>
      %dma_start3A_378 = arith.constant 0 : i32
      %dma_start3A_379 = tpu.memref_slice %arg8[%dma_start3A_372, %dma_start3A_378] : memref<5x80xi32, #tpu.memory_space<vmem>> -> memref<1x80xi32, #tpu.memory_space<vmem>>
      %dma_start3A_380 = tpu.memref_squeeze %dma_start3A_379 : memref<1x80xi32, #tpu.memory_space<vmem>> -> memref<80xi32, #tpu.memory_space<vmem>>
      %dma_start3A_381 = arith.constant 0 : i32
      %dma_start3A_382 = arith.constant 0 : i32
      %dma_start3A_383 = tpu.memref_slice %arg2[%dma_start3A_381, %dma_start3A_382] : memref<50000x16xf32, #tpu.memory_space<hbm>> -> memref<50000x16xf32, #tpu.memory_space<hbm>>
      tpu.enqueue_indirect_dma source(%dma_start3A_383 : memref<50000x16xf32, #tpu.memory_space<hbm>>) target(%dma_start3A_377 : memref<80x16xf32, #tpu.memory_space<vmem>>) offsets(%dma_start3A_380 : memref<80xi32, #tpu.memory_space<vmem>>) semaphore(%arg12 : memref<!tpu.dma_semaphore, #tpu.memory_space<semaphore_mem>>)
      %dma_start3A_384 = arith.constant 4 : i32
      %dma_start3A_385 = arith.constant 4 : i32
      %dma_start3A_386 = arith.constant 0 : i32
      %dma_start3A_387 = arith.constant 0 : i32
      %dma_start3A_388 = tpu.memref_slice %arg9[%dma_start3A_385, %dma_start3A_386, %dma_start3A_387] : memref<5x80x16xf32, #tpu.memory_space<vmem>> -> memref<1x80x16xf32, #tpu.memory_space<vmem>>
      %dma_start3A_389 = tpu.memref_squeeze %dma_start3A_388 : memref<1x80x16xf32, #tpu.memory_space<vmem>> -> memref<80x16xf32, #tpu.memory_space<vmem>>
      %dma_start3A_390 = arith.constant 0 : i32
      %dma_start3A_391 = tpu.memref_slice %arg7[%dma_start3A_384, %dma_start3A_390] : memref<5x80xi32, #tpu.memory_space<vmem>> -> memref<1x80xi32, #tpu.memory_space<vmem>>
      %dma_start3A_392 = tpu.memref_squeeze %dma_start3A_391 : memref<1x80xi32, #tpu.memory_space<vmem>> -> memref<80xi32, #tpu.memory_space<vmem>>
      %dma_start3A_393 = arith.constant 0 : i32
      %dma_start3A_394 = arith.constant 0 : i32
      %dma_start3A_395 = tpu.memref_slice %arg2[%dma_start3A_393, %dma_start3A_394] : memref<50000x16xf32, #tpu.memory_space<hbm>> -> memref<50000x16xf32, #tpu.memory_space<hbm>>
      tpu.enqueue_indirect_dma source(%dma_start3A_395 : memref<50000x16xf32, #tpu.memory_space<hbm>>) target(%dma_start3A_389 : memref<80x16xf32, #tpu.memory_space<vmem>>) offsets(%dma_start3A_392 : memref<80xi32, #tpu.memory_space<vmem>>) semaphore(%arg12 : memref<!tpu.dma_semaphore, #tpu.memory_space<semaphore_mem>>)
      %dma_start3A_396 = arith.constant 4 : i32
      %dma_start3A_397 = arith.constant 4 : i32
      %dma_start3A_398 = arith.constant 0 : i32
      %dma_start3A_399 = arith.constant 0 : i32
      %dma_start3A_400 = tpu.memref_slice %arg10[%dma_start3A_397, %dma_start3A_398, %dma_start3A_399] : memref<5x80x16xf32, #tpu.memory_space<vmem>> -> memref<1x80x16xf32, #tpu.memory_space<vmem>>
      %dma_start3A_401 = tpu.memref_squeeze %dma_start3A_400 : memref<1x80x16xf32, #tpu.memory_space<vmem>> -> memref<80x16xf32, #tpu.memory_space<vmem>>
      %dma_start3A_402 = arith.constant 0 : i32
      %dma_start3A_403 = tpu.memref_slice %arg8[%dma_start3A_396, %dma_start3A_402] : memref<5x80xi32, #tpu.memory_space<vmem>> -> memref<1x80xi32, #tpu.memory_space<vmem>>
      %dma_start3A_404 = tpu.memref_squeeze %dma_start3A_403 : memref<1x80xi32, #tpu.memory_space<vmem>> -> memref<80xi32, #tpu.memory_space<vmem>>
      %dma_start3A_405 = arith.constant 0 : i32
      %dma_start3A_406 = arith.constant 0 : i32
      %dma_start3A_407 = tpu.memref_slice %arg2[%dma_start3A_405, %dma_start3A_406] : memref<50000x16xf32, #tpu.memory_space<hbm>> -> memref<50000x16xf32, #tpu.memory_space<hbm>>
      tpu.enqueue_indirect_dma source(%dma_start3A_407 : memref<50000x16xf32, #tpu.memory_space<hbm>>) target(%dma_start3A_401 : memref<80x16xf32, #tpu.memory_space<vmem>>) offsets(%dma_start3A_404 : memref<80xi32, #tpu.memory_space<vmem>>) semaphore(%arg12 : memref<!tpu.dma_semaphore, #tpu.memory_space<semaphore_mem>>)
      %dma_wait3A_408 = arith.constant 0 : i32
      %dma_wait3A_409 = arith.constant 0 : i32
      %dma_wait3A_410 = arith.constant 0 : i32
      %dma_wait3A_411 = arith.constant 0 : i32
      %dma_wait3A_412 = tpu.memref_slice %arg9[%dma_wait3A_409, %dma_wait3A_410, %dma_wait3A_411] : memref<5x80x16xf32, #tpu.memory_space<vmem>> -> memref<1x80x16xf32, #tpu.memory_space<vmem>>
      %dma_wait3A_413 = tpu.memref_squeeze %dma_wait3A_412 : memref<1x80x16xf32, #tpu.memory_space<vmem>> -> memref<80x16xf32, #tpu.memory_space<vmem>>
      %dma_wait3A_414 = arith.constant 0 : i32
      %dma_wait3A_415 = tpu.memref_slice %arg7[%dma_wait3A_408, %dma_wait3A_414] : memref<5x80xi32, #tpu.memory_space<vmem>> -> memref<1x80xi32, #tpu.memory_space<vmem>>
      %dma_wait3A_416 = tpu.memref_squeeze %dma_wait3A_415 : memref<1x80xi32, #tpu.memory_space<vmem>> -> memref<80xi32, #tpu.memory_space<vmem>>
      %dma_wait3A_417 = arith.constant 0 : i32
      %dma_wait3A_418 = arith.constant 0 : i32
      %dma_wait3A_419 = tpu.memref_slice %arg2[%dma_wait3A_417, %dma_wait3A_418] : memref<50000x16xf32, #tpu.memory_space<hbm>> -> memref<50000x16xf32, #tpu.memory_space<hbm>>
      tpu.wait_indirect_dma semaphore(%arg12 : memref<!tpu.dma_semaphore, #tpu.memory_space<semaphore_mem>>) src(%dma_wait3A_419 : memref<50000x16xf32, #tpu.memory_space<hbm>>) dst(%dma_wait3A_413 : memref<80x16xf32, #tpu.memory_space<vmem>>)
      %dma_wait3A_420 = arith.constant 0 : i32
      %dma_wait3A_421 = arith.constant 0 : i32
      %dma_wait3A_422 = arith.constant 0 : i32
      %dma_wait3A_423 = arith.constant 0 : i32
      %dma_wait3A_424 = tpu.memref_slice %arg10[%dma_wait3A_421, %dma_wait3A_422, %dma_wait3A_423] : memref<5x80x16xf32, #tpu.memory_space<vmem>> -> memref<1x80x16xf32, #tpu.memory_space<vmem>>
      %dma_wait3A_425 = tpu.memref_squeeze %dma_wait3A_424 : memref<1x80x16xf32, #tpu.memory_space<vmem>> -> memref<80x16xf32, #tpu.memory_space<vmem>>
      %dma_wait3A_426 = arith.constant 0 : i32
      %dma_wait3A_427 = tpu.memref_slice %arg8[%dma_wait3A_420, %dma_wait3A_426] : memref<5x80xi32, #tpu.memory_space<vmem>> -> memref<1x80xi32, #tpu.memory_space<vmem>>
      %dma_wait3A_428 = tpu.memref_squeeze %dma_wait3A_427 : memref<1x80xi32, #tpu.memory_space<vmem>> -> memref<80xi32, #tpu.memory_space<vmem>>
      %dma_wait3A_429 = arith.constant 0 : i32
      %dma_wait3A_430 = arith.constant 0 : i32
      %dma_wait3A_431 = tpu.memref_slice %arg2[%dma_wait3A_429, %dma_wait3A_430] : memref<50000x16xf32, #tpu.memory_space<hbm>> -> memref<50000x16xf32, #tpu.memory_space<hbm>>
      tpu.wait_indirect_dma semaphore(%arg12 : memref<!tpu.dma_semaphore, #tpu.memory_space<semaphore_mem>>) src(%dma_wait3A_431 : memref<50000x16xf32, #tpu.memory_space<hbm>>) dst(%dma_wait3A_425 : memref<80x16xf32, #tpu.memory_space<vmem>>)
      %dma_wait3A_432 = arith.constant 1 : i32
      %dma_wait3A_433 = arith.constant 1 : i32
      %dma_wait3A_434 = arith.constant 0 : i32
      %dma_wait3A_435 = arith.constant 0 : i32
      %dma_wait3A_436 = tpu.memref_slice %arg9[%dma_wait3A_433, %dma_wait3A_434, %dma_wait3A_435] : memref<5x80x16xf32, #tpu.memory_space<vmem>> -> memref<1x80x16xf32, #tpu.memory_space<vmem>>
      %dma_wait3A_437 = tpu.memref_squeeze %dma_wait3A_436 : memref<1x80x16xf32, #tpu.memory_space<vmem>> -> memref<80x16xf32, #tpu.memory_space<vmem>>
      %dma_wait3A_438 = arith.constant 0 : i32
      %dma_wait3A_439 = tpu.memref_slice %arg7[%dma_wait3A_432, %dma_wait3A_438] : memref<5x80xi32, #tpu.memory_space<vmem>> -> memref<1x80xi32, #tpu.memory_space<vmem>>
      %dma_wait3A_440 = tpu.memref_squeeze %dma_wait3A_439 : memref<1x80xi32, #tpu.memory_space<vmem>> -> memref<80xi32, #tpu.memory_space<vmem>>
      %dma_wait3A_441 = arith.constant 0 : i32
      %dma_wait3A_442 = arith.constant 0 : i32
      %dma_wait3A_443 = tpu.memref_slice %arg2[%dma_wait3A_441, %dma_wait3A_442] : memref<50000x16xf32, #tpu.memory_space<hbm>> -> memref<50000x16xf32, #tpu.memory_space<hbm>>
      tpu.wait_indirect_dma semaphore(%arg12 : memref<!tpu.dma_semaphore, #tpu.memory_space<semaphore_mem>>) src(%dma_wait3A_443 : memref<50000x16xf32, #tpu.memory_space<hbm>>) dst(%dma_wait3A_437 : memref<80x16xf32, #tpu.memory_space<vmem>>)
      %dma_wait3A_444 = arith.constant 1 : i32
      %dma_wait3A_445 = arith.constant 1 : i32
      %dma_wait3A_446 = arith.constant 0 : i32
      %dma_wait3A_447 = arith.constant 0 : i32
      %dma_wait3A_448 = tpu.memref_slice %arg10[%dma_wait3A_445, %dma_wait3A_446, %dma_wait3A_447] : memref<5x80x16xf32, #tpu.memory_space<vmem>> -> memref<1x80x16xf32, #tpu.memory_space<vmem>>
      %dma_wait3A_449 = tpu.memref_squeeze %dma_wait3A_448 : memref<1x80x16xf32, #tpu.memory_space<vmem>> -> memref<80x16xf32, #tpu.memory_space<vmem>>
      %dma_wait3A_450 = arith.constant 0 : i32
      %dma_wait3A_451 = tpu.memref_slice %arg8[%dma_wait3A_444, %dma_wait3A_450] : memref<5x80xi32, #tpu.memory_space<vmem>> -> memref<1x80xi32, #tpu.memory_space<vmem>>
      %dma_wait3A_452 = tpu.memref_squeeze %dma_wait3A_451 : memref<1x80xi32, #tpu.memory_space<vmem>> -> memref<80xi32, #tpu.memory_space<vmem>>
      %dma_wait3A_453 = arith.constant 0 : i32
      %dma_wait3A_454 = arith.constant 0 : i32
      %dma_wait3A_455 = tpu.memref_slice %arg2[%dma_wait3A_453, %dma_wait3A_454] : memref<50000x16xf32, #tpu.memory_space<hbm>> -> memref<50000x16xf32, #tpu.memory_space<hbm>>
      tpu.wait_indirect_dma semaphore(%arg12 : memref<!tpu.dma_semaphore, #tpu.memory_space<semaphore_mem>>) src(%dma_wait3A_455 : memref<50000x16xf32, #tpu.memory_space<hbm>>) dst(%dma_wait3A_449 : memref<80x16xf32, #tpu.memory_space<vmem>>)
      %dma_wait3A_456 = arith.constant 2 : i32
      %dma_wait3A_457 = arith.constant 2 : i32
      %dma_wait3A_458 = arith.constant 0 : i32
      %dma_wait3A_459 = arith.constant 0 : i32
      %dma_wait3A_460 = tpu.memref_slice %arg9[%dma_wait3A_457, %dma_wait3A_458, %dma_wait3A_459] : memref<5x80x16xf32, #tpu.memory_space<vmem>> -> memref<1x80x16xf32, #tpu.memory_space<vmem>>
      %dma_wait3A_461 = tpu.memref_squeeze %dma_wait3A_460 : memref<1x80x16xf32, #tpu.memory_space<vmem>> -> memref<80x16xf32, #tpu.memory_space<vmem>>
      %dma_wait3A_462 = arith.constant 0 : i32
      %dma_wait3A_463 = tpu.memref_slice %arg7[%dma_wait3A_456, %dma_wait3A_462] : memref<5x80xi32, #tpu.memory_space<vmem>> -> memref<1x80xi32, #tpu.memory_space<vmem>>
      %dma_wait3A_464 = tpu.memref_squeeze %dma_wait3A_463 : memref<1x80xi32, #tpu.memory_space<vmem>> -> memref<80xi32, #tpu.memory_space<vmem>>
      %dma_wait3A_465 = arith.constant 0 : i32
      %dma_wait3A_466 = arith.constant 0 : i32
      %dma_wait3A_467 = tpu.memref_slice %arg2[%dma_wait3A_465, %dma_wait3A_466] : memref<50000x16xf32, #tpu.memory_space<hbm>> -> memref<50000x16xf32, #tpu.memory_space<hbm>>
      tpu.wait_indirect_dma semaphore(%arg12 : memref<!tpu.dma_semaphore, #tpu.memory_space<semaphore_mem>>) src(%dma_wait3A_467 : memref<50000x16xf32, #tpu.memory_space<hbm>>) dst(%dma_wait3A_461 : memref<80x16xf32, #tpu.memory_space<vmem>>)
      %dma_wait3A_468 = arith.constant 2 : i32
      %dma_wait3A_469 = arith.constant 2 : i32
      %dma_wait3A_470 = arith.constant 0 : i32
      %dma_wait3A_471 = arith.constant 0 : i32
      %dma_wait3A_472 = tpu.memref_slice %arg10[%dma_wait3A_469, %dma_wait3A_470, %dma_wait3A_471] : memref<5x80x16xf32, #tpu.memory_space<vmem>> -> memref<1x80x16xf32, #tpu.memory_space<vmem>>
      %dma_wait3A_473 = tpu.memref_squeeze %dma_wait3A_472 : memref<1x80x16xf32, #tpu.memory_space<vmem>> -> memref<80x16xf32, #tpu.memory_space<vmem>>
      %dma_wait3A_474 = arith.constant 0 : i32
      %dma_wait3A_475 = tpu.memref_slice %arg8[%dma_wait3A_468, %dma_wait3A_474] : memref<5x80xi32, #tpu.memory_space<vmem>> -> memref<1x80xi32, #tpu.memory_space<vmem>>
      %dma_wait3A_476 = tpu.memref_squeeze %dma_wait3A_475 : memref<1x80xi32, #tpu.memory_space<vmem>> -> memref<80xi32, #tpu.memory_space<vmem>>
      %dma_wait3A_477 = arith.constant 0 : i32
      %dma_wait3A_478 = arith.constant 0 : i32
      %dma_wait3A_479 = tpu.memref_slice %arg2[%dma_wait3A_477, %dma_wait3A_478] : memref<50000x16xf32, #tpu.memory_space<hbm>> -> memref<50000x16xf32, #tpu.memory_space<hbm>>
      tpu.wait_indirect_dma semaphore(%arg12 : memref<!tpu.dma_semaphore, #tpu.memory_space<semaphore_mem>>) src(%dma_wait3A_479 : memref<50000x16xf32, #tpu.memory_space<hbm>>) dst(%dma_wait3A_473 : memref<80x16xf32, #tpu.memory_space<vmem>>)
      %dma_wait3A_480 = arith.constant 3 : i32
      %dma_wait3A_481 = arith.constant 3 : i32
      %dma_wait3A_482 = arith.constant 0 : i32
      %dma_wait3A_483 = arith.constant 0 : i32
      %dma_wait3A_484 = tpu.memref_slice %arg9[%dma_wait3A_481, %dma_wait3A_482, %dma_wait3A_483] : memref<5x80x16xf32, #tpu.memory_space<vmem>> -> memref<1x80x16xf32, #tpu.memory_space<vmem>>
      %dma_wait3A_485 = tpu.memref_squeeze %dma_wait3A_484 : memref<1x80x16xf32, #tpu.memory_space<vmem>> -> memref<80x16xf32, #tpu.memory_space<vmem>>
      %dma_wait3A_486 = arith.constant 0 : i32
      %dma_wait3A_487 = tpu.memref_slice %arg7[%dma_wait3A_480, %dma_wait3A_486] : memref<5x80xi32, #tpu.memory_space<vmem>> -> memref<1x80xi32, #tpu.memory_space<vmem>>
      %dma_wait3A_488 = tpu.memref_squeeze %dma_wait3A_487 : memref<1x80xi32, #tpu.memory_space<vmem>> -> memref<80xi32, #tpu.memory_space<vmem>>
      %dma_wait3A_489 = arith.constant 0 : i32
      %dma_wait3A_490 = arith.constant 0 : i32
      %dma_wait3A_491 = tpu.memref_slice %arg2[%dma_wait3A_489, %dma_wait3A_490] : memref<50000x16xf32, #tpu.memory_space<hbm>> -> memref<50000x16xf32, #tpu.memory_space<hbm>>
      tpu.wait_indirect_dma semaphore(%arg12 : memref<!tpu.dma_semaphore, #tpu.memory_space<semaphore_mem>>) src(%dma_wait3A_491 : memref<50000x16xf32, #tpu.memory_space<hbm>>) dst(%dma_wait3A_485 : memref<80x16xf32, #tpu.memory_space<vmem>>)
      %dma_wait3A_492 = arith.constant 3 : i32
      %dma_wait3A_493 = arith.constant 3 : i32
      %dma_wait3A_494 = arith.constant 0 : i32
      %dma_wait3A_495 = arith.constant 0 : i32
      %dma_wait3A_496 = tpu.memref_slice %arg10[%dma_wait3A_493, %dma_wait3A_494, %dma_wait3A_495] : memref<5x80x16xf32, #tpu.memory_space<vmem>> -> memref<1x80x16xf32, #tpu.memory_space<vmem>>
      %dma_wait3A_497 = tpu.memref_squeeze %dma_wait3A_496 : memref<1x80x16xf32, #tpu.memory_space<vmem>> -> memref<80x16xf32, #tpu.memory_space<vmem>>
      %dma_wait3A_498 = arith.constant 0 : i32
      %dma_wait3A_499 = tpu.memref_slice %arg8[%dma_wait3A_492, %dma_wait3A_498] : memref<5x80xi32, #tpu.memory_space<vmem>> -> memref<1x80xi32, #tpu.memory_space<vmem>>
      %dma_wait3A_500 = tpu.memref_squeeze %dma_wait3A_499 : memref<1x80xi32, #tpu.memory_space<vmem>> -> memref<80xi32, #tpu.memory_space<vmem>>
      %dma_wait3A_501 = arith.constant 0 : i32
      %dma_wait3A_502 = arith.constant 0 : i32
      %dma_wait3A_503 = tpu.memref_slice %arg2[%dma_wait3A_501, %dma_wait3A_502] : memref<50000x16xf32, #tpu.memory_space<hbm>> -> memref<50000x16xf32, #tpu.memory_space<hbm>>
      tpu.wait_indirect_dma semaphore(%arg12 : memref<!tpu.dma_semaphore, #tpu.memory_space<semaphore_mem>>) src(%dma_wait3A_503 : memref<50000x16xf32, #tpu.memory_space<hbm>>) dst(%dma_wait3A_497 : memref<80x16xf32, #tpu.memory_space<vmem>>)
      %dma_wait3A_504 = arith.constant 4 : i32
      %dma_wait3A_505 = arith.constant 4 : i32
      %dma_wait3A_506 = arith.constant 0 : i32
      %dma_wait3A_507 = arith.constant 0 : i32
      %dma_wait3A_508 = tpu.memref_slice %arg9[%dma_wait3A_505, %dma_wait3A_506, %dma_wait3A_507] : memref<5x80x16xf32, #tpu.memory_space<vmem>> -> memref<1x80x16xf32, #tpu.memory_space<vmem>>
      %dma_wait3A_509 = tpu.memref_squeeze %dma_wait3A_508 : memref<1x80x16xf32, #tpu.memory_space<vmem>> -> memref<80x16xf32, #tpu.memory_space<vmem>>
      %dma_wait3A_510 = arith.constant 0 : i32
      %dma_wait3A_511 = tpu.memref_slice %arg7[%dma_wait3A_504, %dma_wait3A_510] : memref<5x80xi32, #tpu.memory_space<vmem>> -> memref<1x80xi32, #tpu.memory_space<vmem>>
      %dma_wait3A_512 = tpu.memref_squeeze %dma_wait3A_511 : memref<1x80xi32, #tpu.memory_space<vmem>> -> memref<80xi32, #tpu.memory_space<vmem>>
      %dma_wait3A_513 = arith.constant 0 : i32
      %dma_wait3A_514 = arith.constant 0 : i32
      %dma_wait3A_515 = tpu.memref_slice %arg2[%dma_wait3A_513, %dma_wait3A_514] : memref<50000x16xf32, #tpu.memory_space<hbm>> -> memref<50000x16xf32, #tpu.memory_space<hbm>>
      tpu.wait_indirect_dma semaphore(%arg12 : memref<!tpu.dma_semaphore, #tpu.memory_space<semaphore_mem>>) src(%dma_wait3A_515 : memref<50000x16xf32, #tpu.memory_space<hbm>>) dst(%dma_wait3A_509 : memref<80x16xf32, #tpu.memory_space<vmem>>)
      %dma_wait3A_516 = arith.constant 4 : i32
      %dma_wait3A_517 = arith.constant 4 : i32
      %dma_wait3A_518 = arith.constant 0 : i32
      %dma_wait3A_519 = arith.constant 0 : i32
      %dma_wait3A_520 = tpu.memref_slice %arg10[%dma_wait3A_517, %dma_wait3A_518, %dma_wait3A_519] : memref<5x80x16xf32, #tpu.memory_space<vmem>> -> memref<1x80x16xf32, #tpu.memory_space<vmem>>
      %dma_wait3A_521 = tpu.memref_squeeze %dma_wait3A_520 : memref<1x80x16xf32, #tpu.memory_space<vmem>> -> memref<80x16xf32, #tpu.memory_space<vmem>>
      %dma_wait3A_522 = arith.constant 0 : i32
      %dma_wait3A_523 = tpu.memref_slice %arg8[%dma_wait3A_516, %dma_wait3A_522] : memref<5x80xi32, #tpu.memory_space<vmem>> -> memref<1x80xi32, #tpu.memory_space<vmem>>
      %dma_wait3A_524 = tpu.memref_squeeze %dma_wait3A_523 : memref<1x80xi32, #tpu.memory_space<vmem>> -> memref<80xi32, #tpu.memory_space<vmem>>
      %dma_wait3A_525 = arith.constant 0 : i32
      %dma_wait3A_526 = arith.constant 0 : i32
      %dma_wait3A_527 = tpu.memref_slice %arg2[%dma_wait3A_525, %dma_wait3A_526] : memref<50000x16xf32, #tpu.memory_space<hbm>> -> memref<50000x16xf32, #tpu.memory_space<hbm>>
      tpu.wait_indirect_dma semaphore(%arg12 : memref<!tpu.dma_semaphore, #tpu.memory_space<semaphore_mem>>) src(%dma_wait3A_527 : memref<50000x16xf32, #tpu.memory_space<hbm>>) dst(%dma_wait3A_521 : memref<80x16xf32, #tpu.memory_space<vmem>>)
      %add3A_528 = arith.constant 0 : i32
      %add3A_529 = arith.addi %add3A_9, %add3A_528 : i32
      %dma_start3A_530 = arith.constant 0 : i32
      %dma_start3A_531 = arith.constant 0 : i32
      %dma_start3A_532 = arith.constant 0 : i32
      %dma_start3A_533 = tpu.memref_slice %arg9[%dma_start3A_530, %dma_start3A_531, %dma_start3A_532] : memref<5x80x16xf32, #tpu.memory_space<vmem>> -> memref<1x80x16xf32, #tpu.memory_space<vmem>>
      %dma_start3A_534 = tpu.memref_squeeze %dma_start3A_533 : memref<1x80x16xf32, #tpu.memory_space<vmem>> -> memref<80x16xf32, #tpu.memory_space<vmem>>
      %dma_start3A_535 = arith.constant 0 : i32
      %dma_start3A_536 = arith.constant 0 : i32
      %dma_start3A_537 = tpu.memref_slice %arg5[%add3A, %add3A_529, %dma_start3A_535, %dma_start3A_536] : memref<32x625x80x16xf32, #tpu.memory_space<hbm>> -> memref<1x1x80x16xf32, #tpu.memory_space<hbm>>
      %dma_start3A_538 = tpu.memref_squeeze %dma_start3A_537 : memref<1x1x80x16xf32, #tpu.memory_space<hbm>> -> memref<80x16xf32, #tpu.memory_space<hbm>>
      %dma_start3A_539 = arith.constant 0 : i32
      %dma_start3A_540 = arith.constant 0 : i32
      %dma_start3A_541 = tpu.memref_slice %arg5[%add3A, %add3A_529, %dma_start3A_539, %dma_start3A_540] : memref<32x625x80x16xf32, #tpu.memory_space<hbm>> -> memref<1x1x80x16xf32, #tpu.memory_space<hbm>>
      %dma_start3A_542 = tpu.memref_squeeze %dma_start3A_541 : memref<1x1x80x16xf32, #tpu.memory_space<hbm>> -> memref<80x16xf32, #tpu.memory_space<hbm>>
      %dma_start3A_543 = arith.constant 0 : i32
      %dma_start3A_544 = arith.constant 0 : i32
      %dma_start3A_545 = tpu.memref_slice %arg9[%dma_start3A_530, %dma_start3A_543, %dma_start3A_544] : memref<5x80x16xf32, #tpu.memory_space<vmem>> -> memref<1x80x16xf32, #tpu.memory_space<vmem>>
      %dma_start3A_546 = tpu.memref_squeeze %dma_start3A_545 : memref<1x80x16xf32, #tpu.memory_space<vmem>> -> memref<80x16xf32, #tpu.memory_space<vmem>>
      tpu.enqueue_dma source(%dma_start3A_546 : memref<80x16xf32, #tpu.memory_space<vmem>>) target(%dma_start3A_542 : memref<80x16xf32, #tpu.memory_space<hbm>>) target_semaphore(%arg13 : memref<!tpu.dma_semaphore, #tpu.memory_space<semaphore_mem>>)
      %add3A_547 = arith.constant 0 : i32
      %add3A_548 = arith.addi %add3A_9, %add3A_547 : i32
      %dma_start3A_549 = arith.constant 0 : i32
      %dma_start3A_550 = arith.constant 0 : i32
      %dma_start3A_551 = arith.constant 0 : i32
      %dma_start3A_552 = tpu.memref_slice %arg10[%dma_start3A_549, %dma_start3A_550, %dma_start3A_551] : memref<5x80x16xf32, #tpu.memory_space<vmem>> -> memref<1x80x16xf32, #tpu.memory_space<vmem>>
      %dma_start3A_553 = tpu.memref_squeeze %dma_start3A_552 : memref<1x80x16xf32, #tpu.memory_space<vmem>> -> memref<80x16xf32, #tpu.memory_space<vmem>>
      %dma_start3A_554 = arith.constant 0 : i32
      %dma_start3A_555 = arith.constant 0 : i32
      %dma_start3A_556 = tpu.memref_slice %arg6[%add3A, %add3A_548, %dma_start3A_554, %dma_start3A_555] : memref<32x625x80x16xf32, #tpu.memory_space<hbm>> -> memref<1x1x80x16xf32, #tpu.memory_space<hbm>>
      %dma_start3A_557 = tpu.memref_squeeze %dma_start3A_556 : memref<1x1x80x16xf32, #tpu.memory_space<hbm>> -> memref<80x16xf32, #tpu.memory_space<hbm>>
      %dma_start3A_558 = arith.constant 0 : i32
      %dma_start3A_559 = arith.constant 0 : i32
      %dma_start3A_560 = tpu.memref_slice %arg6[%add3A, %add3A_548, %dma_start3A_558, %dma_start3A_559] : memref<32x625x80x16xf32, #tpu.memory_space<hbm>> -> memref<1x1x80x16xf32, #tpu.memory_space<hbm>>
      %dma_start3A_561 = tpu.memref_squeeze %dma_start3A_560 : memref<1x1x80x16xf32, #tpu.memory_space<hbm>> -> memref<80x16xf32, #tpu.memory_space<hbm>>
      %dma_start3A_562 = arith.constant 0 : i32
      %dma_start3A_563 = arith.constant 0 : i32
      %dma_start3A_564 = tpu.memref_slice %arg10[%dma_start3A_549, %dma_start3A_562, %dma_start3A_563] : memref<5x80x16xf32, #tpu.memory_space<vmem>> -> memref<1x80x16xf32, #tpu.memory_space<vmem>>
      %dma_start3A_565 = tpu.memref_squeeze %dma_start3A_564 : memref<1x80x16xf32, #tpu.memory_space<vmem>> -> memref<80x16xf32, #tpu.memory_space<vmem>>
      tpu.enqueue_dma source(%dma_start3A_565 : memref<80x16xf32, #tpu.memory_space<vmem>>) target(%dma_start3A_561 : memref<80x16xf32, #tpu.memory_space<hbm>>) target_semaphore(%arg13 : memref<!tpu.dma_semaphore, #tpu.memory_space<semaphore_mem>>)
      %add3A_566 = arith.constant 1 : i32
      %add3A_567 = arith.addi %add3A_9, %add3A_566 : i32
      %dma_start3A_568 = arith.constant 1 : i32
      %dma_start3A_569 = arith.constant 0 : i32
      %dma_start3A_570 = arith.constant 0 : i32
      %dma_start3A_571 = tpu.memref_slice %arg9[%dma_start3A_568, %dma_start3A_569, %dma_start3A_570] : memref<5x80x16xf32, #tpu.memory_space<vmem>> -> memref<1x80x16xf32, #tpu.memory_space<vmem>>
      %dma_start3A_572 = tpu.memref_squeeze %dma_start3A_571 : memref<1x80x16xf32, #tpu.memory_space<vmem>> -> memref<80x16xf32, #tpu.memory_space<vmem>>
      %dma_start3A_573 = arith.constant 0 : i32
      %dma_start3A_574 = arith.constant 0 : i32
      %dma_start3A_575 = tpu.memref_slice %arg5[%add3A, %add3A_567, %dma_start3A_573, %dma_start3A_574] : memref<32x625x80x16xf32, #tpu.memory_space<hbm>> -> memref<1x1x80x16xf32, #tpu.memory_space<hbm>>
      %dma_start3A_576 = tpu.memref_squeeze %dma_start3A_575 : memref<1x1x80x16xf32, #tpu.memory_space<hbm>> -> memref<80x16xf32, #tpu.memory_space<hbm>>
      %dma_start3A_577 = arith.constant 0 : i32
      %dma_start3A_578 = arith.constant 0 : i32
      %dma_start3A_579 = tpu.memref_slice %arg5[%add3A, %add3A_567, %dma_start3A_577, %dma_start3A_578] : memref<32x625x80x16xf32, #tpu.memory_space<hbm>> -> memref<1x1x80x16xf32, #tpu.memory_space<hbm>>
      %dma_start3A_580 = tpu.memref_squeeze %dma_start3A_579 : memref<1x1x80x16xf32, #tpu.memory_space<hbm>> -> memref<80x16xf32, #tpu.memory_space<hbm>>
      %dma_start3A_581 = arith.constant 0 : i32
      %dma_start3A_582 = arith.constant 0 : i32
      %dma_start3A_583 = tpu.memref_slice %arg9[%dma_start3A_568, %dma_start3A_581, %dma_start3A_582] : memref<5x80x16xf32, #tpu.memory_space<vmem>> -> memref<1x80x16xf32, #tpu.memory_space<vmem>>
      %dma_start3A_584 = tpu.memref_squeeze %dma_start3A_583 : memref<1x80x16xf32, #tpu.memory_space<vmem>> -> memref<80x16xf32, #tpu.memory_space<vmem>>
      tpu.enqueue_dma source(%dma_start3A_584 : memref<80x16xf32, #tpu.memory_space<vmem>>) target(%dma_start3A_580 : memref<80x16xf32, #tpu.memory_space<hbm>>) target_semaphore(%arg13 : memref<!tpu.dma_semaphore, #tpu.memory_space<semaphore_mem>>)
      %add3A_585 = arith.constant 1 : i32
      %add3A_586 = arith.addi %add3A_9, %add3A_585 : i32
      %dma_start3A_587 = arith.constant 1 : i32
      %dma_start3A_588 = arith.constant 0 : i32
      %dma_start3A_589 = arith.constant 0 : i32
      %dma_start3A_590 = tpu.memref_slice %arg10[%dma_start3A_587, %dma_start3A_588, %dma_start3A_589] : memref<5x80x16xf32, #tpu.memory_space<vmem>> -> memref<1x80x16xf32, #tpu.memory_space<vmem>>
      %dma_start3A_591 = tpu.memref_squeeze %dma_start3A_590 : memref<1x80x16xf32, #tpu.memory_space<vmem>> -> memref<80x16xf32, #tpu.memory_space<vmem>>
      %dma_start3A_592 = arith.constant 0 : i32
      %dma_start3A_593 = arith.constant 0 : i32
      %dma_start3A_594 = tpu.memref_slice %arg6[%add3A, %add3A_586, %dma_start3A_592, %dma_start3A_593] : memref<32x625x80x16xf32, #tpu.memory_space<hbm>> -> memref<1x1x80x16xf32, #tpu.memory_space<hbm>>
      %dma_start3A_595 = tpu.memref_squeeze %dma_start3A_594 : memref<1x1x80x16xf32, #tpu.memory_space<hbm>> -> memref<80x16xf32, #tpu.memory_space<hbm>>
      %dma_start3A_596 = arith.constant 0 : i32
      %dma_start3A_597 = arith.constant 0 : i32
      %dma_start3A_598 = tpu.memref_slice %arg6[%add3A, %add3A_586, %dma_start3A_596, %dma_start3A_597] : memref<32x625x80x16xf32, #tpu.memory_space<hbm>> -> memref<1x1x80x16xf32, #tpu.memory_space<hbm>>
      %dma_start3A_599 = tpu.memref_squeeze %dma_start3A_598 : memref<1x1x80x16xf32, #tpu.memory_space<hbm>> -> memref<80x16xf32, #tpu.memory_space<hbm>>
      %dma_start3A_600 = arith.constant 0 : i32
      %dma_start3A_601 = arith.constant 0 : i32
      %dma_start3A_602 = tpu.memref_slice %arg10[%dma_start3A_587, %dma_start3A_600, %dma_start3A_601] : memref<5x80x16xf32, #tpu.memory_space<vmem>> -> memref<1x80x16xf32, #tpu.memory_space<vmem>>
      %dma_start3A_603 = tpu.memref_squeeze %dma_start3A_602 : memref<1x80x16xf32, #tpu.memory_space<vmem>> -> memref<80x16xf32, #tpu.memory_space<vmem>>
      tpu.enqueue_dma source(%dma_start3A_603 : memref<80x16xf32, #tpu.memory_space<vmem>>) target(%dma_start3A_599 : memref<80x16xf32, #tpu.memory_space<hbm>>) target_semaphore(%arg13 : memref<!tpu.dma_semaphore, #tpu.memory_space<semaphore_mem>>)
      %add3A_604 = arith.constant 2 : i32
      %add3A_605 = arith.addi %add3A_9, %add3A_604 : i32
      %dma_start3A_606 = arith.constant 2 : i32
      %dma_start3A_607 = arith.constant 0 : i32
      %dma_start3A_608 = arith.constant 0 : i32
      %dma_start3A_609 = tpu.memref_slice %arg9[%dma_start3A_606, %dma_start3A_607, %dma_start3A_608] : memref<5x80x16xf32, #tpu.memory_space<vmem>> -> memref<1x80x16xf32, #tpu.memory_space<vmem>>
      %dma_start3A_610 = tpu.memref_squeeze %dma_start3A_609 : memref<1x80x16xf32, #tpu.memory_space<vmem>> -> memref<80x16xf32, #tpu.memory_space<vmem>>
      %dma_start3A_611 = arith.constant 0 : i32
      %dma_start3A_612 = arith.constant 0 : i32
      %dma_start3A_613 = tpu.memref_slice %arg5[%add3A, %add3A_605, %dma_start3A_611, %dma_start3A_612] : memref<32x625x80x16xf32, #tpu.memory_space<hbm>> -> memref<1x1x80x16xf32, #tpu.memory_space<hbm>>
      %dma_start3A_614 = tpu.memref_squeeze %dma_start3A_613 : memref<1x1x80x16xf32, #tpu.memory_space<hbm>> -> memref<80x16xf32, #tpu.memory_space<hbm>>
      %dma_start3A_615 = arith.constant 0 : i32
      %dma_start3A_616 = arith.constant 0 : i32
      %dma_start3A_617 = tpu.memref_slice %arg5[%add3A, %add3A_605, %dma_start3A_615, %dma_start3A_616] : memref<32x625x80x16xf32, #tpu.memory_space<hbm>> -> memref<1x1x80x16xf32, #tpu.memory_space<hbm>>
      %dma_start3A_618 = tpu.memref_squeeze %dma_start3A_617 : memref<1x1x80x16xf32, #tpu.memory_space<hbm>> -> memref<80x16xf32, #tpu.memory_space<hbm>>
      %dma_start3A_619 = arith.constant 0 : i32
      %dma_start3A_620 = arith.constant 0 : i32
      %dma_start3A_621 = tpu.memref_slice %arg9[%dma_start3A_606, %dma_start3A_619, %dma_start3A_620] : memref<5x80x16xf32, #tpu.memory_space<vmem>> -> memref<1x80x16xf32, #tpu.memory_space<vmem>>
      %dma_start3A_622 = tpu.memref_squeeze %dma_start3A_621 : memref<1x80x16xf32, #tpu.memory_space<vmem>> -> memref<80x16xf32, #tpu.memory_space<vmem>>
      tpu.enqueue_dma source(%dma_start3A_622 : memref<80x16xf32, #tpu.memory_space<vmem>>) target(%dma_start3A_618 : memref<80x16xf32, #tpu.memory_space<hbm>>) target_semaphore(%arg13 : memref<!tpu.dma_semaphore, #tpu.memory_space<semaphore_mem>>)
      %add3A_623 = arith.constant 2 : i32
      %add3A_624 = arith.addi %add3A_9, %add3A_623 : i32
      %dma_start3A_625 = arith.constant 2 : i32
      %dma_start3A_626 = arith.constant 0 : i32
      %dma_start3A_627 = arith.constant 0 : i32
      %dma_start3A_628 = tpu.memref_slice %arg10[%dma_start3A_625, %dma_start3A_626, %dma_start3A_627] : memref<5x80x16xf32, #tpu.memory_space<vmem>> -> memref<1x80x16xf32, #tpu.memory_space<vmem>>
      %dma_start3A_629 = tpu.memref_squeeze %dma_start3A_628 : memref<1x80x16xf32, #tpu.memory_space<vmem>> -> memref<80x16xf32, #tpu.memory_space<vmem>>
      %dma_start3A_630 = arith.constant 0 : i32
      %dma_start3A_631 = arith.constant 0 : i32
      %dma_start3A_632 = tpu.memref_slice %arg6[%add3A, %add3A_624, %dma_start3A_630, %dma_start3A_631] : memref<32x625x80x16xf32, #tpu.memory_space<hbm>> -> memref<1x1x80x16xf32, #tpu.memory_space<hbm>>
      %dma_start3A_633 = tpu.memref_squeeze %dma_start3A_632 : memref<1x1x80x16xf32, #tpu.memory_space<hbm>> -> memref<80x16xf32, #tpu.memory_space<hbm>>
      %dma_start3A_634 = arith.constant 0 : i32
      %dma_start3A_635 = arith.constant 0 : i32
      %dma_start3A_636 = tpu.memref_slice %arg6[%add3A, %add3A_624, %dma_start3A_634, %dma_start3A_635] : memref<32x625x80x16xf32, #tpu.memory_space<hbm>> -> memref<1x1x80x16xf32, #tpu.memory_space<hbm>>
      %dma_start3A_637 = tpu.memref_squeeze %dma_start3A_636 : memref<1x1x80x16xf32, #tpu.memory_space<hbm>> -> memref<80x16xf32, #tpu.memory_space<hbm>>
      %dma_start3A_638 = arith.constant 0 : i32
      %dma_start3A_639 = arith.constant 0 : i32
      %dma_start3A_640 = tpu.memref_slice %arg10[%dma_start3A_625, %dma_start3A_638, %dma_start3A_639] : memref<5x80x16xf32, #tpu.memory_space<vmem>> -> memref<1x80x16xf32, #tpu.memory_space<vmem>>
      %dma_start3A_641 = tpu.memref_squeeze %dma_start3A_640 : memref<1x80x16xf32, #tpu.memory_space<vmem>> -> memref<80x16xf32, #tpu.memory_space<vmem>>
      tpu.enqueue_dma source(%dma_start3A_641 : memref<80x16xf32, #tpu.memory_space<vmem>>) target(%dma_start3A_637 : memref<80x16xf32, #tpu.memory_space<hbm>>) target_semaphore(%arg13 : memref<!tpu.dma_semaphore, #tpu.memory_space<semaphore_mem>>)
      %add3A_642 = arith.constant 3 : i32
      %add3A_643 = arith.addi %add3A_9, %add3A_642 : i32
      %dma_start3A_644 = arith.constant 3 : i32
      %dma_start3A_645 = arith.constant 0 : i32
      %dma_start3A_646 = arith.constant 0 : i32
      %dma_start3A_647 = tpu.memref_slice %arg9[%dma_start3A_644, %dma_start3A_645, %dma_start3A_646] : memref<5x80x16xf32, #tpu.memory_space<vmem>> -> memref<1x80x16xf32, #tpu.memory_space<vmem>>
      %dma_start3A_648 = tpu.memref_squeeze %dma_start3A_647 : memref<1x80x16xf32, #tpu.memory_space<vmem>> -> memref<80x16xf32, #tpu.memory_space<vmem>>
      %dma_start3A_649 = arith.constant 0 : i32
      %dma_start3A_650 = arith.constant 0 : i32
      %dma_start3A_651 = tpu.memref_slice %arg5[%add3A, %add3A_643, %dma_start3A_649, %dma_start3A_650] : memref<32x625x80x16xf32, #tpu.memory_space<hbm>> -> memref<1x1x80x16xf32, #tpu.memory_space<hbm>>
      %dma_start3A_652 = tpu.memref_squeeze %dma_start3A_651 : memref<1x1x80x16xf32, #tpu.memory_space<hbm>> -> memref<80x16xf32, #tpu.memory_space<hbm>>
      %dma_start3A_653 = arith.constant 0 : i32
      %dma_start3A_654 = arith.constant 0 : i32
      %dma_start3A_655 = tpu.memref_slice %arg5[%add3A, %add3A_643, %dma_start3A_653, %dma_start3A_654] : memref<32x625x80x16xf32, #tpu.memory_space<hbm>> -> memref<1x1x80x16xf32, #tpu.memory_space<hbm>>
      %dma_start3A_656 = tpu.memref_squeeze %dma_start3A_655 : memref<1x1x80x16xf32, #tpu.memory_space<hbm>> -> memref<80x16xf32, #tpu.memory_space<hbm>>
      %dma_start3A_657 = arith.constant 0 : i32
      %dma_start3A_658 = arith.constant 0 : i32
      %dma_start3A_659 = tpu.memref_slice %arg9[%dma_start3A_644, %dma_start3A_657, %dma_start3A_658] : memref<5x80x16xf32, #tpu.memory_space<vmem>> -> memref<1x80x16xf32, #tpu.memory_space<vmem>>
      %dma_start3A_660 = tpu.memref_squeeze %dma_start3A_659 : memref<1x80x16xf32, #tpu.memory_space<vmem>> -> memref<80x16xf32, #tpu.memory_space<vmem>>
      tpu.enqueue_dma source(%dma_start3A_660 : memref<80x16xf32, #tpu.memory_space<vmem>>) target(%dma_start3A_656 : memref<80x16xf32, #tpu.memory_space<hbm>>) target_semaphore(%arg13 : memref<!tpu.dma_semaphore, #tpu.memory_space<semaphore_mem>>)
      %add3A_661 = arith.constant 3 : i32
      %add3A_662 = arith.addi %add3A_9, %add3A_661 : i32
      %dma_start3A_663 = arith.constant 3 : i32
      %dma_start3A_664 = arith.constant 0 : i32
      %dma_start3A_665 = arith.constant 0 : i32
      %dma_start3A_666 = tpu.memref_slice %arg10[%dma_start3A_663, %dma_start3A_664, %dma_start3A_665] : memref<5x80x16xf32, #tpu.memory_space<vmem>> -> memref<1x80x16xf32, #tpu.memory_space<vmem>>
      %dma_start3A_667 = tpu.memref_squeeze %dma_start3A_666 : memref<1x80x16xf32, #tpu.memory_space<vmem>> -> memref<80x16xf32, #tpu.memory_space<vmem>>
      %dma_start3A_668 = arith.constant 0 : i32
      %dma_start3A_669 = arith.constant 0 : i32
      %dma_start3A_670 = tpu.memref_slice %arg6[%add3A, %add3A_662, %dma_start3A_668, %dma_start3A_669] : memref<32x625x80x16xf32, #tpu.memory_space<hbm>> -> memref<1x1x80x16xf32, #tpu.memory_space<hbm>>
      %dma_start3A_671 = tpu.memref_squeeze %dma_start3A_670 : memref<1x1x80x16xf32, #tpu.memory_space<hbm>> -> memref<80x16xf32, #tpu.memory_space<hbm>>
      %dma_start3A_672 = arith.constant 0 : i32
      %dma_start3A_673 = arith.constant 0 : i32
      %dma_start3A_674 = tpu.memref_slice %arg6[%add3A, %add3A_662, %dma_start3A_672, %dma_start3A_673] : memref<32x625x80x16xf32, #tpu.memory_space<hbm>> -> memref<1x1x80x16xf32, #tpu.memory_space<hbm>>
      %dma_start3A_675 = tpu.memref_squeeze %dma_start3A_674 : memref<1x1x80x16xf32, #tpu.memory_space<hbm>> -> memref<80x16xf32, #tpu.memory_space<hbm>>
      %dma_start3A_676 = arith.constant 0 : i32
      %dma_start3A_677 = arith.constant 0 : i32
      %dma_start3A_678 = tpu.memref_slice %arg10[%dma_start3A_663, %dma_start3A_676, %dma_start3A_677] : memref<5x80x16xf32, #tpu.memory_space<vmem>> -> memref<1x80x16xf32, #tpu.memory_space<vmem>>
      %dma_start3A_679 = tpu.memref_squeeze %dma_start3A_678 : memref<1x80x16xf32, #tpu.memory_space<vmem>> -> memref<80x16xf32, #tpu.memory_space<vmem>>
      tpu.enqueue_dma source(%dma_start3A_679 : memref<80x16xf32, #tpu.memory_space<vmem>>) target(%dma_start3A_675 : memref<80x16xf32, #tpu.memory_space<hbm>>) target_semaphore(%arg13 : memref<!tpu.dma_semaphore, #tpu.memory_space<semaphore_mem>>)
      %add3A_680 = arith.constant 4 : i32
      %add3A_681 = arith.addi %add3A_9, %add3A_680 : i32
      %dma_start3A_682 = arith.constant 4 : i32
      %dma_start3A_683 = arith.constant 0 : i32
      %dma_start3A_684 = arith.constant 0 : i32
      %dma_start3A_685 = tpu.memref_slice %arg9[%dma_start3A_682, %dma_start3A_683, %dma_start3A_684] : memref<5x80x16xf32, #tpu.memory_space<vmem>> -> memref<1x80x16xf32, #tpu.memory_space<vmem>>
      %dma_start3A_686 = tpu.memref_squeeze %dma_start3A_685 : memref<1x80x16xf32, #tpu.memory_space<vmem>> -> memref<80x16xf32, #tpu.memory_space<vmem>>
      %dma_start3A_687 = arith.constant 0 : i32
      %dma_start3A_688 = arith.constant 0 : i32
      %dma_start3A_689 = tpu.memref_slice %arg5[%add3A, %add3A_681, %dma_start3A_687, %dma_start3A_688] : memref<32x625x80x16xf32, #tpu.memory_space<hbm>> -> memref<1x1x80x16xf32, #tpu.memory_space<hbm>>
      %dma_start3A_690 = tpu.memref_squeeze %dma_start3A_689 : memref<1x1x80x16xf32, #tpu.memory_space<hbm>> -> memref<80x16xf32, #tpu.memory_space<hbm>>
      %dma_start3A_691 = arith.constant 0 : i32
      %dma_start3A_692 = arith.constant 0 : i32
      %dma_start3A_693 = tpu.memref_slice %arg5[%add3A, %add3A_681, %dma_start3A_691, %dma_start3A_692] : memref<32x625x80x16xf32, #tpu.memory_space<hbm>> -> memref<1x1x80x16xf32, #tpu.memory_space<hbm>>
      %dma_start3A_694 = tpu.memref_squeeze %dma_start3A_693 : memref<1x1x80x16xf32, #tpu.memory_space<hbm>> -> memref<80x16xf32, #tpu.memory_space<hbm>>
      %dma_start3A_695 = arith.constant 0 : i32
      %dma_start3A_696 = arith.constant 0 : i32
      %dma_start3A_697 = tpu.memref_slice %arg9[%dma_start3A_682, %dma_start3A_695, %dma_start3A_696] : memref<5x80x16xf32, #tpu.memory_space<vmem>> -> memref<1x80x16xf32, #tpu.memory_space<vmem>>
      %dma_start3A_698 = tpu.memref_squeeze %dma_start3A_697 : memref<1x80x16xf32, #tpu.memory_space<vmem>> -> memref<80x16xf32, #tpu.memory_space<vmem>>
      tpu.enqueue_dma source(%dma_start3A_698 : memref<80x16xf32, #tpu.memory_space<vmem>>) target(%dma_start3A_694 : memref<80x16xf32, #tpu.memory_space<hbm>>) target_semaphore(%arg13 : memref<!tpu.dma_semaphore, #tpu.memory_space<semaphore_mem>>)
      %add3A_699 = arith.constant 4 : i32
      %add3A_700 = arith.addi %add3A_9, %add3A_699 : i32
      %dma_start3A_701 = arith.constant 4 : i32
      %dma_start3A_702 = arith.constant 0 : i32
      %dma_start3A_703 = arith.constant 0 : i32
      %dma_start3A_704 = tpu.memref_slice %arg10[%dma_start3A_701, %dma_start3A_702, %dma_start3A_703] : memref<5x80x16xf32, #tpu.memory_space<vmem>> -> memref<1x80x16xf32, #tpu.memory_space<vmem>>
      %dma_start3A_705 = tpu.memref_squeeze %dma_start3A_704 : memref<1x80x16xf32, #tpu.memory_space<vmem>> -> memref<80x16xf32, #tpu.memory_space<vmem>>
      %dma_start3A_706 = arith.constant 0 : i32
      %dma_start3A_707 = arith.constant 0 : i32
      %dma_start3A_708 = tpu.memref_slice %arg6[%add3A, %add3A_700, %dma_start3A_706, %dma_start3A_707] : memref<32x625x80x16xf32, #tpu.memory_space<hbm>> -> memref<1x1x80x16xf32, #tpu.memory_space<hbm>>
      %dma_start3A_709 = tpu.memref_squeeze %dma_start3A_708 : memref<1x1x80x16xf32, #tpu.memory_space<hbm>> -> memref<80x16xf32, #tpu.memory_space<hbm>>
      %dma_start3A_710 = arith.constant 0 : i32
      %dma_start3A_711 = arith.constant 0 : i32
      %dma_start3A_712 = tpu.memref_slice %arg6[%add3A, %add3A_700, %dma_start3A_710, %dma_start3A_711] : memref<32x625x80x16xf32, #tpu.memory_space<hbm>> -> memref<1x1x80x16xf32, #tpu.memory_space<hbm>>
      %dma_start3A_713 = tpu.memref_squeeze %dma_start3A_712 : memref<1x1x80x16xf32, #tpu.memory_space<hbm>> -> memref<80x16xf32, #tpu.memory_space<hbm>>
      %dma_start3A_714 = arith.constant 0 : i32
      %dma_start3A_715 = arith.constant 0 : i32
      %dma_start3A_716 = tpu.memref_slice %arg10[%dma_start3A_701, %dma_start3A_714, %dma_start3A_715] : memref<5x80x16xf32, #tpu.memory_space<vmem>> -> memref<1x80x16xf32, #tpu.memory_space<vmem>>
      %dma_start3A_717 = tpu.memref_squeeze %dma_start3A_716 : memref<1x80x16xf32, #tpu.memory_space<vmem>> -> memref<80x16xf32, #tpu.memory_space<vmem>>
      tpu.enqueue_dma source(%dma_start3A_717 : memref<80x16xf32, #tpu.memory_space<vmem>>) target(%dma_start3A_713 : memref<80x16xf32, #tpu.memory_space<hbm>>) target_semaphore(%arg13 : memref<!tpu.dma_semaphore, #tpu.memory_space<semaphore_mem>>)
      %dma_wait3A_718 = arith.constant 0 : i32
      %dma_wait3A_719 = arith.constant 0 : i32
      %dma_wait3A_720 = arith.constant 0 : i32
      %dma_wait3A_721 = tpu.memref_slice %arg9[%dma_wait3A_718, %dma_wait3A_719, %dma_wait3A_720] : memref<5x80x16xf32, #tpu.memory_space<vmem>> -> memref<1x80x16xf32, #tpu.memory_space<vmem>>
      %dma_wait3A_722 = tpu.memref_squeeze %dma_wait3A_721 : memref<1x80x16xf32, #tpu.memory_space<vmem>> -> memref<80x16xf32, #tpu.memory_space<vmem>>
      %dma_wait3A_723 = arith.constant 0 : i32
      %dma_wait3A_724 = arith.constant 0 : i32
      %dma_wait3A_725 = tpu.memref_slice %arg5[%add3A, %add3A_529, %dma_wait3A_723, %dma_wait3A_724] : memref<32x625x80x16xf32, #tpu.memory_space<hbm>> -> memref<1x1x80x16xf32, #tpu.memory_space<hbm>>
      %dma_wait3A_726 = tpu.memref_squeeze %dma_wait3A_725 : memref<1x1x80x16xf32, #tpu.memory_space<hbm>> -> memref<80x16xf32, #tpu.memory_space<hbm>>
      %dma_wait3A_727 = arith.constant 0 : i32
      %dma_wait3A_728 = arith.constant 0 : i32
      %dma_wait3A_729 = tpu.memref_slice %arg5[%add3A, %add3A_529, %dma_wait3A_727, %dma_wait3A_728] : memref<32x625x80x16xf32, #tpu.memory_space<hbm>> -> memref<1x1x80x16xf32, #tpu.memory_space<hbm>>
      %dma_wait3A_730 = tpu.memref_squeeze %dma_wait3A_729 : memref<1x1x80x16xf32, #tpu.memory_space<hbm>> -> memref<80x16xf32, #tpu.memory_space<hbm>>
      %dma_wait3A_731 = arith.constant 0 : i32
      %dma_wait3A_732 = arith.constant 0 : i32
      %dma_wait3A_733 = tpu.memref_slice %arg9[%dma_wait3A_718, %dma_wait3A_731, %dma_wait3A_732] : memref<5x80x16xf32, #tpu.memory_space<vmem>> -> memref<1x80x16xf32, #tpu.memory_space<vmem>>
      %dma_wait3A_734 = tpu.memref_squeeze %dma_wait3A_733 : memref<1x80x16xf32, #tpu.memory_space<vmem>> -> memref<80x16xf32, #tpu.memory_space<vmem>>
      tpu.wait_dma2 semaphore(%arg13 : memref<!tpu.dma_semaphore, #tpu.memory_space<semaphore_mem>>) src(%dma_wait3A_734 : memref<80x16xf32, #tpu.memory_space<vmem>>) dst(%dma_wait3A_730 : memref<80x16xf32, #tpu.memory_space<hbm>>)
      %dma_wait3A_735 = arith.constant 0 : i32
      %dma_wait3A_736 = arith.constant 0 : i32
      %dma_wait3A_737 = arith.constant 0 : i32
      %dma_wait3A_738 = tpu.memref_slice %arg10[%dma_wait3A_735, %dma_wait3A_736, %dma_wait3A_737] : memref<5x80x16xf32, #tpu.memory_space<vmem>> -> memref<1x80x16xf32, #tpu.memory_space<vmem>>
      %dma_wait3A_739 = tpu.memref_squeeze %dma_wait3A_738 : memref<1x80x16xf32, #tpu.memory_space<vmem>> -> memref<80x16xf32, #tpu.memory_space<vmem>>
      %dma_wait3A_740 = arith.constant 0 : i32
      %dma_wait3A_741 = arith.constant 0 : i32
      %dma_wait3A_742 = tpu.memref_slice %arg6[%add3A, %add3A_548, %dma_wait3A_740, %dma_wait3A_741] : memref<32x625x80x16xf32, #tpu.memory_space<hbm>> -> memref<1x1x80x16xf32, #tpu.memory_space<hbm>>
      %dma_wait3A_743 = tpu.memref_squeeze %dma_wait3A_742 : memref<1x1x80x16xf32, #tpu.memory_space<hbm>> -> memref<80x16xf32, #tpu.memory_space<hbm>>
      %dma_wait3A_744 = arith.constant 0 : i32
      %dma_wait3A_745 = arith.constant 0 : i32
      %dma_wait3A_746 = tpu.memref_slice %arg6[%add3A, %add3A_548, %dma_wait3A_744, %dma_wait3A_745] : memref<32x625x80x16xf32, #tpu.memory_space<hbm>> -> memref<1x1x80x16xf32, #tpu.memory_space<hbm>>
      %dma_wait3A_747 = tpu.memref_squeeze %dma_wait3A_746 : memref<1x1x80x16xf32, #tpu.memory_space<hbm>> -> memref<80x16xf32, #tpu.memory_space<hbm>>
      %dma_wait3A_748 = arith.constant 0 : i32
      %dma_wait3A_749 = arith.constant 0 : i32
      %dma_wait3A_750 = tpu.memref_slice %arg10[%dma_wait3A_735, %dma_wait3A_748, %dma_wait3A_749] : memref<5x80x16xf32, #tpu.memory_space<vmem>> -> memref<1x80x16xf32, #tpu.memory_space<vmem>>
      %dma_wait3A_751 = tpu.memref_squeeze %dma_wait3A_750 : memref<1x80x16xf32, #tpu.memory_space<vmem>> -> memref<80x16xf32, #tpu.memory_space<vmem>>
      tpu.wait_dma2 semaphore(%arg13 : memref<!tpu.dma_semaphore, #tpu.memory_space<semaphore_mem>>) src(%dma_wait3A_751 : memref<80x16xf32, #tpu.memory_space<vmem>>) dst(%dma_wait3A_747 : memref<80x16xf32, #tpu.memory_space<hbm>>)
      %dma_wait3A_752 = arith.constant 1 : i32
      %dma_wait3A_753 = arith.constant 0 : i32
      %dma_wait3A_754 = arith.constant 0 : i32
      %dma_wait3A_755 = tpu.memref_slice %arg9[%dma_wait3A_752, %dma_wait3A_753, %dma_wait3A_754] : memref<5x80x16xf32, #tpu.memory_space<vmem>> -> memref<1x80x16xf32, #tpu.memory_space<vmem>>
      %dma_wait3A_756 = tpu.memref_squeeze %dma_wait3A_755 : memref<1x80x16xf32, #tpu.memory_space<vmem>> -> memref<80x16xf32, #tpu.memory_space<vmem>>
      %dma_wait3A_757 = arith.constant 0 : i32
      %dma_wait3A_758 = arith.constant 0 : i32
      %dma_wait3A_759 = tpu.memref_slice %arg5[%add3A, %add3A_567, %dma_wait3A_757, %dma_wait3A_758] : memref<32x625x80x16xf32, #tpu.memory_space<hbm>> -> memref<1x1x80x16xf32, #tpu.memory_space<hbm>>
      %dma_wait3A_760 = tpu.memref_squeeze %dma_wait3A_759 : memref<1x1x80x16xf32, #tpu.memory_space<hbm>> -> memref<80x16xf32, #tpu.memory_space<hbm>>
      %dma_wait3A_761 = arith.constant 0 : i32
      %dma_wait3A_762 = arith.constant 0 : i32
      %dma_wait3A_763 = tpu.memref_slice %arg5[%add3A, %add3A_567, %dma_wait3A_761, %dma_wait3A_762] : memref<32x625x80x16xf32, #tpu.memory_space<hbm>> -> memref<1x1x80x16xf32, #tpu.memory_space<hbm>>
      %dma_wait3A_764 = tpu.memref_squeeze %dma_wait3A_763 : memref<1x1x80x16xf32, #tpu.memory_space<hbm>> -> memref<80x16xf32, #tpu.memory_space<hbm>>
      %dma_wait3A_765 = arith.constant 0 : i32
      %dma_wait3A_766 = arith.constant 0 : i32
      %dma_wait3A_767 = tpu.memref_slice %arg9[%dma_wait3A_752, %dma_wait3A_765, %dma_wait3A_766] : memref<5x80x16xf32, #tpu.memory_space<vmem>> -> memref<1x80x16xf32, #tpu.memory_space<vmem>>
      %dma_wait3A_768 = tpu.memref_squeeze %dma_wait3A_767 : memref<1x80x16xf32, #tpu.memory_space<vmem>> -> memref<80x16xf32, #tpu.memory_space<vmem>>
      tpu.wait_dma2 semaphore(%arg13 : memref<!tpu.dma_semaphore, #tpu.memory_space<semaphore_mem>>) src(%dma_wait3A_768 : memref<80x16xf32, #tpu.memory_space<vmem>>) dst(%dma_wait3A_764 : memref<80x16xf32, #tpu.memory_space<hbm>>)
      %dma_wait3A_769 = arith.constant 1 : i32
      %dma_wait3A_770 = arith.constant 0 : i32
      %dma_wait3A_771 = arith.constant 0 : i32
      %dma_wait3A_772 = tpu.memref_slice %arg10[%dma_wait3A_769, %dma_wait3A_770, %dma_wait3A_771] : memref<5x80x16xf32, #tpu.memory_space<vmem>> -> memref<1x80x16xf32, #tpu.memory_space<vmem>>
      %dma_wait3A_773 = tpu.memref_squeeze %dma_wait3A_772 : memref<1x80x16xf32, #tpu.memory_space<vmem>> -> memref<80x16xf32, #tpu.memory_space<vmem>>
      %dma_wait3A_774 = arith.constant 0 : i32
      %dma_wait3A_775 = arith.constant 0 : i32
      %dma_wait3A_776 = tpu.memref_slice %arg6[%add3A, %add3A_586, %dma_wait3A_774, %dma_wait3A_775] : memref<32x625x80x16xf32, #tpu.memory_space<hbm>> -> memref<1x1x80x16xf32, #tpu.memory_space<hbm>>
      %dma_wait3A_777 = tpu.memref_squeeze %dma_wait3A_776 : memref<1x1x80x16xf32, #tpu.memory_space<hbm>> -> memref<80x16xf32, #tpu.memory_space<hbm>>
      %dma_wait3A_778 = arith.constant 0 : i32
      %dma_wait3A_779 = arith.constant 0 : i32
      %dma_wait3A_780 = tpu.memref_slice %arg6[%add3A, %add3A_586, %dma_wait3A_778, %dma_wait3A_779] : memref<32x625x80x16xf32, #tpu.memory_space<hbm>> -> memref<1x1x80x16xf32, #tpu.memory_space<hbm>>
      %dma_wait3A_781 = tpu.memref_squeeze %dma_wait3A_780 : memref<1x1x80x16xf32, #tpu.memory_space<hbm>> -> memref<80x16xf32, #tpu.memory_space<hbm>>
      %dma_wait3A_782 = arith.constant 0 : i32
      %dma_wait3A_783 = arith.constant 0 : i32
      %dma_wait3A_784 = tpu.memref_slice %arg10[%dma_wait3A_769, %dma_wait3A_782, %dma_wait3A_783] : memref<5x80x16xf32, #tpu.memory_space<vmem>> -> memref<1x80x16xf32, #tpu.memory_space<vmem>>
      %dma_wait3A_785 = tpu.memref_squeeze %dma_wait3A_784 : memref<1x80x16xf32, #tpu.memory_space<vmem>> -> memref<80x16xf32, #tpu.memory_space<vmem>>
      tpu.wait_dma2 semaphore(%arg13 : memref<!tpu.dma_semaphore, #tpu.memory_space<semaphore_mem>>) src(%dma_wait3A_785 : memref<80x16xf32, #tpu.memory_space<vmem>>) dst(%dma_wait3A_781 : memref<80x16xf32, #tpu.memory_space<hbm>>)
      %dma_wait3A_786 = arith.constant 2 : i32
      %dma_wait3A_787 = arith.constant 0 : i32
      %dma_wait3A_788 = arith.constant 0 : i32
      %dma_wait3A_789 = tpu.memref_slice %arg9[%dma_wait3A_786, %dma_wait3A_787, %dma_wait3A_788] : memref<5x80x16xf32, #tpu.memory_space<vmem>> -> memref<1x80x16xf32, #tpu.memory_space<vmem>>
      %dma_wait3A_790 = tpu.memref_squeeze %dma_wait3A_789 : memref<1x80x16xf32, #tpu.memory_space<vmem>> -> memref<80x16xf32, #tpu.memory_space<vmem>>
      %dma_wait3A_791 = arith.constant 0 : i32
      %dma_wait3A_792 = arith.constant 0 : i32
      %dma_wait3A_793 = tpu.memref_slice %arg5[%add3A, %add3A_605, %dma_wait3A_791, %dma_wait3A_792] : memref<32x625x80x16xf32, #tpu.memory_space<hbm>> -> memref<1x1x80x16xf32, #tpu.memory_space<hbm>>
      %dma_wait3A_794 = tpu.memref_squeeze %dma_wait3A_793 : memref<1x1x80x16xf32, #tpu.memory_space<hbm>> -> memref<80x16xf32, #tpu.memory_space<hbm>>
      %dma_wait3A_795 = arith.constant 0 : i32
      %dma_wait3A_796 = arith.constant 0 : i32
      %dma_wait3A_797 = tpu.memref_slice %arg5[%add3A, %add3A_605, %dma_wait3A_795, %dma_wait3A_796] : memref<32x625x80x16xf32, #tpu.memory_space<hbm>> -> memref<1x1x80x16xf32, #tpu.memory_space<hbm>>
      %dma_wait3A_798 = tpu.memref_squeeze %dma_wait3A_797 : memref<1x1x80x16xf32, #tpu.memory_space<hbm>> -> memref<80x16xf32, #tpu.memory_space<hbm>>
      %dma_wait3A_799 = arith.constant 0 : i32
      %dma_wait3A_800 = arith.constant 0 : i32
      %dma_wait3A_801 = tpu.memref_slice %arg9[%dma_wait3A_786, %dma_wait3A_799, %dma_wait3A_800] : memref<5x80x16xf32, #tpu.memory_space<vmem>> -> memref<1x80x16xf32, #tpu.memory_space<vmem>>
      %dma_wait3A_802 = tpu.memref_squeeze %dma_wait3A_801 : memref<1x80x16xf32, #tpu.memory_space<vmem>> -> memref<80x16xf32, #tpu.memory_space<vmem>>
      tpu.wait_dma2 semaphore(%arg13 : memref<!tpu.dma_semaphore, #tpu.memory_space<semaphore_mem>>) src(%dma_wait3A_802 : memref<80x16xf32, #tpu.memory_space<vmem>>) dst(%dma_wait3A_798 : memref<80x16xf32, #tpu.memory_space<hbm>>)
      %dma_wait3A_803 = arith.constant 2 : i32
      %dma_wait3A_804 = arith.constant 0 : i32
      %dma_wait3A_805 = arith.constant 0 : i32
      %dma_wait3A_806 = tpu.memref_slice %arg10[%dma_wait3A_803, %dma_wait3A_804, %dma_wait3A_805] : memref<5x80x16xf32, #tpu.memory_space<vmem>> -> memref<1x80x16xf32, #tpu.memory_space<vmem>>
      %dma_wait3A_807 = tpu.memref_squeeze %dma_wait3A_806 : memref<1x80x16xf32, #tpu.memory_space<vmem>> -> memref<80x16xf32, #tpu.memory_space<vmem>>
      %dma_wait3A_808 = arith.constant 0 : i32
      %dma_wait3A_809 = arith.constant 0 : i32
      %dma_wait3A_810 = tpu.memref_slice %arg6[%add3A, %add3A_624, %dma_wait3A_808, %dma_wait3A_809] : memref<32x625x80x16xf32, #tpu.memory_space<hbm>> -> memref<1x1x80x16xf32, #tpu.memory_space<hbm>>
      %dma_wait3A_811 = tpu.memref_squeeze %dma_wait3A_810 : memref<1x1x80x16xf32, #tpu.memory_space<hbm>> -> memref<80x16xf32, #tpu.memory_space<hbm>>
      %dma_wait3A_812 = arith.constant 0 : i32
      %dma_wait3A_813 = arith.constant 0 : i32
      %dma_wait3A_814 = tpu.memref_slice %arg6[%add3A, %add3A_624, %dma_wait3A_812, %dma_wait3A_813] : memref<32x625x80x16xf32, #tpu.memory_space<hbm>> -> memref<1x1x80x16xf32, #tpu.memory_space<hbm>>
      %dma_wait3A_815 = tpu.memref_squeeze %dma_wait3A_814 : memref<1x1x80x16xf32, #tpu.memory_space<hbm>> -> memref<80x16xf32, #tpu.memory_space<hbm>>
      %dma_wait3A_816 = arith.constant 0 : i32
      %dma_wait3A_817 = arith.constant 0 : i32
      %dma_wait3A_818 = tpu.memref_slice %arg10[%dma_wait3A_803, %dma_wait3A_816, %dma_wait3A_817] : memref<5x80x16xf32, #tpu.memory_space<vmem>> -> memref<1x80x16xf32, #tpu.memory_space<vmem>>
      %dma_wait3A_819 = tpu.memref_squeeze %dma_wait3A_818 : memref<1x80x16xf32, #tpu.memory_space<vmem>> -> memref<80x16xf32, #tpu.memory_space<vmem>>
      tpu.wait_dma2 semaphore(%arg13 : memref<!tpu.dma_semaphore, #tpu.memory_space<semaphore_mem>>) src(%dma_wait3A_819 : memref<80x16xf32, #tpu.memory_space<vmem>>) dst(%dma_wait3A_815 : memref<80x16xf32, #tpu.memory_space<hbm>>)
      %dma_wait3A_820 = arith.constant 3 : i32
      %dma_wait3A_821 = arith.constant 0 : i32
      %dma_wait3A_822 = arith.constant 0 : i32
      %dma_wait3A_823 = tpu.memref_slice %arg9[%dma_wait3A_820, %dma_wait3A_821, %dma_wait3A_822] : memref<5x80x16xf32, #tpu.memory_space<vmem>> -> memref<1x80x16xf32, #tpu.memory_space<vmem>>
      %dma_wait3A_824 = tpu.memref_squeeze %dma_wait3A_823 : memref<1x80x16xf32, #tpu.memory_space<vmem>> -> memref<80x16xf32, #tpu.memory_space<vmem>>
      %dma_wait3A_825 = arith.constant 0 : i32
      %dma_wait3A_826 = arith.constant 0 : i32
      %dma_wait3A_827 = tpu.memref_slice %arg5[%add3A, %add3A_643, %dma_wait3A_825, %dma_wait3A_826] : memref<32x625x80x16xf32, #tpu.memory_space<hbm>> -> memref<1x1x80x16xf32, #tpu.memory_space<hbm>>
      %dma_wait3A_828 = tpu.memref_squeeze %dma_wait3A_827 : memref<1x1x80x16xf32, #tpu.memory_space<hbm>> -> memref<80x16xf32, #tpu.memory_space<hbm>>
      %dma_wait3A_829 = arith.constant 0 : i32
      %dma_wait3A_830 = arith.constant 0 : i32
      %dma_wait3A_831 = tpu.memref_slice %arg5[%add3A, %add3A_643, %dma_wait3A_829, %dma_wait3A_830] : memref<32x625x80x16xf32, #tpu.memory_space<hbm>> -> memref<1x1x80x16xf32, #tpu.memory_space<hbm>>
      %dma_wait3A_832 = tpu.memref_squeeze %dma_wait3A_831 : memref<1x1x80x16xf32, #tpu.memory_space<hbm>> -> memref<80x16xf32, #tpu.memory_space<hbm>>
      %dma_wait3A_833 = arith.constant 0 : i32
      %dma_wait3A_834 = arith.constant 0 : i32
      %dma_wait3A_835 = tpu.memref_slice %arg9[%dma_wait3A_820, %dma_wait3A_833, %dma_wait3A_834] : memref<5x80x16xf32, #tpu.memory_space<vmem>> -> memref<1x80x16xf32, #tpu.memory_space<vmem>>
      %dma_wait3A_836 = tpu.memref_squeeze %dma_wait3A_835 : memref<1x80x16xf32, #tpu.memory_space<vmem>> -> memref<80x16xf32, #tpu.memory_space<vmem>>
      tpu.wait_dma2 semaphore(%arg13 : memref<!tpu.dma_semaphore, #tpu.memory_space<semaphore_mem>>) src(%dma_wait3A_836 : memref<80x16xf32, #tpu.memory_space<vmem>>) dst(%dma_wait3A_832 : memref<80x16xf32, #tpu.memory_space<hbm>>)
      %dma_wait3A_837 = arith.constant 3 : i32
      %dma_wait3A_838 = arith.constant 0 : i32
      %dma_wait3A_839 = arith.constant 0 : i32
      %dma_wait3A_840 = tpu.memref_slice %arg10[%dma_wait3A_837, %dma_wait3A_838, %dma_wait3A_839] : memref<5x80x16xf32, #tpu.memory_space<vmem>> -> memref<1x80x16xf32, #tpu.memory_space<vmem>>
      %dma_wait3A_841 = tpu.memref_squeeze %dma_wait3A_840 : memref<1x80x16xf32, #tpu.memory_space<vmem>> -> memref<80x16xf32, #tpu.memory_space<vmem>>
      %dma_wait3A_842 = arith.constant 0 : i32
      %dma_wait3A_843 = arith.constant 0 : i32
      %dma_wait3A_844 = tpu.memref_slice %arg6[%add3A, %add3A_662, %dma_wait3A_842, %dma_wait3A_843] : memref<32x625x80x16xf32, #tpu.memory_space<hbm>> -> memref<1x1x80x16xf32, #tpu.memory_space<hbm>>
      %dma_wait3A_845 = tpu.memref_squeeze %dma_wait3A_844 : memref<1x1x80x16xf32, #tpu.memory_space<hbm>> -> memref<80x16xf32, #tpu.memory_space<hbm>>
      %dma_wait3A_846 = arith.constant 0 : i32
      %dma_wait3A_847 = arith.constant 0 : i32
      %dma_wait3A_848 = tpu.memref_slice %arg6[%add3A, %add3A_662, %dma_wait3A_846, %dma_wait3A_847] : memref<32x625x80x16xf32, #tpu.memory_space<hbm>> -> memref<1x1x80x16xf32, #tpu.memory_space<hbm>>
      %dma_wait3A_849 = tpu.memref_squeeze %dma_wait3A_848 : memref<1x1x80x16xf32, #tpu.memory_space<hbm>> -> memref<80x16xf32, #tpu.memory_space<hbm>>
      %dma_wait3A_850 = arith.constant 0 : i32
      %dma_wait3A_851 = arith.constant 0 : i32
      %dma_wait3A_852 = tpu.memref_slice %arg10[%dma_wait3A_837, %dma_wait3A_850, %dma_wait3A_851] : memref<5x80x16xf32, #tpu.memory_space<vmem>> -> memref<1x80x16xf32, #tpu.memory_space<vmem>>
      %dma_wait3A_853 = tpu.memref_squeeze %dma_wait3A_852 : memref<1x80x16xf32, #tpu.memory_space<vmem>> -> memref<80x16xf32, #tpu.memory_space<vmem>>
      tpu.wait_dma2 semaphore(%arg13 : memref<!tpu.dma_semaphore, #tpu.memory_space<semaphore_mem>>) src(%dma_wait3A_853 : memref<80x16xf32, #tpu.memory_space<vmem>>) dst(%dma_wait3A_849 : memref<80x16xf32, #tpu.memory_space<hbm>>)
      %dma_wait3A_854 = arith.constant 4 : i32
      %dma_wait3A_855 = arith.constant 0 : i32
      %dma_wait3A_856 = arith.constant 0 : i32
      %dma_wait3A_857 = tpu.memref_slice %arg9[%dma_wait3A_854, %dma_wait3A_855, %dma_wait3A_856] : memref<5x80x16xf32, #tpu.memory_space<vmem>> -> memref<1x80x16xf32, #tpu.memory_space<vmem>>
      %dma_wait3A_858 = tpu.memref_squeeze %dma_wait3A_857 : memref<1x80x16xf32, #tpu.memory_space<vmem>> -> memref<80x16xf32, #tpu.memory_space<vmem>>
      %dma_wait3A_859 = arith.constant 0 : i32
      %dma_wait3A_860 = arith.constant 0 : i32
      %dma_wait3A_861 = tpu.memref_slice %arg5[%add3A, %add3A_681, %dma_wait3A_859, %dma_wait3A_860] : memref<32x625x80x16xf32, #tpu.memory_space<hbm>> -> memref<1x1x80x16xf32, #tpu.memory_space<hbm>>
      %dma_wait3A_862 = tpu.memref_squeeze %dma_wait3A_861 : memref<1x1x80x16xf32, #tpu.memory_space<hbm>> -> memref<80x16xf32, #tpu.memory_space<hbm>>
      %dma_wait3A_863 = arith.constant 0 : i32
      %dma_wait3A_864 = arith.constant 0 : i32
      %dma_wait3A_865 = tpu.memref_slice %arg5[%add3A, %add3A_681, %dma_wait3A_863, %dma_wait3A_864] : memref<32x625x80x16xf32, #tpu.memory_space<hbm>> -> memref<1x1x80x16xf32, #tpu.memory_space<hbm>>
      %dma_wait3A_866 = tpu.memref_squeeze %dma_wait3A_865 : memref<1x1x80x16xf32, #tpu.memory_space<hbm>> -> memref<80x16xf32, #tpu.memory_space<hbm>>
      %dma_wait3A_867 = arith.constant 0 : i32
      %dma_wait3A_868 = arith.constant 0 : i32
      %dma_wait3A_869 = tpu.memref_slice %arg9[%dma_wait3A_854, %dma_wait3A_867, %dma_wait3A_868] : memref<5x80x16xf32, #tpu.memory_space<vmem>> -> memref<1x80x16xf32, #tpu.memory_space<vmem>>
      %dma_wait3A_870 = tpu.memref_squeeze %dma_wait3A_869 : memref<1x80x16xf32, #tpu.memory_space<vmem>> -> memref<80x16xf32, #tpu.memory_space<vmem>>
      tpu.wait_dma2 semaphore(%arg13 : memref<!tpu.dma_semaphore, #tpu.memory_space<semaphore_mem>>) src(%dma_wait3A_870 : memref<80x16xf32, #tpu.memory_space<vmem>>) dst(%dma_wait3A_866 : memref<80x16xf32, #tpu.memory_space<hbm>>)
      %dma_wait3A_871 = arith.constant 4 : i32
      %dma_wait3A_872 = arith.constant 0 : i32
      %dma_wait3A_873 = arith.constant 0 : i32
      %dma_wait3A_874 = tpu.memref_slice %arg10[%dma_wait3A_871, %dma_wait3A_872, %dma_wait3A_873] : memref<5x80x16xf32, #tpu.memory_space<vmem>> -> memref<1x80x16xf32, #tpu.memory_space<vmem>>
      %dma_wait3A_875 = tpu.memref_squeeze %dma_wait3A_874 : memref<1x80x16xf32, #tpu.memory_space<vmem>> -> memref<80x16xf32, #tpu.memory_space<vmem>>
      %dma_wait3A_876 = arith.constant 0 : i32
      %dma_wait3A_877 = arith.constant 0 : i32
      %dma_wait3A_878 = tpu.memref_slice %arg6[%add3A, %add3A_700, %dma_wait3A_876, %dma_wait3A_877] : memref<32x625x80x16xf32, #tpu.memory_space<hbm>> -> memref<1x1x80x16xf32, #tpu.memory_space<hbm>>
      %dma_wait3A_879 = tpu.memref_squeeze %dma_wait3A_878 : memref<1x1x80x16xf32, #tpu.memory_space<hbm>> -> memref<80x16xf32, #tpu.memory_space<hbm>>
      %dma_wait3A_880 = arith.constant 0 : i32
      %dma_wait3A_881 = arith.constant 0 : i32
      %dma_wait3A_882 = tpu.memref_slice %arg6[%add3A, %add3A_700, %dma_wait3A_880, %dma_wait3A_881] : memref<32x625x80x16xf32, #tpu.memory_space<hbm>> -> memref<1x1x80x16xf32, #tpu.memory_space<hbm>>
      %dma_wait3A_883 = tpu.memref_squeeze %dma_wait3A_882 : memref<1x1x80x16xf32, #tpu.memory_space<hbm>> -> memref<80x16xf32, #tpu.memory_space<hbm>>
      %dma_wait3A_884 = arith.constant 0 : i32
      %dma_wait3A_885 = arith.constant 0 : i32
      %dma_wait3A_886 = tpu.memref_slice %arg10[%dma_wait3A_871, %dma_wait3A_884, %dma_wait3A_885] : memref<5x80x16xf32, #tpu.memory_space<vmem>> -> memref<1x80x16xf32, #tpu.memory_space<vmem>>
      %dma_wait3A_887 = tpu.memref_squeeze %dma_wait3A_886 : memref<1x80x16xf32, #tpu.memory_space<vmem>> -> memref<80x16xf32, #tpu.memory_space<vmem>>
      tpu.wait_dma2 semaphore(%arg13 : memref<!tpu.dma_semaphore, #tpu.memory_space<semaphore_mem>>) src(%dma_wait3A_887 : memref<80x16xf32, #tpu.memory_space<vmem>>) dst(%dma_wait3A_883 : memref<80x16xf32, #tpu.memory_space<hbm>>)
    }
    %scan3A_4 = arith.constant 125 : i32
    return
  }
}

#map = affine_map<(d0, d1) -> (0, 0, 0, 0)>
#map1 = affine_map<(d0, d1) -> (0, 0)>
#map2 = affine_map<(d0, d1) -> (0, 0, 0)>
module attributes {stable_mosaic.version = 14 : i64} {
  func.func @scatter_k(%arg0: i32, %arg1: i32, %arg2: memref<32x625x80x32xf32, #tpu.memory_space<hbm>>, %arg3: memref<50000x32xf32, #tpu.memory_space<hbm>>, %arg4: memref<32x625x80xi32, #tpu.memory_space<hbm>>, %arg5: memref<32x625x80xi32, #tpu.memory_space<hbm>>, %arg6: memref<50000x32xf32, #tpu.memory_space<hbm>>, %arg7: memref<2x50000x32xf32, #tpu.memory_space<hbm>>, %arg8: memref<5x80xi32, #tpu.memory_space<vmem>>, %arg9: memref<5x80xi32, #tpu.memory_space<vmem>>, %arg10: memref<5x80x32xf32, #tpu.memory_space<vmem>>, %arg11: memref<5x80x32xf32, #tpu.memory_space<vmem>>, %arg12: memref<50000x32xf32, #tpu.memory_space<vmem_shared>>, %arg13: memref<!tpu.dma_semaphore, #tpu.memory_space<semaphore_mem>>, %arg14: memref<!tpu.dma_semaphore, #tpu.memory_space<semaphore_mem>>) attributes {dimension_semantics = [#tpu.dimension_semantics<core_parallel>, #tpu.dimension_semantics<subcore_parallel>], iteration_bounds = array<i64: 2, 16>, scalar_prefetch = 0 : i64, scratch_operands = 7 : i64, tpu.core_type = #tpu.core_type<sc_vector_subcore>, window_params = [{transform_indices = #map}, {transform_indices = #map1}, {transform_indices = #map2}, {transform_indices = #map2}, {transform_indices = #map1}, {transform_indices = #map2}]} {
    %mul3A = arith.constant 2 : i32
    %mul3A_0 = arith.muli %arg1, %mul3A : i32
    %add3A = arith.addi %mul3A_0, %arg0 : i32
    %mul3A_1 = arith.constant 3125 : i32
    %mul3A_2 = arith.muli %arg1, %mul3A_1 : i32
    %mul3A_3 = arith.constant 3125 : i32
    %mul3A_4 = arith.muli %arg1, %mul3A_3 : i32
    "tpu.region"() ({
      %run_scoped3A = tpu.sem_alloc : memref<!tpu.dma_semaphore, #tpu.memory_space<semaphore_mem>>
      %dma_start3A = arith.constant 0 : i32
      %dma_start3A_14 = tpu.memref_slice %arg12[%mul3A_4, %dma_start3A] : memref<50000x32xf32, #tpu.memory_space<vmem_shared>> -> memref<3125x32xf32, #tpu.memory_space<vmem_shared>>
      %dma_start3A_15 = arith.constant 0 : i32
      %dma_start3A_16 = tpu.memref_slice %arg6[%mul3A_2, %dma_start3A_15] : memref<50000x32xf32, #tpu.memory_space<hbm>> -> memref<3125x32xf32, #tpu.memory_space<hbm>>
      tpu.enqueue_dma source(%dma_start3A_16 : memref<3125x32xf32, #tpu.memory_space<hbm>>) target(%dma_start3A_14 : memref<3125x32xf32, #tpu.memory_space<vmem_shared>>) target_semaphore(%run_scoped3A : memref<!tpu.dma_semaphore, #tpu.memory_space<semaphore_mem>>)
      %dma_wait3A = arith.constant 0 : i32
      %dma_wait3A_17 = tpu.memref_slice %arg12[%mul3A_4, %dma_wait3A] : memref<50000x32xf32, #tpu.memory_space<vmem_shared>> -> memref<3125x32xf32, #tpu.memory_space<vmem_shared>>
      %dma_wait3A_18 = arith.constant 0 : i32
      %dma_wait3A_19 = tpu.memref_slice %arg6[%mul3A_2, %dma_wait3A_18] : memref<50000x32xf32, #tpu.memory_space<hbm>> -> memref<3125x32xf32, #tpu.memory_space<hbm>>
      tpu.wait_dma2 semaphore(%run_scoped3A : memref<!tpu.dma_semaphore, #tpu.memory_space<semaphore_mem>>) src(%dma_wait3A_19 : memref<3125x32xf32, #tpu.memory_space<hbm>>) dst(%dma_wait3A_17 : memref<3125x32xf32, #tpu.memory_space<vmem_shared>>)
      tpu.yield
    }) : () -> ()
    %barrier3A = arith.constant 0 : index
    tpu.barrier barrier_id(%barrier3A)
    %scan3A = arith.constant 0 : i32
    %scan3A_5 = arith.constant 125 : i32
    %scan3A_6 = arith.addi %scan3A, %scan3A_5 : i32
    %scan3A_7 = arith.constant 1 : i32
    scf.for %scan3A_14 = %scan3A to %scan3A_6 step %scan3A_7  : i32 {
      %mul3A_15 = arith.constant 5 : i32
      %mul3A_16 = arith.muli %scan3A_14, %mul3A_15 : i32
      %add3A_17 = arith.constant 0 : i32
      %add3A_18 = arith.addi %add3A_17, %mul3A_16 : i32
      %add3A_19 = arith.constant 0 : i32
      %add3A_20 = arith.addi %add3A_18, %add3A_19 : i32
      %dma_start3A = arith.constant 0 : i32
      %dma_start3A_21 = arith.constant 0 : i32
      %dma_start3A_22 = tpu.memref_slice %arg8[%dma_start3A, %dma_start3A_21] : memref<5x80xi32, #tpu.memory_space<vmem>> -> memref<1x80xi32, #tpu.memory_space<vmem>>
      %dma_start3A_23 = tpu.memref_squeeze %dma_start3A_22 : memref<1x80xi32, #tpu.memory_space<vmem>> -> memref<80xi32, #tpu.memory_space<vmem>>
      %dma_start3A_24 = arith.constant 0 : i32
      %dma_start3A_25 = tpu.memref_slice %arg4[%add3A, %add3A_20, %dma_start3A_24] : memref<32x625x80xi32, #tpu.memory_space<hbm>> -> memref<1x1x80xi32, #tpu.memory_space<hbm>>
      %dma_start3A_26 = tpu.memref_squeeze %dma_start3A_25 : memref<1x1x80xi32, #tpu.memory_space<hbm>> -> memref<80xi32, #tpu.memory_space<hbm>>
      %dma_start3A_27 = arith.constant 0 : i32
      %dma_start3A_28 = tpu.memref_slice %arg8[%dma_start3A, %dma_start3A_27] : memref<5x80xi32, #tpu.memory_space<vmem>> -> memref<1x80xi32, #tpu.memory_space<vmem>>
      %dma_start3A_29 = tpu.memref_squeeze %dma_start3A_28 : memref<1x80xi32, #tpu.memory_space<vmem>> -> memref<80xi32, #tpu.memory_space<vmem>>
      %dma_start3A_30 = arith.constant 0 : i32
      %dma_start3A_31 = tpu.memref_slice %arg4[%add3A, %add3A_20, %dma_start3A_30] : memref<32x625x80xi32, #tpu.memory_space<hbm>> -> memref<1x1x80xi32, #tpu.memory_space<hbm>>
      %dma_start3A_32 = tpu.memref_squeeze %dma_start3A_31 : memref<1x1x80xi32, #tpu.memory_space<hbm>> -> memref<80xi32, #tpu.memory_space<hbm>>
      tpu.enqueue_dma source(%dma_start3A_32 : memref<80xi32, #tpu.memory_space<hbm>>) target(%dma_start3A_29 : memref<80xi32, #tpu.memory_space<vmem>>) target_semaphore(%arg13 : memref<!tpu.dma_semaphore, #tpu.memory_space<semaphore_mem>>)
      %add3A_33 = arith.constant 0 : i32
      %add3A_34 = arith.addi %add3A_18, %add3A_33 : i32
      %dma_start3A_35 = arith.constant 0 : i32
      %dma_start3A_36 = arith.constant 0 : i32
      %dma_start3A_37 = tpu.memref_slice %arg9[%dma_start3A_35, %dma_start3A_36] : memref<5x80xi32, #tpu.memory_space<vmem>> -> memref<1x80xi32, #tpu.memory_space<vmem>>
      %dma_start3A_38 = tpu.memref_squeeze %dma_start3A_37 : memref<1x80xi32, #tpu.memory_space<vmem>> -> memref<80xi32, #tpu.memory_space<vmem>>
      %dma_start3A_39 = arith.constant 0 : i32
      %dma_start3A_40 = tpu.memref_slice %arg5[%add3A, %add3A_34, %dma_start3A_39] : memref<32x625x80xi32, #tpu.memory_space<hbm>> -> memref<1x1x80xi32, #tpu.memory_space<hbm>>
      %dma_start3A_41 = tpu.memref_squeeze %dma_start3A_40 : memref<1x1x80xi32, #tpu.memory_space<hbm>> -> memref<80xi32, #tpu.memory_space<hbm>>
      %dma_start3A_42 = arith.constant 0 : i32
      %dma_start3A_43 = tpu.memref_slice %arg9[%dma_start3A_35, %dma_start3A_42] : memref<5x80xi32, #tpu.memory_space<vmem>> -> memref<1x80xi32, #tpu.memory_space<vmem>>
      %dma_start3A_44 = tpu.memref_squeeze %dma_start3A_43 : memref<1x80xi32, #tpu.memory_space<vmem>> -> memref<80xi32, #tpu.memory_space<vmem>>
      %dma_start3A_45 = arith.constant 0 : i32
      %dma_start3A_46 = tpu.memref_slice %arg5[%add3A, %add3A_34, %dma_start3A_45] : memref<32x625x80xi32, #tpu.memory_space<hbm>> -> memref<1x1x80xi32, #tpu.memory_space<hbm>>
      %dma_start3A_47 = tpu.memref_squeeze %dma_start3A_46 : memref<1x1x80xi32, #tpu.memory_space<hbm>> -> memref<80xi32, #tpu.memory_space<hbm>>
      tpu.enqueue_dma source(%dma_start3A_47 : memref<80xi32, #tpu.memory_space<hbm>>) target(%dma_start3A_44 : memref<80xi32, #tpu.memory_space<vmem>>) target_semaphore(%arg13 : memref<!tpu.dma_semaphore, #tpu.memory_space<semaphore_mem>>)
      %add3A_48 = arith.constant 0 : i32
      %add3A_49 = arith.addi %add3A_18, %add3A_48 : i32
      %dma_start3A_50 = arith.constant 0 : i32
      %dma_start3A_51 = arith.constant 0 : i32
      %dma_start3A_52 = arith.constant 0 : i32
      %dma_start3A_53 = tpu.memref_slice %arg10[%dma_start3A_50, %dma_start3A_51, %dma_start3A_52] : memref<5x80x32xf32, #tpu.memory_space<vmem>> -> memref<1x80x32xf32, #tpu.memory_space<vmem>>
      %dma_start3A_54 = tpu.memref_squeeze %dma_start3A_53 : memref<1x80x32xf32, #tpu.memory_space<vmem>> -> memref<80x32xf32, #tpu.memory_space<vmem>>
      %dma_start3A_55 = arith.constant 0 : i32
      %dma_start3A_56 = arith.constant 0 : i32
      %dma_start3A_57 = tpu.memref_slice %arg2[%add3A, %add3A_49, %dma_start3A_55, %dma_start3A_56] : memref<32x625x80x32xf32, #tpu.memory_space<hbm>> -> memref<1x1x80x32xf32, #tpu.memory_space<hbm>>
      %dma_start3A_58 = tpu.memref_squeeze %dma_start3A_57 : memref<1x1x80x32xf32, #tpu.memory_space<hbm>> -> memref<80x32xf32, #tpu.memory_space<hbm>>
      %dma_start3A_59 = arith.constant 0 : i32
      %dma_start3A_60 = arith.constant 0 : i32
      %dma_start3A_61 = tpu.memref_slice %arg10[%dma_start3A_50, %dma_start3A_59, %dma_start3A_60] : memref<5x80x32xf32, #tpu.memory_space<vmem>> -> memref<1x80x32xf32, #tpu.memory_space<vmem>>
      %dma_start3A_62 = tpu.memref_squeeze %dma_start3A_61 : memref<1x80x32xf32, #tpu.memory_space<vmem>> -> memref<80x32xf32, #tpu.memory_space<vmem>>
      %dma_start3A_63 = arith.constant 0 : i32
      %dma_start3A_64 = arith.constant 0 : i32
      %dma_start3A_65 = tpu.memref_slice %arg2[%add3A, %add3A_49, %dma_start3A_63, %dma_start3A_64] : memref<32x625x80x32xf32, #tpu.memory_space<hbm>> -> memref<1x1x80x32xf32, #tpu.memory_space<hbm>>
      %dma_start3A_66 = tpu.memref_squeeze %dma_start3A_65 : memref<1x1x80x32xf32, #tpu.memory_space<hbm>> -> memref<80x32xf32, #tpu.memory_space<hbm>>
      tpu.enqueue_dma source(%dma_start3A_66 : memref<80x32xf32, #tpu.memory_space<hbm>>) target(%dma_start3A_62 : memref<80x32xf32, #tpu.memory_space<vmem>>) target_semaphore(%arg13 : memref<!tpu.dma_semaphore, #tpu.memory_space<semaphore_mem>>)
      %add3A_67 = arith.constant 1 : i32
      %add3A_68 = arith.addi %add3A_18, %add3A_67 : i32
      %dma_start3A_69 = arith.constant 1 : i32
      %dma_start3A_70 = arith.constant 0 : i32
      %dma_start3A_71 = tpu.memref_slice %arg8[%dma_start3A_69, %dma_start3A_70] : memref<5x80xi32, #tpu.memory_space<vmem>> -> memref<1x80xi32, #tpu.memory_space<vmem>>
      %dma_start3A_72 = tpu.memref_squeeze %dma_start3A_71 : memref<1x80xi32, #tpu.memory_space<vmem>> -> memref<80xi32, #tpu.memory_space<vmem>>
      %dma_start3A_73 = arith.constant 0 : i32
      %dma_start3A_74 = tpu.memref_slice %arg4[%add3A, %add3A_68, %dma_start3A_73] : memref<32x625x80xi32, #tpu.memory_space<hbm>> -> memref<1x1x80xi32, #tpu.memory_space<hbm>>
      %dma_start3A_75 = tpu.memref_squeeze %dma_start3A_74 : memref<1x1x80xi32, #tpu.memory_space<hbm>> -> memref<80xi32, #tpu.memory_space<hbm>>
      %dma_start3A_76 = arith.constant 0 : i32
      %dma_start3A_77 = tpu.memref_slice %arg8[%dma_start3A_69, %dma_start3A_76] : memref<5x80xi32, #tpu.memory_space<vmem>> -> memref<1x80xi32, #tpu.memory_space<vmem>>
      %dma_start3A_78 = tpu.memref_squeeze %dma_start3A_77 : memref<1x80xi32, #tpu.memory_space<vmem>> -> memref<80xi32, #tpu.memory_space<vmem>>
      %dma_start3A_79 = arith.constant 0 : i32
      %dma_start3A_80 = tpu.memref_slice %arg4[%add3A, %add3A_68, %dma_start3A_79] : memref<32x625x80xi32, #tpu.memory_space<hbm>> -> memref<1x1x80xi32, #tpu.memory_space<hbm>>
      %dma_start3A_81 = tpu.memref_squeeze %dma_start3A_80 : memref<1x1x80xi32, #tpu.memory_space<hbm>> -> memref<80xi32, #tpu.memory_space<hbm>>
      tpu.enqueue_dma source(%dma_start3A_81 : memref<80xi32, #tpu.memory_space<hbm>>) target(%dma_start3A_78 : memref<80xi32, #tpu.memory_space<vmem>>) target_semaphore(%arg13 : memref<!tpu.dma_semaphore, #tpu.memory_space<semaphore_mem>>)
      %add3A_82 = arith.constant 1 : i32
      %add3A_83 = arith.addi %add3A_18, %add3A_82 : i32
      %dma_start3A_84 = arith.constant 1 : i32
      %dma_start3A_85 = arith.constant 0 : i32
      %dma_start3A_86 = tpu.memref_slice %arg9[%dma_start3A_84, %dma_start3A_85] : memref<5x80xi32, #tpu.memory_space<vmem>> -> memref<1x80xi32, #tpu.memory_space<vmem>>
      %dma_start3A_87 = tpu.memref_squeeze %dma_start3A_86 : memref<1x80xi32, #tpu.memory_space<vmem>> -> memref<80xi32, #tpu.memory_space<vmem>>
      %dma_start3A_88 = arith.constant 0 : i32
      %dma_start3A_89 = tpu.memref_slice %arg5[%add3A, %add3A_83, %dma_start3A_88] : memref<32x625x80xi32, #tpu.memory_space<hbm>> -> memref<1x1x80xi32, #tpu.memory_space<hbm>>
      %dma_start3A_90 = tpu.memref_squeeze %dma_start3A_89 : memref<1x1x80xi32, #tpu.memory_space<hbm>> -> memref<80xi32, #tpu.memory_space<hbm>>
      %dma_start3A_91 = arith.constant 0 : i32
      %dma_start3A_92 = tpu.memref_slice %arg9[%dma_start3A_84, %dma_start3A_91] : memref<5x80xi32, #tpu.memory_space<vmem>> -> memref<1x80xi32, #tpu.memory_space<vmem>>
      %dma_start3A_93 = tpu.memref_squeeze %dma_start3A_92 : memref<1x80xi32, #tpu.memory_space<vmem>> -> memref<80xi32, #tpu.memory_space<vmem>>
      %dma_start3A_94 = arith.constant 0 : i32
      %dma_start3A_95 = tpu.memref_slice %arg5[%add3A, %add3A_83, %dma_start3A_94] : memref<32x625x80xi32, #tpu.memory_space<hbm>> -> memref<1x1x80xi32, #tpu.memory_space<hbm>>
      %dma_start3A_96 = tpu.memref_squeeze %dma_start3A_95 : memref<1x1x80xi32, #tpu.memory_space<hbm>> -> memref<80xi32, #tpu.memory_space<hbm>>
      tpu.enqueue_dma source(%dma_start3A_96 : memref<80xi32, #tpu.memory_space<hbm>>) target(%dma_start3A_93 : memref<80xi32, #tpu.memory_space<vmem>>) target_semaphore(%arg13 : memref<!tpu.dma_semaphore, #tpu.memory_space<semaphore_mem>>)
      %add3A_97 = arith.constant 1 : i32
      %add3A_98 = arith.addi %add3A_18, %add3A_97 : i32
      %dma_start3A_99 = arith.constant 1 : i32
      %dma_start3A_100 = arith.constant 0 : i32
      %dma_start3A_101 = arith.constant 0 : i32
      %dma_start3A_102 = tpu.memref_slice %arg10[%dma_start3A_99, %dma_start3A_100, %dma_start3A_101] : memref<5x80x32xf32, #tpu.memory_space<vmem>> -> memref<1x80x32xf32, #tpu.memory_space<vmem>>
      %dma_start3A_103 = tpu.memref_squeeze %dma_start3A_102 : memref<1x80x32xf32, #tpu.memory_space<vmem>> -> memref<80x32xf32, #tpu.memory_space<vmem>>
      %dma_start3A_104 = arith.constant 0 : i32
      %dma_start3A_105 = arith.constant 0 : i32
      %dma_start3A_106 = tpu.memref_slice %arg2[%add3A, %add3A_98, %dma_start3A_104, %dma_start3A_105] : memref<32x625x80x32xf32, #tpu.memory_space<hbm>> -> memref<1x1x80x32xf32, #tpu.memory_space<hbm>>
      %dma_start3A_107 = tpu.memref_squeeze %dma_start3A_106 : memref<1x1x80x32xf32, #tpu.memory_space<hbm>> -> memref<80x32xf32, #tpu.memory_space<hbm>>
      %dma_start3A_108 = arith.constant 0 : i32
      %dma_start3A_109 = arith.constant 0 : i32
      %dma_start3A_110 = tpu.memref_slice %arg10[%dma_start3A_99, %dma_start3A_108, %dma_start3A_109] : memref<5x80x32xf32, #tpu.memory_space<vmem>> -> memref<1x80x32xf32, #tpu.memory_space<vmem>>
      %dma_start3A_111 = tpu.memref_squeeze %dma_start3A_110 : memref<1x80x32xf32, #tpu.memory_space<vmem>> -> memref<80x32xf32, #tpu.memory_space<vmem>>
      %dma_start3A_112 = arith.constant 0 : i32
      %dma_start3A_113 = arith.constant 0 : i32
      %dma_start3A_114 = tpu.memref_slice %arg2[%add3A, %add3A_98, %dma_start3A_112, %dma_start3A_113] : memref<32x625x80x32xf32, #tpu.memory_space<hbm>> -> memref<1x1x80x32xf32, #tpu.memory_space<hbm>>
      %dma_start3A_115 = tpu.memref_squeeze %dma_start3A_114 : memref<1x1x80x32xf32, #tpu.memory_space<hbm>> -> memref<80x32xf32, #tpu.memory_space<hbm>>
      tpu.enqueue_dma source(%dma_start3A_115 : memref<80x32xf32, #tpu.memory_space<hbm>>) target(%dma_start3A_111 : memref<80x32xf32, #tpu.memory_space<vmem>>) target_semaphore(%arg13 : memref<!tpu.dma_semaphore, #tpu.memory_space<semaphore_mem>>)
      %add3A_116 = arith.constant 2 : i32
      %add3A_117 = arith.addi %add3A_18, %add3A_116 : i32
      %dma_start3A_118 = arith.constant 2 : i32
      %dma_start3A_119 = arith.constant 0 : i32
      %dma_start3A_120 = tpu.memref_slice %arg8[%dma_start3A_118, %dma_start3A_119] : memref<5x80xi32, #tpu.memory_space<vmem>> -> memref<1x80xi32, #tpu.memory_space<vmem>>
      %dma_start3A_121 = tpu.memref_squeeze %dma_start3A_120 : memref<1x80xi32, #tpu.memory_space<vmem>> -> memref<80xi32, #tpu.memory_space<vmem>>
      %dma_start3A_122 = arith.constant 0 : i32
      %dma_start3A_123 = tpu.memref_slice %arg4[%add3A, %add3A_117, %dma_start3A_122] : memref<32x625x80xi32, #tpu.memory_space<hbm>> -> memref<1x1x80xi32, #tpu.memory_space<hbm>>
      %dma_start3A_124 = tpu.memref_squeeze %dma_start3A_123 : memref<1x1x80xi32, #tpu.memory_space<hbm>> -> memref<80xi32, #tpu.memory_space<hbm>>
      %dma_start3A_125 = arith.constant 0 : i32
      %dma_start3A_126 = tpu.memref_slice %arg8[%dma_start3A_118, %dma_start3A_125] : memref<5x80xi32, #tpu.memory_space<vmem>> -> memref<1x80xi32, #tpu.memory_space<vmem>>
      %dma_start3A_127 = tpu.memref_squeeze %dma_start3A_126 : memref<1x80xi32, #tpu.memory_space<vmem>> -> memref<80xi32, #tpu.memory_space<vmem>>
      %dma_start3A_128 = arith.constant 0 : i32
      %dma_start3A_129 = tpu.memref_slice %arg4[%add3A, %add3A_117, %dma_start3A_128] : memref<32x625x80xi32, #tpu.memory_space<hbm>> -> memref<1x1x80xi32, #tpu.memory_space<hbm>>
      %dma_start3A_130 = tpu.memref_squeeze %dma_start3A_129 : memref<1x1x80xi32, #tpu.memory_space<hbm>> -> memref<80xi32, #tpu.memory_space<hbm>>
      tpu.enqueue_dma source(%dma_start3A_130 : memref<80xi32, #tpu.memory_space<hbm>>) target(%dma_start3A_127 : memref<80xi32, #tpu.memory_space<vmem>>) target_semaphore(%arg13 : memref<!tpu.dma_semaphore, #tpu.memory_space<semaphore_mem>>)
      %add3A_131 = arith.constant 2 : i32
      %add3A_132 = arith.addi %add3A_18, %add3A_131 : i32
      %dma_start3A_133 = arith.constant 2 : i32
      %dma_start3A_134 = arith.constant 0 : i32
      %dma_start3A_135 = tpu.memref_slice %arg9[%dma_start3A_133, %dma_start3A_134] : memref<5x80xi32, #tpu.memory_space<vmem>> -> memref<1x80xi32, #tpu.memory_space<vmem>>
      %dma_start3A_136 = tpu.memref_squeeze %dma_start3A_135 : memref<1x80xi32, #tpu.memory_space<vmem>> -> memref<80xi32, #tpu.memory_space<vmem>>
      %dma_start3A_137 = arith.constant 0 : i32
      %dma_start3A_138 = tpu.memref_slice %arg5[%add3A, %add3A_132, %dma_start3A_137] : memref<32x625x80xi32, #tpu.memory_space<hbm>> -> memref<1x1x80xi32, #tpu.memory_space<hbm>>
      %dma_start3A_139 = tpu.memref_squeeze %dma_start3A_138 : memref<1x1x80xi32, #tpu.memory_space<hbm>> -> memref<80xi32, #tpu.memory_space<hbm>>
      %dma_start3A_140 = arith.constant 0 : i32
      %dma_start3A_141 = tpu.memref_slice %arg9[%dma_start3A_133, %dma_start3A_140] : memref<5x80xi32, #tpu.memory_space<vmem>> -> memref<1x80xi32, #tpu.memory_space<vmem>>
      %dma_start3A_142 = tpu.memref_squeeze %dma_start3A_141 : memref<1x80xi32, #tpu.memory_space<vmem>> -> memref<80xi32, #tpu.memory_space<vmem>>
      %dma_start3A_143 = arith.constant 0 : i32
      %dma_start3A_144 = tpu.memref_slice %arg5[%add3A, %add3A_132, %dma_start3A_143] : memref<32x625x80xi32, #tpu.memory_space<hbm>> -> memref<1x1x80xi32, #tpu.memory_space<hbm>>
      %dma_start3A_145 = tpu.memref_squeeze %dma_start3A_144 : memref<1x1x80xi32, #tpu.memory_space<hbm>> -> memref<80xi32, #tpu.memory_space<hbm>>
      tpu.enqueue_dma source(%dma_start3A_145 : memref<80xi32, #tpu.memory_space<hbm>>) target(%dma_start3A_142 : memref<80xi32, #tpu.memory_space<vmem>>) target_semaphore(%arg13 : memref<!tpu.dma_semaphore, #tpu.memory_space<semaphore_mem>>)
      %add3A_146 = arith.constant 2 : i32
      %add3A_147 = arith.addi %add3A_18, %add3A_146 : i32
      %dma_start3A_148 = arith.constant 2 : i32
      %dma_start3A_149 = arith.constant 0 : i32
      %dma_start3A_150 = arith.constant 0 : i32
      %dma_start3A_151 = tpu.memref_slice %arg10[%dma_start3A_148, %dma_start3A_149, %dma_start3A_150] : memref<5x80x32xf32, #tpu.memory_space<vmem>> -> memref<1x80x32xf32, #tpu.memory_space<vmem>>
      %dma_start3A_152 = tpu.memref_squeeze %dma_start3A_151 : memref<1x80x32xf32, #tpu.memory_space<vmem>> -> memref<80x32xf32, #tpu.memory_space<vmem>>
      %dma_start3A_153 = arith.constant 0 : i32
      %dma_start3A_154 = arith.constant 0 : i32
      %dma_start3A_155 = tpu.memref_slice %arg2[%add3A, %add3A_147, %dma_start3A_153, %dma_start3A_154] : memref<32x625x80x32xf32, #tpu.memory_space<hbm>> -> memref<1x1x80x32xf32, #tpu.memory_space<hbm>>
      %dma_start3A_156 = tpu.memref_squeeze %dma_start3A_155 : memref<1x1x80x32xf32, #tpu.memory_space<hbm>> -> memref<80x32xf32, #tpu.memory_space<hbm>>
      %dma_start3A_157 = arith.constant 0 : i32
      %dma_start3A_158 = arith.constant 0 : i32
      %dma_start3A_159 = tpu.memref_slice %arg10[%dma_start3A_148, %dma_start3A_157, %dma_start3A_158] : memref<5x80x32xf32, #tpu.memory_space<vmem>> -> memref<1x80x32xf32, #tpu.memory_space<vmem>>
      %dma_start3A_160 = tpu.memref_squeeze %dma_start3A_159 : memref<1x80x32xf32, #tpu.memory_space<vmem>> -> memref<80x32xf32, #tpu.memory_space<vmem>>
      %dma_start3A_161 = arith.constant 0 : i32
      %dma_start3A_162 = arith.constant 0 : i32
      %dma_start3A_163 = tpu.memref_slice %arg2[%add3A, %add3A_147, %dma_start3A_161, %dma_start3A_162] : memref<32x625x80x32xf32, #tpu.memory_space<hbm>> -> memref<1x1x80x32xf32, #tpu.memory_space<hbm>>
      %dma_start3A_164 = tpu.memref_squeeze %dma_start3A_163 : memref<1x1x80x32xf32, #tpu.memory_space<hbm>> -> memref<80x32xf32, #tpu.memory_space<hbm>>
      tpu.enqueue_dma source(%dma_start3A_164 : memref<80x32xf32, #tpu.memory_space<hbm>>) target(%dma_start3A_160 : memref<80x32xf32, #tpu.memory_space<vmem>>) target_semaphore(%arg13 : memref<!tpu.dma_semaphore, #tpu.memory_space<semaphore_mem>>)
      %add3A_165 = arith.constant 3 : i32
      %add3A_166 = arith.addi %add3A_18, %add3A_165 : i32
      %dma_start3A_167 = arith.constant 3 : i32
      %dma_start3A_168 = arith.constant 0 : i32
      %dma_start3A_169 = tpu.memref_slice %arg8[%dma_start3A_167, %dma_start3A_168] : memref<5x80xi32, #tpu.memory_space<vmem>> -> memref<1x80xi32, #tpu.memory_space<vmem>>
      %dma_start3A_170 = tpu.memref_squeeze %dma_start3A_169 : memref<1x80xi32, #tpu.memory_space<vmem>> -> memref<80xi32, #tpu.memory_space<vmem>>
      %dma_start3A_171 = arith.constant 0 : i32
      %dma_start3A_172 = tpu.memref_slice %arg4[%add3A, %add3A_166, %dma_start3A_171] : memref<32x625x80xi32, #tpu.memory_space<hbm>> -> memref<1x1x80xi32, #tpu.memory_space<hbm>>
      %dma_start3A_173 = tpu.memref_squeeze %dma_start3A_172 : memref<1x1x80xi32, #tpu.memory_space<hbm>> -> memref<80xi32, #tpu.memory_space<hbm>>
      %dma_start3A_174 = arith.constant 0 : i32
      %dma_start3A_175 = tpu.memref_slice %arg8[%dma_start3A_167, %dma_start3A_174] : memref<5x80xi32, #tpu.memory_space<vmem>> -> memref<1x80xi32, #tpu.memory_space<vmem>>
      %dma_start3A_176 = tpu.memref_squeeze %dma_start3A_175 : memref<1x80xi32, #tpu.memory_space<vmem>> -> memref<80xi32, #tpu.memory_space<vmem>>
      %dma_start3A_177 = arith.constant 0 : i32
      %dma_start3A_178 = tpu.memref_slice %arg4[%add3A, %add3A_166, %dma_start3A_177] : memref<32x625x80xi32, #tpu.memory_space<hbm>> -> memref<1x1x80xi32, #tpu.memory_space<hbm>>
      %dma_start3A_179 = tpu.memref_squeeze %dma_start3A_178 : memref<1x1x80xi32, #tpu.memory_space<hbm>> -> memref<80xi32, #tpu.memory_space<hbm>>
      tpu.enqueue_dma source(%dma_start3A_179 : memref<80xi32, #tpu.memory_space<hbm>>) target(%dma_start3A_176 : memref<80xi32, #tpu.memory_space<vmem>>) target_semaphore(%arg13 : memref<!tpu.dma_semaphore, #tpu.memory_space<semaphore_mem>>)
      %add3A_180 = arith.constant 3 : i32
      %add3A_181 = arith.addi %add3A_18, %add3A_180 : i32
      %dma_start3A_182 = arith.constant 3 : i32
      %dma_start3A_183 = arith.constant 0 : i32
      %dma_start3A_184 = tpu.memref_slice %arg9[%dma_start3A_182, %dma_start3A_183] : memref<5x80xi32, #tpu.memory_space<vmem>> -> memref<1x80xi32, #tpu.memory_space<vmem>>
      %dma_start3A_185 = tpu.memref_squeeze %dma_start3A_184 : memref<1x80xi32, #tpu.memory_space<vmem>> -> memref<80xi32, #tpu.memory_space<vmem>>
      %dma_start3A_186 = arith.constant 0 : i32
      %dma_start3A_187 = tpu.memref_slice %arg5[%add3A, %add3A_181, %dma_start3A_186] : memref<32x625x80xi32, #tpu.memory_space<hbm>> -> memref<1x1x80xi32, #tpu.memory_space<hbm>>
      %dma_start3A_188 = tpu.memref_squeeze %dma_start3A_187 : memref<1x1x80xi32, #tpu.memory_space<hbm>> -> memref<80xi32, #tpu.memory_space<hbm>>
      %dma_start3A_189 = arith.constant 0 : i32
      %dma_start3A_190 = tpu.memref_slice %arg9[%dma_start3A_182, %dma_start3A_189] : memref<5x80xi32, #tpu.memory_space<vmem>> -> memref<1x80xi32, #tpu.memory_space<vmem>>
      %dma_start3A_191 = tpu.memref_squeeze %dma_start3A_190 : memref<1x80xi32, #tpu.memory_space<vmem>> -> memref<80xi32, #tpu.memory_space<vmem>>
      %dma_start3A_192 = arith.constant 0 : i32
      %dma_start3A_193 = tpu.memref_slice %arg5[%add3A, %add3A_181, %dma_start3A_192] : memref<32x625x80xi32, #tpu.memory_space<hbm>> -> memref<1x1x80xi32, #tpu.memory_space<hbm>>
      %dma_start3A_194 = tpu.memref_squeeze %dma_start3A_193 : memref<1x1x80xi32, #tpu.memory_space<hbm>> -> memref<80xi32, #tpu.memory_space<hbm>>
      tpu.enqueue_dma source(%dma_start3A_194 : memref<80xi32, #tpu.memory_space<hbm>>) target(%dma_start3A_191 : memref<80xi32, #tpu.memory_space<vmem>>) target_semaphore(%arg13 : memref<!tpu.dma_semaphore, #tpu.memory_space<semaphore_mem>>)
      %add3A_195 = arith.constant 3 : i32
      %add3A_196 = arith.addi %add3A_18, %add3A_195 : i32
      %dma_start3A_197 = arith.constant 3 : i32
      %dma_start3A_198 = arith.constant 0 : i32
      %dma_start3A_199 = arith.constant 0 : i32
      %dma_start3A_200 = tpu.memref_slice %arg10[%dma_start3A_197, %dma_start3A_198, %dma_start3A_199] : memref<5x80x32xf32, #tpu.memory_space<vmem>> -> memref<1x80x32xf32, #tpu.memory_space<vmem>>
      %dma_start3A_201 = tpu.memref_squeeze %dma_start3A_200 : memref<1x80x32xf32, #tpu.memory_space<vmem>> -> memref<80x32xf32, #tpu.memory_space<vmem>>
      %dma_start3A_202 = arith.constant 0 : i32
      %dma_start3A_203 = arith.constant 0 : i32
      %dma_start3A_204 = tpu.memref_slice %arg2[%add3A, %add3A_196, %dma_start3A_202, %dma_start3A_203] : memref<32x625x80x32xf32, #tpu.memory_space<hbm>> -> memref<1x1x80x32xf32, #tpu.memory_space<hbm>>
      %dma_start3A_205 = tpu.memref_squeeze %dma_start3A_204 : memref<1x1x80x32xf32, #tpu.memory_space<hbm>> -> memref<80x32xf32, #tpu.memory_space<hbm>>
      %dma_start3A_206 = arith.constant 0 : i32
      %dma_start3A_207 = arith.constant 0 : i32
      %dma_start3A_208 = tpu.memref_slice %arg10[%dma_start3A_197, %dma_start3A_206, %dma_start3A_207] : memref<5x80x32xf32, #tpu.memory_space<vmem>> -> memref<1x80x32xf32, #tpu.memory_space<vmem>>
      %dma_start3A_209 = tpu.memref_squeeze %dma_start3A_208 : memref<1x80x32xf32, #tpu.memory_space<vmem>> -> memref<80x32xf32, #tpu.memory_space<vmem>>
      %dma_start3A_210 = arith.constant 0 : i32
      %dma_start3A_211 = arith.constant 0 : i32
      %dma_start3A_212 = tpu.memref_slice %arg2[%add3A, %add3A_196, %dma_start3A_210, %dma_start3A_211] : memref<32x625x80x32xf32, #tpu.memory_space<hbm>> -> memref<1x1x80x32xf32, #tpu.memory_space<hbm>>
      %dma_start3A_213 = tpu.memref_squeeze %dma_start3A_212 : memref<1x1x80x32xf32, #tpu.memory_space<hbm>> -> memref<80x32xf32, #tpu.memory_space<hbm>>
      tpu.enqueue_dma source(%dma_start3A_213 : memref<80x32xf32, #tpu.memory_space<hbm>>) target(%dma_start3A_209 : memref<80x32xf32, #tpu.memory_space<vmem>>) target_semaphore(%arg13 : memref<!tpu.dma_semaphore, #tpu.memory_space<semaphore_mem>>)
      %add3A_214 = arith.constant 4 : i32
      %add3A_215 = arith.addi %add3A_18, %add3A_214 : i32
      %dma_start3A_216 = arith.constant 4 : i32
      %dma_start3A_217 = arith.constant 0 : i32
      %dma_start3A_218 = tpu.memref_slice %arg8[%dma_start3A_216, %dma_start3A_217] : memref<5x80xi32, #tpu.memory_space<vmem>> -> memref<1x80xi32, #tpu.memory_space<vmem>>
      %dma_start3A_219 = tpu.memref_squeeze %dma_start3A_218 : memref<1x80xi32, #tpu.memory_space<vmem>> -> memref<80xi32, #tpu.memory_space<vmem>>
      %dma_start3A_220 = arith.constant 0 : i32
      %dma_start3A_221 = tpu.memref_slice %arg4[%add3A, %add3A_215, %dma_start3A_220] : memref<32x625x80xi32, #tpu.memory_space<hbm>> -> memref<1x1x80xi32, #tpu.memory_space<hbm>>
      %dma_start3A_222 = tpu.memref_squeeze %dma_start3A_221 : memref<1x1x80xi32, #tpu.memory_space<hbm>> -> memref<80xi32, #tpu.memory_space<hbm>>
      %dma_start3A_223 = arith.constant 0 : i32
      %dma_start3A_224 = tpu.memref_slice %arg8[%dma_start3A_216, %dma_start3A_223] : memref<5x80xi32, #tpu.memory_space<vmem>> -> memref<1x80xi32, #tpu.memory_space<vmem>>
      %dma_start3A_225 = tpu.memref_squeeze %dma_start3A_224 : memref<1x80xi32, #tpu.memory_space<vmem>> -> memref<80xi32, #tpu.memory_space<vmem>>
      %dma_start3A_226 = arith.constant 0 : i32
      %dma_start3A_227 = tpu.memref_slice %arg4[%add3A, %add3A_215, %dma_start3A_226] : memref<32x625x80xi32, #tpu.memory_space<hbm>> -> memref<1x1x80xi32, #tpu.memory_space<hbm>>
      %dma_start3A_228 = tpu.memref_squeeze %dma_start3A_227 : memref<1x1x80xi32, #tpu.memory_space<hbm>> -> memref<80xi32, #tpu.memory_space<hbm>>
      tpu.enqueue_dma source(%dma_start3A_228 : memref<80xi32, #tpu.memory_space<hbm>>) target(%dma_start3A_225 : memref<80xi32, #tpu.memory_space<vmem>>) target_semaphore(%arg13 : memref<!tpu.dma_semaphore, #tpu.memory_space<semaphore_mem>>)
      %add3A_229 = arith.constant 4 : i32
      %add3A_230 = arith.addi %add3A_18, %add3A_229 : i32
      %dma_start3A_231 = arith.constant 4 : i32
      %dma_start3A_232 = arith.constant 0 : i32
      %dma_start3A_233 = tpu.memref_slice %arg9[%dma_start3A_231, %dma_start3A_232] : memref<5x80xi32, #tpu.memory_space<vmem>> -> memref<1x80xi32, #tpu.memory_space<vmem>>
      %dma_start3A_234 = tpu.memref_squeeze %dma_start3A_233 : memref<1x80xi32, #tpu.memory_space<vmem>> -> memref<80xi32, #tpu.memory_space<vmem>>
      %dma_start3A_235 = arith.constant 0 : i32
      %dma_start3A_236 = tpu.memref_slice %arg5[%add3A, %add3A_230, %dma_start3A_235] : memref<32x625x80xi32, #tpu.memory_space<hbm>> -> memref<1x1x80xi32, #tpu.memory_space<hbm>>
      %dma_start3A_237 = tpu.memref_squeeze %dma_start3A_236 : memref<1x1x80xi32, #tpu.memory_space<hbm>> -> memref<80xi32, #tpu.memory_space<hbm>>
      %dma_start3A_238 = arith.constant 0 : i32
      %dma_start3A_239 = tpu.memref_slice %arg9[%dma_start3A_231, %dma_start3A_238] : memref<5x80xi32, #tpu.memory_space<vmem>> -> memref<1x80xi32, #tpu.memory_space<vmem>>
      %dma_start3A_240 = tpu.memref_squeeze %dma_start3A_239 : memref<1x80xi32, #tpu.memory_space<vmem>> -> memref<80xi32, #tpu.memory_space<vmem>>
      %dma_start3A_241 = arith.constant 0 : i32
      %dma_start3A_242 = tpu.memref_slice %arg5[%add3A, %add3A_230, %dma_start3A_241] : memref<32x625x80xi32, #tpu.memory_space<hbm>> -> memref<1x1x80xi32, #tpu.memory_space<hbm>>
      %dma_start3A_243 = tpu.memref_squeeze %dma_start3A_242 : memref<1x1x80xi32, #tpu.memory_space<hbm>> -> memref<80xi32, #tpu.memory_space<hbm>>
      tpu.enqueue_dma source(%dma_start3A_243 : memref<80xi32, #tpu.memory_space<hbm>>) target(%dma_start3A_240 : memref<80xi32, #tpu.memory_space<vmem>>) target_semaphore(%arg13 : memref<!tpu.dma_semaphore, #tpu.memory_space<semaphore_mem>>)
      %add3A_244 = arith.constant 4 : i32
      %add3A_245 = arith.addi %add3A_18, %add3A_244 : i32
      %dma_start3A_246 = arith.constant 4 : i32
      %dma_start3A_247 = arith.constant 0 : i32
      %dma_start3A_248 = arith.constant 0 : i32
      %dma_start3A_249 = tpu.memref_slice %arg10[%dma_start3A_246, %dma_start3A_247, %dma_start3A_248] : memref<5x80x32xf32, #tpu.memory_space<vmem>> -> memref<1x80x32xf32, #tpu.memory_space<vmem>>
      %dma_start3A_250 = tpu.memref_squeeze %dma_start3A_249 : memref<1x80x32xf32, #tpu.memory_space<vmem>> -> memref<80x32xf32, #tpu.memory_space<vmem>>
      %dma_start3A_251 = arith.constant 0 : i32
      %dma_start3A_252 = arith.constant 0 : i32
      %dma_start3A_253 = tpu.memref_slice %arg2[%add3A, %add3A_245, %dma_start3A_251, %dma_start3A_252] : memref<32x625x80x32xf32, #tpu.memory_space<hbm>> -> memref<1x1x80x32xf32, #tpu.memory_space<hbm>>
      %dma_start3A_254 = tpu.memref_squeeze %dma_start3A_253 : memref<1x1x80x32xf32, #tpu.memory_space<hbm>> -> memref<80x32xf32, #tpu.memory_space<hbm>>
      %dma_start3A_255 = arith.constant 0 : i32
      %dma_start3A_256 = arith.constant 0 : i32
      %dma_start3A_257 = tpu.memref_slice %arg10[%dma_start3A_246, %dma_start3A_255, %dma_start3A_256] : memref<5x80x32xf32, #tpu.memory_space<vmem>> -> memref<1x80x32xf32, #tpu.memory_space<vmem>>
      %dma_start3A_258 = tpu.memref_squeeze %dma_start3A_257 : memref<1x80x32xf32, #tpu.memory_space<vmem>> -> memref<80x32xf32, #tpu.memory_space<vmem>>
      %dma_start3A_259 = arith.constant 0 : i32
      %dma_start3A_260 = arith.constant 0 : i32
      %dma_start3A_261 = tpu.memref_slice %arg2[%add3A, %add3A_245, %dma_start3A_259, %dma_start3A_260] : memref<32x625x80x32xf32, #tpu.memory_space<hbm>> -> memref<1x1x80x32xf32, #tpu.memory_space<hbm>>
      %dma_start3A_262 = tpu.memref_squeeze %dma_start3A_261 : memref<1x1x80x32xf32, #tpu.memory_space<hbm>> -> memref<80x32xf32, #tpu.memory_space<hbm>>
      tpu.enqueue_dma source(%dma_start3A_262 : memref<80x32xf32, #tpu.memory_space<hbm>>) target(%dma_start3A_258 : memref<80x32xf32, #tpu.memory_space<vmem>>) target_semaphore(%arg13 : memref<!tpu.dma_semaphore, #tpu.memory_space<semaphore_mem>>)
      %dma_wait3A = arith.constant 0 : i32
      %dma_wait3A_263 = arith.constant 0 : i32
      %dma_wait3A_264 = tpu.memref_slice %arg8[%dma_wait3A, %dma_wait3A_263] : memref<5x80xi32, #tpu.memory_space<vmem>> -> memref<1x80xi32, #tpu.memory_space<vmem>>
      %dma_wait3A_265 = tpu.memref_squeeze %dma_wait3A_264 : memref<1x80xi32, #tpu.memory_space<vmem>> -> memref<80xi32, #tpu.memory_space<vmem>>
      %dma_wait3A_266 = arith.constant 0 : i32
      %dma_wait3A_267 = tpu.memref_slice %arg4[%add3A, %add3A_20, %dma_wait3A_266] : memref<32x625x80xi32, #tpu.memory_space<hbm>> -> memref<1x1x80xi32, #tpu.memory_space<hbm>>
      %dma_wait3A_268 = tpu.memref_squeeze %dma_wait3A_267 : memref<1x1x80xi32, #tpu.memory_space<hbm>> -> memref<80xi32, #tpu.memory_space<hbm>>
      %dma_wait3A_269 = arith.constant 0 : i32
      %dma_wait3A_270 = tpu.memref_slice %arg8[%dma_wait3A, %dma_wait3A_269] : memref<5x80xi32, #tpu.memory_space<vmem>> -> memref<1x80xi32, #tpu.memory_space<vmem>>
      %dma_wait3A_271 = tpu.memref_squeeze %dma_wait3A_270 : memref<1x80xi32, #tpu.memory_space<vmem>> -> memref<80xi32, #tpu.memory_space<vmem>>
      %dma_wait3A_272 = arith.constant 0 : i32
      %dma_wait3A_273 = tpu.memref_slice %arg4[%add3A, %add3A_20, %dma_wait3A_272] : memref<32x625x80xi32, #tpu.memory_space<hbm>> -> memref<1x1x80xi32, #tpu.memory_space<hbm>>
      %dma_wait3A_274 = tpu.memref_squeeze %dma_wait3A_273 : memref<1x1x80xi32, #tpu.memory_space<hbm>> -> memref<80xi32, #tpu.memory_space<hbm>>
      tpu.wait_dma2 semaphore(%arg13 : memref<!tpu.dma_semaphore, #tpu.memory_space<semaphore_mem>>) src(%dma_wait3A_274 : memref<80xi32, #tpu.memory_space<hbm>>) dst(%dma_wait3A_271 : memref<80xi32, #tpu.memory_space<vmem>>)
      %dma_wait3A_275 = arith.constant 0 : i32
      %dma_wait3A_276 = arith.constant 0 : i32
      %dma_wait3A_277 = tpu.memref_slice %arg9[%dma_wait3A_275, %dma_wait3A_276] : memref<5x80xi32, #tpu.memory_space<vmem>> -> memref<1x80xi32, #tpu.memory_space<vmem>>
      %dma_wait3A_278 = tpu.memref_squeeze %dma_wait3A_277 : memref<1x80xi32, #tpu.memory_space<vmem>> -> memref<80xi32, #tpu.memory_space<vmem>>
      %dma_wait3A_279 = arith.constant 0 : i32
      %dma_wait3A_280 = tpu.memref_slice %arg5[%add3A, %add3A_34, %dma_wait3A_279] : memref<32x625x80xi32, #tpu.memory_space<hbm>> -> memref<1x1x80xi32, #tpu.memory_space<hbm>>
      %dma_wait3A_281 = tpu.memref_squeeze %dma_wait3A_280 : memref<1x1x80xi32, #tpu.memory_space<hbm>> -> memref<80xi32, #tpu.memory_space<hbm>>
      %dma_wait3A_282 = arith.constant 0 : i32
      %dma_wait3A_283 = tpu.memref_slice %arg9[%dma_wait3A_275, %dma_wait3A_282] : memref<5x80xi32, #tpu.memory_space<vmem>> -> memref<1x80xi32, #tpu.memory_space<vmem>>
      %dma_wait3A_284 = tpu.memref_squeeze %dma_wait3A_283 : memref<1x80xi32, #tpu.memory_space<vmem>> -> memref<80xi32, #tpu.memory_space<vmem>>
      %dma_wait3A_285 = arith.constant 0 : i32
      %dma_wait3A_286 = tpu.memref_slice %arg5[%add3A, %add3A_34, %dma_wait3A_285] : memref<32x625x80xi32, #tpu.memory_space<hbm>> -> memref<1x1x80xi32, #tpu.memory_space<hbm>>
      %dma_wait3A_287 = tpu.memref_squeeze %dma_wait3A_286 : memref<1x1x80xi32, #tpu.memory_space<hbm>> -> memref<80xi32, #tpu.memory_space<hbm>>
      tpu.wait_dma2 semaphore(%arg13 : memref<!tpu.dma_semaphore, #tpu.memory_space<semaphore_mem>>) src(%dma_wait3A_287 : memref<80xi32, #tpu.memory_space<hbm>>) dst(%dma_wait3A_284 : memref<80xi32, #tpu.memory_space<vmem>>)
      %dma_wait3A_288 = arith.constant 0 : i32
      %dma_wait3A_289 = arith.constant 0 : i32
      %dma_wait3A_290 = arith.constant 0 : i32
      %dma_wait3A_291 = tpu.memref_slice %arg10[%dma_wait3A_288, %dma_wait3A_289, %dma_wait3A_290] : memref<5x80x32xf32, #tpu.memory_space<vmem>> -> memref<1x80x32xf32, #tpu.memory_space<vmem>>
      %dma_wait3A_292 = tpu.memref_squeeze %dma_wait3A_291 : memref<1x80x32xf32, #tpu.memory_space<vmem>> -> memref<80x32xf32, #tpu.memory_space<vmem>>
      %dma_wait3A_293 = arith.constant 0 : i32
      %dma_wait3A_294 = arith.constant 0 : i32
      %dma_wait3A_295 = tpu.memref_slice %arg2[%add3A, %add3A_49, %dma_wait3A_293, %dma_wait3A_294] : memref<32x625x80x32xf32, #tpu.memory_space<hbm>> -> memref<1x1x80x32xf32, #tpu.memory_space<hbm>>
      %dma_wait3A_296 = tpu.memref_squeeze %dma_wait3A_295 : memref<1x1x80x32xf32, #tpu.memory_space<hbm>> -> memref<80x32xf32, #tpu.memory_space<hbm>>
      %dma_wait3A_297 = arith.constant 0 : i32
      %dma_wait3A_298 = arith.constant 0 : i32
      %dma_wait3A_299 = tpu.memref_slice %arg10[%dma_wait3A_288, %dma_wait3A_297, %dma_wait3A_298] : memref<5x80x32xf32, #tpu.memory_space<vmem>> -> memref<1x80x32xf32, #tpu.memory_space<vmem>>
      %dma_wait3A_300 = tpu.memref_squeeze %dma_wait3A_299 : memref<1x80x32xf32, #tpu.memory_space<vmem>> -> memref<80x32xf32, #tpu.memory_space<vmem>>
      %dma_wait3A_301 = arith.constant 0 : i32
      %dma_wait3A_302 = arith.constant 0 : i32
      %dma_wait3A_303 = tpu.memref_slice %arg2[%add3A, %add3A_49, %dma_wait3A_301, %dma_wait3A_302] : memref<32x625x80x32xf32, #tpu.memory_space<hbm>> -> memref<1x1x80x32xf32, #tpu.memory_space<hbm>>
      %dma_wait3A_304 = tpu.memref_squeeze %dma_wait3A_303 : memref<1x1x80x32xf32, #tpu.memory_space<hbm>> -> memref<80x32xf32, #tpu.memory_space<hbm>>
      tpu.wait_dma2 semaphore(%arg13 : memref<!tpu.dma_semaphore, #tpu.memory_space<semaphore_mem>>) src(%dma_wait3A_304 : memref<80x32xf32, #tpu.memory_space<hbm>>) dst(%dma_wait3A_300 : memref<80x32xf32, #tpu.memory_space<vmem>>)
      %dma_wait3A_305 = arith.constant 1 : i32
      %dma_wait3A_306 = arith.constant 0 : i32
      %dma_wait3A_307 = tpu.memref_slice %arg8[%dma_wait3A_305, %dma_wait3A_306] : memref<5x80xi32, #tpu.memory_space<vmem>> -> memref<1x80xi32, #tpu.memory_space<vmem>>
      %dma_wait3A_308 = tpu.memref_squeeze %dma_wait3A_307 : memref<1x80xi32, #tpu.memory_space<vmem>> -> memref<80xi32, #tpu.memory_space<vmem>>
      %dma_wait3A_309 = arith.constant 0 : i32
      %dma_wait3A_310 = tpu.memref_slice %arg4[%add3A, %add3A_68, %dma_wait3A_309] : memref<32x625x80xi32, #tpu.memory_space<hbm>> -> memref<1x1x80xi32, #tpu.memory_space<hbm>>
      %dma_wait3A_311 = tpu.memref_squeeze %dma_wait3A_310 : memref<1x1x80xi32, #tpu.memory_space<hbm>> -> memref<80xi32, #tpu.memory_space<hbm>>
      %dma_wait3A_312 = arith.constant 0 : i32
      %dma_wait3A_313 = tpu.memref_slice %arg8[%dma_wait3A_305, %dma_wait3A_312] : memref<5x80xi32, #tpu.memory_space<vmem>> -> memref<1x80xi32, #tpu.memory_space<vmem>>
      %dma_wait3A_314 = tpu.memref_squeeze %dma_wait3A_313 : memref<1x80xi32, #tpu.memory_space<vmem>> -> memref<80xi32, #tpu.memory_space<vmem>>
      %dma_wait3A_315 = arith.constant 0 : i32
      %dma_wait3A_316 = tpu.memref_slice %arg4[%add3A, %add3A_68, %dma_wait3A_315] : memref<32x625x80xi32, #tpu.memory_space<hbm>> -> memref<1x1x80xi32, #tpu.memory_space<hbm>>
      %dma_wait3A_317 = tpu.memref_squeeze %dma_wait3A_316 : memref<1x1x80xi32, #tpu.memory_space<hbm>> -> memref<80xi32, #tpu.memory_space<hbm>>
      tpu.wait_dma2 semaphore(%arg13 : memref<!tpu.dma_semaphore, #tpu.memory_space<semaphore_mem>>) src(%dma_wait3A_317 : memref<80xi32, #tpu.memory_space<hbm>>) dst(%dma_wait3A_314 : memref<80xi32, #tpu.memory_space<vmem>>)
      %dma_wait3A_318 = arith.constant 1 : i32
      %dma_wait3A_319 = arith.constant 0 : i32
      %dma_wait3A_320 = tpu.memref_slice %arg9[%dma_wait3A_318, %dma_wait3A_319] : memref<5x80xi32, #tpu.memory_space<vmem>> -> memref<1x80xi32, #tpu.memory_space<vmem>>
      %dma_wait3A_321 = tpu.memref_squeeze %dma_wait3A_320 : memref<1x80xi32, #tpu.memory_space<vmem>> -> memref<80xi32, #tpu.memory_space<vmem>>
      %dma_wait3A_322 = arith.constant 0 : i32
      %dma_wait3A_323 = tpu.memref_slice %arg5[%add3A, %add3A_83, %dma_wait3A_322] : memref<32x625x80xi32, #tpu.memory_space<hbm>> -> memref<1x1x80xi32, #tpu.memory_space<hbm>>
      %dma_wait3A_324 = tpu.memref_squeeze %dma_wait3A_323 : memref<1x1x80xi32, #tpu.memory_space<hbm>> -> memref<80xi32, #tpu.memory_space<hbm>>
      %dma_wait3A_325 = arith.constant 0 : i32
      %dma_wait3A_326 = tpu.memref_slice %arg9[%dma_wait3A_318, %dma_wait3A_325] : memref<5x80xi32, #tpu.memory_space<vmem>> -> memref<1x80xi32, #tpu.memory_space<vmem>>
      %dma_wait3A_327 = tpu.memref_squeeze %dma_wait3A_326 : memref<1x80xi32, #tpu.memory_space<vmem>> -> memref<80xi32, #tpu.memory_space<vmem>>
      %dma_wait3A_328 = arith.constant 0 : i32
      %dma_wait3A_329 = tpu.memref_slice %arg5[%add3A, %add3A_83, %dma_wait3A_328] : memref<32x625x80xi32, #tpu.memory_space<hbm>> -> memref<1x1x80xi32, #tpu.memory_space<hbm>>
      %dma_wait3A_330 = tpu.memref_squeeze %dma_wait3A_329 : memref<1x1x80xi32, #tpu.memory_space<hbm>> -> memref<80xi32, #tpu.memory_space<hbm>>
      tpu.wait_dma2 semaphore(%arg13 : memref<!tpu.dma_semaphore, #tpu.memory_space<semaphore_mem>>) src(%dma_wait3A_330 : memref<80xi32, #tpu.memory_space<hbm>>) dst(%dma_wait3A_327 : memref<80xi32, #tpu.memory_space<vmem>>)
      %dma_wait3A_331 = arith.constant 1 : i32
      %dma_wait3A_332 = arith.constant 0 : i32
      %dma_wait3A_333 = arith.constant 0 : i32
      %dma_wait3A_334 = tpu.memref_slice %arg10[%dma_wait3A_331, %dma_wait3A_332, %dma_wait3A_333] : memref<5x80x32xf32, #tpu.memory_space<vmem>> -> memref<1x80x32xf32, #tpu.memory_space<vmem>>
      %dma_wait3A_335 = tpu.memref_squeeze %dma_wait3A_334 : memref<1x80x32xf32, #tpu.memory_space<vmem>> -> memref<80x32xf32, #tpu.memory_space<vmem>>
      %dma_wait3A_336 = arith.constant 0 : i32
      %dma_wait3A_337 = arith.constant 0 : i32
      %dma_wait3A_338 = tpu.memref_slice %arg2[%add3A, %add3A_98, %dma_wait3A_336, %dma_wait3A_337] : memref<32x625x80x32xf32, #tpu.memory_space<hbm>> -> memref<1x1x80x32xf32, #tpu.memory_space<hbm>>
      %dma_wait3A_339 = tpu.memref_squeeze %dma_wait3A_338 : memref<1x1x80x32xf32, #tpu.memory_space<hbm>> -> memref<80x32xf32, #tpu.memory_space<hbm>>
      %dma_wait3A_340 = arith.constant 0 : i32
      %dma_wait3A_341 = arith.constant 0 : i32
      %dma_wait3A_342 = tpu.memref_slice %arg10[%dma_wait3A_331, %dma_wait3A_340, %dma_wait3A_341] : memref<5x80x32xf32, #tpu.memory_space<vmem>> -> memref<1x80x32xf32, #tpu.memory_space<vmem>>
      %dma_wait3A_343 = tpu.memref_squeeze %dma_wait3A_342 : memref<1x80x32xf32, #tpu.memory_space<vmem>> -> memref<80x32xf32, #tpu.memory_space<vmem>>
      %dma_wait3A_344 = arith.constant 0 : i32
      %dma_wait3A_345 = arith.constant 0 : i32
      %dma_wait3A_346 = tpu.memref_slice %arg2[%add3A, %add3A_98, %dma_wait3A_344, %dma_wait3A_345] : memref<32x625x80x32xf32, #tpu.memory_space<hbm>> -> memref<1x1x80x32xf32, #tpu.memory_space<hbm>>
      %dma_wait3A_347 = tpu.memref_squeeze %dma_wait3A_346 : memref<1x1x80x32xf32, #tpu.memory_space<hbm>> -> memref<80x32xf32, #tpu.memory_space<hbm>>
      tpu.wait_dma2 semaphore(%arg13 : memref<!tpu.dma_semaphore, #tpu.memory_space<semaphore_mem>>) src(%dma_wait3A_347 : memref<80x32xf32, #tpu.memory_space<hbm>>) dst(%dma_wait3A_343 : memref<80x32xf32, #tpu.memory_space<vmem>>)
      %dma_wait3A_348 = arith.constant 2 : i32
      %dma_wait3A_349 = arith.constant 0 : i32
      %dma_wait3A_350 = tpu.memref_slice %arg8[%dma_wait3A_348, %dma_wait3A_349] : memref<5x80xi32, #tpu.memory_space<vmem>> -> memref<1x80xi32, #tpu.memory_space<vmem>>
      %dma_wait3A_351 = tpu.memref_squeeze %dma_wait3A_350 : memref<1x80xi32, #tpu.memory_space<vmem>> -> memref<80xi32, #tpu.memory_space<vmem>>
      %dma_wait3A_352 = arith.constant 0 : i32
      %dma_wait3A_353 = tpu.memref_slice %arg4[%add3A, %add3A_117, %dma_wait3A_352] : memref<32x625x80xi32, #tpu.memory_space<hbm>> -> memref<1x1x80xi32, #tpu.memory_space<hbm>>
      %dma_wait3A_354 = tpu.memref_squeeze %dma_wait3A_353 : memref<1x1x80xi32, #tpu.memory_space<hbm>> -> memref<80xi32, #tpu.memory_space<hbm>>
      %dma_wait3A_355 = arith.constant 0 : i32
      %dma_wait3A_356 = tpu.memref_slice %arg8[%dma_wait3A_348, %dma_wait3A_355] : memref<5x80xi32, #tpu.memory_space<vmem>> -> memref<1x80xi32, #tpu.memory_space<vmem>>
      %dma_wait3A_357 = tpu.memref_squeeze %dma_wait3A_356 : memref<1x80xi32, #tpu.memory_space<vmem>> -> memref<80xi32, #tpu.memory_space<vmem>>
      %dma_wait3A_358 = arith.constant 0 : i32
      %dma_wait3A_359 = tpu.memref_slice %arg4[%add3A, %add3A_117, %dma_wait3A_358] : memref<32x625x80xi32, #tpu.memory_space<hbm>> -> memref<1x1x80xi32, #tpu.memory_space<hbm>>
      %dma_wait3A_360 = tpu.memref_squeeze %dma_wait3A_359 : memref<1x1x80xi32, #tpu.memory_space<hbm>> -> memref<80xi32, #tpu.memory_space<hbm>>
      tpu.wait_dma2 semaphore(%arg13 : memref<!tpu.dma_semaphore, #tpu.memory_space<semaphore_mem>>) src(%dma_wait3A_360 : memref<80xi32, #tpu.memory_space<hbm>>) dst(%dma_wait3A_357 : memref<80xi32, #tpu.memory_space<vmem>>)
      %dma_wait3A_361 = arith.constant 2 : i32
      %dma_wait3A_362 = arith.constant 0 : i32
      %dma_wait3A_363 = tpu.memref_slice %arg9[%dma_wait3A_361, %dma_wait3A_362] : memref<5x80xi32, #tpu.memory_space<vmem>> -> memref<1x80xi32, #tpu.memory_space<vmem>>
      %dma_wait3A_364 = tpu.memref_squeeze %dma_wait3A_363 : memref<1x80xi32, #tpu.memory_space<vmem>> -> memref<80xi32, #tpu.memory_space<vmem>>
      %dma_wait3A_365 = arith.constant 0 : i32
      %dma_wait3A_366 = tpu.memref_slice %arg5[%add3A, %add3A_132, %dma_wait3A_365] : memref<32x625x80xi32, #tpu.memory_space<hbm>> -> memref<1x1x80xi32, #tpu.memory_space<hbm>>
      %dma_wait3A_367 = tpu.memref_squeeze %dma_wait3A_366 : memref<1x1x80xi32, #tpu.memory_space<hbm>> -> memref<80xi32, #tpu.memory_space<hbm>>
      %dma_wait3A_368 = arith.constant 0 : i32
      %dma_wait3A_369 = tpu.memref_slice %arg9[%dma_wait3A_361, %dma_wait3A_368] : memref<5x80xi32, #tpu.memory_space<vmem>> -> memref<1x80xi32, #tpu.memory_space<vmem>>
      %dma_wait3A_370 = tpu.memref_squeeze %dma_wait3A_369 : memref<1x80xi32, #tpu.memory_space<vmem>> -> memref<80xi32, #tpu.memory_space<vmem>>
      %dma_wait3A_371 = arith.constant 0 : i32
      %dma_wait3A_372 = tpu.memref_slice %arg5[%add3A, %add3A_132, %dma_wait3A_371] : memref<32x625x80xi32, #tpu.memory_space<hbm>> -> memref<1x1x80xi32, #tpu.memory_space<hbm>>
      %dma_wait3A_373 = tpu.memref_squeeze %dma_wait3A_372 : memref<1x1x80xi32, #tpu.memory_space<hbm>> -> memref<80xi32, #tpu.memory_space<hbm>>
      tpu.wait_dma2 semaphore(%arg13 : memref<!tpu.dma_semaphore, #tpu.memory_space<semaphore_mem>>) src(%dma_wait3A_373 : memref<80xi32, #tpu.memory_space<hbm>>) dst(%dma_wait3A_370 : memref<80xi32, #tpu.memory_space<vmem>>)
      %dma_wait3A_374 = arith.constant 2 : i32
      %dma_wait3A_375 = arith.constant 0 : i32
      %dma_wait3A_376 = arith.constant 0 : i32
      %dma_wait3A_377 = tpu.memref_slice %arg10[%dma_wait3A_374, %dma_wait3A_375, %dma_wait3A_376] : memref<5x80x32xf32, #tpu.memory_space<vmem>> -> memref<1x80x32xf32, #tpu.memory_space<vmem>>
      %dma_wait3A_378 = tpu.memref_squeeze %dma_wait3A_377 : memref<1x80x32xf32, #tpu.memory_space<vmem>> -> memref<80x32xf32, #tpu.memory_space<vmem>>
      %dma_wait3A_379 = arith.constant 0 : i32
      %dma_wait3A_380 = arith.constant 0 : i32
      %dma_wait3A_381 = tpu.memref_slice %arg2[%add3A, %add3A_147, %dma_wait3A_379, %dma_wait3A_380] : memref<32x625x80x32xf32, #tpu.memory_space<hbm>> -> memref<1x1x80x32xf32, #tpu.memory_space<hbm>>
      %dma_wait3A_382 = tpu.memref_squeeze %dma_wait3A_381 : memref<1x1x80x32xf32, #tpu.memory_space<hbm>> -> memref<80x32xf32, #tpu.memory_space<hbm>>
      %dma_wait3A_383 = arith.constant 0 : i32
      %dma_wait3A_384 = arith.constant 0 : i32
      %dma_wait3A_385 = tpu.memref_slice %arg10[%dma_wait3A_374, %dma_wait3A_383, %dma_wait3A_384] : memref<5x80x32xf32, #tpu.memory_space<vmem>> -> memref<1x80x32xf32, #tpu.memory_space<vmem>>
      %dma_wait3A_386 = tpu.memref_squeeze %dma_wait3A_385 : memref<1x80x32xf32, #tpu.memory_space<vmem>> -> memref<80x32xf32, #tpu.memory_space<vmem>>
      %dma_wait3A_387 = arith.constant 0 : i32
      %dma_wait3A_388 = arith.constant 0 : i32
      %dma_wait3A_389 = tpu.memref_slice %arg2[%add3A, %add3A_147, %dma_wait3A_387, %dma_wait3A_388] : memref<32x625x80x32xf32, #tpu.memory_space<hbm>> -> memref<1x1x80x32xf32, #tpu.memory_space<hbm>>
      %dma_wait3A_390 = tpu.memref_squeeze %dma_wait3A_389 : memref<1x1x80x32xf32, #tpu.memory_space<hbm>> -> memref<80x32xf32, #tpu.memory_space<hbm>>
      tpu.wait_dma2 semaphore(%arg13 : memref<!tpu.dma_semaphore, #tpu.memory_space<semaphore_mem>>) src(%dma_wait3A_390 : memref<80x32xf32, #tpu.memory_space<hbm>>) dst(%dma_wait3A_386 : memref<80x32xf32, #tpu.memory_space<vmem>>)
      %dma_wait3A_391 = arith.constant 3 : i32
      %dma_wait3A_392 = arith.constant 0 : i32
      %dma_wait3A_393 = tpu.memref_slice %arg8[%dma_wait3A_391, %dma_wait3A_392] : memref<5x80xi32, #tpu.memory_space<vmem>> -> memref<1x80xi32, #tpu.memory_space<vmem>>
      %dma_wait3A_394 = tpu.memref_squeeze %dma_wait3A_393 : memref<1x80xi32, #tpu.memory_space<vmem>> -> memref<80xi32, #tpu.memory_space<vmem>>
      %dma_wait3A_395 = arith.constant 0 : i32
      %dma_wait3A_396 = tpu.memref_slice %arg4[%add3A, %add3A_166, %dma_wait3A_395] : memref<32x625x80xi32, #tpu.memory_space<hbm>> -> memref<1x1x80xi32, #tpu.memory_space<hbm>>
      %dma_wait3A_397 = tpu.memref_squeeze %dma_wait3A_396 : memref<1x1x80xi32, #tpu.memory_space<hbm>> -> memref<80xi32, #tpu.memory_space<hbm>>
      %dma_wait3A_398 = arith.constant 0 : i32
      %dma_wait3A_399 = tpu.memref_slice %arg8[%dma_wait3A_391, %dma_wait3A_398] : memref<5x80xi32, #tpu.memory_space<vmem>> -> memref<1x80xi32, #tpu.memory_space<vmem>>
      %dma_wait3A_400 = tpu.memref_squeeze %dma_wait3A_399 : memref<1x80xi32, #tpu.memory_space<vmem>> -> memref<80xi32, #tpu.memory_space<vmem>>
      %dma_wait3A_401 = arith.constant 0 : i32
      %dma_wait3A_402 = tpu.memref_slice %arg4[%add3A, %add3A_166, %dma_wait3A_401] : memref<32x625x80xi32, #tpu.memory_space<hbm>> -> memref<1x1x80xi32, #tpu.memory_space<hbm>>
      %dma_wait3A_403 = tpu.memref_squeeze %dma_wait3A_402 : memref<1x1x80xi32, #tpu.memory_space<hbm>> -> memref<80xi32, #tpu.memory_space<hbm>>
      tpu.wait_dma2 semaphore(%arg13 : memref<!tpu.dma_semaphore, #tpu.memory_space<semaphore_mem>>) src(%dma_wait3A_403 : memref<80xi32, #tpu.memory_space<hbm>>) dst(%dma_wait3A_400 : memref<80xi32, #tpu.memory_space<vmem>>)
      %dma_wait3A_404 = arith.constant 3 : i32
      %dma_wait3A_405 = arith.constant 0 : i32
      %dma_wait3A_406 = tpu.memref_slice %arg9[%dma_wait3A_404, %dma_wait3A_405] : memref<5x80xi32, #tpu.memory_space<vmem>> -> memref<1x80xi32, #tpu.memory_space<vmem>>
      %dma_wait3A_407 = tpu.memref_squeeze %dma_wait3A_406 : memref<1x80xi32, #tpu.memory_space<vmem>> -> memref<80xi32, #tpu.memory_space<vmem>>
      %dma_wait3A_408 = arith.constant 0 : i32
      %dma_wait3A_409 = tpu.memref_slice %arg5[%add3A, %add3A_181, %dma_wait3A_408] : memref<32x625x80xi32, #tpu.memory_space<hbm>> -> memref<1x1x80xi32, #tpu.memory_space<hbm>>
      %dma_wait3A_410 = tpu.memref_squeeze %dma_wait3A_409 : memref<1x1x80xi32, #tpu.memory_space<hbm>> -> memref<80xi32, #tpu.memory_space<hbm>>
      %dma_wait3A_411 = arith.constant 0 : i32
      %dma_wait3A_412 = tpu.memref_slice %arg9[%dma_wait3A_404, %dma_wait3A_411] : memref<5x80xi32, #tpu.memory_space<vmem>> -> memref<1x80xi32, #tpu.memory_space<vmem>>
      %dma_wait3A_413 = tpu.memref_squeeze %dma_wait3A_412 : memref<1x80xi32, #tpu.memory_space<vmem>> -> memref<80xi32, #tpu.memory_space<vmem>>
      %dma_wait3A_414 = arith.constant 0 : i32
      %dma_wait3A_415 = tpu.memref_slice %arg5[%add3A, %add3A_181, %dma_wait3A_414] : memref<32x625x80xi32, #tpu.memory_space<hbm>> -> memref<1x1x80xi32, #tpu.memory_space<hbm>>
      %dma_wait3A_416 = tpu.memref_squeeze %dma_wait3A_415 : memref<1x1x80xi32, #tpu.memory_space<hbm>> -> memref<80xi32, #tpu.memory_space<hbm>>
      tpu.wait_dma2 semaphore(%arg13 : memref<!tpu.dma_semaphore, #tpu.memory_space<semaphore_mem>>) src(%dma_wait3A_416 : memref<80xi32, #tpu.memory_space<hbm>>) dst(%dma_wait3A_413 : memref<80xi32, #tpu.memory_space<vmem>>)
      %dma_wait3A_417 = arith.constant 3 : i32
      %dma_wait3A_418 = arith.constant 0 : i32
      %dma_wait3A_419 = arith.constant 0 : i32
      %dma_wait3A_420 = tpu.memref_slice %arg10[%dma_wait3A_417, %dma_wait3A_418, %dma_wait3A_419] : memref<5x80x32xf32, #tpu.memory_space<vmem>> -> memref<1x80x32xf32, #tpu.memory_space<vmem>>
      %dma_wait3A_421 = tpu.memref_squeeze %dma_wait3A_420 : memref<1x80x32xf32, #tpu.memory_space<vmem>> -> memref<80x32xf32, #tpu.memory_space<vmem>>
      %dma_wait3A_422 = arith.constant 0 : i32
      %dma_wait3A_423 = arith.constant 0 : i32
      %dma_wait3A_424 = tpu.memref_slice %arg2[%add3A, %add3A_196, %dma_wait3A_422, %dma_wait3A_423] : memref<32x625x80x32xf32, #tpu.memory_space<hbm>> -> memref<1x1x80x32xf32, #tpu.memory_space<hbm>>
      %dma_wait3A_425 = tpu.memref_squeeze %dma_wait3A_424 : memref<1x1x80x32xf32, #tpu.memory_space<hbm>> -> memref<80x32xf32, #tpu.memory_space<hbm>>
      %dma_wait3A_426 = arith.constant 0 : i32
      %dma_wait3A_427 = arith.constant 0 : i32
      %dma_wait3A_428 = tpu.memref_slice %arg10[%dma_wait3A_417, %dma_wait3A_426, %dma_wait3A_427] : memref<5x80x32xf32, #tpu.memory_space<vmem>> -> memref<1x80x32xf32, #tpu.memory_space<vmem>>
      %dma_wait3A_429 = tpu.memref_squeeze %dma_wait3A_428 : memref<1x80x32xf32, #tpu.memory_space<vmem>> -> memref<80x32xf32, #tpu.memory_space<vmem>>
      %dma_wait3A_430 = arith.constant 0 : i32
      %dma_wait3A_431 = arith.constant 0 : i32
      %dma_wait3A_432 = tpu.memref_slice %arg2[%add3A, %add3A_196, %dma_wait3A_430, %dma_wait3A_431] : memref<32x625x80x32xf32, #tpu.memory_space<hbm>> -> memref<1x1x80x32xf32, #tpu.memory_space<hbm>>
      %dma_wait3A_433 = tpu.memref_squeeze %dma_wait3A_432 : memref<1x1x80x32xf32, #tpu.memory_space<hbm>> -> memref<80x32xf32, #tpu.memory_space<hbm>>
      tpu.wait_dma2 semaphore(%arg13 : memref<!tpu.dma_semaphore, #tpu.memory_space<semaphore_mem>>) src(%dma_wait3A_433 : memref<80x32xf32, #tpu.memory_space<hbm>>) dst(%dma_wait3A_429 : memref<80x32xf32, #tpu.memory_space<vmem>>)
      %dma_wait3A_434 = arith.constant 4 : i32
      %dma_wait3A_435 = arith.constant 0 : i32
      %dma_wait3A_436 = tpu.memref_slice %arg8[%dma_wait3A_434, %dma_wait3A_435] : memref<5x80xi32, #tpu.memory_space<vmem>> -> memref<1x80xi32, #tpu.memory_space<vmem>>
      %dma_wait3A_437 = tpu.memref_squeeze %dma_wait3A_436 : memref<1x80xi32, #tpu.memory_space<vmem>> -> memref<80xi32, #tpu.memory_space<vmem>>
      %dma_wait3A_438 = arith.constant 0 : i32
      %dma_wait3A_439 = tpu.memref_slice %arg4[%add3A, %add3A_215, %dma_wait3A_438] : memref<32x625x80xi32, #tpu.memory_space<hbm>> -> memref<1x1x80xi32, #tpu.memory_space<hbm>>
      %dma_wait3A_440 = tpu.memref_squeeze %dma_wait3A_439 : memref<1x1x80xi32, #tpu.memory_space<hbm>> -> memref<80xi32, #tpu.memory_space<hbm>>
      %dma_wait3A_441 = arith.constant 0 : i32
      %dma_wait3A_442 = tpu.memref_slice %arg8[%dma_wait3A_434, %dma_wait3A_441] : memref<5x80xi32, #tpu.memory_space<vmem>> -> memref<1x80xi32, #tpu.memory_space<vmem>>
      %dma_wait3A_443 = tpu.memref_squeeze %dma_wait3A_442 : memref<1x80xi32, #tpu.memory_space<vmem>> -> memref<80xi32, #tpu.memory_space<vmem>>
      %dma_wait3A_444 = arith.constant 0 : i32
      %dma_wait3A_445 = tpu.memref_slice %arg4[%add3A, %add3A_215, %dma_wait3A_444] : memref<32x625x80xi32, #tpu.memory_space<hbm>> -> memref<1x1x80xi32, #tpu.memory_space<hbm>>
      %dma_wait3A_446 = tpu.memref_squeeze %dma_wait3A_445 : memref<1x1x80xi32, #tpu.memory_space<hbm>> -> memref<80xi32, #tpu.memory_space<hbm>>
      tpu.wait_dma2 semaphore(%arg13 : memref<!tpu.dma_semaphore, #tpu.memory_space<semaphore_mem>>) src(%dma_wait3A_446 : memref<80xi32, #tpu.memory_space<hbm>>) dst(%dma_wait3A_443 : memref<80xi32, #tpu.memory_space<vmem>>)
      %dma_wait3A_447 = arith.constant 4 : i32
      %dma_wait3A_448 = arith.constant 0 : i32
      %dma_wait3A_449 = tpu.memref_slice %arg9[%dma_wait3A_447, %dma_wait3A_448] : memref<5x80xi32, #tpu.memory_space<vmem>> -> memref<1x80xi32, #tpu.memory_space<vmem>>
      %dma_wait3A_450 = tpu.memref_squeeze %dma_wait3A_449 : memref<1x80xi32, #tpu.memory_space<vmem>> -> memref<80xi32, #tpu.memory_space<vmem>>
      %dma_wait3A_451 = arith.constant 0 : i32
      %dma_wait3A_452 = tpu.memref_slice %arg5[%add3A, %add3A_230, %dma_wait3A_451] : memref<32x625x80xi32, #tpu.memory_space<hbm>> -> memref<1x1x80xi32, #tpu.memory_space<hbm>>
      %dma_wait3A_453 = tpu.memref_squeeze %dma_wait3A_452 : memref<1x1x80xi32, #tpu.memory_space<hbm>> -> memref<80xi32, #tpu.memory_space<hbm>>
      %dma_wait3A_454 = arith.constant 0 : i32
      %dma_wait3A_455 = tpu.memref_slice %arg9[%dma_wait3A_447, %dma_wait3A_454] : memref<5x80xi32, #tpu.memory_space<vmem>> -> memref<1x80xi32, #tpu.memory_space<vmem>>
      %dma_wait3A_456 = tpu.memref_squeeze %dma_wait3A_455 : memref<1x80xi32, #tpu.memory_space<vmem>> -> memref<80xi32, #tpu.memory_space<vmem>>
      %dma_wait3A_457 = arith.constant 0 : i32
      %dma_wait3A_458 = tpu.memref_slice %arg5[%add3A, %add3A_230, %dma_wait3A_457] : memref<32x625x80xi32, #tpu.memory_space<hbm>> -> memref<1x1x80xi32, #tpu.memory_space<hbm>>
      %dma_wait3A_459 = tpu.memref_squeeze %dma_wait3A_458 : memref<1x1x80xi32, #tpu.memory_space<hbm>> -> memref<80xi32, #tpu.memory_space<hbm>>
      tpu.wait_dma2 semaphore(%arg13 : memref<!tpu.dma_semaphore, #tpu.memory_space<semaphore_mem>>) src(%dma_wait3A_459 : memref<80xi32, #tpu.memory_space<hbm>>) dst(%dma_wait3A_456 : memref<80xi32, #tpu.memory_space<vmem>>)
      %dma_wait3A_460 = arith.constant 4 : i32
      %dma_wait3A_461 = arith.constant 0 : i32
      %dma_wait3A_462 = arith.constant 0 : i32
      %dma_wait3A_463 = tpu.memref_slice %arg10[%dma_wait3A_460, %dma_wait3A_461, %dma_wait3A_462] : memref<5x80x32xf32, #tpu.memory_space<vmem>> -> memref<1x80x32xf32, #tpu.memory_space<vmem>>
      %dma_wait3A_464 = tpu.memref_squeeze %dma_wait3A_463 : memref<1x80x32xf32, #tpu.memory_space<vmem>> -> memref<80x32xf32, #tpu.memory_space<vmem>>
      %dma_wait3A_465 = arith.constant 0 : i32
      %dma_wait3A_466 = arith.constant 0 : i32
      %dma_wait3A_467 = tpu.memref_slice %arg2[%add3A, %add3A_245, %dma_wait3A_465, %dma_wait3A_466] : memref<32x625x80x32xf32, #tpu.memory_space<hbm>> -> memref<1x1x80x32xf32, #tpu.memory_space<hbm>>
      %dma_wait3A_468 = tpu.memref_squeeze %dma_wait3A_467 : memref<1x1x80x32xf32, #tpu.memory_space<hbm>> -> memref<80x32xf32, #tpu.memory_space<hbm>>
      %dma_wait3A_469 = arith.constant 0 : i32
      %dma_wait3A_470 = arith.constant 0 : i32
      %dma_wait3A_471 = tpu.memref_slice %arg10[%dma_wait3A_460, %dma_wait3A_469, %dma_wait3A_470] : memref<5x80x32xf32, #tpu.memory_space<vmem>> -> memref<1x80x32xf32, #tpu.memory_space<vmem>>
      %dma_wait3A_472 = tpu.memref_squeeze %dma_wait3A_471 : memref<1x80x32xf32, #tpu.memory_space<vmem>> -> memref<80x32xf32, #tpu.memory_space<vmem>>
      %dma_wait3A_473 = arith.constant 0 : i32
      %dma_wait3A_474 = arith.constant 0 : i32
      %dma_wait3A_475 = tpu.memref_slice %arg2[%add3A, %add3A_245, %dma_wait3A_473, %dma_wait3A_474] : memref<32x625x80x32xf32, #tpu.memory_space<hbm>> -> memref<1x1x80x32xf32, #tpu.memory_space<hbm>>
      %dma_wait3A_476 = tpu.memref_squeeze %dma_wait3A_475 : memref<1x1x80x32xf32, #tpu.memory_space<hbm>> -> memref<80x32xf32, #tpu.memory_space<hbm>>
      tpu.wait_dma2 semaphore(%arg13 : memref<!tpu.dma_semaphore, #tpu.memory_space<semaphore_mem>>) src(%dma_wait3A_476 : memref<80x32xf32, #tpu.memory_space<hbm>>) dst(%dma_wait3A_472 : memref<80x32xf32, #tpu.memory_space<vmem>>)
      %dma_start3A_477 = arith.constant 0 : i32
      %dma_start3A_478 = arith.constant 0 : i32
      %dma_start3A_479 = arith.constant 0 : i32
      %dma_start3A_480 = arith.constant 0 : i32
      %dma_start3A_481 = tpu.memref_slice %arg11[%dma_start3A_478, %dma_start3A_479, %dma_start3A_480] : memref<5x80x32xf32, #tpu.memory_space<vmem>> -> memref<1x80x32xf32, #tpu.memory_space<vmem>>
      %dma_start3A_482 = tpu.memref_squeeze %dma_start3A_481 : memref<1x80x32xf32, #tpu.memory_space<vmem>> -> memref<80x32xf32, #tpu.memory_space<vmem>>
      %dma_start3A_483 = arith.constant 0 : i32
      %dma_start3A_484 = tpu.memref_slice %arg8[%dma_start3A_477, %dma_start3A_483] : memref<5x80xi32, #tpu.memory_space<vmem>> -> memref<1x80xi32, #tpu.memory_space<vmem>>
      %dma_start3A_485 = tpu.memref_squeeze %dma_start3A_484 : memref<1x80xi32, #tpu.memory_space<vmem>> -> memref<80xi32, #tpu.memory_space<vmem>>
      %dma_start3A_486 = arith.constant 0 : i32
      %dma_start3A_487 = arith.constant 0 : i32
      %dma_start3A_488 = tpu.memref_slice %arg3[%dma_start3A_486, %dma_start3A_487] : memref<50000x32xf32, #tpu.memory_space<hbm>> -> memref<50000x32xf32, #tpu.memory_space<hbm>>
      tpu.enqueue_indirect_dma source(%dma_start3A_488 : memref<50000x32xf32, #tpu.memory_space<hbm>>) target(%dma_start3A_482 : memref<80x32xf32, #tpu.memory_space<vmem>>) offsets(%dma_start3A_485 : memref<80xi32, #tpu.memory_space<vmem>>) semaphore(%arg14 : memref<!tpu.dma_semaphore, #tpu.memory_space<semaphore_mem>>)
      %dma_start3A_489 = arith.constant 1 : i32
      %dma_start3A_490 = arith.constant 1 : i32
      %dma_start3A_491 = arith.constant 0 : i32
      %dma_start3A_492 = arith.constant 0 : i32
      %dma_start3A_493 = tpu.memref_slice %arg11[%dma_start3A_490, %dma_start3A_491, %dma_start3A_492] : memref<5x80x32xf32, #tpu.memory_space<vmem>> -> memref<1x80x32xf32, #tpu.memory_space<vmem>>
      %dma_start3A_494 = tpu.memref_squeeze %dma_start3A_493 : memref<1x80x32xf32, #tpu.memory_space<vmem>> -> memref<80x32xf32, #tpu.memory_space<vmem>>
      %dma_start3A_495 = arith.constant 0 : i32
      %dma_start3A_496 = tpu.memref_slice %arg8[%dma_start3A_489, %dma_start3A_495] : memref<5x80xi32, #tpu.memory_space<vmem>> -> memref<1x80xi32, #tpu.memory_space<vmem>>
      %dma_start3A_497 = tpu.memref_squeeze %dma_start3A_496 : memref<1x80xi32, #tpu.memory_space<vmem>> -> memref<80xi32, #tpu.memory_space<vmem>>
      %dma_start3A_498 = arith.constant 0 : i32
      %dma_start3A_499 = arith.constant 0 : i32
      %dma_start3A_500 = tpu.memref_slice %arg3[%dma_start3A_498, %dma_start3A_499] : memref<50000x32xf32, #tpu.memory_space<hbm>> -> memref<50000x32xf32, #tpu.memory_space<hbm>>
      tpu.enqueue_indirect_dma source(%dma_start3A_500 : memref<50000x32xf32, #tpu.memory_space<hbm>>) target(%dma_start3A_494 : memref<80x32xf32, #tpu.memory_space<vmem>>) offsets(%dma_start3A_497 : memref<80xi32, #tpu.memory_space<vmem>>) semaphore(%arg14 : memref<!tpu.dma_semaphore, #tpu.memory_space<semaphore_mem>>)
      %dma_start3A_501 = arith.constant 2 : i32
      %dma_start3A_502 = arith.constant 2 : i32
      %dma_start3A_503 = arith.constant 0 : i32
      %dma_start3A_504 = arith.constant 0 : i32
      %dma_start3A_505 = tpu.memref_slice %arg11[%dma_start3A_502, %dma_start3A_503, %dma_start3A_504] : memref<5x80x32xf32, #tpu.memory_space<vmem>> -> memref<1x80x32xf32, #tpu.memory_space<vmem>>
      %dma_start3A_506 = tpu.memref_squeeze %dma_start3A_505 : memref<1x80x32xf32, #tpu.memory_space<vmem>> -> memref<80x32xf32, #tpu.memory_space<vmem>>
      %dma_start3A_507 = arith.constant 0 : i32
      %dma_start3A_508 = tpu.memref_slice %arg8[%dma_start3A_501, %dma_start3A_507] : memref<5x80xi32, #tpu.memory_space<vmem>> -> memref<1x80xi32, #tpu.memory_space<vmem>>
      %dma_start3A_509 = tpu.memref_squeeze %dma_start3A_508 : memref<1x80xi32, #tpu.memory_space<vmem>> -> memref<80xi32, #tpu.memory_space<vmem>>
      %dma_start3A_510 = arith.constant 0 : i32
      %dma_start3A_511 = arith.constant 0 : i32
      %dma_start3A_512 = tpu.memref_slice %arg3[%dma_start3A_510, %dma_start3A_511] : memref<50000x32xf32, #tpu.memory_space<hbm>> -> memref<50000x32xf32, #tpu.memory_space<hbm>>
      tpu.enqueue_indirect_dma source(%dma_start3A_512 : memref<50000x32xf32, #tpu.memory_space<hbm>>) target(%dma_start3A_506 : memref<80x32xf32, #tpu.memory_space<vmem>>) offsets(%dma_start3A_509 : memref<80xi32, #tpu.memory_space<vmem>>) semaphore(%arg14 : memref<!tpu.dma_semaphore, #tpu.memory_space<semaphore_mem>>)
      %dma_start3A_513 = arith.constant 3 : i32
      %dma_start3A_514 = arith.constant 3 : i32
      %dma_start3A_515 = arith.constant 0 : i32
      %dma_start3A_516 = arith.constant 0 : i32
      %dma_start3A_517 = tpu.memref_slice %arg11[%dma_start3A_514, %dma_start3A_515, %dma_start3A_516] : memref<5x80x32xf32, #tpu.memory_space<vmem>> -> memref<1x80x32xf32, #tpu.memory_space<vmem>>
      %dma_start3A_518 = tpu.memref_squeeze %dma_start3A_517 : memref<1x80x32xf32, #tpu.memory_space<vmem>> -> memref<80x32xf32, #tpu.memory_space<vmem>>
      %dma_start3A_519 = arith.constant 0 : i32
      %dma_start3A_520 = tpu.memref_slice %arg8[%dma_start3A_513, %dma_start3A_519] : memref<5x80xi32, #tpu.memory_space<vmem>> -> memref<1x80xi32, #tpu.memory_space<vmem>>
      %dma_start3A_521 = tpu.memref_squeeze %dma_start3A_520 : memref<1x80xi32, #tpu.memory_space<vmem>> -> memref<80xi32, #tpu.memory_space<vmem>>
      %dma_start3A_522 = arith.constant 0 : i32
      %dma_start3A_523 = arith.constant 0 : i32
      %dma_start3A_524 = tpu.memref_slice %arg3[%dma_start3A_522, %dma_start3A_523] : memref<50000x32xf32, #tpu.memory_space<hbm>> -> memref<50000x32xf32, #tpu.memory_space<hbm>>
      tpu.enqueue_indirect_dma source(%dma_start3A_524 : memref<50000x32xf32, #tpu.memory_space<hbm>>) target(%dma_start3A_518 : memref<80x32xf32, #tpu.memory_space<vmem>>) offsets(%dma_start3A_521 : memref<80xi32, #tpu.memory_space<vmem>>) semaphore(%arg14 : memref<!tpu.dma_semaphore, #tpu.memory_space<semaphore_mem>>)
      %dma_start3A_525 = arith.constant 4 : i32
      %dma_start3A_526 = arith.constant 4 : i32
      %dma_start3A_527 = arith.constant 0 : i32
      %dma_start3A_528 = arith.constant 0 : i32
      %dma_start3A_529 = tpu.memref_slice %arg11[%dma_start3A_526, %dma_start3A_527, %dma_start3A_528] : memref<5x80x32xf32, #tpu.memory_space<vmem>> -> memref<1x80x32xf32, #tpu.memory_space<vmem>>
      %dma_start3A_530 = tpu.memref_squeeze %dma_start3A_529 : memref<1x80x32xf32, #tpu.memory_space<vmem>> -> memref<80x32xf32, #tpu.memory_space<vmem>>
      %dma_start3A_531 = arith.constant 0 : i32
      %dma_start3A_532 = tpu.memref_slice %arg8[%dma_start3A_525, %dma_start3A_531] : memref<5x80xi32, #tpu.memory_space<vmem>> -> memref<1x80xi32, #tpu.memory_space<vmem>>
      %dma_start3A_533 = tpu.memref_squeeze %dma_start3A_532 : memref<1x80xi32, #tpu.memory_space<vmem>> -> memref<80xi32, #tpu.memory_space<vmem>>
      %dma_start3A_534 = arith.constant 0 : i32
      %dma_start3A_535 = arith.constant 0 : i32
      %dma_start3A_536 = tpu.memref_slice %arg3[%dma_start3A_534, %dma_start3A_535] : memref<50000x32xf32, #tpu.memory_space<hbm>> -> memref<50000x32xf32, #tpu.memory_space<hbm>>
      tpu.enqueue_indirect_dma source(%dma_start3A_536 : memref<50000x32xf32, #tpu.memory_space<hbm>>) target(%dma_start3A_530 : memref<80x32xf32, #tpu.memory_space<vmem>>) offsets(%dma_start3A_533 : memref<80xi32, #tpu.memory_space<vmem>>) semaphore(%arg14 : memref<!tpu.dma_semaphore, #tpu.memory_space<semaphore_mem>>)
      %dma_wait3A_537 = arith.constant 0 : i32
      %dma_wait3A_538 = arith.constant 0 : i32
      %dma_wait3A_539 = arith.constant 0 : i32
      %dma_wait3A_540 = arith.constant 0 : i32
      %dma_wait3A_541 = tpu.memref_slice %arg11[%dma_wait3A_538, %dma_wait3A_539, %dma_wait3A_540] : memref<5x80x32xf32, #tpu.memory_space<vmem>> -> memref<1x80x32xf32, #tpu.memory_space<vmem>>
      %dma_wait3A_542 = tpu.memref_squeeze %dma_wait3A_541 : memref<1x80x32xf32, #tpu.memory_space<vmem>> -> memref<80x32xf32, #tpu.memory_space<vmem>>
      %dma_wait3A_543 = arith.constant 0 : i32
      %dma_wait3A_544 = tpu.memref_slice %arg8[%dma_wait3A_537, %dma_wait3A_543] : memref<5x80xi32, #tpu.memory_space<vmem>> -> memref<1x80xi32, #tpu.memory_space<vmem>>
      %dma_wait3A_545 = tpu.memref_squeeze %dma_wait3A_544 : memref<1x80xi32, #tpu.memory_space<vmem>> -> memref<80xi32, #tpu.memory_space<vmem>>
      %dma_wait3A_546 = arith.constant 0 : i32
      %dma_wait3A_547 = arith.constant 0 : i32
      %dma_wait3A_548 = tpu.memref_slice %arg3[%dma_wait3A_546, %dma_wait3A_547] : memref<50000x32xf32, #tpu.memory_space<hbm>> -> memref<50000x32xf32, #tpu.memory_space<hbm>>
      tpu.wait_indirect_dma semaphore(%arg14 : memref<!tpu.dma_semaphore, #tpu.memory_space<semaphore_mem>>) src(%dma_wait3A_548 : memref<50000x32xf32, #tpu.memory_space<hbm>>) dst(%dma_wait3A_542 : memref<80x32xf32, #tpu.memory_space<vmem>>)
      %dma_wait3A_549 = arith.constant 1 : i32
      %dma_wait3A_550 = arith.constant 1 : i32
      %dma_wait3A_551 = arith.constant 0 : i32
      %dma_wait3A_552 = arith.constant 0 : i32
      %dma_wait3A_553 = tpu.memref_slice %arg11[%dma_wait3A_550, %dma_wait3A_551, %dma_wait3A_552] : memref<5x80x32xf32, #tpu.memory_space<vmem>> -> memref<1x80x32xf32, #tpu.memory_space<vmem>>
      %dma_wait3A_554 = tpu.memref_squeeze %dma_wait3A_553 : memref<1x80x32xf32, #tpu.memory_space<vmem>> -> memref<80x32xf32, #tpu.memory_space<vmem>>
      %dma_wait3A_555 = arith.constant 0 : i32
      %dma_wait3A_556 = tpu.memref_slice %arg8[%dma_wait3A_549, %dma_wait3A_555] : memref<5x80xi32, #tpu.memory_space<vmem>> -> memref<1x80xi32, #tpu.memory_space<vmem>>
      %dma_wait3A_557 = tpu.memref_squeeze %dma_wait3A_556 : memref<1x80xi32, #tpu.memory_space<vmem>> -> memref<80xi32, #tpu.memory_space<vmem>>
      %dma_wait3A_558 = arith.constant 0 : i32
      %dma_wait3A_559 = arith.constant 0 : i32
      %dma_wait3A_560 = tpu.memref_slice %arg3[%dma_wait3A_558, %dma_wait3A_559] : memref<50000x32xf32, #tpu.memory_space<hbm>> -> memref<50000x32xf32, #tpu.memory_space<hbm>>
      tpu.wait_indirect_dma semaphore(%arg14 : memref<!tpu.dma_semaphore, #tpu.memory_space<semaphore_mem>>) src(%dma_wait3A_560 : memref<50000x32xf32, #tpu.memory_space<hbm>>) dst(%dma_wait3A_554 : memref<80x32xf32, #tpu.memory_space<vmem>>)
      %dma_wait3A_561 = arith.constant 2 : i32
      %dma_wait3A_562 = arith.constant 2 : i32
      %dma_wait3A_563 = arith.constant 0 : i32
      %dma_wait3A_564 = arith.constant 0 : i32
      %dma_wait3A_565 = tpu.memref_slice %arg11[%dma_wait3A_562, %dma_wait3A_563, %dma_wait3A_564] : memref<5x80x32xf32, #tpu.memory_space<vmem>> -> memref<1x80x32xf32, #tpu.memory_space<vmem>>
      %dma_wait3A_566 = tpu.memref_squeeze %dma_wait3A_565 : memref<1x80x32xf32, #tpu.memory_space<vmem>> -> memref<80x32xf32, #tpu.memory_space<vmem>>
      %dma_wait3A_567 = arith.constant 0 : i32
      %dma_wait3A_568 = tpu.memref_slice %arg8[%dma_wait3A_561, %dma_wait3A_567] : memref<5x80xi32, #tpu.memory_space<vmem>> -> memref<1x80xi32, #tpu.memory_space<vmem>>
      %dma_wait3A_569 = tpu.memref_squeeze %dma_wait3A_568 : memref<1x80xi32, #tpu.memory_space<vmem>> -> memref<80xi32, #tpu.memory_space<vmem>>
      %dma_wait3A_570 = arith.constant 0 : i32
      %dma_wait3A_571 = arith.constant 0 : i32
      %dma_wait3A_572 = tpu.memref_slice %arg3[%dma_wait3A_570, %dma_wait3A_571] : memref<50000x32xf32, #tpu.memory_space<hbm>> -> memref<50000x32xf32, #tpu.memory_space<hbm>>
      tpu.wait_indirect_dma semaphore(%arg14 : memref<!tpu.dma_semaphore, #tpu.memory_space<semaphore_mem>>) src(%dma_wait3A_572 : memref<50000x32xf32, #tpu.memory_space<hbm>>) dst(%dma_wait3A_566 : memref<80x32xf32, #tpu.memory_space<vmem>>)
      %dma_wait3A_573 = arith.constant 3 : i32
      %dma_wait3A_574 = arith.constant 3 : i32
      %dma_wait3A_575 = arith.constant 0 : i32
      %dma_wait3A_576 = arith.constant 0 : i32
      %dma_wait3A_577 = tpu.memref_slice %arg11[%dma_wait3A_574, %dma_wait3A_575, %dma_wait3A_576] : memref<5x80x32xf32, #tpu.memory_space<vmem>> -> memref<1x80x32xf32, #tpu.memory_space<vmem>>
      %dma_wait3A_578 = tpu.memref_squeeze %dma_wait3A_577 : memref<1x80x32xf32, #tpu.memory_space<vmem>> -> memref<80x32xf32, #tpu.memory_space<vmem>>
      %dma_wait3A_579 = arith.constant 0 : i32
      %dma_wait3A_580 = tpu.memref_slice %arg8[%dma_wait3A_573, %dma_wait3A_579] : memref<5x80xi32, #tpu.memory_space<vmem>> -> memref<1x80xi32, #tpu.memory_space<vmem>>
      %dma_wait3A_581 = tpu.memref_squeeze %dma_wait3A_580 : memref<1x80xi32, #tpu.memory_space<vmem>> -> memref<80xi32, #tpu.memory_space<vmem>>
      %dma_wait3A_582 = arith.constant 0 : i32
      %dma_wait3A_583 = arith.constant 0 : i32
      %dma_wait3A_584 = tpu.memref_slice %arg3[%dma_wait3A_582, %dma_wait3A_583] : memref<50000x32xf32, #tpu.memory_space<hbm>> -> memref<50000x32xf32, #tpu.memory_space<hbm>>
      tpu.wait_indirect_dma semaphore(%arg14 : memref<!tpu.dma_semaphore, #tpu.memory_space<semaphore_mem>>) src(%dma_wait3A_584 : memref<50000x32xf32, #tpu.memory_space<hbm>>) dst(%dma_wait3A_578 : memref<80x32xf32, #tpu.memory_space<vmem>>)
      %dma_wait3A_585 = arith.constant 4 : i32
      %dma_wait3A_586 = arith.constant 4 : i32
      %dma_wait3A_587 = arith.constant 0 : i32
      %dma_wait3A_588 = arith.constant 0 : i32
      %dma_wait3A_589 = tpu.memref_slice %arg11[%dma_wait3A_586, %dma_wait3A_587, %dma_wait3A_588] : memref<5x80x32xf32, #tpu.memory_space<vmem>> -> memref<1x80x32xf32, #tpu.memory_space<vmem>>
      %dma_wait3A_590 = tpu.memref_squeeze %dma_wait3A_589 : memref<1x80x32xf32, #tpu.memory_space<vmem>> -> memref<80x32xf32, #tpu.memory_space<vmem>>
      %dma_wait3A_591 = arith.constant 0 : i32
      %dma_wait3A_592 = tpu.memref_slice %arg8[%dma_wait3A_585, %dma_wait3A_591] : memref<5x80xi32, #tpu.memory_space<vmem>> -> memref<1x80xi32, #tpu.memory_space<vmem>>
      %dma_wait3A_593 = tpu.memref_squeeze %dma_wait3A_592 : memref<1x80xi32, #tpu.memory_space<vmem>> -> memref<80xi32, #tpu.memory_space<vmem>>
      %dma_wait3A_594 = arith.constant 0 : i32
      %dma_wait3A_595 = arith.constant 0 : i32
      %dma_wait3A_596 = tpu.memref_slice %arg3[%dma_wait3A_594, %dma_wait3A_595] : memref<50000x32xf32, #tpu.memory_space<hbm>> -> memref<50000x32xf32, #tpu.memory_space<hbm>>
      tpu.wait_indirect_dma semaphore(%arg14 : memref<!tpu.dma_semaphore, #tpu.memory_space<semaphore_mem>>) src(%dma_wait3A_596 : memref<50000x32xf32, #tpu.memory_space<hbm>>) dst(%dma_wait3A_590 : memref<80x32xf32, #tpu.memory_space<vmem>>)
      %scan3A_597 = arith.constant 0 : i32
      %scan3A_598 = arith.constant 80 : i32
      %scan3A_599 = arith.addi %scan3A_597, %scan3A_598 : i32
      %scan3A_600 = arith.constant 1 : i32
      scf.for %scan3A_631 = %scan3A_597 to %scan3A_599 step %scan3A_600  : i32 {
        %mul3A_632 = arith.constant 1 : i32
        %mul3A_633 = arith.muli %scan3A_631, %mul3A_632 : i32
        %add3A_634 = arith.constant 0 : i32
        %add3A_635 = arith.addi %add3A_634, %mul3A_633 : i32
        %get3A = arith.constant 0 : i32
        %get3A_636 = arith.index_cast %get3A : i32 to index
        %get3A_637 = arith.index_cast %add3A_635 : i32 to index
        %get3A_638 = arith.constant 0 : index
        %get3A_639 = tpu.vector_load %arg10[%get3A_636, %get3A_637, %get3A_638] {strides = array<i32>} : memref<5x80x32xf32, #tpu.memory_space<vmem>>, vector<1x1x16xf32>,
        %get3A_640 = vector.shape_cast %get3A_639 : vector<1x1x16xf32> to vector<16xf32>
        %get3A_641 = arith.constant 0 : i32
        %get3A_642 = arith.index_cast %get3A_641 : i32 to index
        %get3A_643 = arith.index_cast %add3A_635 : i32 to index
        %get3A_644 = arith.constant 0 : index
        %get3A_645 = tpu.vector_load %arg11[%get3A_642, %get3A_643, %get3A_644] {strides = array<i32>} : memref<5x80x32xf32, #tpu.memory_space<vmem>>, vector<1x1x16xf32>,
        %get3A_646 = vector.shape_cast %get3A_645 : vector<1x1x16xf32> to vector<16xf32>
        %mul3A_647 = arith.mulf %get3A_640, %get3A_646 : vector<16xf32>
        %swap3A = arith.constant 0 : i32
        %swap3A_648 = arith.index_cast %swap3A : i32 to index
        %swap3A_649 = arith.index_cast %add3A_635 : i32 to index
        %swap3A_650 = arith.constant 0 : index
        %swap3A_651 = tpu.vector_load %arg10[%swap3A_648, %swap3A_649, %swap3A_650] {strides = array<i32>} : memref<5x80x32xf32, #tpu.memory_space<vmem>>, vector<1x1x16xf32>,
        %swap3A_652 = vector.shape_cast %swap3A_651 : vector<1x1x16xf32> to vector<16xf32>
        %swap3A_653 = vector.shape_cast %mul3A_647 : vector<16xf32> to vector<1x1x16xf32>
        tpu.vector_store %arg10[%swap3A_648, %swap3A_649, %swap3A_650], %swap3A_653 {strides = array<i32>} : memref<5x80x32xf32, #tpu.memory_space<vmem>>, vector<1x1x16xf32>,
        %get3A_654 = arith.constant 0 : i32
        %get3A_655 = arith.index_cast %get3A_654 : i32 to index
        %get3A_656 = arith.index_cast %add3A_635 : i32 to index
        %get3A_657 = arith.constant 16 : index
        %get3A_658 = tpu.vector_load %arg10[%get3A_655, %get3A_656, %get3A_657] {strides = array<i32>} : memref<5x80x32xf32, #tpu.memory_space<vmem>>, vector<1x1x16xf32>,
        %get3A_659 = vector.shape_cast %get3A_658 : vector<1x1x16xf32> to vector<16xf32>
        %get3A_660 = arith.constant 0 : i32
        %get3A_661 = arith.index_cast %get3A_660 : i32 to index
        %get3A_662 = arith.index_cast %add3A_635 : i32 to index
        %get3A_663 = arith.constant 16 : index
        %get3A_664 = tpu.vector_load %arg11[%get3A_661, %get3A_662, %get3A_663] {strides = array<i32>} : memref<5x80x32xf32, #tpu.memory_space<vmem>>, vector<1x1x16xf32>,
        %get3A_665 = vector.shape_cast %get3A_664 : vector<1x1x16xf32> to vector<16xf32>
        %mul3A_666 = arith.mulf %get3A_659, %get3A_665 : vector<16xf32>
        %swap3A_667 = arith.constant 0 : i32
        %swap3A_668 = arith.index_cast %swap3A_667 : i32 to index
        %swap3A_669 = arith.index_cast %add3A_635 : i32 to index
        %swap3A_670 = arith.constant 16 : index
        %swap3A_671 = tpu.vector_load %arg10[%swap3A_668, %swap3A_669, %swap3A_670] {strides = array<i32>} : memref<5x80x32xf32, #tpu.memory_space<vmem>>, vector<1x1x16xf32>,
        %swap3A_672 = vector.shape_cast %swap3A_671 : vector<1x1x16xf32> to vector<16xf32>
        %swap3A_673 = vector.shape_cast %mul3A_666 : vector<16xf32> to vector<1x1x16xf32>
        tpu.vector_store %arg10[%swap3A_668, %swap3A_669, %swap3A_670], %swap3A_673 {strides = array<i32>} : memref<5x80x32xf32, #tpu.memory_space<vmem>>, vector<1x1x16xf32>,
      }
      %scan3A_601 = arith.constant 80 : i32
      %scan3A_602 = arith.constant 0 : i32
      %scan3A_603 = arith.constant 80 : i32
      %scan3A_604 = arith.addi %scan3A_602, %scan3A_603 : i32
      %scan3A_605 = arith.constant 1 : i32
      scf.for %scan3A_631 = %scan3A_602 to %scan3A_604 step %scan3A_605  : i32 {
        %mul3A_632 = arith.constant 1 : i32
        %mul3A_633 = arith.muli %scan3A_631, %mul3A_632 : i32
        %add3A_634 = arith.constant 0 : i32
        %add3A_635 = arith.addi %add3A_634, %mul3A_633 : i32
        %get3A = arith.constant 1 : i32
        %get3A_636 = arith.index_cast %get3A : i32 to index
        %get3A_637 = arith.index_cast %add3A_635 : i32 to index
        %get3A_638 = arith.constant 0 : index
        %get3A_639 = tpu.vector_load %arg10[%get3A_636, %get3A_637, %get3A_638] {strides = array<i32>} : memref<5x80x32xf32, #tpu.memory_space<vmem>>, vector<1x1x16xf32>,
        %get3A_640 = vector.shape_cast %get3A_639 : vector<1x1x16xf32> to vector<16xf32>
        %get3A_641 = arith.constant 1 : i32
        %get3A_642 = arith.index_cast %get3A_641 : i32 to index
        %get3A_643 = arith.index_cast %add3A_635 : i32 to index
        %get3A_644 = arith.constant 0 : index
        %get3A_645 = tpu.vector_load %arg11[%get3A_642, %get3A_643, %get3A_644] {strides = array<i32>} : memref<5x80x32xf32, #tpu.memory_space<vmem>>, vector<1x1x16xf32>,
        %get3A_646 = vector.shape_cast %get3A_645 : vector<1x1x16xf32> to vector<16xf32>
        %mul3A_647 = arith.mulf %get3A_640, %get3A_646 : vector<16xf32>
        %swap3A = arith.constant 1 : i32
        %swap3A_648 = arith.index_cast %swap3A : i32 to index
        %swap3A_649 = arith.index_cast %add3A_635 : i32 to index
        %swap3A_650 = arith.constant 0 : index
        %swap3A_651 = tpu.vector_load %arg10[%swap3A_648, %swap3A_649, %swap3A_650] {strides = array<i32>} : memref<5x80x32xf32, #tpu.memory_space<vmem>>, vector<1x1x16xf32>,
        %swap3A_652 = vector.shape_cast %swap3A_651 : vector<1x1x16xf32> to vector<16xf32>
        %swap3A_653 = vector.shape_cast %mul3A_647 : vector<16xf32> to vector<1x1x16xf32>
        tpu.vector_store %arg10[%swap3A_648, %swap3A_649, %swap3A_650], %swap3A_653 {strides = array<i32>} : memref<5x80x32xf32, #tpu.memory_space<vmem>>, vector<1x1x16xf32>,
        %get3A_654 = arith.constant 1 : i32
        %get3A_655 = arith.index_cast %get3A_654 : i32 to index
        %get3A_656 = arith.index_cast %add3A_635 : i32 to index
        %get3A_657 = arith.constant 16 : index
        %get3A_658 = tpu.vector_load %arg10[%get3A_655, %get3A_656, %get3A_657] {strides = array<i32>} : memref<5x80x32xf32, #tpu.memory_space<vmem>>, vector<1x1x16xf32>,
        %get3A_659 = vector.shape_cast %get3A_658 : vector<1x1x16xf32> to vector<16xf32>
        %get3A_660 = arith.constant 1 : i32
        %get3A_661 = arith.index_cast %get3A_660 : i32 to index
        %get3A_662 = arith.index_cast %add3A_635 : i32 to index
        %get3A_663 = arith.constant 16 : index
        %get3A_664 = tpu.vector_load %arg11[%get3A_661, %get3A_662, %get3A_663] {strides = array<i32>} : memref<5x80x32xf32, #tpu.memory_space<vmem>>, vector<1x1x16xf32>,
        %get3A_665 = vector.shape_cast %get3A_664 : vector<1x1x16xf32> to vector<16xf32>
        %mul3A_666 = arith.mulf %get3A_659, %get3A_665 : vector<16xf32>
        %swap3A_667 = arith.constant 1 : i32
        %swap3A_668 = arith.index_cast %swap3A_667 : i32 to index
        %swap3A_669 = arith.index_cast %add3A_635 : i32 to index
        %swap3A_670 = arith.constant 16 : index
        %swap3A_671 = tpu.vector_load %arg10[%swap3A_668, %swap3A_669, %swap3A_670] {strides = array<i32>} : memref<5x80x32xf32, #tpu.memory_space<vmem>>, vector<1x1x16xf32>,
        %swap3A_672 = vector.shape_cast %swap3A_671 : vector<1x1x16xf32> to vector<16xf32>
        %swap3A_673 = vector.shape_cast %mul3A_666 : vector<16xf32> to vector<1x1x16xf32>
        tpu.vector_store %arg10[%swap3A_668, %swap3A_669, %swap3A_670], %swap3A_673 {strides = array<i32>} : memref<5x80x32xf32, #tpu.memory_space<vmem>>, vector<1x1x16xf32>,
      }
      %scan3A_606 = arith.constant 80 : i32
      %scan3A_607 = arith.constant 0 : i32
      %scan3A_608 = arith.constant 80 : i32
      %scan3A_609 = arith.addi %scan3A_607, %scan3A_608 : i32
      %scan3A_610 = arith.constant 1 : i32
      scf.for %scan3A_631 = %scan3A_607 to %scan3A_609 step %scan3A_610  : i32 {
        %mul3A_632 = arith.constant 1 : i32
        %mul3A_633 = arith.muli %scan3A_631, %mul3A_632 : i32
        %add3A_634 = arith.constant 0 : i32
        %add3A_635 = arith.addi %add3A_634, %mul3A_633 : i32
        %get3A = arith.constant 2 : i32
        %get3A_636 = arith.index_cast %get3A : i32 to index
        %get3A_637 = arith.index_cast %add3A_635 : i32 to index
        %get3A_638 = arith.constant 0 : index
        %get3A_639 = tpu.vector_load %arg10[%get3A_636, %get3A_637, %get3A_638] {strides = array<i32>} : memref<5x80x32xf32, #tpu.memory_space<vmem>>, vector<1x1x16xf32>,
        %get3A_640 = vector.shape_cast %get3A_639 : vector<1x1x16xf32> to vector<16xf32>
        %get3A_641 = arith.constant 2 : i32
        %get3A_642 = arith.index_cast %get3A_641 : i32 to index
        %get3A_643 = arith.index_cast %add3A_635 : i32 to index
        %get3A_644 = arith.constant 0 : index
        %get3A_645 = tpu.vector_load %arg11[%get3A_642, %get3A_643, %get3A_644] {strides = array<i32>} : memref<5x80x32xf32, #tpu.memory_space<vmem>>, vector<1x1x16xf32>,
        %get3A_646 = vector.shape_cast %get3A_645 : vector<1x1x16xf32> to vector<16xf32>
        %mul3A_647 = arith.mulf %get3A_640, %get3A_646 : vector<16xf32>
        %swap3A = arith.constant 2 : i32
        %swap3A_648 = arith.index_cast %swap3A : i32 to index
        %swap3A_649 = arith.index_cast %add3A_635 : i32 to index
        %swap3A_650 = arith.constant 0 : index
        %swap3A_651 = tpu.vector_load %arg10[%swap3A_648, %swap3A_649, %swap3A_650] {strides = array<i32>} : memref<5x80x32xf32, #tpu.memory_space<vmem>>, vector<1x1x16xf32>,
        %swap3A_652 = vector.shape_cast %swap3A_651 : vector<1x1x16xf32> to vector<16xf32>
        %swap3A_653 = vector.shape_cast %mul3A_647 : vector<16xf32> to vector<1x1x16xf32>
        tpu.vector_store %arg10[%swap3A_648, %swap3A_649, %swap3A_650], %swap3A_653 {strides = array<i32>} : memref<5x80x32xf32, #tpu.memory_space<vmem>>, vector<1x1x16xf32>,
        %get3A_654 = arith.constant 2 : i32
        %get3A_655 = arith.index_cast %get3A_654 : i32 to index
        %get3A_656 = arith.index_cast %add3A_635 : i32 to index
        %get3A_657 = arith.constant 16 : index
        %get3A_658 = tpu.vector_load %arg10[%get3A_655, %get3A_656, %get3A_657] {strides = array<i32>} : memref<5x80x32xf32, #tpu.memory_space<vmem>>, vector<1x1x16xf32>,
        %get3A_659 = vector.shape_cast %get3A_658 : vector<1x1x16xf32> to vector<16xf32>
        %get3A_660 = arith.constant 2 : i32
        %get3A_661 = arith.index_cast %get3A_660 : i32 to index
        %get3A_662 = arith.index_cast %add3A_635 : i32 to index
        %get3A_663 = arith.constant 16 : index
        %get3A_664 = tpu.vector_load %arg11[%get3A_661, %get3A_662, %get3A_663] {strides = array<i32>} : memref<5x80x32xf32, #tpu.memory_space<vmem>>, vector<1x1x16xf32>,
        %get3A_665 = vector.shape_cast %get3A_664 : vector<1x1x16xf32> to vector<16xf32>
        %mul3A_666 = arith.mulf %get3A_659, %get3A_665 : vector<16xf32>
        %swap3A_667 = arith.constant 2 : i32
        %swap3A_668 = arith.index_cast %swap3A_667 : i32 to index
        %swap3A_669 = arith.index_cast %add3A_635 : i32 to index
        %swap3A_670 = arith.constant 16 : index
        %swap3A_671 = tpu.vector_load %arg10[%swap3A_668, %swap3A_669, %swap3A_670] {strides = array<i32>} : memref<5x80x32xf32, #tpu.memory_space<vmem>>, vector<1x1x16xf32>,
        %swap3A_672 = vector.shape_cast %swap3A_671 : vector<1x1x16xf32> to vector<16xf32>
        %swap3A_673 = vector.shape_cast %mul3A_666 : vector<16xf32> to vector<1x1x16xf32>
        tpu.vector_store %arg10[%swap3A_668, %swap3A_669, %swap3A_670], %swap3A_673 {strides = array<i32>} : memref<5x80x32xf32, #tpu.memory_space<vmem>>, vector<1x1x16xf32>,
      }
      %scan3A_611 = arith.constant 80 : i32
      %scan3A_612 = arith.constant 0 : i32
      %scan3A_613 = arith.constant 80 : i32
      %scan3A_614 = arith.addi %scan3A_612, %scan3A_613 : i32
      %scan3A_615 = arith.constant 1 : i32
      scf.for %scan3A_631 = %scan3A_612 to %scan3A_614 step %scan3A_615  : i32 {
        %mul3A_632 = arith.constant 1 : i32
        %mul3A_633 = arith.muli %scan3A_631, %mul3A_632 : i32
        %add3A_634 = arith.constant 0 : i32
        %add3A_635 = arith.addi %add3A_634, %mul3A_633 : i32
        %get3A = arith.constant 3 : i32
        %get3A_636 = arith.index_cast %get3A : i32 to index
        %get3A_637 = arith.index_cast %add3A_635 : i32 to index
        %get3A_638 = arith.constant 0 : index
        %get3A_639 = tpu.vector_load %arg10[%get3A_636, %get3A_637, %get3A_638] {strides = array<i32>} : memref<5x80x32xf32, #tpu.memory_space<vmem>>, vector<1x1x16xf32>,
        %get3A_640 = vector.shape_cast %get3A_639 : vector<1x1x16xf32> to vector<16xf32>
        %get3A_641 = arith.constant 3 : i32
        %get3A_642 = arith.index_cast %get3A_641 : i32 to index
        %get3A_643 = arith.index_cast %add3A_635 : i32 to index
        %get3A_644 = arith.constant 0 : index
        %get3A_645 = tpu.vector_load %arg11[%get3A_642, %get3A_643, %get3A_644] {strides = array<i32>} : memref<5x80x32xf32, #tpu.memory_space<vmem>>, vector<1x1x16xf32>,
        %get3A_646 = vector.shape_cast %get3A_645 : vector<1x1x16xf32> to vector<16xf32>
        %mul3A_647 = arith.mulf %get3A_640, %get3A_646 : vector<16xf32>
        %swap3A = arith.constant 3 : i32
        %swap3A_648 = arith.index_cast %swap3A : i32 to index
        %swap3A_649 = arith.index_cast %add3A_635 : i32 to index
        %swap3A_650 = arith.constant 0 : index
        %swap3A_651 = tpu.vector_load %arg10[%swap3A_648, %swap3A_649, %swap3A_650] {strides = array<i32>} : memref<5x80x32xf32, #tpu.memory_space<vmem>>, vector<1x1x16xf32>,
        %swap3A_652 = vector.shape_cast %swap3A_651 : vector<1x1x16xf32> to vector<16xf32>
        %swap3A_653 = vector.shape_cast %mul3A_647 : vector<16xf32> to vector<1x1x16xf32>
        tpu.vector_store %arg10[%swap3A_648, %swap3A_649, %swap3A_650], %swap3A_653 {strides = array<i32>} : memref<5x80x32xf32, #tpu.memory_space<vmem>>, vector<1x1x16xf32>,
        %get3A_654 = arith.constant 3 : i32
        %get3A_655 = arith.index_cast %get3A_654 : i32 to index
        %get3A_656 = arith.index_cast %add3A_635 : i32 to index
        %get3A_657 = arith.constant 16 : index
        %get3A_658 = tpu.vector_load %arg10[%get3A_655, %get3A_656, %get3A_657] {strides = array<i32>} : memref<5x80x32xf32, #tpu.memory_space<vmem>>, vector<1x1x16xf32>,
        %get3A_659 = vector.shape_cast %get3A_658 : vector<1x1x16xf32> to vector<16xf32>
        %get3A_660 = arith.constant 3 : i32
        %get3A_661 = arith.index_cast %get3A_660 : i32 to index
        %get3A_662 = arith.index_cast %add3A_635 : i32 to index
        %get3A_663 = arith.constant 16 : index
        %get3A_664 = tpu.vector_load %arg11[%get3A_661, %get3A_662, %get3A_663] {strides = array<i32>} : memref<5x80x32xf32, #tpu.memory_space<vmem>>, vector<1x1x16xf32>,
        %get3A_665 = vector.shape_cast %get3A_664 : vector<1x1x16xf32> to vector<16xf32>
        %mul3A_666 = arith.mulf %get3A_659, %get3A_665 : vector<16xf32>
        %swap3A_667 = arith.constant 3 : i32
        %swap3A_668 = arith.index_cast %swap3A_667 : i32 to index
        %swap3A_669 = arith.index_cast %add3A_635 : i32 to index
        %swap3A_670 = arith.constant 16 : index
        %swap3A_671 = tpu.vector_load %arg10[%swap3A_668, %swap3A_669, %swap3A_670] {strides = array<i32>} : memref<5x80x32xf32, #tpu.memory_space<vmem>>, vector<1x1x16xf32>,
        %swap3A_672 = vector.shape_cast %swap3A_671 : vector<1x1x16xf32> to vector<16xf32>
        %swap3A_673 = vector.shape_cast %mul3A_666 : vector<16xf32> to vector<1x1x16xf32>
        tpu.vector_store %arg10[%swap3A_668, %swap3A_669, %swap3A_670], %swap3A_673 {strides = array<i32>} : memref<5x80x32xf32, #tpu.memory_space<vmem>>, vector<1x1x16xf32>,
      }
      %scan3A_616 = arith.constant 80 : i32
      %scan3A_617 = arith.constant 0 : i32
      %scan3A_618 = arith.constant 80 : i32
      %scan3A_619 = arith.addi %scan3A_617, %scan3A_618 : i32
      %scan3A_620 = arith.constant 1 : i32
      scf.for %scan3A_631 = %scan3A_617 to %scan3A_619 step %scan3A_620  : i32 {
        %mul3A_632 = arith.constant 1 : i32
        %mul3A_633 = arith.muli %scan3A_631, %mul3A_632 : i32
        %add3A_634 = arith.constant 0 : i32
        %add3A_635 = arith.addi %add3A_634, %mul3A_633 : i32
        %get3A = arith.constant 4 : i32
        %get3A_636 = arith.index_cast %get3A : i32 to index
        %get3A_637 = arith.index_cast %add3A_635 : i32 to index
        %get3A_638 = arith.constant 0 : index
        %get3A_639 = tpu.vector_load %arg10[%get3A_636, %get3A_637, %get3A_638] {strides = array<i32>} : memref<5x80x32xf32, #tpu.memory_space<vmem>>, vector<1x1x16xf32>,
        %get3A_640 = vector.shape_cast %get3A_639 : vector<1x1x16xf32> to vector<16xf32>
        %get3A_641 = arith.constant 4 : i32
        %get3A_642 = arith.index_cast %get3A_641 : i32 to index
        %get3A_643 = arith.index_cast %add3A_635 : i32 to index
        %get3A_644 = arith.constant 0 : index
        %get3A_645 = tpu.vector_load %arg11[%get3A_642, %get3A_643, %get3A_644] {strides = array<i32>} : memref<5x80x32xf32, #tpu.memory_space<vmem>>, vector<1x1x16xf32>,
        %get3A_646 = vector.shape_cast %get3A_645 : vector<1x1x16xf32> to vector<16xf32>
        %mul3A_647 = arith.mulf %get3A_640, %get3A_646 : vector<16xf32>
        %swap3A = arith.constant 4 : i32
        %swap3A_648 = arith.index_cast %swap3A : i32 to index
        %swap3A_649 = arith.index_cast %add3A_635 : i32 to index
        %swap3A_650 = arith.constant 0 : index
        %swap3A_651 = tpu.vector_load %arg10[%swap3A_648, %swap3A_649, %swap3A_650] {strides = array<i32>} : memref<5x80x32xf32, #tpu.memory_space<vmem>>, vector<1x1x16xf32>,
        %swap3A_652 = vector.shape_cast %swap3A_651 : vector<1x1x16xf32> to vector<16xf32>
        %swap3A_653 = vector.shape_cast %mul3A_647 : vector<16xf32> to vector<1x1x16xf32>
        tpu.vector_store %arg10[%swap3A_648, %swap3A_649, %swap3A_650], %swap3A_653 {strides = array<i32>} : memref<5x80x32xf32, #tpu.memory_space<vmem>>, vector<1x1x16xf32>,
        %get3A_654 = arith.constant 4 : i32
        %get3A_655 = arith.index_cast %get3A_654 : i32 to index
        %get3A_656 = arith.index_cast %add3A_635 : i32 to index
        %get3A_657 = arith.constant 16 : index
        %get3A_658 = tpu.vector_load %arg10[%get3A_655, %get3A_656, %get3A_657] {strides = array<i32>} : memref<5x80x32xf32, #tpu.memory_space<vmem>>, vector<1x1x16xf32>,
        %get3A_659 = vector.shape_cast %get3A_658 : vector<1x1x16xf32> to vector<16xf32>
        %get3A_660 = arith.constant 4 : i32
        %get3A_661 = arith.index_cast %get3A_660 : i32 to index
        %get3A_662 = arith.index_cast %add3A_635 : i32 to index
        %get3A_663 = arith.constant 16 : index
        %get3A_664 = tpu.vector_load %arg11[%get3A_661, %get3A_662, %get3A_663] {strides = array<i32>} : memref<5x80x32xf32, #tpu.memory_space<vmem>>, vector<1x1x16xf32>,
        %get3A_665 = vector.shape_cast %get3A_664 : vector<1x1x16xf32> to vector<16xf32>
        %mul3A_666 = arith.mulf %get3A_659, %get3A_665 : vector<16xf32>
        %swap3A_667 = arith.constant 4 : i32
        %swap3A_668 = arith.index_cast %swap3A_667 : i32 to index
        %swap3A_669 = arith.index_cast %add3A_635 : i32 to index
        %swap3A_670 = arith.constant 16 : index
        %swap3A_671 = tpu.vector_load %arg10[%swap3A_668, %swap3A_669, %swap3A_670] {strides = array<i32>} : memref<5x80x32xf32, #tpu.memory_space<vmem>>, vector<1x1x16xf32>,
        %swap3A_672 = vector.shape_cast %swap3A_671 : vector<1x1x16xf32> to vector<16xf32>
        %swap3A_673 = vector.shape_cast %mul3A_666 : vector<16xf32> to vector<1x1x16xf32>
        tpu.vector_store %arg10[%swap3A_668, %swap3A_669, %swap3A_670], %swap3A_673 {strides = array<i32>} : memref<5x80x32xf32, #tpu.memory_space<vmem>>, vector<1x1x16xf32>,
      }
      %scan3A_621 = arith.constant 80 : i32
      %run_scoped3A = arith.constant 0 : i32
      %run_scoped3A_622 = arith.constant 0 : i32
      "tpu.region"() ({
        %run_scoped3A_631 = tpu.sem_alloc : memref<!tpu.dma_semaphore, #tpu.memory_space<semaphore_mem>>
        %dma_start3A_632 = arith.constant 0 : i32
        %dma_start3A_633 = arith.constant 0 : i32
        %dma_start3A_634 = tpu.memref_slice %arg10[%run_scoped3A, %dma_start3A_632, %dma_start3A_633] : memref<5x80x32xf32, #tpu.memory_space<vmem>> -> memref<1x80x32xf32, #tpu.memory_space<vmem>>
        %dma_start3A_635 = tpu.memref_squeeze %dma_start3A_634 : memref<1x80x32xf32, #tpu.memory_space<vmem>> -> memref<80x32xf32, #tpu.memory_space<vmem>>
        %dma_start3A_636 = arith.constant 0 : i32
        %dma_start3A_637 = tpu.memref_slice %arg9[%run_scoped3A_622, %dma_start3A_636] : memref<5x80xi32, #tpu.memory_space<vmem>> -> memref<1x80xi32, #tpu.memory_space<vmem>>
        %dma_start3A_638 = tpu.memref_squeeze %dma_start3A_637 : memref<1x80xi32, #tpu.memory_space<vmem>> -> memref<80xi32, #tpu.memory_space<vmem>>
        %dma_start3A_639 = arith.constant 0 : i32
        %dma_start3A_640 = arith.constant 0 : i32
        %dma_start3A_641 = tpu.memref_slice %arg12[%dma_start3A_639, %dma_start3A_640] : memref<50000x32xf32, #tpu.memory_space<vmem_shared>> -> memref<50000x32xf32, #tpu.memory_space<vmem_shared>>
        tpu.enqueue_indirect_dma source(%dma_start3A_635 : memref<80x32xf32, #tpu.memory_space<vmem>>) target(%dma_start3A_641 : memref<50000x32xf32, #tpu.memory_space<vmem_shared>>) offsets(%dma_start3A_638 : memref<80xi32, #tpu.memory_space<vmem>>) semaphore(%run_scoped3A_631 : memref<!tpu.dma_semaphore, #tpu.memory_space<semaphore_mem>>) {add = true}
        %dma_wait3A_642 = arith.constant 0 : i32
        %dma_wait3A_643 = arith.constant 0 : i32
        %dma_wait3A_644 = tpu.memref_slice %arg10[%run_scoped3A, %dma_wait3A_642, %dma_wait3A_643] : memref<5x80x32xf32, #tpu.memory_space<vmem>> -> memref<1x80x32xf32, #tpu.memory_space<vmem>>
        %dma_wait3A_645 = tpu.memref_squeeze %dma_wait3A_644 : memref<1x80x32xf32, #tpu.memory_space<vmem>> -> memref<80x32xf32, #tpu.memory_space<vmem>>
        %dma_wait3A_646 = arith.constant 0 : i32
        %dma_wait3A_647 = tpu.memref_slice %arg9[%run_scoped3A_622, %dma_wait3A_646] : memref<5x80xi32, #tpu.memory_space<vmem>> -> memref<1x80xi32, #tpu.memory_space<vmem>>
        %dma_wait3A_648 = tpu.memref_squeeze %dma_wait3A_647 : memref<1x80xi32, #tpu.memory_space<vmem>> -> memref<80xi32, #tpu.memory_space<vmem>>
        %dma_wait3A_649 = arith.constant 0 : i32
        %dma_wait3A_650 = arith.constant 0 : i32
        %dma_wait3A_651 = tpu.memref_slice %arg12[%dma_wait3A_649, %dma_wait3A_650] : memref<50000x32xf32, #tpu.memory_space<vmem_shared>> -> memref<50000x32xf32, #tpu.memory_space<vmem_shared>>
        tpu.wait_indirect_dma semaphore(%run_scoped3A_631 : memref<!tpu.dma_semaphore, #tpu.memory_space<semaphore_mem>>) src(%dma_wait3A_645 : memref<80x32xf32, #tpu.memory_space<vmem>>) dst(%dma_wait3A_651 : memref<50000x32xf32, #tpu.memory_space<vmem_shared>>)
        tpu.yield
      }) : () -> ()
      %run_scoped3A_623 = arith.constant 1 : i32
      %run_scoped3A_624 = arith.constant 1 : i32
      "tpu.region"() ({
        %run_scoped3A_631 = tpu.sem_alloc : memref<!tpu.dma_semaphore, #tpu.memory_space<semaphore_mem>>
        %dma_start3A_632 = arith.constant 0 : i32
        %dma_start3A_633 = arith.constant 0 : i32
        %dma_start3A_634 = tpu.memref_slice %arg10[%run_scoped3A_623, %dma_start3A_632, %dma_start3A_633] : memref<5x80x32xf32, #tpu.memory_space<vmem>> -> memref<1x80x32xf32, #tpu.memory_space<vmem>>
        %dma_start3A_635 = tpu.memref_squeeze %dma_start3A_634 : memref<1x80x32xf32, #tpu.memory_space<vmem>> -> memref<80x32xf32, #tpu.memory_space<vmem>>
        %dma_start3A_636 = arith.constant 0 : i32
        %dma_start3A_637 = tpu.memref_slice %arg9[%run_scoped3A_624, %dma_start3A_636] : memref<5x80xi32, #tpu.memory_space<vmem>> -> memref<1x80xi32, #tpu.memory_space<vmem>>
        %dma_start3A_638 = tpu.memref_squeeze %dma_start3A_637 : memref<1x80xi32, #tpu.memory_space<vmem>> -> memref<80xi32, #tpu.memory_space<vmem>>
        %dma_start3A_639 = arith.constant 0 : i32
        %dma_start3A_640 = arith.constant 0 : i32
        %dma_start3A_641 = tpu.memref_slice %arg12[%dma_start3A_639, %dma_start3A_640] : memref<50000x32xf32, #tpu.memory_space<vmem_shared>> -> memref<50000x32xf32, #tpu.memory_space<vmem_shared>>
        tpu.enqueue_indirect_dma source(%dma_start3A_635 : memref<80x32xf32, #tpu.memory_space<vmem>>) target(%dma_start3A_641 : memref<50000x32xf32, #tpu.memory_space<vmem_shared>>) offsets(%dma_start3A_638 : memref<80xi32, #tpu.memory_space<vmem>>) semaphore(%run_scoped3A_631 : memref<!tpu.dma_semaphore, #tpu.memory_space<semaphore_mem>>) {add = true}
        %dma_wait3A_642 = arith.constant 0 : i32
        %dma_wait3A_643 = arith.constant 0 : i32
        %dma_wait3A_644 = tpu.memref_slice %arg10[%run_scoped3A_623, %dma_wait3A_642, %dma_wait3A_643] : memref<5x80x32xf32, #tpu.memory_space<vmem>> -> memref<1x80x32xf32, #tpu.memory_space<vmem>>
        %dma_wait3A_645 = tpu.memref_squeeze %dma_wait3A_644 : memref<1x80x32xf32, #tpu.memory_space<vmem>> -> memref<80x32xf32, #tpu.memory_space<vmem>>
        %dma_wait3A_646 = arith.constant 0 : i32
        %dma_wait3A_647 = tpu.memref_slice %arg9[%run_scoped3A_624, %dma_wait3A_646] : memref<5x80xi32, #tpu.memory_space<vmem>> -> memref<1x80xi32, #tpu.memory_space<vmem>>
        %dma_wait3A_648 = tpu.memref_squeeze %dma_wait3A_647 : memref<1x80xi32, #tpu.memory_space<vmem>> -> memref<80xi32, #tpu.memory_space<vmem>>
        %dma_wait3A_649 = arith.constant 0 : i32
        %dma_wait3A_650 = arith.constant 0 : i32
        %dma_wait3A_651 = tpu.memref_slice %arg12[%dma_wait3A_649, %dma_wait3A_650] : memref<50000x32xf32, #tpu.memory_space<vmem_shared>> -> memref<50000x32xf32, #tpu.memory_space<vmem_shared>>
        tpu.wait_indirect_dma semaphore(%run_scoped3A_631 : memref<!tpu.dma_semaphore, #tpu.memory_space<semaphore_mem>>) src(%dma_wait3A_645 : memref<80x32xf32, #tpu.memory_space<vmem>>) dst(%dma_wait3A_651 : memref<50000x32xf32, #tpu.memory_space<vmem_shared>>)
        tpu.yield
      }) : () -> ()
      %run_scoped3A_625 = arith.constant 2 : i32
      %run_scoped3A_626 = arith.constant 2 : i32
      "tpu.region"() ({
        %run_scoped3A_631 = tpu.sem_alloc : memref<!tpu.dma_semaphore, #tpu.memory_space<semaphore_mem>>
        %dma_start3A_632 = arith.constant 0 : i32
        %dma_start3A_633 = arith.constant 0 : i32
        %dma_start3A_634 = tpu.memref_slice %arg10[%run_scoped3A_625, %dma_start3A_632, %dma_start3A_633] : memref<5x80x32xf32, #tpu.memory_space<vmem>> -> memref<1x80x32xf32, #tpu.memory_space<vmem>>
        %dma_start3A_635 = tpu.memref_squeeze %dma_start3A_634 : memref<1x80x32xf32, #tpu.memory_space<vmem>> -> memref<80x32xf32, #tpu.memory_space<vmem>>
        %dma_start3A_636 = arith.constant 0 : i32
        %dma_start3A_637 = tpu.memref_slice %arg9[%run_scoped3A_626, %dma_start3A_636] : memref<5x80xi32, #tpu.memory_space<vmem>> -> memref<1x80xi32, #tpu.memory_space<vmem>>
        %dma_start3A_638 = tpu.memref_squeeze %dma_start3A_637 : memref<1x80xi32, #tpu.memory_space<vmem>> -> memref<80xi32, #tpu.memory_space<vmem>>
        %dma_start3A_639 = arith.constant 0 : i32
        %dma_start3A_640 = arith.constant 0 : i32
        %dma_start3A_641 = tpu.memref_slice %arg12[%dma_start3A_639, %dma_start3A_640] : memref<50000x32xf32, #tpu.memory_space<vmem_shared>> -> memref<50000x32xf32, #tpu.memory_space<vmem_shared>>
        tpu.enqueue_indirect_dma source(%dma_start3A_635 : memref<80x32xf32, #tpu.memory_space<vmem>>) target(%dma_start3A_641 : memref<50000x32xf32, #tpu.memory_space<vmem_shared>>) offsets(%dma_start3A_638 : memref<80xi32, #tpu.memory_space<vmem>>) semaphore(%run_scoped3A_631 : memref<!tpu.dma_semaphore, #tpu.memory_space<semaphore_mem>>) {add = true}
        %dma_wait3A_642 = arith.constant 0 : i32
        %dma_wait3A_643 = arith.constant 0 : i32
        %dma_wait3A_644 = tpu.memref_slice %arg10[%run_scoped3A_625, %dma_wait3A_642, %dma_wait3A_643] : memref<5x80x32xf32, #tpu.memory_space<vmem>> -> memref<1x80x32xf32, #tpu.memory_space<vmem>>
        %dma_wait3A_645 = tpu.memref_squeeze %dma_wait3A_644 : memref<1x80x32xf32, #tpu.memory_space<vmem>> -> memref<80x32xf32, #tpu.memory_space<vmem>>
        %dma_wait3A_646 = arith.constant 0 : i32
        %dma_wait3A_647 = tpu.memref_slice %arg9[%run_scoped3A_626, %dma_wait3A_646] : memref<5x80xi32, #tpu.memory_space<vmem>> -> memref<1x80xi32, #tpu.memory_space<vmem>>
        %dma_wait3A_648 = tpu.memref_squeeze %dma_wait3A_647 : memref<1x80xi32, #tpu.memory_space<vmem>> -> memref<80xi32, #tpu.memory_space<vmem>>
        %dma_wait3A_649 = arith.constant 0 : i32
        %dma_wait3A_650 = arith.constant 0 : i32
        %dma_wait3A_651 = tpu.memref_slice %arg12[%dma_wait3A_649, %dma_wait3A_650] : memref<50000x32xf32, #tpu.memory_space<vmem_shared>> -> memref<50000x32xf32, #tpu.memory_space<vmem_shared>>
        tpu.wait_indirect_dma semaphore(%run_scoped3A_631 : memref<!tpu.dma_semaphore, #tpu.memory_space<semaphore_mem>>) src(%dma_wait3A_645 : memref<80x32xf32, #tpu.memory_space<vmem>>) dst(%dma_wait3A_651 : memref<50000x32xf32, #tpu.memory_space<vmem_shared>>)
        tpu.yield
      }) : () -> ()
      %run_scoped3A_627 = arith.constant 3 : i32
      %run_scoped3A_628 = arith.constant 3 : i32
      "tpu.region"() ({
        %run_scoped3A_631 = tpu.sem_alloc : memref<!tpu.dma_semaphore, #tpu.memory_space<semaphore_mem>>
        %dma_start3A_632 = arith.constant 0 : i32
        %dma_start3A_633 = arith.constant 0 : i32
        %dma_start3A_634 = tpu.memref_slice %arg10[%run_scoped3A_627, %dma_start3A_632, %dma_start3A_633] : memref<5x80x32xf32, #tpu.memory_space<vmem>> -> memref<1x80x32xf32, #tpu.memory_space<vmem>>
        %dma_start3A_635 = tpu.memref_squeeze %dma_start3A_634 : memref<1x80x32xf32, #tpu.memory_space<vmem>> -> memref<80x32xf32, #tpu.memory_space<vmem>>
        %dma_start3A_636 = arith.constant 0 : i32
        %dma_start3A_637 = tpu.memref_slice %arg9[%run_scoped3A_628, %dma_start3A_636] : memref<5x80xi32, #tpu.memory_space<vmem>> -> memref<1x80xi32, #tpu.memory_space<vmem>>
        %dma_start3A_638 = tpu.memref_squeeze %dma_start3A_637 : memref<1x80xi32, #tpu.memory_space<vmem>> -> memref<80xi32, #tpu.memory_space<vmem>>
        %dma_start3A_639 = arith.constant 0 : i32
        %dma_start3A_640 = arith.constant 0 : i32
        %dma_start3A_641 = tpu.memref_slice %arg12[%dma_start3A_639, %dma_start3A_640] : memref<50000x32xf32, #tpu.memory_space<vmem_shared>> -> memref<50000x32xf32, #tpu.memory_space<vmem_shared>>
        tpu.enqueue_indirect_dma source(%dma_start3A_635 : memref<80x32xf32, #tpu.memory_space<vmem>>) target(%dma_start3A_641 : memref<50000x32xf32, #tpu.memory_space<vmem_shared>>) offsets(%dma_start3A_638 : memref<80xi32, #tpu.memory_space<vmem>>) semaphore(%run_scoped3A_631 : memref<!tpu.dma_semaphore, #tpu.memory_space<semaphore_mem>>) {add = true}
        %dma_wait3A_642 = arith.constant 0 : i32
        %dma_wait3A_643 = arith.constant 0 : i32
        %dma_wait3A_644 = tpu.memref_slice %arg10[%run_scoped3A_627, %dma_wait3A_642, %dma_wait3A_643] : memref<5x80x32xf32, #tpu.memory_space<vmem>> -> memref<1x80x32xf32, #tpu.memory_space<vmem>>
        %dma_wait3A_645 = tpu.memref_squeeze %dma_wait3A_644 : memref<1x80x32xf32, #tpu.memory_space<vmem>> -> memref<80x32xf32, #tpu.memory_space<vmem>>
        %dma_wait3A_646 = arith.constant 0 : i32
        %dma_wait3A_647 = tpu.memref_slice %arg9[%run_scoped3A_628, %dma_wait3A_646] : memref<5x80xi32, #tpu.memory_space<vmem>> -> memref<1x80xi32, #tpu.memory_space<vmem>>
        %dma_wait3A_648 = tpu.memref_squeeze %dma_wait3A_647 : memref<1x80xi32, #tpu.memory_space<vmem>> -> memref<80xi32, #tpu.memory_space<vmem>>
        %dma_wait3A_649 = arith.constant 0 : i32
        %dma_wait3A_650 = arith.constant 0 : i32
        %dma_wait3A_651 = tpu.memref_slice %arg12[%dma_wait3A_649, %dma_wait3A_650] : memref<50000x32xf32, #tpu.memory_space<vmem_shared>> -> memref<50000x32xf32, #tpu.memory_space<vmem_shared>>
        tpu.wait_indirect_dma semaphore(%run_scoped3A_631 : memref<!tpu.dma_semaphore, #tpu.memory_space<semaphore_mem>>) src(%dma_wait3A_645 : memref<80x32xf32, #tpu.memory_space<vmem>>) dst(%dma_wait3A_651 : memref<50000x32xf32, #tpu.memory_space<vmem_shared>>)
        tpu.yield
      }) : () -> ()
      %run_scoped3A_629 = arith.constant 4 : i32
      %run_scoped3A_630 = arith.constant 4 : i32
      "tpu.region"() ({
        %run_scoped3A_631 = tpu.sem_alloc : memref<!tpu.dma_semaphore, #tpu.memory_space<semaphore_mem>>
        %dma_start3A_632 = arith.constant 0 : i32
        %dma_start3A_633 = arith.constant 0 : i32
        %dma_start3A_634 = tpu.memref_slice %arg10[%run_scoped3A_629, %dma_start3A_632, %dma_start3A_633] : memref<5x80x32xf32, #tpu.memory_space<vmem>> -> memref<1x80x32xf32, #tpu.memory_space<vmem>>
        %dma_start3A_635 = tpu.memref_squeeze %dma_start3A_634 : memref<1x80x32xf32, #tpu.memory_space<vmem>> -> memref<80x32xf32, #tpu.memory_space<vmem>>
        %dma_start3A_636 = arith.constant 0 : i32
        %dma_start3A_637 = tpu.memref_slice %arg9[%run_scoped3A_630, %dma_start3A_636] : memref<5x80xi32, #tpu.memory_space<vmem>> -> memref<1x80xi32, #tpu.memory_space<vmem>>
        %dma_start3A_638 = tpu.memref_squeeze %dma_start3A_637 : memref<1x80xi32, #tpu.memory_space<vmem>> -> memref<80xi32, #tpu.memory_space<vmem>>
        %dma_start3A_639 = arith.constant 0 : i32
        %dma_start3A_640 = arith.constant 0 : i32
        %dma_start3A_641 = tpu.memref_slice %arg12[%dma_start3A_639, %dma_start3A_640] : memref<50000x32xf32, #tpu.memory_space<vmem_shared>> -> memref<50000x32xf32, #tpu.memory_space<vmem_shared>>
        tpu.enqueue_indirect_dma source(%dma_start3A_635 : memref<80x32xf32, #tpu.memory_space<vmem>>) target(%dma_start3A_641 : memref<50000x32xf32, #tpu.memory_space<vmem_shared>>) offsets(%dma_start3A_638 : memref<80xi32, #tpu.memory_space<vmem>>) semaphore(%run_scoped3A_631 : memref<!tpu.dma_semaphore, #tpu.memory_space<semaphore_mem>>) {add = true}
        %dma_wait3A_642 = arith.constant 0 : i32
        %dma_wait3A_643 = arith.constant 0 : i32
        %dma_wait3A_644 = tpu.memref_slice %arg10[%run_scoped3A_629, %dma_wait3A_642, %dma_wait3A_643] : memref<5x80x32xf32, #tpu.memory_space<vmem>> -> memref<1x80x32xf32, #tpu.memory_space<vmem>>
        %dma_wait3A_645 = tpu.memref_squeeze %dma_wait3A_644 : memref<1x80x32xf32, #tpu.memory_space<vmem>> -> memref<80x32xf32, #tpu.memory_space<vmem>>
        %dma_wait3A_646 = arith.constant 0 : i32
        %dma_wait3A_647 = tpu.memref_slice %arg9[%run_scoped3A_630, %dma_wait3A_646] : memref<5x80xi32, #tpu.memory_space<vmem>> -> memref<1x80xi32, #tpu.memory_space<vmem>>
        %dma_wait3A_648 = tpu.memref_squeeze %dma_wait3A_647 : memref<1x80xi32, #tpu.memory_space<vmem>> -> memref<80xi32, #tpu.memory_space<vmem>>
        %dma_wait3A_649 = arith.constant 0 : i32
        %dma_wait3A_650 = arith.constant 0 : i32
        %dma_wait3A_651 = tpu.memref_slice %arg12[%dma_wait3A_649, %dma_wait3A_650] : memref<50000x32xf32, #tpu.memory_space<vmem_shared>> -> memref<50000x32xf32, #tpu.memory_space<vmem_shared>>
        tpu.wait_indirect_dma semaphore(%run_scoped3A_631 : memref<!tpu.dma_semaphore, #tpu.memory_space<semaphore_mem>>) src(%dma_wait3A_645 : memref<80x32xf32, #tpu.memory_space<vmem>>) dst(%dma_wait3A_651 : memref<50000x32xf32, #tpu.memory_space<vmem_shared>>)
        tpu.yield
      }) : () -> ()
    }
    %scan3A_8 = arith.constant 125 : i32
    %barrier3A_9 = arith.constant 0 : index
    tpu.barrier barrier_id(%barrier3A_9)
    %mul3A_10 = arith.constant 3125 : i32
    %mul3A_11 = arith.muli %arg1, %mul3A_10 : i32
    %mul3A_12 = arith.constant 3125 : i32
    %mul3A_13 = arith.muli %arg1, %mul3A_12 : i32
    "tpu.region"() ({
      %run_scoped3A = tpu.sem_alloc : memref<!tpu.dma_semaphore, #tpu.memory_space<semaphore_mem>>
      %dma_start3A = arith.constant 0 : i32
      %dma_start3A_14 = tpu.memref_slice %arg7[%arg0, %mul3A_13, %dma_start3A] : memref<2x50000x32xf32, #tpu.memory_space<hbm>> -> memref<1x3125x32xf32, #tpu.memory_space<hbm>>
      %dma_start3A_15 = tpu.memref_squeeze %dma_start3A_14 : memref<1x3125x32xf32, #tpu.memory_space<hbm>> -> memref<3125x32xf32, #tpu.memory_space<hbm>>
      %dma_start3A_16 = arith.constant 0 : i32
      %dma_start3A_17 = tpu.memref_slice %arg12[%mul3A_11, %dma_start3A_16] : memref<50000x32xf32, #tpu.memory_space<vmem_shared>> -> memref<3125x32xf32, #tpu.memory_space<vmem_shared>>
      tpu.enqueue_dma source(%dma_start3A_17 : memref<3125x32xf32, #tpu.memory_space<vmem_shared>>) target(%dma_start3A_15 : memref<3125x32xf32, #tpu.memory_space<hbm>>) target_semaphore(%run_scoped3A : memref<!tpu.dma_semaphore, #tpu.memory_space<semaphore_mem>>)
      %dma_wait3A = arith.constant 0 : i32
      %dma_wait3A_18 = tpu.memref_slice %arg7[%arg0, %mul3A_13, %dma_wait3A] : memref<2x50000x32xf32, #tpu.memory_space<hbm>> -> memref<1x3125x32xf32, #tpu.memory_space<hbm>>
      %dma_wait3A_19 = tpu.memref_squeeze %dma_wait3A_18 : memref<1x3125x32xf32, #tpu.memory_space<hbm>> -> memref<3125x32xf32, #tpu.memory_space<hbm>>
      %dma_wait3A_20 = arith.constant 0 : i32
      %dma_wait3A_21 = tpu.memref_slice %arg12[%mul3A_11, %dma_wait3A_20] : memref<50000x32xf32, #tpu.memory_space<vmem_shared>> -> memref<3125x32xf32, #tpu.memory_space<vmem_shared>>
      tpu.wait_dma2 semaphore(%run_scoped3A : memref<!tpu.dma_semaphore, #tpu.memory_space<semaphore_mem>>) src(%dma_wait3A_21 : memref<3125x32xf32, #tpu.memory_space<vmem_shared>>) dst(%dma_wait3A_19 : memref<3125x32xf32, #tpu.memory_space<hbm>>)
      tpu.yield
    }) : () -> ()
    return
  }
}

module attributes {stable_mosaic.version = 14 : i64} {
  func.func @mlp_body(%arg0: i32, %arg1: memref<4000x16xf32, #tpu.memory_space<vmem>>, %arg2: memref<4000x16xf32, #tpu.memory_space<vmem>>, %arg3: memref<16x64xf32, #tpu.memory_space<vmem>>, %arg4: memref<16x64xf32, #tpu.memory_space<vmem>>, %arg5: memref<1x64xf32, #tpu.memory_space<vmem>>, %arg6: memref<64x32xf32, #tpu.memory_space<vmem>>, %arg7: memref<1x32xf32, #tpu.memory_space<vmem>>, %arg8: memref<4000x32xf32, #tpu.memory_space<vmem>>) attributes {dimension_semantics = [#tpu.dimension_semantics<arbitrary>], iteration_bounds = array<i64: 400>, scalar_prefetch = 0 : i64, scratch_operands = 0 : i64, tpu.core_type = #tpu.core_type<tc>, window_params = [{transform_indices = @transform_0, window_bounds = array<i64: 4000, 16>}, {transform_indices = @transform_1, window_bounds = array<i64: 4000, 16>}, {pipeline_mode = #tpu.pipeline_mode<synchronous>, transform_indices = @transform_2, window_bounds = array<i64: 16, 64>}, {pipeline_mode = #tpu.pipeline_mode<synchronous>, transform_indices = @transform_3, window_bounds = array<i64: 16, 64>}, {pipeline_mode = #tpu.pipeline_mode<synchronous>, transform_indices = @transform_4, window_bounds = array<i64: 1, 64>}, {pipeline_mode = #tpu.pipeline_mode<synchronous>, transform_indices = @transform_5, window_bounds = array<i64: 64, 32>}, {pipeline_mode = #tpu.pipeline_mode<synchronous>, transform_indices = @transform_6, window_bounds = array<i64: 1, 32>}, {transform_indices = @transform_7, window_bounds = array<i64: 4000, 32>}]} {
    %get3A = arith.constant 0 : index
    %get3A_0 = arith.constant 0 : index
    %get3A_1 = vector.load %arg1[%get3A, %get3A_0] : memref<4000x16xf32, #tpu.memory_space<vmem>>, vector<4000x16xf32>
    %get3A_2 = arith.constant 0 : index
    %get3A_3 = arith.constant 0 : index
    %get3A_4 = vector.load %arg3[%get3A_2, %get3A_3] : memref<16x64xf32, #tpu.memory_space<vmem>>, vector<16x64xf32>
    %dot_general3A = arith.constant dense<0.000000e+00> : vector<4000x64xf32>
    %dot_general3A_5 = tpu.matmul %get3A_1, %get3A_4, %dot_general3A {dimension_numbers = #tpu.dot_dimension_numbers<[1], [0], [0], [1], [0, 0, 1, 1], [], []>, transpose_lhs_hint = false} : vector<4000x16xf32>, vector<16x64xf32>, vector<4000x64xf32> -> vector<4000x64xf32>
    %get3A_6 = arith.constant 0 : index
    %get3A_7 = arith.constant 0 : index
    %get3A_8 = vector.load %arg2[%get3A_6, %get3A_7] : memref<4000x16xf32, #tpu.memory_space<vmem>>, vector<4000x16xf32>
    %get3A_9 = arith.constant 0 : index
    %get3A_10 = arith.constant 0 : index
    %get3A_11 = vector.load %arg4[%get3A_9, %get3A_10] : memref<16x64xf32, #tpu.memory_space<vmem>>, vector<16x64xf32>
    %dot_general3A_12 = arith.constant dense<0.000000e+00> : vector<4000x64xf32>
    %dot_general3A_13 = tpu.matmul %get3A_8, %get3A_11, %dot_general3A_12 {dimension_numbers = #tpu.dot_dimension_numbers<[1], [0], [0], [1], [0, 0, 1, 1], [], []>, transpose_lhs_hint = false} : vector<4000x16xf32>, vector<16x64xf32>, vector<4000x64xf32> -> vector<4000x64xf32>
    %add3A = arith.addf %dot_general3A_5, %dot_general3A_13 : vector<4000x64xf32>
    %get3A_14 = arith.constant 0 : index
    %get3A_15 = arith.constant 0 : index
    %get3A_16 = vector.load %arg5[%get3A_14, %get3A_15] : memref<1x64xf32, #tpu.memory_space<vmem>>, vector<1x64xf32>
    %add3A_17 = vector.broadcast %get3A_16 : vector<1x64xf32> to vector<4000x64xf32>
    %add3A_18 = arith.addf %add3A, %add3A_17 : vector<4000x64xf32>
    %mul3A = arith.constant 5.000000e-01 : f32
    %mul3A_19 = vector.broadcast %mul3A : f32 to vector<4000x64xf32>
    %mul3A_20 = arith.mulf %mul3A_19, %add3A_18 : vector<4000x64xf32>
    %mul3A_21 = arith.constant 0.707106769 : f32
    %mul3A_22 = vector.broadcast %mul3A_21 : f32 to vector<4000x64xf32>
    %mul3A_23 = arith.mulf %add3A_18, %mul3A_22 : vector<4000x64xf32>
    %abs3A = math.absf %mul3A_23 : vector<4000x64xf32>
    %mul3A_24 = arith.constant 0.327591091 : f32
    %mul3A_25 = vector.broadcast %mul3A_24 : f32 to vector<4000x64xf32>
    %mul3A_26 = arith.mulf %mul3A_25, %abs3A : vector<4000x64xf32>
    %add3A_27 = arith.constant 1.000000e+00 : f32
    %add3A_28 = vector.broadcast %add3A_27 : f32 to vector<4000x64xf32>
    %add3A_29 = arith.addf %add3A_28, %mul3A_26 : vector<4000x64xf32>
    %div3A = arith.constant 1.000000e+00 : f32
    %div3A_30 = vector.broadcast %div3A : f32 to vector<4000x64xf32>
    %div3A_31 = arith.divf %div3A_30, %add3A_29 : vector<4000x64xf32>
    %mul3A_32 = arith.constant 1.06140542 : f32
    %mul3A_33 = vector.broadcast %mul3A_32 : f32 to vector<4000x64xf32>
    %mul3A_34 = arith.mulf %mul3A_33, %div3A_31 : vector<4000x64xf32>
    %add3A_35 = arith.constant -1.45315206 : f32
    %add3A_36 = vector.broadcast %add3A_35 : f32 to vector<4000x64xf32>
    %add3A_37 = arith.addf %mul3A_34, %add3A_36 : vector<4000x64xf32>
    %mul3A_38 = arith.mulf %add3A_37, %div3A_31 : vector<4000x64xf32>
    %add3A_39 = arith.constant 1.42141378 : f32
    %add3A_40 = vector.broadcast %add3A_39 : f32 to vector<4000x64xf32>
    %add3A_41 = arith.addf %mul3A_38, %add3A_40 : vector<4000x64xf32>
    %mul3A_42 = arith.mulf %add3A_41, %div3A_31 : vector<4000x64xf32>
    %add3A_43 = arith.constant -0.284496725 : f32
    %add3A_44 = vector.broadcast %add3A_43 : f32 to vector<4000x64xf32>
    %add3A_45 = arith.addf %mul3A_42, %add3A_44 : vector<4000x64xf32>
    %mul3A_46 = arith.mulf %add3A_45, %div3A_31 : vector<4000x64xf32>
    %add3A_47 = arith.constant 0.254829586 : f32
    %add3A_48 = vector.broadcast %add3A_47 : f32 to vector<4000x64xf32>
    %add3A_49 = arith.addf %mul3A_46, %add3A_48 : vector<4000x64xf32>
    %mul3A_50 = arith.mulf %add3A_49, %div3A_31 : vector<4000x64xf32>
    %neg3A = arith.constant 0.000000e+00 : f32
    %neg3A_51 = vector.broadcast %neg3A : f32 to vector<4000x64xf32>
    %neg3A_52 = arith.subf %neg3A_51, %abs3A : vector<4000x64xf32>
    %mul3A_53 = arith.mulf %neg3A_52, %abs3A : vector<4000x64xf32>
    %exp3A = math.exp %mul3A_53 : vector<4000x64xf32>
    %mul3A_54 = arith.mulf %mul3A_50, %exp3A : vector<4000x64xf32>
    %sub3A = arith.constant 1.000000e+00 : f32
    %sub3A_55 = vector.broadcast %sub3A : f32 to vector<4000x64xf32>
    %sub3A_56 = arith.subf %sub3A_55, %mul3A_54 : vector<4000x64xf32>
    %sign3A = tpu.bitcast %mul3A_23 : vector<4000x64xf32> -> vector<4000x64xi32>
    %sign3A_57 = arith.constant -2147483648 : i32
    %sign3A_58 = vector.broadcast %sign3A_57 : i32 to vector<4000x64xi32>
    %sign3A_59 = arith.andi %sign3A, %sign3A_58 : vector<4000x64xi32>
    %sign3A_60 = arith.constant 1065353216 : i32
    %sign3A_61 = vector.broadcast %sign3A_60 : i32 to vector<4000x64xi32>
    %sign3A_62 = arith.ori %sign3A_61, %sign3A_59 : vector<4000x64xi32>
    %sign3A_63 = tpu.bitcast %sign3A_62 : vector<4000x64xi32> -> vector<4000x64xf32>
    %sign3A_64 = math.absf %mul3A_23 : vector<4000x64xf32>
    %sign3A_65 = arith.constant 0.000000e+00 : f32
    %sign3A_66 = vector.broadcast %sign3A_65 : f32 to vector<4000x64xf32>
    %sign3A_67 = arith.cmpf ogt, %sign3A_64, %sign3A_66 : vector<4000x64xf32>
    %sign3A_68 = arith.select %sign3A_67, %sign3A_63, %mul3A_23 : vector<4000x64xi1>, vector<4000x64xf32>
    %mul3A_69 = arith.mulf %sign3A_68, %sub3A_56 : vector<4000x64xf32>
    %add3A_70 = arith.constant 1.000000e+00 : f32
    %add3A_71 = vector.broadcast %add3A_70 : f32 to vector<4000x64xf32>
    %add3A_72 = arith.addf %add3A_71, %mul3A_69 : vector<4000x64xf32>
    %mul3A_73 = arith.mulf %mul3A_20, %add3A_72 : vector<4000x64xf32>
    %get3A_74 = arith.constant 0 : index
    %get3A_75 = arith.constant 0 : index
    %get3A_76 = vector.load %arg6[%get3A_74, %get3A_75] : memref<64x32xf32, #tpu.memory_space<vmem>>, vector<64x32xf32>
    %dot_general3A_77 = arith.constant dense<0.000000e+00> : vector<4000x32xf32>
    %dot_general3A_78 = tpu.matmul %mul3A_73, %get3A_76, %dot_general3A_77 {dimension_numbers = #tpu.dot_dimension_numbers<[1], [0], [0], [1], [0, 0, 1, 1], [], []>, transpose_lhs_hint = false} : vector<4000x64xf32>, vector<64x32xf32>, vector<4000x32xf32> -> vector<4000x32xf32>
    %get3A_79 = arith.constant 0 : index
    %get3A_80 = arith.constant 0 : index
    %get3A_81 = vector.load %arg7[%get3A_79, %get3A_80] : memref<1x32xf32, #tpu.memory_space<vmem>>, vector<1x32xf32>
    %add3A_82 = vector.broadcast %get3A_81 : vector<1x32xf32> to vector<4000x32xf32>
    %add3A_83 = arith.addf %dot_general3A_78, %add3A_82 : vector<4000x32xf32>
    %swap3A = arith.constant 0 : index
    %swap3A_84 = arith.constant 0 : index
    %swap3A_85 = vector.load %arg8[%swap3A, %swap3A_84] : memref<4000x32xf32, #tpu.memory_space<vmem>>, vector<4000x32xf32>
    tpu.vector_store %arg8[%swap3A, %swap3A_84], %add3A_83 {strides = array<i32>} : memref<4000x32xf32, #tpu.memory_space<vmem>>, vector<4000x32xf32>,
    return
  }
  func.func @transform_0(%arg0: i32) -> (i32, i32) {
    %c0_i32 = arith.constant 0 : i32
    %c0_i32_0 = arith.constant 0 : i32
    return %arg0, %c0_i32 : i32, i32
  }
  func.func @transform_1(%arg0: i32) -> (i32, i32) {
    %c0_i32 = arith.constant 0 : i32
    %c0_i32_0 = arith.constant 0 : i32
    return %arg0, %c0_i32 : i32, i32
  }
  func.func @transform_2(%arg0: i32) -> (i32, i32) {
    %c0_i32 = arith.constant 0 : i32
    %c0_i32_0 = arith.constant 0 : i32
    %c0_i32_1 = arith.constant 0 : i32
    return %c0_i32, %c0_i32_0 : i32, i32
  }
  func.func @transform_3(%arg0: i32) -> (i32, i32) {
    %c0_i32 = arith.constant 0 : i32
    %c0_i32_0 = arith.constant 0 : i32
    %c0_i32_1 = arith.constant 0 : i32
    return %c0_i32, %c0_i32_0 : i32, i32
  }
  func.func @transform_4(%arg0: i32) -> (i32, i32) {
    %c0_i32 = arith.constant 0 : i32
    %c0_i32_0 = arith.constant 0 : i32
    %c0_i32_1 = arith.constant 0 : i32
    return %c0_i32, %c0_i32_0 : i32, i32
  }
  func.func @transform_5(%arg0: i32) -> (i32, i32) {
    %c0_i32 = arith.constant 0 : i32
    %c0_i32_0 = arith.constant 0 : i32
    %c0_i32_1 = arith.constant 0 : i32
    return %c0_i32, %c0_i32_0 : i32, i32
  }
  func.func @transform_6(%arg0: i32) -> (i32, i32) {
    %c0_i32 = arith.constant 0 : i32
    %c0_i32_0 = arith.constant 0 : i32
    %c0_i32_1 = arith.constant 0 : i32
    return %c0_i32, %c0_i32_0 : i32, i32
  }
  func.func @transform_7(%arg0: i32) -> (i32, i32) {
    %c0_i32 = arith.constant 0 : i32
    %c0_i32_0 = arith.constant 0 : i32
    return %arg0, %c0_i32 : i32, i32
  }
}

module attributes {stable_mosaic.version = 14 : i64} {
  func.func @comb_body(%arg0: i32, %arg1: memref<2x2000x32xf32, #tpu.memory_space<vmem>>, %arg2: memref<2000x1xf32, #tpu.memory_space<vmem>>, %arg3: memref<2000x32xf32, #tpu.memory_space<vmem>>) attributes {dimension_semantics = [#tpu.dimension_semantics<arbitrary>], iteration_bounds = array<i64: 25>, scalar_prefetch = 0 : i64, scratch_operands = 0 : i64, tpu.core_type = #tpu.core_type<tc>, window_params = [{transform_indices = @transform_0, window_bounds = array<i64: 2, 2000, 32>}, {transform_indices = @transform_1, window_bounds = array<i64: 2000, 1>}, {transform_indices = @transform_2, window_bounds = array<i64: 2000, 32>}]} {
    %get3A = arith.constant 0 : index
    %get3A_0 = arith.constant 0 : index
    %get3A_1 = arith.constant 0 : index
    %get3A_2 = vector.load %arg1[%get3A, %get3A_0, %get3A_1] : memref<2x2000x32xf32, #tpu.memory_space<vmem>>, vector<1x2000x32xf32>
    %get3A_3 = vector.shape_cast %get3A_2 : vector<1x2000x32xf32> to vector<2000x32xf32>
    %get3A_4 = arith.constant 1 : index
    %get3A_5 = arith.constant 0 : index
    %get3A_6 = arith.constant 0 : index
    %get3A_7 = vector.load %arg1[%get3A_4, %get3A_5, %get3A_6] : memref<2x2000x32xf32, #tpu.memory_space<vmem>>, vector<1x2000x32xf32>
    %get3A_8 = vector.shape_cast %get3A_7 : vector<1x2000x32xf32> to vector<2000x32xf32>
    %add3A = arith.addf %get3A_3, %get3A_8 : vector<2000x32xf32>
    %get3A_9 = arith.constant 0 : index
    %get3A_10 = arith.constant 0 : index
    %get3A_11 = vector.load %arg2[%get3A_9, %get3A_10] : memref<2000x1xf32, #tpu.memory_space<vmem>>, vector<2000x1xf32>
    %mul3A = vector.broadcast %get3A_11 : vector<2000x1xf32> to vector<2000x32xf32>
    %mul3A_12 = arith.mulf %add3A, %mul3A : vector<2000x32xf32>
    %swap3A = arith.constant 0 : index
    %swap3A_13 = arith.constant 0 : index
    %swap3A_14 = vector.load %arg3[%swap3A, %swap3A_13] : memref<2000x32xf32, #tpu.memory_space<vmem>>, vector<2000x32xf32>
    tpu.vector_store %arg3[%swap3A, %swap3A_13], %mul3A_12 {strides = array<i32>} : memref<2000x32xf32, #tpu.memory_space<vmem>>, vector<2000x32xf32>,
    return
  }
  func.func @transform_0(%arg0: i32) -> (i32, i32, i32) {
    %c0_i32 = arith.constant 0 : i32
    %c0_i32_0 = arith.constant 0 : i32
    %c0_i32_1 = arith.constant 0 : i32
    return %c0_i32, %arg0, %c0_i32_0 : i32, i32, i32
  }
  func.func @transform_1(%arg0: i32) -> (i32, i32) {
    %c0_i32 = arith.constant 0 : i32
    %c0_i32_0 = arith.constant 0 : i32
    return %arg0, %c0_i32 : i32, i32
  }
  func.func @transform_2(%arg0: i32) -> (i32, i32) {
    %c0_i32 = arith.constant 0 : i32
    %c0_i32_0 = arith.constant 0 : i32
    return %arg0, %c0_i32 : i32, i32
  }
}

</mosaic_0001>

<sc_bundles>
// kernel: kernel.6.cloned.1.call-start
scs
__scs_entry_jumppad:
0x0: {  	(pc) =	sbr.rel $0x88, $3  }
0x1: {  	(tag) =	ssettag $0x0;
	lr =	simm.s32 $0x1  }
0x2: {  	[smem:$0x3F99] =	sst lr;
	_ =	strace $0xD0000000  }
0x3: {  	_ = 	snop  }
0x4: {  	_ = 	snop  }
0x5: {  	_ = 	snop  }
0x6: {  	_ = 	snop  }
0x7: {  	_ = 	snop  }
__scs_overlays_trampoline_lowered:
0x8: {  	[smem:$0x3FA8] =	sst s0  }
0x9: {  	[smem:$0x3FA9] =	sst s1  }
0xa: {  	[smem:$0x3FAA] =	sst s2  }
0xb: {  	[smem:$0x3FAB] =	sst s3  }
0xc: {  	[smem:$0x3FAC] =	sst s4  }
0xd: {  	[smem:$0x3FAD] =	sst s5  }
0xe: {  	[smem:$0x3FAE] =	sst s6  }
0xf: {  	[smem:$0x3FAF] =	sst s7  }
0x10: {  	[smem:$0x3FB0] =	sst s8  }
0x11: {  	[smem:$0x3FB1] =	sst s9;
	s0 =	simm.s32 @!p0 $0x0  }
0x12: {  	s1 =	sld [smem:$0x3F97];
	s0 =	simm.s32 @p0 $0x1  }
0x13: {  	[smem:$0x3FB2] =	sst s0;
	s0 =	simm.s32 @!p1 $0x0  }
0x14: {  	s2 =	sld [smem:$0x3F96];
	s0 =	simm.s32 @p1 $0x1  }
0x15: {  	[smem:$0x3FB3] =	sst s0;
	s0 =	simm.s32 @!p2 $0x0  }
0x16: {  	s3 =	sld [smem:$0x3FDB];
	s0 =	simm.s32 @p2 $0x1  }
0x17: {  	s4 =	simm.s32 $0x1BF5;
	[smem:$0x3FB5] =	sst s0  }
0x18: {  	s0 =	sld [smem:$0x3F98];
	_ =	swait.ge [sflag:s4], $0x0  }
0x19: {  	s7 =	sld [smem:$0x3F99]  }
0x1a: {  	s8 =	sadd.s32 $0xFFFFE003, lr  }
0x1b: {  	s9 =	sadd.s32 $0xFFFFFEF7, lr;
	s5 =	simm.s32 $0xFFFFFFFF;
	p2 =	slt.u32 s8, $0xFFFFF086  }
0x1c: {  	p1 =	slt.u32 s9, $0xF7A;
	s5 =	simm.s32 @!p2 $0x0  }
0x1d: {  	s5 =	simm.s32 @p1 $0x1;
	p0 =	seq.s32 s7, s2  }
0x1e: {  	s7 =	smul.u32 @!p0 $0xF7A, s2;
	p2 =	seq.s32 @!p0 s5, $0x0  }
0x1f: {  	s9 =	smul.u32 $0xF7A, s1;
	s8 =	simm.s32 @!p0 $0x1BF5;
	p2 =	por !p2, p0  }
0x20: {  	[sflag:s8] =	ssyncset.s32 @!p0 $0xFFFFF086;
	s6 =	sadd.s32 @!p0 s3, s7;
	s7 =	simm.s32 @!p0 $0x108  }
0x21: {  	s3 =	sadd.s32 s3, s9;
	s6 =	sadd.s32 @!p0 $0x88, s6;
	s7 =	simm.s32 @p2 $0x1082  }
0x22: {  	[simem:s7], [sflag:s8] =	dma.local @!p0 [hbm:s6], $0xF7A  }
0x23: {  	s9 =	sor.u32 $0xD0000000, s2;
	s6 =	simm.s32 $0x108;
	_ =	swait.ge @!p0 [sflag:s8], $0x0  }
0x24: {  	s3 =	sadd.s32 $0x88, s3;
	s6 =	simm.s32 @!p1 $0x1082;
	[sflag:s4] =	ssyncset.s32 $0xFFFFF086  }
0x25: {  	[simem:s6], [sflag:s4] =	dma.local [hbm:s3], $0xF7A  }
0x26: {  	[smem:$0x3F99] =	sst s1;
	(tag) =	ssettag s2;
	_ =	strace s9  }
0x27: {  	s1 =	sld [smem:$0x3FA9]  }
0x28: {  	s2 =	sld [smem:$0x3FAA]  }
0x29: {  	s4 =	sld [smem:$0x3FAC]  }
0x2a: {  	p0 =	seq.s32 s5, $0x0;
	s5 =	sld [smem:$0x3FAD]  }
0x2b: {  	s6 =	sld [smem:$0x3FAE]  }
0x2c: {  	s7 =	sld [smem:$0x3FAF]  }
0x2d: {  	s3 =	simm.s32 $0x108;
	s8 =	sld [smem:$0x3FB0]  }
0x2e: {  	s3 =	simm.s32 @!p0 $0x1082;
	s9 =	sld [smem:$0x3FB1]  }
0x2f: {  	lr =	sadd.s32 s0, s3;
	s0 =	sld [smem:$0x3FA8]  }
0x30: {  	s3 =	sld [smem:$0x3FAB]  }
0x31: {  	[smem:$0x3FB4] =	sst s10  }
0x32: {  	s10 =	sld [smem:$0x3FB2];
	_ =	sdelay $0x3  }
0x33: {  	p0 =	seq.s32 s10, $0x1;
	s10 =	sld [smem:$0x3FB4];
	_ =	sdelay $0x3  }
0x34: {  	[smem:$0x3FB4] =	sst s10  }
0x35: {  	s10 =	sld [smem:$0x3FB3];
	_ =	sdelay $0x3  }
0x36: {  	p1 =	seq.s32 s10, $0x1;
	s10 =	sld [smem:$0x3FB4];
	_ =	sdelay $0x3  }
0x37: {  	[smem:$0x3FB4] =	sst s10  }
0x38: {  	s10 =	sld [smem:$0x3FB5]  }
0x39: {  	_ = 	snop;
	(pc) =	sbr.ind lr, $3  }
0x3a: {  	_ = 	snop  }
0x3b: {  	_ = 	snop  }
0x3c: {  	p2 =	seq.s32 s10, $0x1;
	s10 =	sld [smem:$0x3FB4]  }
0x3d: {  	_ =	shalt  }
0x3e: {  	_ =	shalt  }
0x3f: {  	_ =	shalt  }
0x40: {  	_ =	shalt  }
0x41: {  	_ =	shalt  }
0x42: {  	_ =	shalt  }
0x43: {  	_ =	shalt  }
0x44: {  	_ =	shalt  }
0x45: {  	_ =	shalt  }
0x46: {  	_ =	shalt  }
0x47: {  	_ =	shalt  }
0x48: {  	_ =	shalt  }
0x49: {  	_ =	shalt  }
0x4a: {  	_ =	shalt  }
0x4b: {  	_ =	shalt  }
0x4c: {  	_ =	shalt  }
0x4d: {  	_ =	shalt  }
0x4e: {  	_ =	shalt  }
0x4f: {  	_ =	shalt  }
0x50: {  	_ =	shalt  }
0x51: {  	_ =	shalt  }
0x52: {  	_ =	shalt  }
0x53: {  	_ =	shalt  }
0x54: {  	_ =	shalt  }
0x55: {  	_ =	shalt  }
0x56: {  	_ =	shalt  }
0x57: {  	_ =	shalt  }
0x58: {  	_ =	shalt  }
0x59: {  	_ =	shalt  }
0x5a: {  	_ =	shalt  }
0x5b: {  	_ =	shalt  }
0x5c: {  	_ =	shalt  }
0x5d: {  	_ =	shalt  }
0x5e: {  	_ =	shalt  }
0x5f: {  	_ =	shalt  }
0x60: {  	_ =	shalt  }
0x61: {  	_ =	shalt  }
0x62: {  	_ =	shalt  }
0x63: {  	_ =	shalt  }
0x64: {  	_ =	shalt  }
0x65: {  	_ =	shalt  }
0x66: {  	_ =	shalt  }
0x67: {  	_ =	shalt  }
0x68: {  	_ =	shalt  }
0x69: {  	_ =	shalt  }
0x6a: {  	_ =	shalt  }
0x6b: {  	_ =	shalt  }
0x6c: {  	_ =	shalt  }
0x6d: {  	_ =	shalt  }
0x6e: {  	_ =	shalt  }
0x6f: {  	_ =	shalt  }
0x70: {  	_ =	shalt  }
0x71: {  	_ =	shalt  }
0x72: {  	_ =	shalt  }
0x73: {  	_ =	shalt  }
0x74: {  	_ =	shalt  }
0x75: {  	_ =	shalt  }
0x76: {  	_ =	shalt  }
0x77: {  	_ =	shalt  }
0x78: {  	_ =	shalt  }
0x79: {  	_ =	shalt  }
0x7a: {  	_ =	shalt  }
0x7b: {  	_ =	shalt  }
0x7c: {  	_ =	shalt  }
0x7d: {  	_ =	shalt  }
0x7e: {  	_ =	shalt  }
0x7f: {  	_ =	shalt  }
0x80: {  	_ =	shalt  }
0x81: {  	_ =	shalt  }
0x82: {  	_ =	shalt  }
0x83: {  	_ =	shalt  }
0x84: {  	_ =	shalt  }
0x85: {  	_ =	shalt  }
0x86: {  	_ =	shalt  }
0x87: {  	_ =	shalt  }
.Lfunc_end0:
.L_simem_size_0:
called_computation_lowered:
.L_overlay_start_0:
0x88: {  	s2 =	sld [smem:$0x3FD9]  }
0x89: {  	s3 =	sld [smem:$0x3FFE];
	_ =	sdelay $0x1  }
0x8a: {  	s1 =	srdreg.scid  }
0x8b: {  	s0 =	sand.u32 $0x1, s1  }
0x8c: {  	s17 =	sshll.u32 s0, $0xA;
	s2 =	sadd.s32 s3, s2  }
0x8d: {  	s2 =	sadd.s32 s2, s17  }
0x8e: {  	[smem:$0x3FC0] =	sst s2  }
0x8f: {  	_ = 	snop  }
0x90: {  	s2 =	sld [smem:$0x3FC7]  }
0x91: {  	s18 =	sld [smem:$0x3FD0];
	(tm) =	ssettm $0x1  }
0x92: {  	s4 =	sld [smem:$0x3FFB];
	_ =	sdelay $0x3  }
0x93: {  	_ =	strace s4  }
0x94: {  	s4 =	sld [smem:$0x3FFC];
	_ =	sdelay $0x3  }
0x95: {  	_ =	strace s4  }
0x96: {  	s4 =	sld [smem:$0x3FFD];
	_ =	sdelay $0x3  }
0x97: {  	_ =	strace s4  }
0x98: {  	_ =	strace $0x8FFFFFFF  }
0x99: {  	s19 =	sld [smem:$0x3FDB];
	_ =	sdelay $0x1  }
0x9a: {  	s5 =	simm.s32 $_scs_section_size  }
0x9b: {  	s6 =	simm.s32 $_size__tile_overlayer_lowered;
	s7 =	simm.s32 $_tile_overlayer_lowered  }
0x9c: {  	s22 =	simm.s32 $0x1BFF;
	s21 =	sshll.u32 s7, $0x1;
	s4 =	sadd.s32 s5, s19  }
0x9d: {  	s8 =	simm.s32 $0x0;
	s20 =	sshll.u32 s6, $0x1;
	s6 =	sadd.s32 s21, s4  }
0x9e: {  	[timem:s8], [sflag:s22] =	dma.local [hbm:s6], s20  }
0x9f: {  	_ =	swait.ge [sflag:s22], s20  }
0xa0: {  	s5 =	ssub.s32 $0x0, s20;
	[sflag:s22] =	ssyncset.done $0x0  }
0xa1: {  	[sflag:s22] =	ssyncadd.s32 s5;
	_ =	sdelay $0x1  }
0xa2: {  	s23 =	simm.s32 $0x1B8B  }
0xa3: {  	_ =	swait.ge [sflag:s23], $0x1  }
0xa4: {  	[sflag:s23] =	ssyncset.done $0x0  }
0xa5: {  	s25 =	simm.s32 $0x1B8E;
	s24 =	sld [smem:$0x3FFE];
	[sflag:s23] =	ssyncadd.s32 $0xFFFFFFFF  }
0xa6: {  	s26 =	simm.s32 $execute0_lowered;
	[smem:$0x3FD2] =	sst s25  }
0xa7: {  	s6 =	sshll.u32 s26, $0x1;
	_ =	strace $0x80000046;
	[dreg:$0x1] =	wrdreg $0xFFFFFFFF  }
0xa8: {  	s28 =	simm.s32 $_size_execute0_lowered;
	s4 =	sadd.s32 s4, s6;
	[dreg:$0x0] =	wrdreg $0x0  }
0xa9: {  	s6 =	sshll.u32 s28, $0x1;
	[dreg:$0x2] =	wrdreg s4  }
0xaa: {  	[dreg:$0x3] =	wrdreg s6  }
0xab: {  	[dreg:$0x4] =	wrdreg $0xC0  }
0xac: {  	_ =	task [dreg:s8], $0x5FFFF  }
0xad: {  	[dreg:$0x1] =	wrdreg $0xFFFFFFFF  }
0xae: {  	[dreg:$0x0] =	wrdreg $0x60  }
0xaf: {  	[dreg:$0x2] =	wrdreg s24  }
0xb0: {  	[dreg:$0x3] =	wrdreg s2  }
0xb1: {  	[dreg:$0x4] =	wrdreg s18  }
0xb2: {  	[dreg:$0x5] =	wrdreg $0x9  }
0xb3: {  	_ =	task.clear_ibuf [dreg:s8], $0x6FFFF;
	_ =	strace $0x90000046  }
0xb4: {  	s29 =	simm.s32 $0x9;
	_ =	strace $0x80000048  }
0xb5: {  	_ =	swait.ge [sflag:s29], $0x1  }
0xb6: {  	[sflag:s29] =	ssyncadd.s32 $0xFFFFFFFF  }
0xb7: {  	_ =	strace $0x90000048  }
0xb8: {  	_ =	sfence  }
0xb9: {  	s30 =	sld [smem:$0x0];
	_ =	sdelay $0x2  }
0xba: {  	s31 =	sshll.u32 s1, $0xD;
	s1 =	sshrl.u32 s1, $0x2  }
0xbb: {  	s3 =	sand.u32 $0x4000, s31;
	s1 =	sadd.s32 s1, s30  }
0xbc: {  	s0 =	sor.u32 s3, s0;
	s1 =	sshll.u32 s1, $0x11  }
0xbd: {  	s0 =	sor.u32 s1, s0  }
0xbe: {  	s0 =	sadd.s32 $0x8F2B, s0  }
0xbf: {  	[sflag:s0] =	ssyncadd.remote.s32 $0x1  }
0xc0: {  	_ =	sfence.sel $0xFFFF  }
0xc1: {  	[dreg:$0x0] =	wrdreg $0xFFFFFFFF;
	(pc) =	sbr.abs _section_cstart, $3  }
0xc2: {  	[dreg:$0x1] =	wrdreg $0xFFFFFFFF  }
0xc3: {  	_ =	task.clear_ibuf [dreg:s8], $0x2FFFF;
	_ =	strace $0x9FFFFFFF  }
0xc4: {  	(tm) =	ssettm $0x7FFFFFFF  }
0xc5: {  	_ =	shalt  }
tec
execute0_lowered:
.L_overlay_start_1:
0x0: {  	(tag) =	ssettag $0x1  }
0x1: {  	s1 =	rddreg [dreg:$0x0]  }
0x2: {  	s0 =	rddreg [dreg:$0x1]  }
0x3: {  	s4 =	rddreg [dreg:$0x2];
	s8 =	stileid.u32  }
0x4: {  	s3 =	srdreg.scid;
	s6 =	smul.u32 $0x186A00, s8  }
0x5: {  	s2 =	simm.s32 $0x0;
	s5 =	sand.u32 $0x1, s3;
	s8 =	smul.u32 $0x186A0, s8  }
0x6: {  	[smem:$0x7FF] =	sst s2;
	s7 =	smul.u32 $0xC3500, s5  }
0x7: {  	s3 =	sadd.s32 $0xC3600, s1;
	s9 =	sadd.s32 $0xDBE00, s1;
	s18 =	smul.u32 $0xC350, s5  }
0x8: {  	s1 =	sadd.s32 $0x3E9200, s1;
	_ =	strace $0x80000047;
	s5 =	ssub.s32 $0x2, s5  }
0x9: {  	s11 =	sshrl.u32 s5, $0x1;
	s6 =	sadd.s32 s7, s6;
	s7 =	sadd.s32 s18, s8  }
0xa: {  	s5 =	ssub.s32 s5, s11;
	s8 =	simm.s32 $0xA0;
	s11 =	simm.s32 $0x280  }
0xb: {  	s10 =	sshrl.u32 s6, $0x3;
	s20 =	sshrl.u32 s7, $0x3;
	s22 =	sadd.s32 $0x1400, s6  }
0xc: {  	s26 =	sadd.s32 $0x140, s7;
	s31 =	sadd.s32 $0xF00, s6;
	s14 =	sadd.s32 $0xF0, s7  }
0xd: {  	s18 =	sadd.s32 $0xA00, s6;
	s6 =	sadd.s32 $0x500, s6;
	s12 =	sadd.s32 s10, s1  }
0xe: {  	s19 =	sadd.s32 s10, s9;
	s21 =	sadd.s32 s20, s4;
	s23 =	sadd.s32 s20, s0  }
0xf: {  	s24 =	sshrl.u32 s22, $0x3;
	s29 =	sshrl.u32 s26, $0x3;
	s16 =	sshrl.u32 s14, $0x3  }
0x10: {  	s20 =	sshrl.u32 s18, $0x3;
	s22 =	sadd.s32 $0xA0, s7;
	[dreg:$0x4] =	wrdreg s12  }
0x11: {  	s6 =	sshrl.u32 s6, $0x3;
	s7 =	sadd.s32 $0x50, s7;
	[dreg:$0x5] =	wrdreg s19  }
0x12: {  	s14 =	simm.s32 $0x1;
	s18 =	simm.s32 $0x2120;
	[dreg:$0x6] =	wrdreg s21  }
0x13: {  	[dreg:$0x7] =	wrdreg s23;
	s25 =	sadd.s32 s24, s1;
	s28 =	sadd.s32 s24, s9  }
0x14: {  	s30 =	sadd.s32 s29, s4;
	s10 =	sadd.s32 s29, s0;
	[dreg:$0x8] =	wrdreg s25  }
0x15: {  	s12 =	sshrl.u32 s31, $0x3;
	s17 =	sadd.s32 s16, s4;
	[dreg:$0x9] =	wrdreg s28  }
0x16: {  	s19 =	sadd.s32 s16, s0;
	s21 =	sadd.s32 s20, s1;
	[dreg:$0xa] =	wrdreg s30  }
0x17: {  	s23 =	sadd.s32 s20, s9;
	s24 =	sshrl.u32 s22, $0x3;
	[dreg:$0xb] =	wrdreg s10  }
0x18: {  	s29 =	sshrl.u32 s7, $0x3;
	s31 =	smax.u32 s5, $0x1;
	[dreg:$0xe] =	wrdreg s17  }
0x19: {  	s5 =	simm.s32 $0x190;
	s7 =	simm.s32 $0x1E0;
	[dreg:$0xf] =	wrdreg s19  }
0x1a: {  	s16 =	simm.s32 $0x1C20;
	s20 =	simm.s32 $0x2620;
	[dreg:$0x10] =	wrdreg s21  }
0x1b: {  	s22 =	simm.s32 $0x2B20;
	s13 =	sadd.s32 s12, s1;
	[dreg:$0x11] =	wrdreg s23  }
0x1c: {  	s15 =	sadd.s32 s12, s9;
	s25 =	sadd.s32 s24, s4;
	[dreg:$0x18] =	wrdreg s31  }
0x1d: {  	s26 =	sadd.s32 s24, s0;
	s1 =	sadd.s32 s6, s1;
	[dreg:$0xc] =	wrdreg s13  }
0x1e: {  	s28 =	sadd.s32 s6, s9;
	s30 =	sadd.s32 s29, s4;
	[dreg:$0xd] =	wrdreg s15  }
0x1f: {  	s0 =	sadd.s32 s29, s0;
	s6 =	simm.s32 $0x50;
	[dreg:$0x12] =	wrdreg s25  }
0x20: {  	s9 =	simm.s32 $0x230;
	s10 =	simm.s32 $0xF0;
	[dreg:$0x13] =	wrdreg s26  }
0x21: {  	s12 =	simm.s32 $0x140;
	s17 =	simm.s32 $0x820;
	[dreg:$0x14] =	wrdreg s1  }
0x22: {  	s19 =	simm.s32 $0xD20;
	s21 =	simm.s32 $0x1220;
	[dreg:$0x15] =	wrdreg s28  }
0x23: {  	s23 =	simm.s32 $0x1720;
	s24 =	simm.s32 $0x3020;
	[dreg:$0x16] =	wrdreg s30  }
0x24: {  	[dreg:$0x17] =	wrdreg s0;
	s13 =	simm.s32 $0x2D0;
	s15 =	simm.s32 $0x320  }
0x25: {  	s25 =	simm.s32 $0x2;
	s26 =	simm.s32 $0x3;
	s1 =	simm.s32 $0x0  }
.LBB2_1:
0x26: {  	[dreg:$0x19] =	wrdreg s1  }
0x27: {  	s0 =	rddreg [dreg:$0x7]  }
0x28: {  	s28 =	rddreg [dreg:$0x6];
	s0 =	sadd.s32 $0x0, s0  }
0x29: {  	[tilespmem:s2], [sflag:$0x1] =	stream.linear.gather [hbm4b:s0+s2], $0x50, $0x38;
	[tilespmem:$0x3520] =	vst v63  }
0x2a: {  	s29 =	rddreg [dreg:$0x17];
	s1 =	sadd.s32 $0x0, s28  }
0x2b: {  	[tilespmem:s5], [sflag:$0x1] =	stream.linear.gather [hbm4b:s1+s2], $0x50, $0x38;
	[tilespmem:$0x3520] =	vst v63  }
0x2c: {  	s4 =	rddreg [dreg:$0x16];
	s28 =	sadd.s32 $0x0, s29  }
0x2d: {  	[tilespmem:s6], [sflag:$0x1] =	stream.linear.gather [hbm4b:s28+s2], $0x50, $0x38;
	[tilespmem:$0x3520] =	vst v63  }
0x2e: {  	s29 =	rddreg [dreg:$0x13];
	s1 =	sadd.s32 $0x0, s4  }
0x2f: {  	[tilespmem:s7], [sflag:$0x1] =	stream.linear.gather [hbm4b:s1+s2], $0x50, $0x38;
	[tilespmem:$0x3520] =	vst v63  }
0x30: {  	s4 =	rddreg [dreg:$0x12];
	s28 =	sadd.s32 $0x0, s29  }
0x31: {  	[tilespmem:s8], [sflag:$0x1] =	stream.linear.gather [hbm4b:s28+s2], $0x50, $0x38;
	[tilespmem:$0x3520] =	vst v63  }
0x32: {  	s29 =	rddreg [dreg:$0xf];
	s1 =	sadd.s32 $0x0, s4  }
0x33: {  	[tilespmem:s9], [sflag:$0x1] =	stream.linear.gather [hbm4b:s1+s2], $0x50, $0x38;
	[tilespmem:$0x3520] =	vst v63  }
0x34: {  	s4 =	rddreg [dreg:$0xe];
	s28 =	sadd.s32 $0x0, s29  }
0x35: {  	[tilespmem:s10], [sflag:$0x1] =	stream.linear.gather [hbm4b:s28+s2], $0x50, $0x38;
	[tilespmem:$0x3520] =	vst v63  }
0x36: {  	s29 =	rddreg [dreg:$0xb];
	s1 =	sadd.s32 $0x0, s4  }
0x37: {  	[tilespmem:s11], [sflag:$0x1] =	stream.linear.gather [hbm4b:s1+s2], $0x50, $0x38;
	[tilespmem:$0x3520] =	vst v63  }
0x38: {  	s4 =	rddreg [dreg:$0xa];
	s28 =	sadd.s32 $0x0, s29  }
0x39: {  	[tilespmem:s12], [sflag:$0x1] =	stream.linear.gather [hbm4b:s28+s2], $0x50, $0x38;
	[tilespmem:$0x3520] =	vst v63  }
0x3a: {  	s1 =	sadd.s32 $0x0, s4  }
0x3b: {  	[tilespmem:s13], [sflag:$0x1] =	stream.linear.gather [hbm4b:s1+s2], $0x50, $0x38;
	[tilespmem:$0x3520] =	vst v63  }
0x3c: {  	_ =	swait.ge [sflag:s14], $0x50  }
0x3d: {  	[sflag:s14] =	ssyncset.done $0x0  }
0x3e: {  	[sflag:s14] =	ssyncadd.s32 $0xFFFFFFB0  }
0x3f: {  	_ =	swait.ge [sflag:s14], $0x50  }
0x40: {  	[sflag:s14] =	ssyncset.done $0x0  }
0x41: {  	[sflag:s14] =	ssyncadd.s32 $0xFFFFFFB0  }
0x42: {  	_ =	swait.ge [sflag:s14], $0x50  }
0x43: {  	[sflag:s14] =	ssyncset.done $0x0  }
0x44: {  	[sflag:s14] =	ssyncadd.s32 $0xFFFFFFB0  }
0x45: {  	_ =	swait.ge [sflag:s14], $0x50  }
0x46: {  	[sflag:s14] =	ssyncset.done $0x0  }
0x47: {  	[sflag:s14] =	ssyncadd.s32 $0xFFFFFFB0  }
0x48: {  	_ =	swait.ge [sflag:s14], $0x50  }
0x49: {  	[sflag:s14] =	ssyncset.done $0x0  }
0x4a: {  	[sflag:s14] =	ssyncadd.s32 $0xFFFFFFB0  }
0x4b: {  	_ =	swait.ge [sflag:s14], $0x50  }
0x4c: {  	[sflag:s14] =	ssyncset.done $0x0  }
0x4d: {  	[sflag:s14] =	ssyncadd.s32 $0xFFFFFFB0  }
0x4e: {  	_ =	swait.ge [sflag:s14], $0x50  }
0x4f: {  	[sflag:s14] =	ssyncset.done $0x0  }
0x50: {  	[sflag:s14] =	ssyncadd.s32 $0xFFFFFFB0  }
0x51: {  	_ =	swait.ge [sflag:s14], $0x50  }
0x52: {  	[sflag:s14] =	ssyncset.done $0x0  }
0x53: {  	[sflag:s14] =	ssyncadd.s32 $0xFFFFFFB0  }
0x54: {  	_ =	swait.ge [sflag:s14], $0x50  }
0x55: {  	[sflag:s14] =	ssyncset.done $0x0  }
0x56: {  	[sflag:s14] =	ssyncadd.s32 $0xFFFFFFB0  }
0x57: {  	_ =	swait.ge [sflag:s14], $0x50  }
0x58: {  	[sflag:s14] =	ssyncset.done $0x0  }
0x59: {  	[sflag:s14] =	ssyncadd.s32 $0xFFFFFFB0  }
0x5a: {  	[tilespmem:s15], [sflag:$0x2] =	stream.indirect.gather [hbm4b:s3+s6], $0x10, s2, s6, $0xb8;
	[tilespmem:$0x3520] =	vst v63  }
0x5b: {  	_ = 	snop  }
0x5c: {  	[tilespmem:s16], [sflag:$0x2] =	stream.indirect.gather [hbm4b:s3+s6], $0x10, s5, s6, $0xb8;
	[tilespmem:$0x3520] =	vst v63  }
0x5d: {  	_ = 	snop  }
0x5e: {  	[tilespmem:s17], [sflag:$0x2] =	stream.indirect.gather [hbm4b:s3+s6], $0x10, s6, s6, $0xb8;
	[tilespmem:$0x3520] =	vst v63  }
0x5f: {  	_ = 	snop  }
0x60: {  	[tilespmem:s18], [sflag:$0x2] =	stream.indirect.gather [hbm4b:s3+s6], $0x10, s7, s6, $0xb8;
	[tilespmem:$0x3520] =	vst v63  }
0x61: {  	_ = 	snop  }
0x62: {  	[tilespmem:s19], [sflag:$0x2] =	stream.indirect.gather [hbm4b:s3+s6], $0x10, s8, s6, $0xb8;
	[tilespmem:$0x3520] =	vst v63  }
0x63: {  	_ = 	snop  }
0x64: {  	[tilespmem:s20], [sflag:$0x2] =	stream.indirect.gather [hbm4b:s3+s6], $0x10, s9, s6, $0xb8;
	[tilespmem:$0x3520] =	vst v63  }
0x65: {  	_ = 	snop  }
0x66: {  	[tilespmem:s21], [sflag:$0x2] =	stream.indirect.gather [hbm4b:s3+s6], $0x10, s10, s6, $0xb8;
	[tilespmem:$0x3520] =	vst v63  }
0x67: {  	_ = 	snop  }
0x68: {  	[tilespmem:s22], [sflag:$0x2] =	stream.indirect.gather [hbm4b:s3+s6], $0x10, s11, s6, $0xb8;
	[tilespmem:$0x3520] =	vst v63  }
0x69: {  	_ = 	snop  }
0x6a: {  	[tilespmem:s23], [sflag:$0x2] =	stream.indirect.gather [hbm4b:s3+s6], $0x10, s12, s6, $0xb8;
	[tilespmem:$0x3520] =	vst v63  }
0x6b: {  	_ = 	snop  }
0x6c: {  	[tilespmem:s24], [sflag:$0x2] =	stream.indirect.gather [hbm4b:s3+s6], $0x10, s13, s6, $0xb8;
	[tilespmem:$0x3520] =	vst v63  }
0x6d: {  	_ =	swait.ge [sflag:s25], $0x500  }
0x6e: {  	[sflag:s25] =	ssyncset.done $0x0  }
0x6f: {  	[sflag:s25] =	ssyncadd.s32 $0xFFFFFB00  }
0x70: {  	_ =	swait.ge [sflag:s25], $0x500  }
0x71: {  	[sflag:s25] =	ssyncset.done $0x0  }
0x72: {  	[sflag:s25] =	ssyncadd.s32 $0xFFFFFB00  }
0x73: {  	_ =	swait.ge [sflag:s25], $0x500  }
0x74: {  	[sflag:s25] =	ssyncset.done $0x0  }
0x75: {  	[sflag:s25] =	ssyncadd.s32 $0xFFFFFB00  }
0x76: {  	_ =	swait.ge [sflag:s25], $0x500  }
0x77: {  	[sflag:s25] =	ssyncset.done $0x0  }
0x78: {  	[sflag:s25] =	ssyncadd.s32 $0xFFFFFB00  }
0x79: {  	_ =	swait.ge [sflag:s25], $0x500  }
0x7a: {  	[sflag:s25] =	ssyncset.done $0x0  }
0x7b: {  	[sflag:s25] =	ssyncadd.s32 $0xFFFFFB00  }
0x7c: {  	_ =	swait.ge [sflag:s25], $0x500  }
0x7d: {  	[sflag:s25] =	ssyncset.done $0x0  }
0x7e: {  	[sflag:s25] =	ssyncadd.s32 $0xFFFFFB00  }
0x7f: {  	_ =	swait.ge [sflag:s25], $0x500  }
0x80: {  	[sflag:s25] =	ssyncset.done $0x0  }
0x81: {  	[sflag:s25] =	ssyncadd.s32 $0xFFFFFB00  }
0x82: {  	_ =	swait.ge [sflag:s25], $0x500  }
0x83: {  	[sflag:s25] =	ssyncset.done $0x0  }
0x84: {  	[sflag:s25] =	ssyncadd.s32 $0xFFFFFB00  }
0x85: {  	_ =	swait.ge [sflag:s25], $0x500  }
0x86: {  	[sflag:s25] =	ssyncset.done $0x0  }
0x87: {  	[sflag:s25] =	ssyncadd.s32 $0xFFFFFB00  }
0x88: {  	_ =	swait.ge [sflag:s25], $0x500  }
0x89: {  	s4 =	rddreg [dreg:$0x5];
	[sflag:s25] =	ssyncset.done $0x0  }
0x8a: {  	s28 =	rddreg [dreg:$0x4];
	[sflag:s25] =	ssyncadd.s32 $0xFFFFFB00;
	s0 =	sadd.s32 $0x0, s4  }
0x8b: {  	[hbm4b:s0+s2] =	stream.linear.scatter [tilespmem:s15], [sflag:$0x3], $0x500, $0x38;
	[tilespmem:$0x3520] =	vst v63  }
0x8c: {  	s29 =	rddreg [dreg:$0x15];
	s1 =	sadd.s32 $0x0, s28  }
0x8d: {  	[hbm4b:s1+s2] =	stream.linear.scatter [tilespmem:s16], [sflag:$0x3], $0x500, $0x38;
	[tilespmem:$0x3520] =	vst v63  }
0x8e: {  	s4 =	rddreg [dreg:$0x14];
	s28 =	sadd.s32 $0x0, s29  }
0x8f: {  	[hbm4b:s28+s2] =	stream.linear.scatter [tilespmem:s17], [sflag:$0x3], $0x500, $0x38;
	[tilespmem:$0x3520] =	vst v63  }
0x90: {  	s29 =	rddreg [dreg:$0x11];
	s1 =	sadd.s32 $0x0, s4  }
0x91: {  	[hbm4b:s1+s2] =	stream.linear.scatter [tilespmem:s18], [sflag:$0x3], $0x500, $0x38;
	[tilespmem:$0x3520] =	vst v63  }
0x92: {  	s4 =	rddreg [dreg:$0x10];
	s28 =	sadd.s32 $0x0, s29  }
0x93: {  	[hbm4b:s28+s2] =	stream.linear.scatter [tilespmem:s19], [sflag:$0x3], $0x500, $0x38;
	[tilespmem:$0x3520] =	vst v63  }
0x94: {  	s29 =	rddreg [dreg:$0xd];
	s1 =	sadd.s32 $0x0, s4  }
0x95: {  	[hbm4b:s1+s2] =	stream.linear.scatter [tilespmem:s20], [sflag:$0x3], $0x500, $0x38;
	[tilespmem:$0x3520] =	vst v63  }
0x96: {  	s4 =	rddreg [dreg:$0xc];
	s28 =	sadd.s32 $0x0, s29  }
0x97: {  	[hbm4b:s28+s2] =	stream.linear.scatter [tilespmem:s21], [sflag:$0x3], $0x500, $0x38;
	[tilespmem:$0x3520] =	vst v63  }
0x98: {  	s4 =	sadd.s32 $0x0, s4;
	s29 =	rddreg [dreg:$0x9]  }
0x99: {  	[hbm4b:s4+s2] =	stream.linear.scatter [tilespmem:s22], [sflag:$0x3], $0x500, $0x38;
	[tilespmem:$0x3520] =	vst v63  }
0x9a: {  	s28 =	rddreg [dreg:$0x8];
	s4 =	sadd.s32 $0x0, s29  }
0x9b: {  	[hbm4b:s4+s2] =	stream.linear.scatter [tilespmem:s23], [sflag:$0x3], $0x500, $0x38;
	[tilespmem:$0x3520] =	vst v63  }
0x9c: {  	s28 =	sadd.s32 $0x0, s28  }
0x9d: {  	[hbm4b:s28+s2] =	stream.linear.scatter [tilespmem:s24], [sflag:$0x3], $0x500, $0x38;
	[tilespmem:$0x3520] =	vst v63  }
0x9e: {  	_ =	swait.ge [sflag:s26], $0x500  }
0x9f: {  	[sflag:s26] =	ssyncset.done $0x0  }
0xa0: {  	[sflag:s26] =	ssyncadd.s32 $0xFFFFFB00  }
0xa1: {  	_ =	swait.ge [sflag:s26], $0x500  }
0xa2: {  	[sflag:s26] =	ssyncset.done $0x0  }
0xa3: {  	[sflag:s26] =	ssyncadd.s32 $0xFFFFFB00  }
0xa4: {  	_ =	swait.ge [sflag:s26], $0x500  }
0xa5: {  	[sflag:s26] =	ssyncset.done $0x0  }
0xa6: {  	[sflag:s26] =	ssyncadd.s32 $0xFFFFFB00  }
0xa7: {  	_ =	swait.ge [sflag:s26], $0x500  }
0xa8: {  	[sflag:s26] =	ssyncset.done $0x0  }
0xa9: {  	[sflag:s26] =	ssyncadd.s32 $0xFFFFFB00  }
0xaa: {  	_ =	swait.ge [sflag:s26], $0x500  }
0xab: {  	[sflag:s26] =	ssyncset.done $0x0  }
0xac: {  	[sflag:s26] =	ssyncadd.s32 $0xFFFFFB00  }
0xad: {  	_ =	swait.ge [sflag:s26], $0x500  }
0xae: {  	[sflag:s26] =	ssyncset.done $0x0  }
0xaf: {  	[sflag:s26] =	ssyncadd.s32 $0xFFFFFB00  }
0xb0: {  	_ =	swait.ge [sflag:s26], $0x500  }
0xb1: {  	[sflag:s26] =	ssyncset.done $0x0  }
0xb2: {  	[sflag:s26] =	ssyncadd.s32 $0xFFFFFB00  }
0xb3: {  	_ =	swait.ge [sflag:s26], $0x500  }
0xb4: {  	[sflag:s26] =	ssyncset.done $0x0  }
0xb5: {  	[sflag:s26] =	ssyncadd.s32 $0xFFFFFB00  }
0xb6: {  	_ =	swait.ge [sflag:s26], $0x500  }
0xb7: {  	[sflag:s26] =	ssyncset.done $0x0  }
0xb8: {  	[sflag:s26] =	ssyncadd.s32 $0xFFFFFB00  }
0xb9: {  	s30 =	simm.s32 $0x640;
	s31 =	simm.s32 $0x0;
	_ =	swait.ge [sflag:s26], $0x500  }
0xba: {  	s29 =	simm.s32 $0x320;
	s1 =	rddreg [dreg:$0x7];
	[sflag:s26] =	ssyncset.done $0x0  }
.LBB2_2:
0xbb: {  	s31 =	sadd.s32 $0x32, s31  }
0xbc: {  	[sflag:s26] =	ssyncadd.s32 $0xFFFFFB00;
	s4 =	rddreg [dreg:$0x6];
	s1 =	sadd.s32 s31, s1  }
0xbd: {  	[tilespmem:s2], [sflag:$0x1] =	stream.linear.gather [hbm4b:s1+s2], $0x50, $0x38;
	[tilespmem:$0x3520] =	vst v63  }
0xbe: {  	s28 =	rddreg [dreg:$0x17];
	s1 =	sadd.s32 s31, s4  }
0xbf: {  	[tilespmem:s5], [sflag:$0x1] =	stream.linear.gather [hbm4b:s1+s2], $0x50, $0x38;
	[tilespmem:$0x3520] =	vst v63  }
0xc0: {  	s4 =	rddreg [dreg:$0x16];
	s1 =	sadd.s32 s31, s28  }
0xc1: {  	[tilespmem:s6], [sflag:$0x1] =	stream.linear.gather [hbm4b:s1+s2], $0x50, $0x38;
	[tilespmem:$0x3520] =	vst v63  }
0xc2: {  	s28 =	rddreg [dreg:$0x13];
	s1 =	sadd.s32 s31, s4  }
0xc3: {  	[tilespmem:s7], [sflag:$0x1] =	stream.linear.gather [hbm4b:s1+s2], $0x50, $0x38;
	[tilespmem:$0x3520] =	vst v63  }
0xc4: {  	s4 =	rddreg [dreg:$0x12];
	s1 =	sadd.s32 s31, s28  }
0xc5: {  	[tilespmem:s8], [sflag:$0x1] =	stream.linear.gather [hbm4b:s1+s2], $0x50, $0x38;
	[tilespmem:$0x3520] =	vst v63  }
0xc6: {  	s28 =	rddreg [dreg:$0xf];
	s1 =	sadd.s32 s31, s4  }
0xc7: {  	[tilespmem:s9], [sflag:$0x1] =	stream.linear.gather [hbm4b:s1+s2], $0x50, $0x38;
	[tilespmem:$0x3520] =	vst v63  }
0xc8: {  	s4 =	rddreg [dreg:$0xe];
	s1 =	sadd.s32 s31, s28  }
0xc9: {  	[tilespmem:s10], [sflag:$0x1] =	stream.linear.gather [hbm4b:s1+s2], $0x50, $0x38;
	[tilespmem:$0x3520] =	vst v63  }
0xca: {  	s28 =	rddreg [dreg:$0xb];
	s1 =	sadd.s32 s31, s4  }
0xcb: {  	[tilespmem:s11], [sflag:$0x1] =	stream.linear.gather [hbm4b:s1+s2], $0x50, $0x38;
	[tilespmem:$0x3520] =	vst v63  }
0xcc: {  	s28 =	sadd.s32 s31, s28;
	s4 =	rddreg [dreg:$0xa]  }
0xcd: {  	[tilespmem:s12], [sflag:$0x1] =	stream.linear.gather [hbm4b:s28+s2], $0x50, $0x38;
	[tilespmem:$0x3520] =	vst v63  }
0xce: {  	s4 =	sadd.s32 s31, s4  }
0xcf: {  	[tilespmem:s13], [sflag:$0x1] =	stream.linear.gather [hbm4b:s4+s2], $0x50, $0x38;
	[tilespmem:$0x3520] =	vst v63  }
0xd0: {  	_ =	swait.ge [sflag:s14], $0x50  }
0xd1: {  	[sflag:s14] =	ssyncset.done $0x0  }
0xd2: {  	[sflag:s14] =	ssyncadd.s32 $0xFFFFFFB0  }
0xd3: {  	_ =	swait.ge [sflag:s14], $0x50  }
0xd4: {  	[sflag:s14] =	ssyncset.done $0x0  }
0xd5: {  	[sflag:s14] =	ssyncadd.s32 $0xFFFFFFB0  }
0xd6: {  	_ =	swait.ge [sflag:s14], $0x50  }
0xd7: {  	[sflag:s14] =	ssyncset.done $0x0  }
0xd8: {  	[sflag:s14] =	ssyncadd.s32 $0xFFFFFFB0  }
0xd9: {  	_ =	swait.ge [sflag:s14], $0x50  }
0xda: {  	[sflag:s14] =	ssyncset.done $0x0  }
0xdb: {  	[sflag:s14] =	ssyncadd.s32 $0xFFFFFFB0  }
0xdc: {  	_ =	swait.ge [sflag:s14], $0x50  }
0xdd: {  	[sflag:s14] =	ssyncset.done $0x0  }
0xde: {  	[sflag:s14] =	ssyncadd.s32 $0xFFFFFFB0  }
0xdf: {  	_ =	swait.ge [sflag:s14], $0x50  }
0xe0: {  	[sflag:s14] =	ssyncset.done $0x0  }
0xe1: {  	[sflag:s14] =	ssyncadd.s32 $0xFFFFFFB0  }
0xe2: {  	_ =	swait.ge [sflag:s14], $0x50  }
0xe3: {  	[sflag:s14] =	ssyncset.done $0x0  }
0xe4: {  	[sflag:s14] =	ssyncadd.s32 $0xFFFFFFB0  }
0xe5: {  	_ =	swait.ge [sflag:s14], $0x50  }
0xe6: {  	[sflag:s14] =	ssyncset.done $0x0  }
0xe7: {  	[sflag:s14] =	ssyncadd.s32 $0xFFFFFFB0  }
0xe8: {  	_ =	swait.ge [sflag:s14], $0x50  }
0xe9: {  	[sflag:s14] =	ssyncset.done $0x0  }
0xea: {  	[sflag:s14] =	ssyncadd.s32 $0xFFFFFFB0  }
0xeb: {  	_ =	swait.ge [sflag:s14], $0x50  }
0xec: {  	[sflag:s14] =	ssyncset.done $0x0  }
0xed: {  	[sflag:s14] =	ssyncadd.s32 $0xFFFFFFB0  }
0xee: {  	[tilespmem:s15], [sflag:$0x2] =	stream.indirect.gather [hbm4b:s3+s6], $0x10, s2, s6, $0xb8;
	[tilespmem:$0x3520] =	vst v63  }
0xef: {  	_ = 	snop  }
0xf0: {  	[tilespmem:s16], [sflag:$0x2] =	stream.indirect.gather [hbm4b:s3+s6], $0x10, s5, s6, $0xb8;
	[tilespmem:$0x3520] =	vst v63  }
0xf1: {  	_ = 	snop  }
0xf2: {  	[tilespmem:s17], [sflag:$0x2] =	stream.indirect.gather [hbm4b:s3+s6], $0x10, s6, s6, $0xb8;
	[tilespmem:$0x3520] =	vst v63  }
0xf3: {  	_ = 	snop  }
0xf4: {  	[tilespmem:s18], [sflag:$0x2] =	stream.indirect.gather [hbm4b:s3+s6], $0x10, s7, s6, $0xb8;
	[tilespmem:$0x3520] =	vst v63  }
0xf5: {  	_ = 	snop  }
0xf6: {  	[tilespmem:s19], [sflag:$0x2] =	stream.indirect.gather [hbm4b:s3+s6], $0x10, s8, s6, $0xb8;
	[tilespmem:$0x3520] =	vst v63  }
0xf7: {  	_ = 	snop  }
0xf8: {  	[tilespmem:s20], [sflag:$0x2] =	stream.indirect.gather [hbm4b:s3+s6], $0x10, s9, s6, $0xb8;
	[tilespmem:$0x3520] =	vst v63  }
0xf9: {  	_ = 	snop  }
0xfa: {  	[tilespmem:s21], [sflag:$0x2] =	stream.indirect.gather [hbm4b:s3+s6], $0x10, s10, s6, $0xb8;
	[tilespmem:$0x3520] =	vst v63  }
0xfb: {  	_ = 	snop  }
0xfc: {  	[tilespmem:s22], [sflag:$0x2] =	stream.indirect.gather [hbm4b:s3+s6], $0x10, s11, s6, $0xb8;
	[tilespmem:$0x3520] =	vst v63  }
0xfd: {  	_ = 	snop  }
0xfe: {  	[tilespmem:s23], [sflag:$0x2] =	stream.indirect.gather [hbm4b:s3+s6], $0x10, s12, s6, $0xb8;
	[tilespmem:$0x3520] =	vst v63  }
0xff: {  	_ = 	snop  }
0x100: {  	[tilespmem:s24], [sflag:$0x2] =	stream.indirect.gather [hbm4b:s3+s6], $0x10, s13, s6, $0xb8;
	[tilespmem:$0x3520] =	vst v63  }
0x101: {  	_ =	swait.ge [sflag:s25], $0x500  }
0x102: {  	[sflag:s25] =	ssyncset.done $0x0  }
0x103: {  	[sflag:s25] =	ssyncadd.s32 $0xFFFFFB00  }
0x104: {  	_ =	swait.ge [sflag:s25], $0x500  }
0x105: {  	[sflag:s25] =	ssyncset.done $0x0  }
0x106: {  	[sflag:s25] =	ssyncadd.s32 $0xFFFFFB00  }
0x107: {  	_ =	swait.ge [sflag:s25], $0x500  }
0x108: {  	[sflag:s25] =	ssyncset.done $0x0  }
0x109: {  	[sflag:s25] =	ssyncadd.s32 $0xFFFFFB00  }
0x10a: {  	_ =	swait.ge [sflag:s25], $0x500  }
0x10b: {  	[sflag:s25] =	ssyncset.done $0x0  }
0x10c: {  	[sflag:s25] =	ssyncadd.s32 $0xFFFFFB00  }
0x10d: {  	_ =	swait.ge [sflag:s25], $0x500  }
0x10e: {  	[sflag:s25] =	ssyncset.done $0x0  }
0x10f: {  	[sflag:s25] =	ssyncadd.s32 $0xFFFFFB00  }
0x110: {  	_ =	swait.ge [sflag:s25], $0x500  }
0x111: {  	[sflag:s25] =	ssyncset.done $0x0  }
0x112: {  	[sflag:s25] =	ssyncadd.s32 $0xFFFFFB00  }
0x113: {  	_ =	swait.ge [sflag:s25], $0x500  }
0x114: {  	[sflag:s25] =	ssyncset.done $0x0  }
0x115: {  	[sflag:s25] =	ssyncadd.s32 $0xFFFFFB00  }
0x116: {  	_ =	swait.ge [sflag:s25], $0x500  }
0x117: {  	[sflag:s25] =	ssyncset.done $0x0  }
0x118: {  	[sflag:s25] =	ssyncadd.s32 $0xFFFFFB00  }
0x119: {  	_ =	swait.ge [sflag:s25], $0x500  }
0x11a: {  	[sflag:s25] =	ssyncset.done $0x0  }
0x11b: {  	[sflag:s25] =	ssyncadd.s32 $0xFFFFFB00  }
0x11c: {  	_ =	swait.ge [sflag:s25], $0x500  }
0x11d: {  	s28 =	rddreg [dreg:$0x5];
	[sflag:s25] =	ssyncset.done $0x0  }
0x11e: {  	s4 =	rddreg [dreg:$0x4];
	[sflag:s25] =	ssyncadd.s32 $0xFFFFFB00;
	s1 =	sadd.s32 s29, s28  }
0x11f: {  	[hbm4b:s1+s2] =	stream.linear.scatter [tilespmem:s15], [sflag:$0x3], $0x500, $0x38;
	[tilespmem:$0x3520] =	vst v63  }
0x120: {  	s28 =	rddreg [dreg:$0x15];
	s1 =	sadd.s32 s29, s4  }
0x121: {  	[hbm4b:s1+s2] =	stream.linear.scatter [tilespmem:s16], [sflag:$0x3], $0x500, $0x38;
	[tilespmem:$0x3520] =	vst v63  }
0x122: {  	s4 =	rddreg [dreg:$0x14];
	s1 =	sadd.s32 s29, s28  }
0x123: {  	[hbm4b:s1+s2] =	stream.linear.scatter [tilespmem:s17], [sflag:$0x3], $0x500, $0x38;
	[tilespmem:$0x3520] =	vst v63  }
0x124: {  	s28 =	rddreg [dreg:$0x11];
	s1 =	sadd.s32 s29, s4  }
0x125: {  	[hbm4b:s1+s2] =	stream.linear.scatter [tilespmem:s18], [sflag:$0x3], $0x500, $0x38;
	[tilespmem:$0x3520] =	vst v63  }
0x126: {  	s4 =	rddreg [dreg:$0x10];
	s1 =	sadd.s32 s29, s28  }
0x127: {  	[hbm4b:s1+s2] =	stream.linear.scatter [tilespmem:s19], [sflag:$0x3], $0x500, $0x38;
	[tilespmem:$0x3520] =	vst v63  }
0x128: {  	s28 =	rddreg [dreg:$0xd];
	s1 =	sadd.s32 s29, s4  }
0x129: {  	[hbm4b:s1+s2] =	stream.linear.scatter [tilespmem:s20], [sflag:$0x3], $0x500, $0x38;
	[tilespmem:$0x3520] =	vst v63  }
0x12a: {  	s4 =	rddreg [dreg:$0xc];
	s1 =	sadd.s32 s29, s28  }
0x12b: {  	[hbm4b:s1+s2] =	stream.linear.scatter [tilespmem:s21], [sflag:$0x3], $0x500, $0x38;
	[tilespmem:$0x3520] =	vst v63  }
0x12c: {  	s28 =	rddreg [dreg:$0x9];
	s1 =	sadd.s32 s29, s4  }
0x12d: {  	[hbm4b:s1+s2] =	stream.linear.scatter [tilespmem:s22], [sflag:$0x3], $0x500, $0x38;
	[tilespmem:$0x3520] =	vst v63  }
0x12e: {  	s28 =	sadd.s32 s29, s28;
	s4 =	rddreg [dreg:$0x8]  }
0x12f: {  	[hbm4b:s28+s2] =	stream.linear.scatter [tilespmem:s23], [sflag:$0x3], $0x500, $0x38;
	[tilespmem:$0x3520] =	vst v63  }
0x130: {  	s28 =	sadd.s32 s29, s4  }
0x131: {  	[hbm4b:s28+s2] =	stream.linear.scatter [tilespmem:s24], [sflag:$0x3], $0x500, $0x38;
	[tilespmem:$0x3520] =	vst v63  }
0x132: {  	_ =	swait.ge [sflag:s26], $0x500  }
0x133: {  	[sflag:s26] =	ssyncset.done $0x0  }
0x134: {  	[sflag:s26] =	ssyncadd.s32 $0xFFFFFB00  }
0x135: {  	_ =	swait.ge [sflag:s26], $0x500  }
0x136: {  	[sflag:s26] =	ssyncset.done $0x0  }
0x137: {  	[sflag:s26] =	ssyncadd.s32 $0xFFFFFB00  }
0x138: {  	_ =	swait.ge [sflag:s26], $0x500  }
0x139: {  	[sflag:s26] =	ssyncset.done $0x0  }
0x13a: {  	[sflag:s26] =	ssyncadd.s32 $0xFFFFFB00  }
0x13b: {  	_ =	swait.ge [sflag:s26], $0x500  }
0x13c: {  	[sflag:s26] =	ssyncset.done $0x0  }
0x13d: {  	[sflag:s26] =	ssyncadd.s32 $0xFFFFFB00  }
0x13e: {  	_ =	swait.ge [sflag:s26], $0x500  }
0x13f: {  	[sflag:s26] =	ssyncset.done $0x0  }
0x140: {  	[sflag:s26] =	ssyncadd.s32 $0xFFFFFB00  }
0x141: {  	_ =	swait.ge [sflag:s26], $0x500  }
0x142: {  	[sflag:s26] =	ssyncset.done $0x0  }
0x143: {  	[sflag:s26] =	ssyncadd.s32 $0xFFFFFB00  }
0x144: {  	_ =	swait.ge [sflag:s26], $0x500  }
0x145: {  	[sflag:s26] =	ssyncset.done $0x0  }
0x146: {  	[sflag:s26] =	ssyncadd.s32 $0xFFFFFB00  }
0x147: {  	_ =	swait.ge [sflag:s26], $0x500  }
0x148: {  	[sflag:s26] =	ssyncset.done $0x0  }
0x149: {  	p0 =	sne.s32 s30, $0x18380;
	[sflag:s26] =	ssyncadd.s32 $0xFFFFFB00  }
.Ltmp0:
0x14a: {  	_ =	swait.ge [sflag:s26], $0x500;
	(pc) =	sbr.rel @p0 .LBB2_2-.Ltmp0, $4  }
0x14b: {  	[sflag:s26] =	ssyncset.done $0x0  }
0x14c: {  	[sflag:s26] =	ssyncadd.s32 $0xFFFFFB00  }
0x14d: {  	s0 =	smov.u32 s30;
	s30 =	sadd.s32 $0x320, s30;
	_ =	swait.ge [sflag:s26], $0x500  }
0x14e: {  	s29 =	smov.u32 s0;
	s1 =	rddreg [dreg:$0x7];
	[sflag:s26] =	ssyncset.done $0x0  }
0x14f: {  	s0 =	sadd.s32 $0x32, s31  }
0x150: {  	s4 =	rddreg [dreg:$0x6];
	[sflag:s26] =	ssyncadd.s32 $0xFFFFFB00;
	s1 =	sadd.s32 s0, s1  }
0x151: {  	[tilespmem:s2], [sflag:$0x1] =	stream.linear.gather [hbm4b:s1+s2], $0x50, $0x38;
	[tilespmem:$0x3520] =	vst v63  }
0x152: {  	s30 =	rddreg [dreg:$0x17];
	s4 =	sadd.s32 s0, s4  }
0x153: {  	[tilespmem:s5], [sflag:$0x1] =	stream.linear.gather [hbm4b:s4+s2], $0x50, $0x38;
	[tilespmem:$0x3520] =	vst v63  }
0x154: {  	s31 =	rddreg [dreg:$0x16];
	s1 =	sadd.s32 s0, s30  }
0x155: {  	[tilespmem:s6], [sflag:$0x1] =	stream.linear.gather [hbm4b:s1+s2], $0x50, $0x38;
	[tilespmem:$0x3520] =	vst v63  }
0x156: {  	s28 =	rddreg [dreg:$0x13];
	s4 =	sadd.s32 s0, s31  }
0x157: {  	[tilespmem:s7], [sflag:$0x1] =	stream.linear.gather [hbm4b:s4+s2], $0x50, $0x38;
	[tilespmem:$0x3520] =	vst v63  }
0x158: {  	s30 =	rddreg [dreg:$0x12];
	s1 =	sadd.s32 s0, s28  }
0x159: {  	[tilespmem:s8], [sflag:$0x1] =	stream.linear.gather [hbm4b:s1+s2], $0x50, $0x38;
	[tilespmem:$0x3520] =	vst v63  }
0x15a: {  	s31 =	rddreg [dreg:$0xf];
	s4 =	sadd.s32 s0, s30  }
0x15b: {  	[tilespmem:s9], [sflag:$0x1] =	stream.linear.gather [hbm4b:s4+s2], $0x50, $0x38;
	[tilespmem:$0x3520] =	vst v63  }
0x15c: {  	s28 =	rddreg [dreg:$0xe];
	s1 =	sadd.s32 s0, s31  }
0x15d: {  	[tilespmem:s10], [sflag:$0x1] =	stream.linear.gather [hbm4b:s1+s2], $0x50, $0x38;
	[tilespmem:$0x3520] =	vst v63  }
0x15e: {  	s30 =	rddreg [dreg:$0xb];
	s4 =	sadd.s32 s0, s28  }
0x15f: {  	[tilespmem:s11], [sflag:$0x1] =	stream.linear.gather [hbm4b:s4+s2], $0x50, $0x38;
	[tilespmem:$0x3520] =	vst v63  }
0x160: {  	s31 =	rddreg [dreg:$0xa];
	s1 =	sadd.s32 s0, s30  }
0x161: {  	[tilespmem:s12], [sflag:$0x1] =	stream.linear.gather [hbm4b:s1+s2], $0x50, $0x38;
	[tilespmem:$0x3520] =	vst v63  }
0x162: {  	s0 =	sadd.s32 s0, s31  }
0x163: {  	[tilespmem:s13], [sflag:$0x1] =	stream.linear.gather [hbm4b:s0+s2], $0x50, $0x38;
	[tilespmem:$0x3520] =	vst v63  }
0x164: {  	_ =	swait.ge [sflag:s14], $0x50  }
0x165: {  	[sflag:s14] =	ssyncset.done $0x0  }
0x166: {  	[sflag:s14] =	ssyncadd.s32 $0xFFFFFFB0  }
0x167: {  	_ =	swait.ge [sflag:s14], $0x50  }
0x168: {  	[sflag:s14] =	ssyncset.done $0x0  }
0x169: {  	[sflag:s14] =	ssyncadd.s32 $0xFFFFFFB0  }
0x16a: {  	_ =	swait.ge [sflag:s14], $0x50  }
0x16b: {  	[sflag:s14] =	ssyncset.done $0x0  }
0x16c: {  	[sflag:s14] =	ssyncadd.s32 $0xFFFFFFB0  }
0x16d: {  	_ =	swait.ge [sflag:s14], $0x50  }
0x16e: {  	[sflag:s14] =	ssyncset.done $0x0  }
0x16f: {  	[sflag:s14] =	ssyncadd.s32 $0xFFFFFFB0  }
0x170: {  	_ =	swait.ge [sflag:s14], $0x50  }
0x171: {  	[sflag:s14] =	ssyncset.done $0x0  }
0x172: {  	[sflag:s14] =	ssyncadd.s32 $0xFFFFFFB0  }
0x173: {  	_ =	swait.ge [sflag:s14], $0x50  }
0x174: {  	[sflag:s14] =	ssyncset.done $0x0  }
0x175: {  	[sflag:s14] =	ssyncadd.s32 $0xFFFFFFB0  }
0x176: {  	_ =	swait.ge [sflag:s14], $0x50  }
0x177: {  	[sflag:s14] =	ssyncset.done $0x0  }
0x178: {  	[sflag:s14] =	ssyncadd.s32 $0xFFFFFFB0  }
0x179: {  	_ =	swait.ge [sflag:s14], $0x50  }
0x17a: {  	[sflag:s14] =	ssyncset.done $0x0  }
0x17b: {  	[sflag:s14] =	ssyncadd.s32 $0xFFFFFFB0  }
0x17c: {  	_ =	swait.ge [sflag:s14], $0x50  }
0x17d: {  	[sflag:s14] =	ssyncset.done $0x0  }
0x17e: {  	[sflag:s14] =	ssyncadd.s32 $0xFFFFFFB0  }
0x17f: {  	_ =	swait.ge [sflag:s14], $0x50  }
0x180: {  	[sflag:s14] =	ssyncset.done $0x0  }
0x181: {  	[sflag:s14] =	ssyncadd.s32 $0xFFFFFFB0  }
0x182: {  	[tilespmem:s15], [sflag:$0x2] =	stream.indirect.gather [hbm4b:s3+s6], $0x10, s2, s6, $0xb8;
	[tilespmem:$0x3520] =	vst v63  }
0x183: {  	_ = 	snop  }
0x184: {  	[tilespmem:s16], [sflag:$0x2] =	stream.indirect.gather [hbm4b:s3+s6], $0x10, s5, s6, $0xb8;
	[tilespmem:$0x3520] =	vst v63  }
0x185: {  	_ = 	snop  }
0x186: {  	[tilespmem:s17], [sflag:$0x2] =	stream.indirect.gather [hbm4b:s3+s6], $0x10, s6, s6, $0xb8;
	[tilespmem:$0x3520] =	vst v63  }
0x187: {  	_ = 	snop  }
0x188: {  	[tilespmem:s18], [sflag:$0x2] =	stream.indirect.gather [hbm4b:s3+s6], $0x10, s7, s6, $0xb8;
	[tilespmem:$0x3520] =	vst v63  }
0x189: {  	_ = 	snop  }
0x18a: {  	[tilespmem:s19], [sflag:$0x2] =	stream.indirect.gather [hbm4b:s3+s6], $0x10, s8, s6, $0xb8;
	[tilespmem:$0x3520] =	vst v63  }
0x18b: {  	_ = 	snop  }
0x18c: {  	[tilespmem:s20], [sflag:$0x2] =	stream.indirect.gather [hbm4b:s3+s6], $0x10, s9, s6, $0xb8;
	[tilespmem:$0x3520] =	vst v63  }
0x18d: {  	_ = 	snop  }
0x18e: {  	[tilespmem:s21], [sflag:$0x2] =	stream.indirect.gather [hbm4b:s3+s6], $0x10, s10, s6, $0xb8;
	[tilespmem:$0x3520] =	vst v63  }
0x18f: {  	_ = 	snop  }
0x190: {  	[tilespmem:s22], [sflag:$0x2] =	stream.indirect.gather [hbm4b:s3+s6], $0x10, s11, s6, $0xb8;
	[tilespmem:$0x3520] =	vst v63  }
0x191: {  	_ = 	snop  }
0x192: {  	[tilespmem:s23], [sflag:$0x2] =	stream.indirect.gather [hbm4b:s3+s6], $0x10, s12, s6, $0xb8;
	[tilespmem:$0x3520] =	vst v63  }
0x193: {  	_ = 	snop  }
0x194: {  	[tilespmem:s24], [sflag:$0x2] =	stream.indirect.gather [hbm4b:s3+s6], $0x10, s13, s6, $0xb8;
	[tilespmem:$0x3520] =	vst v63  }
0x195: {  	_ =	swait.ge [sflag:s25], $0x500  }
0x196: {  	[sflag:s25] =	ssyncset.done $0x0  }
0x197: {  	[sflag:s25] =	ssyncadd.s32 $0xFFFFFB00  }
0x198: {  	_ =	swait.ge [sflag:s25], $0x500  }
0x199: {  	[sflag:s25] =	ssyncset.done $0x0  }
0x19a: {  	[sflag:s25] =	ssyncadd.s32 $0xFFFFFB00  }
0x19b: {  	_ =	swait.ge [sflag:s25], $0x500  }
0x19c: {  	[sflag:s25] =	ssyncset.done $0x0  }
0x19d: {  	[sflag:s25] =	ssyncadd.s32 $0xFFFFFB00  }
0x19e: {  	_ =	swait.ge [sflag:s25], $0x500  }
0x19f: {  	[sflag:s25] =	ssyncset.done $0x0  }
0x1a0: {  	[sflag:s25] =	ssyncadd.s32 $0xFFFFFB00  }
0x1a1: {  	_ =	swait.ge [sflag:s25], $0x500  }
0x1a2: {  	[sflag:s25] =	ssyncset.done $0x0  }
0x1a3: {  	[sflag:s25] =	ssyncadd.s32 $0xFFFFFB00  }
0x1a4: {  	_ =	swait.ge [sflag:s25], $0x500  }
0x1a5: {  	[sflag:s25] =	ssyncset.done $0x0  }
0x1a6: {  	[sflag:s25] =	ssyncadd.s32 $0xFFFFFB00  }
0x1a7: {  	_ =	swait.ge [sflag:s25], $0x500  }
0x1a8: {  	[sflag:s25] =	ssyncset.done $0x0  }
0x1a9: {  	[sflag:s25] =	ssyncadd.s32 $0xFFFFFB00  }
0x1aa: {  	_ =	swait.ge [sflag:s25], $0x500  }
0x1ab: {  	[sflag:s25] =	ssyncset.done $0x0  }
0x1ac: {  	[sflag:s25] =	ssyncadd.s32 $0xFFFFFB00  }
0x1ad: {  	_ =	swait.ge [sflag:s25], $0x500  }
0x1ae: {  	[sflag:s25] =	ssyncset.done $0x0  }
0x1af: {  	[sflag:s25] =	ssyncadd.s32 $0xFFFFFB00  }
0x1b0: {  	_ =	swait.ge [sflag:s25], $0x500  }
0x1b1: {  	s4 =	rddreg [dreg:$0x5];
	[sflag:s25] =	ssyncset.done $0x0  }
0x1b2: {  	s28 =	rddreg [dreg:$0x4];
	[sflag:s25] =	ssyncadd.s32 $0xFFFFFB00;
	s0 =	sadd.s32 s29, s4  }
0x1b3: {  	[hbm4b:s0+s2] =	stream.linear.scatter [tilespmem:s15], [sflag:$0x3], $0x500, $0x38;
	[tilespmem:$0x3520] =	vst v63  }
0x1b4: {  	s30 =	rddreg [dreg:$0x15];
	s1 =	sadd.s32 s29, s28  }
0x1b5: {  	[hbm4b:s1+s2] =	stream.linear.scatter [tilespmem:s16], [sflag:$0x3], $0x500, $0x38;
	[tilespmem:$0x3520] =	vst v63  }
0x1b6: {  	s31 =	rddreg [dreg:$0x14];
	s0 =	sadd.s32 s29, s30  }
0x1b7: {  	[hbm4b:s0+s2] =	stream.linear.scatter [tilespmem:s17], [sflag:$0x3], $0x500, $0x38;
	[tilespmem:$0x3520] =	vst v63  }
0x1b8: {  	s4 =	rddreg [dreg:$0x11];
	s1 =	sadd.s32 s29, s31  }
0x1b9: {  	[hbm4b:s1+s2] =	stream.linear.scatter [tilespmem:s18], [sflag:$0x3], $0x500, $0x38;
	[tilespmem:$0x3520] =	vst v63  }
0x1ba: {  	s28 =	rddreg [dreg:$0x10];
	s0 =	sadd.s32 s29, s4  }
0x1bb: {  	[hbm4b:s0+s2] =	stream.linear.scatter [tilespmem:s19], [sflag:$0x3], $0x500, $0x38;
	[tilespmem:$0x3520] =	vst v63  }
0x1bc: {  	s30 =	rddreg [dreg:$0xd];
	s1 =	sadd.s32 s29, s28  }
0x1bd: {  	[hbm4b:s1+s2] =	stream.linear.scatter [tilespmem:s20], [sflag:$0x3], $0x500, $0x38;
	[tilespmem:$0x3520] =	vst v63  }
0x1be: {  	s31 =	rddreg [dreg:$0xc];
	s0 =	sadd.s32 s29, s30  }
0x1bf: {  	[hbm4b:s0+s2] =	stream.linear.scatter [tilespmem:s21], [sflag:$0x3], $0x500, $0x38;
	[tilespmem:$0x3520] =	vst v63  }
0x1c0: {  	s4 =	rddreg [dreg:$0x9];
	s1 =	sadd.s32 s29, s31  }
0x1c1: {  	[hbm4b:s1+s2] =	stream.linear.scatter [tilespmem:s22], [sflag:$0x3], $0x500, $0x38;
	[tilespmem:$0x3520] =	vst v63  }
0x1c2: {  	s28 =	rddreg [dreg:$0x8];
	s0 =	sadd.s32 s29, s4  }
0x1c3: {  	[hbm4b:s0+s2] =	stream.linear.scatter [tilespmem:s23], [sflag:$0x3], $0x500, $0x38;
	[tilespmem:$0x3520] =	vst v63  }
0x1c4: {  	s29 =	sadd.s32 s29, s28  }
0x1c5: {  	[hbm4b:s29+s2] =	stream.linear.scatter [tilespmem:s24], [sflag:$0x3], $0x500, $0x38;
	[tilespmem:$0x3520] =	vst v63  }
0x1c6: {  	_ =	swait.ge [sflag:s26], $0x500  }
0x1c7: {  	[sflag:s26] =	ssyncset.done $0x0  }
0x1c8: {  	[sflag:s26] =	ssyncadd.s32 $0xFFFFFB00  }
0x1c9: {  	_ =	swait.ge [sflag:s26], $0x500  }
0x1ca: {  	[sflag:s26] =	ssyncset.done $0x0  }
0x1cb: {  	[sflag:s26] =	ssyncadd.s32 $0xFFFFFB00  }
0x1cc: {  	_ =	swait.ge [sflag:s26], $0x500  }
0x1cd: {  	[sflag:s26] =	ssyncset.done $0x0  }
0x1ce: {  	[sflag:s26] =	ssyncadd.s32 $0xFFFFFB00  }
0x1cf: {  	_ =	swait.ge [sflag:s26], $0x500  }
0x1d0: {  	[sflag:s26] =	ssyncset.done $0x0  }
0x1d1: {  	[sflag:s26] =	ssyncadd.s32 $0xFFFFFB00  }
0x1d2: {  	_ =	swait.ge [sflag:s26], $0x500  }
0x1d3: {  	[sflag:s26] =	ssyncset.done $0x0  }
0x1d4: {  	[sflag:s26] =	ssyncadd.s32 $0xFFFFFB00  }
0x1d5: {  	_ =	swait.ge [sflag:s26], $0x500  }
0x1d6: {  	[sflag:s26] =	ssyncset.done $0x0  }
0x1d7: {  	[sflag:s26] =	ssyncadd.s32 $0xFFFFFB00  }
0x1d8: {  	_ =	swait.ge [sflag:s26], $0x500  }
0x1d9: {  	[sflag:s26] =	ssyncset.done $0x0  }
0x1da: {  	[sflag:s26] =	ssyncadd.s32 $0xFFFFFB00  }
0x1db: {  	_ =	swait.ge [sflag:s26], $0x500  }
0x1dc: {  	[sflag:s26] =	ssyncset.done $0x0  }
0x1dd: {  	[sflag:s26] =	ssyncadd.s32 $0xFFFFFB00  }
0x1de: {  	_ =	swait.ge [sflag:s26], $0x500  }
0x1df: {  	[sflag:s26] =	ssyncset.done $0x0  }
0x1e0: {  	[sflag:s26] =	ssyncadd.s32 $0xFFFFFB00  }
0x1e1: {  	_ =	swait.ge [sflag:s26], $0x500  }
0x1e2: {  	s30 =	rddreg [dreg:$0x19]  }
0x1e3: {  	s31 =	rddreg [dreg:$0x18];
	s1 =	sadd.s32 $0x1, s30  }
0x1e4: {  	p0 =	sne.s32 s1, s31  }
.Ltmp1:
0x1e5: {  	_ = 	snop;
	(pc) =	sbr.rel @p0 .LBB2_1-.Ltmp1, $3  }
0x1e6: {  	_ =	sdelay $0x1  }
0x1e7: {  	[sflag:s26] =	ssyncset.done $0x0  }
0x1e8: {  	[sflag:s26] =	ssyncadd.s32 $0xFFFFFB00  }
0x1e9: {  	_ =	sfence.sel $0x180000  }
0x1ea: {  	[bflag:$0x0] =	sbarrier.arrive $0xFFFF  }
0x1eb: {  	_ =	strace $0x90000047  }
0x1ec: {  	s0 =	stileid.u32;
	[bflag:$0x2] =	sbarrier.arrive $0xFFFF  }
0x1ed: {  	p0 =	sne.s32 s0, $0x0;
	s0 =	rddreg [dreg:$0x3]  }
0x1ee: {  	s0 =	sadd.s32 @!p0 $0x100000, s0  }
0x1ef: {  	[sflag:s0] =	ssyncadd.tile.s32 @!p0 $0x1;
	_ =	shalt  }
.Lfunc_end2:
_tile_overlayer_lowered:
.L_overlay_start_2:
0x1f0: {  	(tag) =	ssettag $0x2  }
0x1f1: {  	s0 =	rddreg [dreg:$0x0];
	s2 =	stileid.u32  }
0x1f2: {  	s1 =	rddreg [dreg:$0x1];
	p0 =	sne.s32 s2, $0x0  }
0x1f3: {  	s3 =	rddreg [dreg:$0x2];
	[bflag:$0x3] =	sbarrier.arrive $0xFFFF;
	s2 =	simm.s32 @!p0 $0x1C04  }
0x1f4: {  	[timem:s3], [sflag:s2] =	dma.local @!p0 [hbm:s0], s1  }
0x1f5: {  	s0 =	simm.s32 @!p0 $0x4  }
0x1f6: {  	_ =	swait.ge @!p0 [sflag:s0], s1  }
0x1f7: {  	s1 =	ssub.s32 @!p0 $0x0, s1;
	[sflag:s0] =	ssyncset.done @!p0 $0x0  }
0x1f8: {  	[sflag:s0] =	ssyncadd.s32 @!p0 s1  }
0x1f9: {  	[bflag:$0x3] =	sbarrier.arrive $0xFFFF  }
0x1fa: {  	_ =	shalt  }

// kernel: kernel.9.cloned.1.call-start
scs
__scs_entry_jumppad:
0x0: {  	(pc) =	sbr.rel $0x88, $3  }
0x1: {  	(tag) =	ssettag $0x0;
	lr =	simm.s32 $0x1  }
0x2: {  	[smem:$0x3F99] =	sst lr;
	_ =	strace $0xD0000000  }
0x3: {  	_ = 	snop  }
0x4: {  	_ = 	snop  }
0x5: {  	_ = 	snop  }
0x6: {  	_ = 	snop  }
0x7: {  	_ = 	snop  }
__scs_overlays_trampoline_lowered:
0x8: {  	[smem:$0x3FA8] =	sst s0  }
0x9: {  	[smem:$0x3FA9] =	sst s1  }
0xa: {  	[smem:$0x3FAA] =	sst s2  }
0xb: {  	[smem:$0x3FAB] =	sst s3  }
0xc: {  	[smem:$0x3FAC] =	sst s4  }
0xd: {  	[smem:$0x3FAD] =	sst s5  }
0xe: {  	[smem:$0x3FAE] =	sst s6  }
0xf: {  	[smem:$0x3FAF] =	sst s7  }
0x10: {  	[smem:$0x3FB0] =	sst s8  }
0x11: {  	[smem:$0x3FB1] =	sst s9;
	s0 =	simm.s32 @!p0 $0x0  }
0x12: {  	s1 =	sld [smem:$0x3F97];
	s0 =	simm.s32 @p0 $0x1  }
0x13: {  	[smem:$0x3FB2] =	sst s0;
	s0 =	simm.s32 @!p1 $0x0  }
0x14: {  	s2 =	sld [smem:$0x3F96];
	s0 =	simm.s32 @p1 $0x1  }
0x15: {  	[smem:$0x3FB3] =	sst s0;
	s0 =	simm.s32 @!p2 $0x0  }
0x16: {  	s3 =	sld [smem:$0x3FDB];
	s0 =	simm.s32 @p2 $0x1  }
0x17: {  	s4 =	simm.s32 $0x1BF5;
	[smem:$0x3FB5] =	sst s0  }
0x18: {  	s0 =	sld [smem:$0x3F98];
	_ =	swait.ge [sflag:s4], $0x0  }
0x19: {  	s7 =	sld [smem:$0x3F99]  }
0x1a: {  	s8 =	sadd.s32 $0xFFFFE003, lr  }
0x1b: {  	s9 =	sadd.s32 $0xFFFFFEF7, lr;
	s5 =	simm.s32 $0xFFFFFFFF;
	p2 =	slt.u32 s8, $0xFFFFF086  }
0x1c: {  	p1 =	slt.u32 s9, $0xF7A;
	s5 =	simm.s32 @!p2 $0x0  }
0x1d: {  	s5 =	simm.s32 @p1 $0x1;
	p0 =	seq.s32 s7, s2  }
0x1e: {  	s7 =	smul.u32 @!p0 $0xF7A, s2;
	p2 =	seq.s32 @!p0 s5, $0x0  }
0x1f: {  	s9 =	smul.u32 $0xF7A, s1;
	s8 =	simm.s32 @!p0 $0x1BF5;
	p2 =	por !p2, p0  }
0x20: {  	[sflag:s8] =	ssyncset.s32 @!p0 $0xFFFFF086;
	s6 =	sadd.s32 @!p0 s3, s7;
	s7 =	simm.s32 @!p0 $0x108  }
0x21: {  	s3 =	sadd.s32 s3, s9;
	s6 =	sadd.s32 @!p0 $0x88, s6;
	s7 =	simm.s32 @p2 $0x1082  }
0x22: {  	[simem:s7], [sflag:s8] =	dma.local @!p0 [hbm:s6], $0xF7A  }
0x23: {  	s9 =	sor.u32 $0xD0000000, s2;
	s6 =	simm.s32 $0x108;
	_ =	swait.ge @!p0 [sflag:s8], $0x0  }
0x24: {  	s3 =	sadd.s32 $0x88, s3;
	s6 =	simm.s32 @!p1 $0x1082;
	[sflag:s4] =	ssyncset.s32 $0xFFFFF086  }
0x25: {  	[simem:s6], [sflag:s4] =	dma.local [hbm:s3], $0xF7A  }
0x26: {  	[smem:$0x3F99] =	sst s1;
	(tag) =	ssettag s2;
	_ =	strace s9  }
0x27: {  	s1 =	sld [smem:$0x3FA9]  }
0x28: {  	s2 =	sld [smem:$0x3FAA]  }
0x29: {  	s4 =	sld [smem:$0x3FAC]  }
0x2a: {  	p0 =	seq.s32 s5, $0x0;
	s5 =	sld [smem:$0x3FAD]  }
0x2b: {  	s6 =	sld [smem:$0x3FAE]  }
0x2c: {  	s7 =	sld [smem:$0x3FAF]  }
0x2d: {  	s3 =	simm.s32 $0x108;
	s8 =	sld [smem:$0x3FB0]  }
0x2e: {  	s3 =	simm.s32 @!p0 $0x1082;
	s9 =	sld [smem:$0x3FB1]  }
0x2f: {  	lr =	sadd.s32 s0, s3;
	s0 =	sld [smem:$0x3FA8]  }
0x30: {  	s3 =	sld [smem:$0x3FAB]  }
0x31: {  	[smem:$0x3FB4] =	sst s10  }
0x32: {  	s10 =	sld [smem:$0x3FB2];
	_ =	sdelay $0x3  }
0x33: {  	p0 =	seq.s32 s10, $0x1;
	s10 =	sld [smem:$0x3FB4];
	_ =	sdelay $0x3  }
0x34: {  	[smem:$0x3FB4] =	sst s10  }
0x35: {  	s10 =	sld [smem:$0x3FB3];
	_ =	sdelay $0x3  }
0x36: {  	p1 =	seq.s32 s10, $0x1;
	s10 =	sld [smem:$0x3FB4];
	_ =	sdelay $0x3  }
0x37: {  	[smem:$0x3FB4] =	sst s10  }
0x38: {  	s10 =	sld [smem:$0x3FB5]  }
0x39: {  	_ = 	snop;
	(pc) =	sbr.ind lr, $3  }
0x3a: {  	_ = 	snop  }
0x3b: {  	_ = 	snop  }
0x3c: {  	p2 =	seq.s32 s10, $0x1;
	s10 =	sld [smem:$0x3FB4]  }
0x3d: {  	_ =	shalt  }
0x3e: {  	_ =	shalt  }
0x3f: {  	_ =	shalt  }
0x40: {  	_ =	shalt  }
0x41: {  	_ =	shalt  }
0x42: {  	_ =	shalt  }
0x43: {  	_ =	shalt  }
0x44: {  	_ =	shalt  }
0x45: {  	_ =	shalt  }
0x46: {  	_ =	shalt  }
0x47: {  	_ =	shalt  }
0x48: {  	_ =	shalt  }
0x49: {  	_ =	shalt  }
0x4a: {  	_ =	shalt  }
0x4b: {  	_ =	shalt  }
0x4c: {  	_ =	shalt  }
0x4d: {  	_ =	shalt  }
0x4e: {  	_ =	shalt  }
0x4f: {  	_ =	shalt  }
0x50: {  	_ =	shalt  }
0x51: {  	_ =	shalt  }
0x52: {  	_ =	shalt  }
0x53: {  	_ =	shalt  }
0x54: {  	_ =	shalt  }
0x55: {  	_ =	shalt  }
0x56: {  	_ =	shalt  }
0x57: {  	_ =	shalt  }
0x58: {  	_ =	shalt  }
0x59: {  	_ =	shalt  }
0x5a: {  	_ =	shalt  }
0x5b: {  	_ =	shalt  }
0x5c: {  	_ =	shalt  }
0x5d: {  	_ =	shalt  }
0x5e: {  	_ =	shalt  }
0x5f: {  	_ =	shalt  }
0x60: {  	_ =	shalt  }
0x61: {  	_ =	shalt  }
0x62: {  	_ =	shalt  }
0x63: {  	_ =	shalt  }
0x64: {  	_ =	shalt  }
0x65: {  	_ =	shalt  }
0x66: {  	_ =	shalt  }
0x67: {  	_ =	shalt  }
0x68: {  	_ =	shalt  }
0x69: {  	_ =	shalt  }
0x6a: {  	_ =	shalt  }
0x6b: {  	_ =	shalt  }
0x6c: {  	_ =	shalt  }
0x6d: {  	_ =	shalt  }
0x6e: {  	_ =	shalt  }
0x6f: {  	_ =	shalt  }
0x70: {  	_ =	shalt  }
0x71: {  	_ =	shalt  }
0x72: {  	_ =	shalt  }
0x73: {  	_ =	shalt  }
0x74: {  	_ =	shalt  }
0x75: {  	_ =	shalt  }
0x76: {  	_ =	shalt  }
0x77: {  	_ =	shalt  }
0x78: {  	_ =	shalt  }
0x79: {  	_ =	shalt  }
0x7a: {  	_ =	shalt  }
0x7b: {  	_ =	shalt  }
0x7c: {  	_ =	shalt  }
0x7d: {  	_ =	shalt  }
0x7e: {  	_ =	shalt  }
0x7f: {  	_ =	shalt  }
0x80: {  	_ =	shalt  }
0x81: {  	_ =	shalt  }
0x82: {  	_ =	shalt  }
0x83: {  	_ =	shalt  }
0x84: {  	_ =	shalt  }
0x85: {  	_ =	shalt  }
0x86: {  	_ =	shalt  }
0x87: {  	_ =	shalt  }
.Lfunc_end0:
.L_simem_size_0:
called_computation.1_lowered:
.L_overlay_start_0:
0x88: {  	s2 =	sld [smem:$0x3FD9]  }
0x89: {  	s3 =	sld [smem:$0x3FFE];
	_ =	sdelay $0x1  }
0x8a: {  	s1 =	srdreg.scid  }
0x8b: {  	s0 =	sand.u32 $0x1, s1  }
0x8c: {  	s17 =	sshll.u32 s0, $0xA;
	s2 =	sadd.s32 s3, s2  }
0x8d: {  	s2 =	sadd.s32 s2, s17  }
0x8e: {  	[smem:$0x3FC0] =	sst s2  }
0x8f: {  	_ = 	snop  }
0x90: {  	s2 =	sld [smem:$0x3FC7]  }
0x91: {  	s18 =	sld [smem:$0x3FD0];
	(tm) =	ssettm $0x1  }
0x92: {  	s4 =	sld [smem:$0x3FFB];
	_ =	sdelay $0x3  }
0x93: {  	_ =	strace s4  }
0x94: {  	s4 =	sld [smem:$0x3FFC];
	_ =	sdelay $0x3  }
0x95: {  	_ =	strace s4  }
0x96: {  	s4 =	sld [smem:$0x3FFD];
	_ =	sdelay $0x3  }
0x97: {  	_ =	strace s4  }
0x98: {  	_ =	strace $0x8FFFFFFF  }
0x99: {  	s19 =	sld [smem:$0x3FDB];
	_ =	sdelay $0x1  }
0x9a: {  	s5 =	simm.s32 $_scs_section_size  }
0x9b: {  	s6 =	simm.s32 $_size__tile_overlayer_lowered;
	s7 =	simm.s32 $_tile_overlayer_lowered  }
0x9c: {  	s22 =	simm.s32 $0x1BFF;
	s21 =	sshll.u32 s7, $0x1;
	s4 =	sadd.s32 s5, s19  }
0x9d: {  	s8 =	simm.s32 $0x0;
	s20 =	sshll.u32 s6, $0x1;
	s6 =	sadd.s32 s21, s4  }
0x9e: {  	[timem:s8], [sflag:s22] =	dma.local [hbm:s6], s20  }
0x9f: {  	_ =	swait.ge [sflag:s22], s20  }
0xa0: {  	s5 =	ssub.s32 $0x0, s20;
	[sflag:s22] =	ssyncset.done $0x0  }
0xa1: {  	[sflag:s22] =	ssyncadd.s32 s5;
	_ =	sdelay $0x1  }
0xa2: {  	s23 =	simm.s32 $0x1B8B  }
0xa3: {  	_ =	swait.ge [sflag:s23], $0x1  }
0xa4: {  	[sflag:s23] =	ssyncset.done $0x0  }
0xa5: {  	s25 =	simm.s32 $0x1B8E;
	s24 =	sld [smem:$0x3FFE];
	[sflag:s23] =	ssyncadd.s32 $0xFFFFFFFF  }
0xa6: {  	s26 =	simm.s32 $execute0_lowered;
	[smem:$0x3FD2] =	sst s25  }
0xa7: {  	s6 =	sshll.u32 s26, $0x1;
	_ =	strace $0x80000049;
	[dreg:$0x1] =	wrdreg $0xFFFFFFFF  }
0xa8: {  	s28 =	simm.s32 $_size_execute0_lowered;
	s4 =	sadd.s32 s4, s6;
	[dreg:$0x0] =	wrdreg $0x0  }
0xa9: {  	s6 =	sshll.u32 s28, $0x1;
	[dreg:$0x2] =	wrdreg s4  }
0xaa: {  	[dreg:$0x3] =	wrdreg s6  }
0xab: {  	[dreg:$0x4] =	wrdreg $0xC0  }
0xac: {  	_ =	task [dreg:s8], $0x5FFFF  }
0xad: {  	[dreg:$0x1] =	wrdreg $0xFFFFFFFF  }
0xae: {  	[dreg:$0x0] =	wrdreg $0x60  }
0xaf: {  	[dreg:$0x2] =	wrdreg s24  }
0xb0: {  	[dreg:$0x3] =	wrdreg s2  }
0xb1: {  	[dreg:$0x4] =	wrdreg s18  }
0xb2: {  	[dreg:$0x5] =	wrdreg $0x67200  }
0xb3: {  	[dreg:$0x6] =	wrdreg $0x9  }
0xb4: {  	_ =	task.clear_ibuf [dreg:s8], $0x7FFFF;
	_ =	strace $0x90000049  }
0xb5: {  	s29 =	simm.s32 $0x9;
	_ =	strace $0x8000004B  }
0xb6: {  	_ =	swait.ge [sflag:s29], $0x1  }
0xb7: {  	[sflag:s29] =	ssyncadd.s32 $0xFFFFFFFF  }
0xb8: {  	_ =	strace $0x9000004B  }
0xb9: {  	_ =	sfence  }
0xba: {  	s30 =	sld [smem:$0x0];
	_ =	sdelay $0x2  }
0xbb: {  	s31 =	sshll.u32 s1, $0xD;
	s1 =	sshrl.u32 s1, $0x2  }
0xbc: {  	s3 =	sand.u32 $0x4000, s31;
	s1 =	sadd.s32 s1, s30  }
0xbd: {  	s0 =	sor.u32 s3, s0;
	s1 =	sshll.u32 s1, $0x11  }
0xbe: {  	s0 =	sor.u32 s1, s0  }
0xbf: {  	s0 =	sadd.s32 $0x8F2B, s0  }
0xc0: {  	[sflag:s0] =	ssyncadd.remote.s32 $0x1  }
0xc1: {  	_ =	sfence.sel $0xFFFF  }
0xc2: {  	[dreg:$0x0] =	wrdreg $0xFFFFFFFF;
	(pc) =	sbr.abs _section_cstart, $3  }
0xc3: {  	[dreg:$0x1] =	wrdreg $0xFFFFFFFF  }
0xc4: {  	_ =	task.clear_ibuf [dreg:s8], $0x2FFFF;
	_ =	strace $0x9FFFFFFF  }
0xc5: {  	(tm) =	ssettm $0x7FFFFFFF  }
tec
execute0_lowered:
.L_overlay_start_1:
0x0: {  	(tag) =	ssettag $0x1  }
0x1: {  	s0 =	rddreg [dreg:$0x0]  }
0x2: {  	s2 =	rddreg [dreg:$0x1]  }
0x3: {  	s3 =	rddreg [dreg:$0x2]  }
0x4: {  	s4 =	rddreg [dreg:$0x3]  }
0x5: {  	s12 =	stileid.u32;
	s1 =	srdreg.scid;
	s13 =	simm.s32 $0x0  }
0x6: {  	s15 =	simm.s32 $0x3;
	s16 =	simm.s32 $0x190;
	s17 =	simm.s32 $0x320  }
0x7: {  	s18 =	simm.s32 $0x50;
	s19 =	simm.s32 $0x1E0;
	s20 =	simm.s32 $0xD20  }
0x8: {  	s21 =	simm.s32 $0xA0;
	s22 =	simm.s32 $0x230;
	s23 =	simm.s32 $0x1720  }
0x9: {  	s28 =	simm.s32 $0x140;
	s29 =	simm.s32 $0x2D0;
	s30 =	simm.s32 $0x2B20  }
0xa: {  	s31 =	simm.s32 $0x1;
	s5 =	smul.u32 $0x186A0, s12;
	s1 =	sand.u32 $0x1, s1  }
0xb: {  	[smem:$0x7FF] =	sst s13;
	s6 =	sadd.s32 $0x31600, s0;
	s7 =	sadd.s32 $0x800, s0  }
0xc: {  	s11 =	sshll.u32 s12, $0x1;
	s25 =	sshll.u32 s12, $0x6;
	s8 =	smul.u32 $0x186A00, s1  }
0xd: {  	_ =	strace $0x8000004A;
	s10 =	ssub.s32 $0x2, s1;
	s1 =	sor.u32 s1, s11  }
0xe: {  	s12 =	sor.u32 $0x1C03, s25;
	s9 =	sshrl.u32 s5, $0x3;
	s24 =	sshrl.u32 s10, $0x1  }
0xf: {  	s11 =	smul.u32 $0x186A00, s1;
	[dreg:$0x7] =	wrdreg s12;
	s8 =	sadd.s32 s5, s8  }
0x10: {  	s9 =	sadd.s32 s9, s0;
	s5 =	sadd.s32 s5, s4;
	s8 =	sshrl.u32 s8, $0x3  }
0x11: {  	s9 =	sadd.s32 $0x64BE00, s9;
	s0 =	sadd.s32 s8, s0;
	s8 =	ssub.s32 s10, s24  }
0x12: {  	[dreg:$0x6] =	wrdreg s9;
	s10 =	smul.u32 $0xC350, s1;
	s1 =	sshrl.u32 s5, $0x3  }
0x13: {  	s25 =	simm.s32 $0x280;
	s0 =	sadd.s32 $0x67CC00, s0;
	[dreg:$0xa] =	wrdreg s1  }
0x14: {  	s24 =	simm.s32 $0xF0;
	s26 =	smax.u32 s8, $0x1;
	[dreg:$0x8] =	wrdreg s0  }
0x15: {  	s9 =	simm.s32 $0x2;
	[dreg:$0x9] =	wrdreg s26;
	s26 =	simm.s32 $0x2120  }
.LBB2_1:
0x16: {  	[dreg:$0x5] =	wrdreg s13  }
0x17: {  	s0 =	rddreg [dreg:$0x6]  }
0x18: {  	[spmem:s1], [sflag:s12] =	dma.local [hbm:s0], $0x30D4  }
0x19: {  	_ =	swait.ge [sflag:s15], $0x30D4  }
0x1a: {  	[sflag:s15] =	ssyncset.done $0x0  }
0x1b: {  	[sflag:s15] =	ssyncadd.s32 $0xFFFFCF2C  }
0x1c: {  	s14 =	simm.s32 $0x0;
	[bflag:$0x0] =	sbarrier.arrive $0xFFFF  }
.LBB2_2:
0x1d: {  	s0 =	smul.u32 $0x190, s14;
	_ =	sdelay $0x1  }
0x1e: {  	s0 =	sadd.s32 s10, s0  }
0x1f: {  	s1 =	sshrl.u32 s0, $0x3  }
0x20: {  	s8 =	smul.u32 $0x5, s14;
	s5 =	simm.s32 $0x0;
	s12 =	sadd.s32 s2, s1  }
0x21: {  	[tilespmem:s5], [sflag:$0x1] =	stream.linear.gather [hbm4b:s12+s5], $0x50, $0x38;
	[tilespmem:$0x1EDC0] =	vst v63  }
0x22: {  	s13 =	smul.u32 $0x3200, s14;
	s8 =	sadd.s32 $0x1, s8;
	s1 =	sadd.s32 s3, s1  }
0x23: {  	[tilespmem:s16], [sflag:$0x1] =	stream.linear.gather [hbm4b:s1+s5], $0x50, $0x38;
	[tilespmem:$0x1EDC0] =	vst v63  }
0x24: {  	s1 =	sadd.s32 s11, s13;
	s13 =	smul.u32 $0x50, s8  }
0x25: {  	s12 =	sshrl.u32 s1, $0x3  }
0x26: {  	s8 =	smul.u32 $0xA00, s8;
	s12 =	sadd.s32 s6, s12;
	s13 =	sadd.s32 s10, s13  }
0x27: {  	[tilespmem:s17], [sflag:$0x1] =	stream.linear.gather [hbm4b:s12+s5], $0xA00, $0x38;
	[tilespmem:$0x1EDC0] =	vst v63  }
0x28: {  	s12 =	sshrl.u32 s13, $0x3  }
0x29: {  	s8 =	sadd.s32 s11, s8;
	s13 =	sadd.s32 s2, s12  }
0x2a: {  	[tilespmem:s18], [sflag:$0x1] =	stream.linear.gather [hbm4b:s13+s5], $0x50, $0x38;
	[tilespmem:$0x1EDC0] =	vst v63  }
0x2b: {  	s8 =	sshrl.u32 s8, $0x3;
	s12 =	sadd.s32 s3, s12  }
0x2c: {  	[tilespmem:s19], [sflag:$0x1] =	stream.linear.gather [hbm4b:s12+s5], $0x50, $0x38;
	[tilespmem:$0x1EDC0] =	vst v63  }
0x2d: {  	s8 =	sadd.s32 s6, s8;
	s12 =	sadd.s32 $0xA0, s0  }
0x2e: {  	[tilespmem:s20], [sflag:$0x1] =	stream.linear.gather [hbm4b:s8+s5], $0xA00, $0x38;
	[tilespmem:$0x1EDC0] =	vst v63  }
0x2f: {  	s8 =	sshrl.u32 s12, $0x3  }
0x30: {  	s13 =	sadd.s32 s2, s8  }
0x31: {  	[tilespmem:s21], [sflag:$0x1] =	stream.linear.gather [hbm4b:s13+s5], $0x50, $0x38;
	[tilespmem:$0x1EDC0] =	vst v63  }
0x32: {  	s8 =	sadd.s32 s3, s8;
	s13 =	sadd.s32 $0x1400, s1  }
0x33: {  	[tilespmem:s22], [sflag:$0x1] =	stream.linear.gather [hbm4b:s8+s5], $0x50, $0x38;
	[tilespmem:$0x1EDC0] =	vst v63  }
0x34: {  	s8 =	sshrl.u32 s13, $0x3  }
0x35: {  	s12 =	sadd.s32 $0xF0, s0;
	s8 =	sadd.s32 s6, s8  }
0x36: {  	[tilespmem:s23], [sflag:$0x1] =	stream.linear.gather [hbm4b:s8+s5], $0xA00, $0x38;
	[tilespmem:$0x1EDC0] =	vst v63  }
0x37: {  	s8 =	sshrl.u32 s12, $0x3  }
0x38: {  	s13 =	sadd.s32 s2, s8  }
0x39: {  	[tilespmem:s24], [sflag:$0x1] =	stream.linear.gather [hbm4b:s13+s5], $0x50, $0x38;
	[tilespmem:$0x1EDC0] =	vst v63  }
0x3a: {  	s8 =	sadd.s32 s3, s8;
	s13 =	sadd.s32 $0x1E00, s1  }
0x3b: {  	[tilespmem:s25], [sflag:$0x1] =	stream.linear.gather [hbm4b:s8+s5], $0x50, $0x38;
	[tilespmem:$0x1EDC0] =	vst v63  }
0x3c: {  	s0 =	sadd.s32 $0x140, s0;
	s8 =	sshrl.u32 s13, $0x3  }
0x3d: {  	s0 =	sshrl.u32 s0, $0x3;
	s8 =	sadd.s32 s6, s8  }
0x3e: {  	[tilespmem:s26], [sflag:$0x1] =	stream.linear.gather [hbm4b:s8+s5], $0xA00, $0x38;
	[tilespmem:$0x1EDC0] =	vst v63  }
0x3f: {  	s12 =	sadd.s32 s2, s0  }
0x40: {  	[tilespmem:s28], [sflag:$0x1] =	stream.linear.gather [hbm4b:s12+s5], $0x50, $0x38;
	[tilespmem:$0x1EDC0] =	vst v63  }
0x41: {  	s0 =	sadd.s32 s3, s0;
	s13 =	sadd.s32 $0x2800, s1  }
0x42: {  	[tilespmem:s29], [sflag:$0x1] =	stream.linear.gather [hbm4b:s0+s5], $0x50, $0x38;
	[tilespmem:$0x1EDC0] =	vst v63  }
0x43: {  	s0 =	sshrl.u32 s13, $0x3  }
0x44: {  	s0 =	sadd.s32 s6, s0  }
0x45: {  	[tilespmem:s30], [sflag:$0x1] =	stream.linear.gather [hbm4b:s0+s5], $0xA00, $0x38;
	[tilespmem:$0x1EDC0] =	vst v63  }
0x46: {  	_ =	swait.ge [sflag:s31], $0x50  }
0x47: {  	[sflag:s31] =	ssyncset.done $0x0  }
0x48: {  	[sflag:s31] =	ssyncadd.s32 $0xFFFFFFB0  }
0x49: {  	_ =	swait.ge [sflag:s31], $0x50  }
0x4a: {  	[sflag:s31] =	ssyncset.done $0x0  }
0x4b: {  	[sflag:s31] =	ssyncadd.s32 $0xFFFFFFB0  }
0x4c: {  	_ =	swait.ge [sflag:s31], $0xA00  }
0x4d: {  	[sflag:s31] =	ssyncset.done $0x0  }
0x4e: {  	[sflag:s31] =	ssyncadd.s32 $0xFFFFF600  }
0x4f: {  	_ =	swait.ge [sflag:s31], $0x50  }
0x50: {  	[sflag:s31] =	ssyncset.done $0x0  }
0x51: {  	[sflag:s31] =	ssyncadd.s32 $0xFFFFFFB0  }
0x52: {  	_ =	swait.ge [sflag:s31], $0x50  }
0x53: {  	[sflag:s31] =	ssyncset.done $0x0  }
0x54: {  	[sflag:s31] =	ssyncadd.s32 $0xFFFFFFB0  }
0x55: {  	_ =	swait.ge [sflag:s31], $0xA00  }
0x56: {  	[sflag:s31] =	ssyncset.done $0x0  }
0x57: {  	[sflag:s31] =	ssyncadd.s32 $0xFFFFF600  }
0x58: {  	_ =	swait.ge [sflag:s31], $0x50  }
0x59: {  	[sflag:s31] =	ssyncset.done $0x0  }
0x5a: {  	[sflag:s31] =	ssyncadd.s32 $0xFFFFFFB0  }
0x5b: {  	_ =	swait.ge [sflag:s31], $0x50  }
0x5c: {  	[sflag:s31] =	ssyncset.done $0x0  }
0x5d: {  	[sflag:s31] =	ssyncadd.s32 $0xFFFFFFB0  }
0x5e: {  	_ =	swait.ge [sflag:s31], $0xA00  }
0x5f: {  	[sflag:s31] =	ssyncset.done $0x0  }
0x60: {  	[sflag:s31] =	ssyncadd.s32 $0xFFFFF600  }
0x61: {  	_ =	swait.ge [sflag:s31], $0x50  }
0x62: {  	[sflag:s31] =	ssyncset.done $0x0  }
0x63: {  	[sflag:s31] =	ssyncadd.s32 $0xFFFFFFB0  }
0x64: {  	_ =	swait.ge [sflag:s31], $0x50  }
0x65: {  	[sflag:s31] =	ssyncset.done $0x0  }
0x66: {  	[sflag:s31] =	ssyncadd.s32 $0xFFFFFFB0  }
0x67: {  	_ =	swait.ge [sflag:s31], $0xA00  }
0x68: {  	[sflag:s31] =	ssyncset.done $0x0  }
0x69: {  	[sflag:s31] =	ssyncadd.s32 $0xFFFFF600  }
0x6a: {  	_ =	swait.ge [sflag:s31], $0x50  }
0x6b: {  	[sflag:s31] =	ssyncset.done $0x0  }
0x6c: {  	[sflag:s31] =	ssyncadd.s32 $0xFFFFFFB0  }
0x6d: {  	_ =	swait.ge [sflag:s31], $0x50  }
0x6e: {  	[sflag:s31] =	ssyncset.done $0x0  }
0x6f: {  	[sflag:s31] =	ssyncadd.s32 $0xFFFFFFB0  }
0x70: {  	_ =	swait.ge [sflag:s31], $0xA00  }
0x71: {  	[sflag:s31] =	ssyncset.done $0x0  }
0x72: {  	s1 =	simm.s32 $0x3520;
	[sflag:s31] =	ssyncadd.s32 $0xFFFFF600  }
0x73: {  	[tilespmem:s1], [sflag:$0x2] =	stream.indirect.gather [hbm4b:s7+s18], $0x20, s5, s18, $0xb8;
	[tilespmem:$0x1EDC0] =	vst v63  }
0x74: {  	s5 =	simm.s32 $0x3F20  }
0x75: {  	[tilespmem:s5], [sflag:$0x2] =	stream.indirect.gather [hbm4b:s7+s18], $0x20, s18, s18, $0xb8;
	[tilespmem:$0x1EDC0] =	vst v63  }
0x76: {  	s8 =	simm.s32 $0x4920  }
0x77: {  	[tilespmem:s8], [sflag:$0x2] =	stream.indirect.gather [hbm4b:s7+s18], $0x20, s21, s18, $0xb8;
	[tilespmem:$0x1EDC0] =	vst v63  }
0x78: {  	s12 =	simm.s32 $0x5320  }
0x79: {  	[tilespmem:s12], [sflag:$0x2] =	stream.indirect.gather [hbm4b:s7+s18], $0x20, s24, s18, $0xb8;
	[tilespmem:$0x1EDC0] =	vst v63  }
0x7a: {  	s13 =	simm.s32 $0x5D20  }
0x7b: {  	[tilespmem:s13], [sflag:$0x2] =	stream.indirect.gather [hbm4b:s7+s18], $0x20, s28, s18, $0xb8;
	[tilespmem:$0x1EDC0] =	vst v63  }
0x7c: {  	_ =	swait.ge [sflag:s9], $0xA00  }
0x7d: {  	[sflag:s9] =	ssyncset.done $0x0  }
0x7e: {  	[sflag:s9] =	ssyncadd.s32 $0xFFFFF600  }
0x7f: {  	_ =	swait.ge [sflag:s9], $0xA00  }
0x80: {  	[sflag:s9] =	ssyncset.done $0x0  }
0x81: {  	[sflag:s9] =	ssyncadd.s32 $0xFFFFF600  }
0x82: {  	_ =	swait.ge [sflag:s9], $0xA00  }
0x83: {  	[sflag:s9] =	ssyncset.done $0x0  }
0x84: {  	[sflag:s9] =	ssyncadd.s32 $0xFFFFF600  }
0x85: {  	_ =	swait.ge [sflag:s9], $0xA00  }
0x86: {  	[sflag:s9] =	ssyncset.done $0x0  }
0x87: {  	[sflag:s9] =	ssyncadd.s32 $0xFFFFF600  }
0x88: {  	_ =	swait.ge [sflag:s9], $0xA00  }
0x89: {  	[sflag:s9] =	ssyncset.done $0x0  }
0x8a: {  	s5 =	simm.s32 $0x0;
	[sflag:s9] =	ssyncadd.s32 $0xFFFFF600  }
0x8b: {  	v0 =	vld [tilespmem:s5+$0x3520]  }
0x8c: {  	v1 =	vld [tilespmem:s5+$0x3530]  }
0x8d: {  	s0 =	simm.s32 $0x0;
	s1 =	simm.s32 $0x80;
	v2 =	vld [tilespmem:s5+$0x320]  }
.LBB2_3:
0x8e: {  	p0 =	sne.s32 s1, $0x2780;
	v3 =	vld [tilespmem:s0+$0x330];
	_ =	sdelay $0x2  }
.Ltmp0:
0x8f: {  	(pc) =	sbr.rel @p0 .LBB2_3-.Ltmp0, $4  }
0x90: {  	s8 =	sshra.s32 s1, $0x2;
	v2 =	vmul.f32 v0, v2  }
0x91: {  	v0 =	vld [tilespmem:s8+$0x3520];
	v3 =	vmul.f32 v1, v3  }
0x92: {  	v1 =	vld [tilespmem:s8+$0x3530];
	[tilespmem:s0+$0x320] =	vst v2  }
0x93: {  	s1 =	sadd.s32 $0x80, s1;
	v2 =	vld [tilespmem:s8+$0x320];
	[tilespmem:s0+$0x330] =	vst v3;
	s0 =	smov.u32 s8  }
0x94: {  	v3 =	vld [tilespmem:s0+$0x330];
	_ =	sdelay $0x3  }
0x95: {  	v0 =	vmul.f32 v0, v2  }
0x96: {  	v1 =	vmul.f32 v1, v3  }
0x97: {  	[tilespmem:s0+$0x320] =	vst v0  }
0x98: {  	[tilespmem:s0+$0x330] =	vst v1  }
0x99: {  	v0 =	vld [tilespmem:s5+$0x3F20]  }
0x9a: {  	v1 =	vld [tilespmem:s5+$0x3F30]  }
0x9b: {  	s0 =	simm.s32 $0x80;
	v2 =	vld [tilespmem:s5+$0xD20]  }
.LBB2_5:
0x9c: {  	p0 =	sne.s32 s0, $0x2780;
	v3 =	vld [tilespmem:s5+$0xD30];
	_ =	sdelay $0x2  }
.Ltmp1:
0x9d: {  	(pc) =	sbr.rel @p0 .LBB2_5-.Ltmp1, $4  }
0x9e: {  	s1 =	sshra.s32 s0, $0x2;
	v2 =	vmul.f32 v0, v2  }
0x9f: {  	v0 =	vld [tilespmem:s1+$0x3F20];
	v3 =	vmul.f32 v1, v3  }
0xa0: {  	v1 =	vld [tilespmem:s1+$0x3F30];
	[tilespmem:s5+$0xD20] =	vst v2  }
0xa1: {  	s0 =	sadd.s32 $0x80, s0;
	v2 =	vld [tilespmem:s1+$0xD20];
	[tilespmem:s5+$0xD30] =	vst v3;
	s5 =	smov.u32 s1  }
0xa2: {  	v3 =	vld [tilespmem:s5+$0xD30];
	_ =	sdelay $0x3  }
0xa3: {  	v0 =	vmul.f32 v0, v2  }
0xa4: {  	v1 =	vmul.f32 v1, v3  }
0xa5: {  	[tilespmem:s5+$0xD20] =	vst v0  }
0xa6: {  	[tilespmem:s5+$0xD30] =	vst v1;
	s5 =	simm.s32 $0x0  }
0xa7: {  	v0 =	vld [tilespmem:s5+$0x4920]  }
0xa8: {  	v1 =	vld [tilespmem:s5+$0x4930]  }
0xa9: {  	s1 =	simm.s32 $0x80;
	s0 =	simm.s32 $0x0;
	v2 =	vld [tilespmem:s5+$0x1720]  }
.LBB2_7:
0xaa: {  	p0 =	sne.s32 s1, $0x2780;
	v3 =	vld [tilespmem:s0+$0x1730];
	_ =	sdelay $0x2  }
.Ltmp2:
0xab: {  	(pc) =	sbr.rel @p0 .LBB2_7-.Ltmp2, $4  }
0xac: {  	s8 =	sshra.s32 s1, $0x2;
	v2 =	vmul.f32 v0, v2  }
0xad: {  	v0 =	vld [tilespmem:s8+$0x4920];
	v3 =	vmul.f32 v1, v3  }
0xae: {  	v1 =	vld [tilespmem:s8+$0x4930];
	[tilespmem:s0+$0x1720] =	vst v2  }
0xaf: {  	s1 =	sadd.s32 $0x80, s1;
	v2 =	vld [tilespmem:s8+$0x1720];
	[tilespmem:s0+$0x1730] =	vst v3;
	s0 =	smov.u32 s8  }
0xb0: {  	v3 =	vld [tilespmem:s0+$0x1730];
	_ =	sdelay $0x3  }
0xb1: {  	v0 =	vmul.f32 v0, v2  }
0xb2: {  	v1 =	vmul.f32 v1, v3  }
0xb3: {  	[tilespmem:s0+$0x1720] =	vst v0  }
0xb4: {  	[tilespmem:s0+$0x1730] =	vst v1  }
0xb5: {  	v0 =	vld [tilespmem:s5+$0x5320]  }
0xb6: {  	v1 =	vld [tilespmem:s5+$0x5330]  }
0xb7: {  	s0 =	simm.s32 $0x80;
	v2 =	vld [tilespmem:s5+$0x2120]  }
.LBB2_9:
0xb8: {  	p0 =	sne.s32 s0, $0x2780;
	v3 =	vld [tilespmem:s5+$0x2130];
	_ =	sdelay $0x2  }
.Ltmp3:
0xb9: {  	(pc) =	sbr.rel @p0 .LBB2_9-.Ltmp3, $4  }
0xba: {  	s1 =	sshra.s32 s0, $0x2;
	v2 =	vmul.f32 v0, v2  }
0xbb: {  	v0 =	vld [tilespmem:s1+$0x5320];
	v3 =	vmul.f32 v1, v3  }
0xbc: {  	v1 =	vld [tilespmem:s1+$0x5330];
	[tilespmem:s5+$0x2120] =	vst v2  }
0xbd: {  	s0 =	sadd.s32 $0x80, s0;
	v2 =	vld [tilespmem:s1+$0x2120];
	[tilespmem:s5+$0x2130] =	vst v3;
	s5 =	smov.u32 s1  }
0xbe: {  	v3 =	vld [tilespmem:s5+$0x2130];
	_ =	sdelay $0x3  }
0xbf: {  	v0 =	vmul.f32 v0, v2  }
0xc0: {  	v1 =	vmul.f32 v1, v3  }
0xc1: {  	[tilespmem:s5+$0x2120] =	vst v0  }
0xc2: {  	[tilespmem:s5+$0x2130] =	vst v1;
	s5 =	simm.s32 $0x0  }
0xc3: {  	v0 =	vld [tilespmem:s5+$0x5D20]  }
0xc4: {  	v1 =	vld [tilespmem:s5+$0x5D30]  }
0xc5: {  	s0 =	simm.s32 $0x80;
	v2 =	vld [tilespmem:s5+$0x2B20]  }
.LBB2_11:
0xc6: {  	p0 =	sne.s32 s0, $0x2780;
	v3 =	vld [tilespmem:s5+$0x2B30];
	_ =	sdelay $0x2  }
.Ltmp4:
0xc7: {  	(pc) =	sbr.rel @p0 .LBB2_11-.Ltmp4, $4  }
0xc8: {  	s1 =	sshra.s32 s0, $0x2;
	v2 =	vmul.f32 v0, v2  }
0xc9: {  	v0 =	vld [tilespmem:s1+$0x5D20];
	v3 =	vmul.f32 v1, v3  }
0xca: {  	v1 =	vld [tilespmem:s1+$0x5D30];
	[tilespmem:s5+$0x2B20] =	vst v2  }
0xcb: {  	s0 =	sadd.s32 $0x80, s0;
	v2 =	vld [tilespmem:s1+$0x2B20];
	[tilespmem:s5+$0x2B30] =	vst v3;
	s5 =	smov.u32 s1  }
0xcc: {  	v3 =	vld [tilespmem:s5+$0x2B30];
	_ =	sdelay $0x3  }
0xcd: {  	v0 =	vmul.f32 v0, v2  }
0xce: {  	v1 =	vmul.f32 v1, v3  }
0xcf: {  	[tilespmem:s5+$0x2B20] =	vst v0  }
0xd0: {  	[tilespmem:s5+$0x2B30] =	vst v1  }
0xd1: {  	[spmem:s4] =	stream.indirect.scatter.add.f32 [tilespmem:s17], [sflag:$0x3], $0x20, s16, s18, $0xb8;
	[tilespmem:$0x1EDC0] =	vst v63  }
0xd2: {  	_ =	swait.ge [sflag:s15], $0xA00  }
0xd3: {  	[sflag:s15] =	ssyncset.done $0x0  }
0xd4: {  	[sflag:s15] =	ssyncadd.s32 $0xFFFFF600  }
0xd5: {  	[spmem:s4] =	stream.indirect.scatter.add.f32 [tilespmem:s20], [sflag:$0x3], $0x20, s19, s18, $0xb8;
	[tilespmem:$0x1EDC0] =	vst v63  }
0xd6: {  	_ =	swait.ge [sflag:s15], $0xA00  }
0xd7: {  	[sflag:s15] =	ssyncset.done $0x0  }
0xd8: {  	[sflag:s15] =	ssyncadd.s32 $0xFFFFF600  }
0xd9: {  	[spmem:s4] =	stream.indirect.scatter.add.f32 [tilespmem:s23], [sflag:$0x3], $0x20, s22, s18, $0xb8;
	[tilespmem:$0x1EDC0] =	vst v63  }
0xda: {  	_ =	swait.ge [sflag:s15], $0xA00  }
0xdb: {  	[sflag:s15] =	ssyncset.done $0x0  }
0xdc: {  	[sflag:s15] =	ssyncadd.s32 $0xFFFFF600  }
0xdd: {  	[spmem:s4] =	stream.indirect.scatter.add.f32 [tilespmem:s26], [sflag:$0x3], $0x20, s25, s18, $0xb8;
	[tilespmem:$0x1EDC0] =	vst v63  }
0xde: {  	s14 =	sadd.s32 $0x1, s14;
	_ =	swait.ge [sflag:s15], $0xA00  }
0xdf: {  	p0 =	sne.s32 s14, $0x7D;
	[sflag:s15] =	ssyncset.done $0x0  }
.Ltmp5:
0xe0: {  	[sflag:s15] =	ssyncadd.s32 $0xFFFFF600;
	(pc) =	sbr.rel @p0 .LBB2_2-.Ltmp5, $4  }
0xe1: {  	[spmem:s4] =	stream.indirect.scatter.add.f32 [tilespmem:s30], [sflag:$0x3], $0x20, s29, s18, $0xb8;
	[tilespmem:$0x1EDC0] =	vst v63  }
0xe2: {  	_ =	swait.ge [sflag:s15], $0xA00  }
0xe3: {  	[sflag:s15] =	ssyncset.done $0x0  }
0xe4: {  	[sflag:s15] =	ssyncadd.s32 $0xFFFFF600  }
0xe5: {  	[bflag:$0x0] =	sbarrier.arrive $0xFFFF  }
0xe6: {  	s12 =	rddreg [dreg:$0x7]  }
0xe7: {  	s0 =	rddreg [dreg:$0x8]  }
0xe8: {  	s1 =	rddreg [dreg:$0xa]  }
0xe9: {  	[hbm:s0], [sflag:s12] =	dma.local [spmem:s1], $0x30D4  }
0xea: {  	_ =	swait.ge [sflag:s15], $0x30D4  }
0xeb: {  	s13 =	rddreg [dreg:$0x5]  }
0xec: {  	s14 =	rddreg [dreg:$0x9];
	s13 =	sadd.s32 $0x1, s13  }
0xed: {  	p0 =	sne.s32 s13, s14  }
.Ltmp6:
0xee: {  	_ = 	snop;
	(pc) =	sbr.rel @p0 .LBB2_1-.Ltmp6, $3  }
0xef: {  	_ =	sdelay $0x1  }
0xf0: {  	[sflag:s15] =	ssyncset.done $0x0  }
0xf1: {  	[sflag:s15] =	ssyncadd.s32 $0xFFFFCF2C  }
0xf2: {  	_ =	sfence.sel $0x180000  }
0xf3: {  	[bflag:$0x0] =	sbarrier.arrive $0xFFFF  }
0xf4: {  	_ =	strace $0x9000004A  }
0xf5: {  	s0 =	stileid.u32;
	[bflag:$0x2] =	sbarrier.arrive $0xFFFF  }
0xf6: {  	p0 =	sne.s32 s0, $0x0;
	s0 =	rddreg [dreg:$0x4]  }
0xf7: {  	s0 =	sadd.s32 @!p0 $0x100000, s0  }
0xf8: {  	[sflag:s0] =	ssyncadd.tile.s32 @!p0 $0x1;
	_ =	shalt  }
.Lfunc_end2:
_tile_overlayer_lowered:
.L_overlay_start_2:
0xf9: {  	(tag) =	ssettag $0x2  }
0xfa: {  	s0 =	rddreg [dreg:$0x0];
	s2 =	stileid.u32  }
0xfb: {  	s1 =	rddreg [dreg:$0x1];
	p0 =	sne.s32 s2, $0x0  }
0xfc: {  	s3 =	rddreg [dreg:$0x2];
	[bflag:$0x3] =	sbarrier.arrive $0xFFFF;
	s2 =	simm.s32 @!p0 $0x1C03  }
0xfd: {  	[timem:s3], [sflag:s2] =	dma.local @!p0 [hbm:s0], s1  }
0xfe: {  	s0 =	simm.s32 @!p0 $0x3  }
0xff: {  	_ =	swait.ge @!p0 [sflag:s0], s1  }
0x100: {  	s1 =	ssub.s32 @!p0 $0x0, s1;
	[sflag:s0] =	ssyncset.done @!p0 $0x0  }
0x101: {  	[sflag:s0] =	ssyncadd.s32 @!p0 s1  }
0x102: {  	[bflag:$0x3] =	sbarrier.arrive $0xFFFF  }
0x103: {  	_ =	shalt  }

</sc_bundles>
